<compile_context>
chip_gen: v7x
topology: tpu7x:2x2x1
jax: 0.10.2.dev20260603
libtpu: 0.0.44.dev20260713+nightly
codegen_flags: <defaults>
</compile_context>

<pallas_src>
import functools

import jax
import jax.numpy as jnp
from jax import lax
from jax.experimental import pallas as pl
from jax.experimental.pallas import tpu as pltpu
from jax.experimental.pallas import tpu_sc as plsc

_TOKENS = 32768
_D_IN = 768
_D_HID = 256
_N_EXPERTS = 64
_BLOCK = 4096

_HALF = _TOKENS // 2
_NW = 32
_TPW = _HALF // _NW
_LANES = 16
_CHUNKS = _TPW // _LANES


def _mlp_body(x_ref, w1_ref, b1_ref, w2_ref, b2_ref, logits_ref):
    h = jnp.dot(x_ref[...], w1_ref[...], preferred_element_type=jnp.float32)
    h = jnp.maximum(h + b1_ref[...], 0.0)
    logits = jnp.dot(h, w2_ref[...], preferred_element_type=jnp.float32)
    logits_ref[...] = logits + b2_ref[...]


def _sc_topk_body(logits_hbm, i1_hbm, i2_hbm, g1_hbm, g2_hbm,
                  lv, i1v, i2v, g1v, g2v):
    wid = lax.axis_index("s") * 2 + lax.axis_index("c")
    base = wid * _TPW
    pltpu.sync_copy(logits_hbm.at[pl.ds(base * _N_EXPERTS,
                                        _TPW * _N_EXPERTS)], lv)

    lane = lax.broadcasted_iota(jnp.int32, (_LANES,), 0)

    def chunk(c, _):
        flat0 = (c * _LANES + lane) * _N_EXPERTS
        m1 = plsc.load_gather(lv, [flat0])
        i1 = jnp.zeros((_LANES,), jnp.int32)
        m2 = jnp.full((_LANES,), -jnp.inf, jnp.float32)
        i2 = jnp.zeros((_LANES,), jnp.int32)
        for e in range(1, _N_EXPERTS):
            v = plsc.load_gather(lv, [flat0 + e])
            gt1 = v > m1
            gt2 = v > m2
            m2 = jnp.where(gt1, m1, jnp.where(gt2, v, m2))
            i2 = jnp.where(gt1, i1, jnp.where(gt2, e, i2))
            m1 = jnp.where(gt1, v, m1)
            i1 = jnp.where(gt1, e, i1)
        ex = jnp.exp(m2 - m1)
        denom = 1.0 + ex
        sl = pl.ds(c * _LANES, _LANES)
        i1v[sl] = i1
        i2v[sl] = i2
        g1v[sl] = 1.0 / denom
        g2v[sl] = ex / denom
        return _

    lax.fori_loop(0, _CHUNKS, chunk, 0)
    pltpu.sync_copy(i1v, i1_hbm.at[pl.ds(base, _TPW)])
    pltpu.sync_copy(i2v, i2_hbm.at[pl.ds(base, _TPW)])
    pltpu.sync_copy(g1v, g1_hbm.at[pl.ds(base, _TPW)])
    pltpu.sync_copy(g2v, g2_hbm.at[pl.ds(base, _TPW)])


_sc_topk = functools.partial(
    pl.kernel,
    mesh=plsc.VectorSubcoreMesh(core_axis_name="c", subcore_axis_name="s"),
    out_type=[
        jax.ShapeDtypeStruct((_HALF,), jnp.int32),
        jax.ShapeDtypeStruct((_HALF,), jnp.int32),
        jax.ShapeDtypeStruct((_HALF,), jnp.float32),
        jax.ShapeDtypeStruct((_HALF,), jnp.float32),
    ],
    scratch_types=[
        pltpu.VMEM((_TPW * _N_EXPERTS,), jnp.float32),
        pltpu.VMEM((_TPW,), jnp.int32),
        pltpu.VMEM((_TPW,), jnp.int32),
        pltpu.VMEM((_TPW,), jnp.float32),
        pltpu.VMEM((_TPW,), jnp.float32),
    ],
    compiler_params=pltpu.CompilerParams(needs_layout_passes=False),
)(_sc_topk_body)


def _mlp_half(x, W1, b1r, W2, b2r, half):
    nblk = _HALF // _BLOCK
    return pl.pallas_call(
        _mlp_body,
        grid=(nblk,),
        in_specs=[
            pl.BlockSpec((_BLOCK, _D_IN), lambda i, h=half: (i + h * nblk, 0)),
            pl.BlockSpec((_D_IN, _D_HID), lambda i: (0, 0)),
            pl.BlockSpec((1, _D_HID), lambda i: (0, 0)),
            pl.BlockSpec((_D_HID, _N_EXPERTS), lambda i: (0, 0)),
            pl.BlockSpec((1, _N_EXPERTS), lambda i: (0, 0)),
        ],
        out_specs=pl.BlockSpec((_BLOCK, _N_EXPERTS), lambda i: (i, 0)),
        out_shape=jax.ShapeDtypeStruct((_HALF, _N_EXPERTS), jnp.float32),
        compiler_params=pltpu.CompilerParams(
            dimension_semantics=("parallel",)),
    )(x, W1, b1r, W2, b2r)


@jax.jit
def kernel(x, W1, b1, W2, b2):
    b1r = b1.reshape(1, _D_HID)
    b2r = b2.reshape(1, _N_EXPERTS)
    logits0 = _mlp_half(x, W1, b1r, W2, b2r, 0)
    logits1 = _mlp_half(x, W1, b1r, W2, b2r, 1)
    a0 = _sc_topk(logits0.reshape(_HALF * _N_EXPERTS))
    a1 = _sc_topk(logits1.reshape(_HALF * _N_EXPERTS))
    i1 = jnp.concatenate([a0[0], a1[0]])
    i2 = jnp.concatenate([a0[1], a1[1]])
    g1 = jnp.concatenate([a0[2], a1[2]])
    g2 = jnp.concatenate([a0[3], a1[3]])
    idx = jnp.stack([i1, i2], axis=-1)
    gates = jnp.stack([g1, g2], axis=-1)
    return idx, gates

# --- scband reference (transcript-rebuilt; emitter-appended) ---
"""Pipeline reference for scband-gating-network-24618752540914 (READ-ONLY COPY).

The authoritative reference and input builder live on the scoring server;
editing this copy changes nothing except your own understanding.
"""

import jax, jax.numpy as jnp
import numpy as np

TOKENS = 32768
D_IN = 768
D_HID = 256
N_EXPERTS = 64
TOP_K = 2

def setup_inputs(seed: int = 0) -> dict:
    key = jax.random.key(seed)
    k_x, k_w1, k_b1, k_w2, k_b2 = jax.random.split(key, 5)
    x = jax.random.normal(k_x, (TOKENS, D_IN), dtype=jnp.float32)
    # nn.Linear default init: U(-1/sqrt(fan_in), 1/sqrt(fan_in))
    lim1 = 1.0 / np.sqrt(D_IN)
    W1 = jax.random.uniform(k_w1, (D_IN, D_HID), minval=-lim1, maxval=lim1, dtype=jnp.float32)
    b1 = jax.random.uniform(k_b1, (D_HID,), minval=-lim1, maxval=lim1, dtype=jnp.float32)
    lim2 = 1.0 / np.sqrt(D_HID)
    W2 = jax.random.uniform(k_w2, (D_HID, N_EXPERTS), minval=-lim2, maxval=lim2, dtype=jnp.float32)
    b2 = jax.random.uniform(k_b2, (N_EXPERTS,), minval=-lim2, maxval=lim2, dtype=jnp.float32)
    return {"x": x, "W1": W1, "b1": b1, "W2": W2, "b2": b2}

def reference(x, W1, b1, W2, b2):
    h = jax.nn.relu(x @ W1 + b1)
    logits = h @ W2 + b2
    top_k_logits, top_k_indices = jax.lax.top_k(logits, TOP_K)
    top_k_gates = jax.nn.softmax(top_k_logits, axis=-1)
    return (top_k_indices, top_k_gates)

if __name__ == "__main__":
    import jax
    _d = setup_inputs()
    print(jax.jit(kernel)(*tuple(_d.values())))

</pallas_src>

<mosaic_0001>
#map = affine_map<(d0, d1) -> (0)>
module attributes {stable_mosaic.version = 14 : i64} {
  func.func @_sc_topk_body(%arg0: i32, %arg1: i32, %arg2: memref<1048576xf32, #tpu.memory_space<hbm>>, %arg3: memref<16384xi32, #tpu.memory_space<hbm>>, %arg4: memref<16384xi32, #tpu.memory_space<hbm>>, %arg5: memref<16384xf32, #tpu.memory_space<hbm>>, %arg6: memref<16384xf32, #tpu.memory_space<hbm>>, %arg7: memref<32768xf32, #tpu.memory_space<vmem>>, %arg8: memref<512xi32, #tpu.memory_space<vmem>>, %arg9: memref<512xi32, #tpu.memory_space<vmem>>, %arg10: memref<512xf32, #tpu.memory_space<vmem>>, %arg11: memref<512xf32, #tpu.memory_space<vmem>>) attributes {dimension_semantics = [#tpu.dimension_semantics<core_parallel>, #tpu.dimension_semantics<subcore_parallel>], iteration_bounds = array<i64: 2, 16>, scalar_prefetch = 0 : i64, scratch_operands = 5 : i64, tpu.core_type = #tpu.core_type<sc_vector_subcore>, window_params = [{transform_indices = #map}, {transform_indices = #map}, {transform_indices = #map}, {transform_indices = #map}, {transform_indices = #map}]} {
    %mul3A = arith.constant 2 : i32
    %mul3A_0 = arith.muli %arg1, %mul3A : i32
    %add3A = arith.addi %mul3A_0, %arg0 : i32
    %mul3A_1 = arith.constant 512 : i32
    %mul3A_2 = arith.muli %add3A, %mul3A_1 : i32
    %mul3A_3 = arith.constant 64 : i32
    %mul3A_4 = arith.muli %mul3A_2, %mul3A_3 : i32
    "tpu.region"() ({
      %run_scoped3A = tpu.sem_alloc : memref<!tpu.dma_semaphore, #tpu.memory_space<semaphore_mem>>
      %dma_start3A = tpu.memref_slice %arg2[%mul3A_4] : memref<1048576xf32, #tpu.memory_space<hbm>> -> memref<32768xf32, #tpu.memory_space<hbm>>
      %dma_start3A_10 = tpu.memref_slice %arg2[%mul3A_4] : memref<1048576xf32, #tpu.memory_space<hbm>> -> memref<32768xf32, #tpu.memory_space<hbm>>
      tpu.enqueue_dma source(%dma_start3A_10 : memref<32768xf32, #tpu.memory_space<hbm>>) target(%arg7 : memref<32768xf32, #tpu.memory_space<vmem>>) target_semaphore(%run_scoped3A : memref<!tpu.dma_semaphore, #tpu.memory_space<semaphore_mem>>)
      %dma_wait3A = tpu.memref_slice %arg2[%mul3A_4] : memref<1048576xf32, #tpu.memory_space<hbm>> -> memref<32768xf32, #tpu.memory_space<hbm>>
      %dma_wait3A_11 = tpu.memref_slice %arg2[%mul3A_4] : memref<1048576xf32, #tpu.memory_space<hbm>> -> memref<32768xf32, #tpu.memory_space<hbm>>
      tpu.wait_dma2 semaphore(%run_scoped3A : memref<!tpu.dma_semaphore, #tpu.memory_space<semaphore_mem>>) src(%dma_wait3A_11 : memref<32768xf32, #tpu.memory_space<hbm>>) dst(%arg7 : memref<32768xf32, #tpu.memory_space<vmem>>)
      tpu.yield
    }) : () -> ()
    %iota3A = tpu.iota {dimensions = array<i32: 0>} : vector<16xi32>
    %scan3A = arith.constant 0 : i32
    %scan3A_5 = arith.constant 0 : i32
    %scan3A_6 = arith.constant 32 : i32
    %scan3A_7 = arith.addi %scan3A_5, %scan3A_6 : i32
    %scan3A_8 = arith.constant 1 : i32
    scf.for %scan3A_10 = %scan3A_5 to %scan3A_7 step %scan3A_8  : i32 {
      %mul3A_11 = arith.constant 16 : i32
      %mul3A_12 = arith.muli %scan3A_10, %mul3A_11 : i32
      %add3A_13 = vector.broadcast %mul3A_12 : i32 to vector<16xi32>
      %add3A_14 = arith.addi %add3A_13, %iota3A : vector<16xi32>
      %mul3A_15 = arith.constant 64 : i32
      %mul3A_16 = vector.broadcast %mul3A_15 : i32 to vector<16xi32>
      %mul3A_17 = arith.muli %add3A_14, %mul3A_16 : vector<16xi32>
      %gather3A = tpu.vector_load_idx %arg7[%mul3A_17] : memref<32768xf32, #tpu.memory_space<vmem>>[vector<16xi32>], vector<16xf32>,
      %broadcast_in_dim3A = arith.constant 0 : i32
      %broadcast_in_dim3A_18 = vector.broadcast %broadcast_in_dim3A : i32 to vector<16xi32>
      %broadcast_in_dim3A_19 = arith.constant 0xFF800000 : f32
      %broadcast_in_dim3A_20 = vector.broadcast %broadcast_in_dim3A_19 : f32 to vector<16xf32>
      %broadcast_in_dim3A_21 = arith.constant 0 : i32
      %broadcast_in_dim3A_22 = vector.broadcast %broadcast_in_dim3A_21 : i32 to vector<16xi32>
      %add3A_23 = arith.constant 1 : i32
      %add3A_24 = vector.broadcast %add3A_23 : i32 to vector<16xi32>
      %add3A_25 = arith.addi %mul3A_17, %add3A_24 : vector<16xi32>
      %gather3A_26 = tpu.vector_load_idx %arg7[%add3A_25] : memref<32768xf32, #tpu.memory_space<vmem>>[vector<16xi32>], vector<16xf32>,
      %gt3A = arith.cmpf ogt, %gather3A_26, %gather3A : vector<16xf32>
      %gt3A_27 = arith.cmpf ogt, %gather3A_26, %broadcast_in_dim3A_20 : vector<16xf32>
      %select_n3A = arith.select %gt3A_27, %gather3A_26, %broadcast_in_dim3A_20 : vector<16xi1>, vector<16xf32>
      %select_n3A_28 = arith.select %gt3A, %gather3A, %select_n3A : vector<16xi1>, vector<16xf32>
      %jit3A = arith.constant 1 : i32
      %broadcast_in_dim3A_29 = vector.broadcast %jit3A : i32 to vector<16xi32>
      %select_n3A_30 = arith.select %gt3A_27, %broadcast_in_dim3A_29, %broadcast_in_dim3A_22 : vector<16xi1>, vector<16xi32>
      %select_n3A_31 = arith.select %gt3A, %broadcast_in_dim3A_18, %select_n3A_30 : vector<16xi1>, vector<16xi32>
      %select_n3A_32 = arith.select %gt3A, %gather3A_26, %gather3A : vector<16xi1>, vector<16xf32>
      %jit3A_33 = arith.constant 1 : i32
      %broadcast_in_dim3A_34 = vector.broadcast %jit3A_33 : i32 to vector<16xi32>
      %select_n3A_35 = arith.select %gt3A, %broadcast_in_dim3A_34, %broadcast_in_dim3A_18 : vector<16xi1>, vector<16xi32>
      %add3A_36 = arith.constant 2 : i32
      %add3A_37 = vector.broadcast %add3A_36 : i32 to vector<16xi32>
      %add3A_38 = arith.addi %mul3A_17, %add3A_37 : vector<16xi32>
      %gather3A_39 = tpu.vector_load_idx %arg7[%add3A_38] : memref<32768xf32, #tpu.memory_space<vmem>>[vector<16xi32>], vector<16xf32>,
      %gt3A_40 = arith.cmpf ogt, %gather3A_39, %select_n3A_32 : vector<16xf32>
      %gt3A_41 = arith.cmpf ogt, %gather3A_39, %select_n3A_28 : vector<16xf32>
      %select_n3A_42 = arith.select %gt3A_41, %gather3A_39, %select_n3A_28 : vector<16xi1>, vector<16xf32>
      %select_n3A_43 = arith.select %gt3A_40, %select_n3A_32, %select_n3A_42 : vector<16xi1>, vector<16xf32>
      %jit3A_44 = arith.constant 2 : i32
      %broadcast_in_dim3A_45 = vector.broadcast %jit3A_44 : i32 to vector<16xi32>
      %select_n3A_46 = arith.select %gt3A_41, %broadcast_in_dim3A_45, %select_n3A_31 : vector<16xi1>, vector<16xi32>
      %select_n3A_47 = arith.select %gt3A_40, %select_n3A_35, %select_n3A_46 : vector<16xi1>, vector<16xi32>
      %select_n3A_48 = arith.select %gt3A_40, %gather3A_39, %select_n3A_32 : vector<16xi1>, vector<16xf32>
      %jit3A_49 = arith.constant 2 : i32
      %broadcast_in_dim3A_50 = vector.broadcast %jit3A_49 : i32 to vector<16xi32>
      %select_n3A_51 = arith.select %gt3A_40, %broadcast_in_dim3A_50, %select_n3A_35 : vector<16xi1>, vector<16xi32>
      %add3A_52 = arith.constant 3 : i32
      %add3A_53 = vector.broadcast %add3A_52 : i32 to vector<16xi32>
      %add3A_54 = arith.addi %mul3A_17, %add3A_53 : vector<16xi32>
      %gather3A_55 = tpu.vector_load_idx %arg7[%add3A_54] : memref<32768xf32, #tpu.memory_space<vmem>>[vector<16xi32>], vector<16xf32>,
      %gt3A_56 = arith.cmpf ogt, %gather3A_55, %select_n3A_48 : vector<16xf32>
      %gt3A_57 = arith.cmpf ogt, %gather3A_55, %select_n3A_43 : vector<16xf32>
      %select_n3A_58 = arith.select %gt3A_57, %gather3A_55, %select_n3A_43 : vector<16xi1>, vector<16xf32>
      %select_n3A_59 = arith.select %gt3A_56, %select_n3A_48, %select_n3A_58 : vector<16xi1>, vector<16xf32>
      %jit3A_60 = arith.constant 3 : i32
      %broadcast_in_dim3A_61 = vector.broadcast %jit3A_60 : i32 to vector<16xi32>
      %select_n3A_62 = arith.select %gt3A_57, %broadcast_in_dim3A_61, %select_n3A_47 : vector<16xi1>, vector<16xi32>
      %select_n3A_63 = arith.select %gt3A_56, %select_n3A_51, %select_n3A_62 : vector<16xi1>, vector<16xi32>
      %select_n3A_64 = arith.select %gt3A_56, %gather3A_55, %select_n3A_48 : vector<16xi1>, vector<16xf32>
      %jit3A_65 = arith.constant 3 : i32
      %broadcast_in_dim3A_66 = vector.broadcast %jit3A_65 : i32 to vector<16xi32>
      %select_n3A_67 = arith.select %gt3A_56, %broadcast_in_dim3A_66, %select_n3A_51 : vector<16xi1>, vector<16xi32>
      %add3A_68 = arith.constant 4 : i32
      %add3A_69 = vector.broadcast %add3A_68 : i32 to vector<16xi32>
      %add3A_70 = arith.addi %mul3A_17, %add3A_69 : vector<16xi32>
      %gather3A_71 = tpu.vector_load_idx %arg7[%add3A_70] : memref<32768xf32, #tpu.memory_space<vmem>>[vector<16xi32>], vector<16xf32>,
      %gt3A_72 = arith.cmpf ogt, %gather3A_71, %select_n3A_64 : vector<16xf32>
      %gt3A_73 = arith.cmpf ogt, %gather3A_71, %select_n3A_59 : vector<16xf32>
      %select_n3A_74 = arith.select %gt3A_73, %gather3A_71, %select_n3A_59 : vector<16xi1>, vector<16xf32>
      %select_n3A_75 = arith.select %gt3A_72, %select_n3A_64, %select_n3A_74 : vector<16xi1>, vector<16xf32>
      %jit3A_76 = arith.constant 4 : i32
      %broadcast_in_dim3A_77 = vector.broadcast %jit3A_76 : i32 to vector<16xi32>
      %select_n3A_78 = arith.select %gt3A_73, %broadcast_in_dim3A_77, %select_n3A_63 : vector<16xi1>, vector<16xi32>
      %select_n3A_79 = arith.select %gt3A_72, %select_n3A_67, %select_n3A_78 : vector<16xi1>, vector<16xi32>
      %select_n3A_80 = arith.select %gt3A_72, %gather3A_71, %select_n3A_64 : vector<16xi1>, vector<16xf32>
      %jit3A_81 = arith.constant 4 : i32
      %broadcast_in_dim3A_82 = vector.broadcast %jit3A_81 : i32 to vector<16xi32>
      %select_n3A_83 = arith.select %gt3A_72, %broadcast_in_dim3A_82, %select_n3A_67 : vector<16xi1>, vector<16xi32>
      %add3A_84 = arith.constant 5 : i32
      %add3A_85 = vector.broadcast %add3A_84 : i32 to vector<16xi32>
      %add3A_86 = arith.addi %mul3A_17, %add3A_85 : vector<16xi32>
      %gather3A_87 = tpu.vector_load_idx %arg7[%add3A_86] : memref<32768xf32, #tpu.memory_space<vmem>>[vector<16xi32>], vector<16xf32>,
      %gt3A_88 = arith.cmpf ogt, %gather3A_87, %select_n3A_80 : vector<16xf32>
      %gt3A_89 = arith.cmpf ogt, %gather3A_87, %select_n3A_75 : vector<16xf32>
      %select_n3A_90 = arith.select %gt3A_89, %gather3A_87, %select_n3A_75 : vector<16xi1>, vector<16xf32>
      %select_n3A_91 = arith.select %gt3A_88, %select_n3A_80, %select_n3A_90 : vector<16xi1>, vector<16xf32>
      %jit3A_92 = arith.constant 5 : i32
      %broadcast_in_dim3A_93 = vector.broadcast %jit3A_92 : i32 to vector<16xi32>
      %select_n3A_94 = arith.select %gt3A_89, %broadcast_in_dim3A_93, %select_n3A_79 : vector<16xi1>, vector<16xi32>
      %select_n3A_95 = arith.select %gt3A_88, %select_n3A_83, %select_n3A_94 : vector<16xi1>, vector<16xi32>
      %select_n3A_96 = arith.select %gt3A_88, %gather3A_87, %select_n3A_80 : vector<16xi1>, vector<16xf32>
      %jit3A_97 = arith.constant 5 : i32
      %broadcast_in_dim3A_98 = vector.broadcast %jit3A_97 : i32 to vector<16xi32>
      %select_n3A_99 = arith.select %gt3A_88, %broadcast_in_dim3A_98, %select_n3A_83 : vector<16xi1>, vector<16xi32>
      %add3A_100 = arith.constant 6 : i32
      %add3A_101 = vector.broadcast %add3A_100 : i32 to vector<16xi32>
      %add3A_102 = arith.addi %mul3A_17, %add3A_101 : vector<16xi32>
      %gather3A_103 = tpu.vector_load_idx %arg7[%add3A_102] : memref<32768xf32, #tpu.memory_space<vmem>>[vector<16xi32>], vector<16xf32>,
      %gt3A_104 = arith.cmpf ogt, %gather3A_103, %select_n3A_96 : vector<16xf32>
      %gt3A_105 = arith.cmpf ogt, %gather3A_103, %select_n3A_91 : vector<16xf32>
      %select_n3A_106 = arith.select %gt3A_105, %gather3A_103, %select_n3A_91 : vector<16xi1>, vector<16xf32>
      %select_n3A_107 = arith.select %gt3A_104, %select_n3A_96, %select_n3A_106 : vector<16xi1>, vector<16xf32>
      %jit3A_108 = arith.constant 6 : i32
      %broadcast_in_dim3A_109 = vector.broadcast %jit3A_108 : i32 to vector<16xi32>
      %select_n3A_110 = arith.select %gt3A_105, %broadcast_in_dim3A_109, %select_n3A_95 : vector<16xi1>, vector<16xi32>
      %select_n3A_111 = arith.select %gt3A_104, %select_n3A_99, %select_n3A_110 : vector<16xi1>, vector<16xi32>
      %select_n3A_112 = arith.select %gt3A_104, %gather3A_103, %select_n3A_96 : vector<16xi1>, vector<16xf32>
      %jit3A_113 = arith.constant 6 : i32
      %broadcast_in_dim3A_114 = vector.broadcast %jit3A_113 : i32 to vector<16xi32>
      %select_n3A_115 = arith.select %gt3A_104, %broadcast_in_dim3A_114, %select_n3A_99 : vector<16xi1>, vector<16xi32>
      %add3A_116 = arith.constant 7 : i32
      %add3A_117 = vector.broadcast %add3A_116 : i32 to vector<16xi32>
      %add3A_118 = arith.addi %mul3A_17, %add3A_117 : vector<16xi32>
      %gather3A_119 = tpu.vector_load_idx %arg7[%add3A_118] : memref<32768xf32, #tpu.memory_space<vmem>>[vector<16xi32>], vector<16xf32>,
      %gt3A_120 = arith.cmpf ogt, %gather3A_119, %select_n3A_112 : vector<16xf32>
      %gt3A_121 = arith.cmpf ogt, %gather3A_119, %select_n3A_107 : vector<16xf32>
      %select_n3A_122 = arith.select %gt3A_121, %gather3A_119, %select_n3A_107 : vector<16xi1>, vector<16xf32>
      %select_n3A_123 = arith.select %gt3A_120, %select_n3A_112, %select_n3A_122 : vector<16xi1>, vector<16xf32>
      %jit3A_124 = arith.constant 7 : i32
      %broadcast_in_dim3A_125 = vector.broadcast %jit3A_124 : i32 to vector<16xi32>
      %select_n3A_126 = arith.select %gt3A_121, %broadcast_in_dim3A_125, %select_n3A_111 : vector<16xi1>, vector<16xi32>
      %select_n3A_127 = arith.select %gt3A_120, %select_n3A_115, %select_n3A_126 : vector<16xi1>, vector<16xi32>
      %select_n3A_128 = arith.select %gt3A_120, %gather3A_119, %select_n3A_112 : vector<16xi1>, vector<16xf32>
      %jit3A_129 = arith.constant 7 : i32
      %broadcast_in_dim3A_130 = vector.broadcast %jit3A_129 : i32 to vector<16xi32>
      %select_n3A_131 = arith.select %gt3A_120, %broadcast_in_dim3A_130, %select_n3A_115 : vector<16xi1>, vector<16xi32>
      %add3A_132 = arith.constant 8 : i32
      %add3A_133 = vector.broadcast %add3A_132 : i32 to vector<16xi32>
      %add3A_134 = arith.addi %mul3A_17, %add3A_133 : vector<16xi32>
      %gather3A_135 = tpu.vector_load_idx %arg7[%add3A_134] : memref<32768xf32, #tpu.memory_space<vmem>>[vector<16xi32>], vector<16xf32>,
      %gt3A_136 = arith.cmpf ogt, %gather3A_135, %select_n3A_128 : vector<16xf32>
      %gt3A_137 = arith.cmpf ogt, %gather3A_135, %select_n3A_123 : vector<16xf32>
      %select_n3A_138 = arith.select %gt3A_137, %gather3A_135, %select_n3A_123 : vector<16xi1>, vector<16xf32>
      %select_n3A_139 = arith.select %gt3A_136, %select_n3A_128, %select_n3A_138 : vector<16xi1>, vector<16xf32>
      %jit3A_140 = arith.constant 8 : i32
      %broadcast_in_dim3A_141 = vector.broadcast %jit3A_140 : i32 to vector<16xi32>
      %select_n3A_142 = arith.select %gt3A_137, %broadcast_in_dim3A_141, %select_n3A_127 : vector<16xi1>, vector<16xi32>
      %select_n3A_143 = arith.select %gt3A_136, %select_n3A_131, %select_n3A_142 : vector<16xi1>, vector<16xi32>
      %select_n3A_144 = arith.select %gt3A_136, %gather3A_135, %select_n3A_128 : vector<16xi1>, vector<16xf32>
      %jit3A_145 = arith.constant 8 : i32
      %broadcast_in_dim3A_146 = vector.broadcast %jit3A_145 : i32 to vector<16xi32>
      %select_n3A_147 = arith.select %gt3A_136, %broadcast_in_dim3A_146, %select_n3A_131 : vector<16xi1>, vector<16xi32>
      %add3A_148 = arith.constant 9 : i32
      %add3A_149 = vector.broadcast %add3A_148 : i32 to vector<16xi32>
      %add3A_150 = arith.addi %mul3A_17, %add3A_149 : vector<16xi32>
      %gather3A_151 = tpu.vector_load_idx %arg7[%add3A_150] : memref<32768xf32, #tpu.memory_space<vmem>>[vector<16xi32>], vector<16xf32>,
      %gt3A_152 = arith.cmpf ogt, %gather3A_151, %select_n3A_144 : vector<16xf32>
      %gt3A_153 = arith.cmpf ogt, %gather3A_151, %select_n3A_139 : vector<16xf32>
      %select_n3A_154 = arith.select %gt3A_153, %gather3A_151, %select_n3A_139 : vector<16xi1>, vector<16xf32>
      %select_n3A_155 = arith.select %gt3A_152, %select_n3A_144, %select_n3A_154 : vector<16xi1>, vector<16xf32>
      %jit3A_156 = arith.constant 9 : i32
      %broadcast_in_dim3A_157 = vector.broadcast %jit3A_156 : i32 to vector<16xi32>
      %select_n3A_158 = arith.select %gt3A_153, %broadcast_in_dim3A_157, %select_n3A_143 : vector<16xi1>, vector<16xi32>
      %select_n3A_159 = arith.select %gt3A_152, %select_n3A_147, %select_n3A_158 : vector<16xi1>, vector<16xi32>
      %select_n3A_160 = arith.select %gt3A_152, %gather3A_151, %select_n3A_144 : vector<16xi1>, vector<16xf32>
      %jit3A_161 = arith.constant 9 : i32
      %broadcast_in_dim3A_162 = vector.broadcast %jit3A_161 : i32 to vector<16xi32>
      %select_n3A_163 = arith.select %gt3A_152, %broadcast_in_dim3A_162, %select_n3A_147 : vector<16xi1>, vector<16xi32>
      %add3A_164 = arith.constant 10 : i32
      %add3A_165 = vector.broadcast %add3A_164 : i32 to vector<16xi32>
      %add3A_166 = arith.addi %mul3A_17, %add3A_165 : vector<16xi32>
      %gather3A_167 = tpu.vector_load_idx %arg7[%add3A_166] : memref<32768xf32, #tpu.memory_space<vmem>>[vector<16xi32>], vector<16xf32>,
      %gt3A_168 = arith.cmpf ogt, %gather3A_167, %select_n3A_160 : vector<16xf32>
      %gt3A_169 = arith.cmpf ogt, %gather3A_167, %select_n3A_155 : vector<16xf32>
      %select_n3A_170 = arith.select %gt3A_169, %gather3A_167, %select_n3A_155 : vector<16xi1>, vector<16xf32>
      %select_n3A_171 = arith.select %gt3A_168, %select_n3A_160, %select_n3A_170 : vector<16xi1>, vector<16xf32>
      %jit3A_172 = arith.constant 10 : i32
      %broadcast_in_dim3A_173 = vector.broadcast %jit3A_172 : i32 to vector<16xi32>
      %select_n3A_174 = arith.select %gt3A_169, %broadcast_in_dim3A_173, %select_n3A_159 : vector<16xi1>, vector<16xi32>
      %select_n3A_175 = arith.select %gt3A_168, %select_n3A_163, %select_n3A_174 : vector<16xi1>, vector<16xi32>
      %select_n3A_176 = arith.select %gt3A_168, %gather3A_167, %select_n3A_160 : vector<16xi1>, vector<16xf32>
      %jit3A_177 = arith.constant 10 : i32
      %broadcast_in_dim3A_178 = vector.broadcast %jit3A_177 : i32 to vector<16xi32>
      %select_n3A_179 = arith.select %gt3A_168, %broadcast_in_dim3A_178, %select_n3A_163 : vector<16xi1>, vector<16xi32>
      %add3A_180 = arith.constant 11 : i32
      %add3A_181 = vector.broadcast %add3A_180 : i32 to vector<16xi32>
      %add3A_182 = arith.addi %mul3A_17, %add3A_181 : vector<16xi32>
      %gather3A_183 = tpu.vector_load_idx %arg7[%add3A_182] : memref<32768xf32, #tpu.memory_space<vmem>>[vector<16xi32>], vector<16xf32>,
      %gt3A_184 = arith.cmpf ogt, %gather3A_183, %select_n3A_176 : vector<16xf32>
      %gt3A_185 = arith.cmpf ogt, %gather3A_183, %select_n3A_171 : vector<16xf32>
      %select_n3A_186 = arith.select %gt3A_185, %gather3A_183, %select_n3A_171 : vector<16xi1>, vector<16xf32>
      %select_n3A_187 = arith.select %gt3A_184, %select_n3A_176, %select_n3A_186 : vector<16xi1>, vector<16xf32>
      %jit3A_188 = arith.constant 11 : i32
      %broadcast_in_dim3A_189 = vector.broadcast %jit3A_188 : i32 to vector<16xi32>
      %select_n3A_190 = arith.select %gt3A_185, %broadcast_in_dim3A_189, %select_n3A_175 : vector<16xi1>, vector<16xi32>
      %select_n3A_191 = arith.select %gt3A_184, %select_n3A_179, %select_n3A_190 : vector<16xi1>, vector<16xi32>
      %select_n3A_192 = arith.select %gt3A_184, %gather3A_183, %select_n3A_176 : vector<16xi1>, vector<16xf32>
      %jit3A_193 = arith.constant 11 : i32
      %broadcast_in_dim3A_194 = vector.broadcast %jit3A_193 : i32 to vector<16xi32>
      %select_n3A_195 = arith.select %gt3A_184, %broadcast_in_dim3A_194, %select_n3A_179 : vector<16xi1>, vector<16xi32>
      %add3A_196 = arith.constant 12 : i32
      %add3A_197 = vector.broadcast %add3A_196 : i32 to vector<16xi32>
      %add3A_198 = arith.addi %mul3A_17, %add3A_197 : vector<16xi32>
      %gather3A_199 = tpu.vector_load_idx %arg7[%add3A_198] : memref<32768xf32, #tpu.memory_space<vmem>>[vector<16xi32>], vector<16xf32>,
      %gt3A_200 = arith.cmpf ogt, %gather3A_199, %select_n3A_192 : vector<16xf32>
      %gt3A_201 = arith.cmpf ogt, %gather3A_199, %select_n3A_187 : vector<16xf32>
      %select_n3A_202 = arith.select %gt3A_201, %gather3A_199, %select_n3A_187 : vector<16xi1>, vector<16xf32>
      %select_n3A_203 = arith.select %gt3A_200, %select_n3A_192, %select_n3A_202 : vector<16xi1>, vector<16xf32>
      %jit3A_204 = arith.constant 12 : i32
      %broadcast_in_dim3A_205 = vector.broadcast %jit3A_204 : i32 to vector<16xi32>
      %select_n3A_206 = arith.select %gt3A_201, %broadcast_in_dim3A_205, %select_n3A_191 : vector<16xi1>, vector<16xi32>
      %select_n3A_207 = arith.select %gt3A_200, %select_n3A_195, %select_n3A_206 : vector<16xi1>, vector<16xi32>
      %select_n3A_208 = arith.select %gt3A_200, %gather3A_199, %select_n3A_192 : vector<16xi1>, vector<16xf32>
      %jit3A_209 = arith.constant 12 : i32
      %broadcast_in_dim3A_210 = vector.broadcast %jit3A_209 : i32 to vector<16xi32>
      %select_n3A_211 = arith.select %gt3A_200, %broadcast_in_dim3A_210, %select_n3A_195 : vector<16xi1>, vector<16xi32>
      %add3A_212 = arith.constant 13 : i32
      %add3A_213 = vector.broadcast %add3A_212 : i32 to vector<16xi32>
      %add3A_214 = arith.addi %mul3A_17, %add3A_213 : vector<16xi32>
      %gather3A_215 = tpu.vector_load_idx %arg7[%add3A_214] : memref<32768xf32, #tpu.memory_space<vmem>>[vector<16xi32>], vector<16xf32>,
      %gt3A_216 = arith.cmpf ogt, %gather3A_215, %select_n3A_208 : vector<16xf32>
      %gt3A_217 = arith.cmpf ogt, %gather3A_215, %select_n3A_203 : vector<16xf32>
      %select_n3A_218 = arith.select %gt3A_217, %gather3A_215, %select_n3A_203 : vector<16xi1>, vector<16xf32>
      %select_n3A_219 = arith.select %gt3A_216, %select_n3A_208, %select_n3A_218 : vector<16xi1>, vector<16xf32>
      %jit3A_220 = arith.constant 13 : i32
      %broadcast_in_dim3A_221 = vector.broadcast %jit3A_220 : i32 to vector<16xi32>
      %select_n3A_222 = arith.select %gt3A_217, %broadcast_in_dim3A_221, %select_n3A_207 : vector<16xi1>, vector<16xi32>
      %select_n3A_223 = arith.select %gt3A_216, %select_n3A_211, %select_n3A_222 : vector<16xi1>, vector<16xi32>
      %select_n3A_224 = arith.select %gt3A_216, %gather3A_215, %select_n3A_208 : vector<16xi1>, vector<16xf32>
      %jit3A_225 = arith.constant 13 : i32
      %broadcast_in_dim3A_226 = vector.broadcast %jit3A_225 : i32 to vector<16xi32>
      %select_n3A_227 = arith.select %gt3A_216, %broadcast_in_dim3A_226, %select_n3A_211 : vector<16xi1>, vector<16xi32>
      %add3A_228 = arith.constant 14 : i32
      %add3A_229 = vector.broadcast %add3A_228 : i32 to vector<16xi32>
      %add3A_230 = arith.addi %mul3A_17, %add3A_229 : vector<16xi32>
      %gather3A_231 = tpu.vector_load_idx %arg7[%add3A_230] : memref<32768xf32, #tpu.memory_space<vmem>>[vector<16xi32>], vector<16xf32>,
      %gt3A_232 = arith.cmpf ogt, %gather3A_231, %select_n3A_224 : vector<16xf32>
      %gt3A_233 = arith.cmpf ogt, %gather3A_231, %select_n3A_219 : vector<16xf32>
      %select_n3A_234 = arith.select %gt3A_233, %gather3A_231, %select_n3A_219 : vector<16xi1>, vector<16xf32>
      %select_n3A_235 = arith.select %gt3A_232, %select_n3A_224, %select_n3A_234 : vector<16xi1>, vector<16xf32>
      %jit3A_236 = arith.constant 14 : i32
      %broadcast_in_dim3A_237 = vector.broadcast %jit3A_236 : i32 to vector<16xi32>
      %select_n3A_238 = arith.select %gt3A_233, %broadcast_in_dim3A_237, %select_n3A_223 : vector<16xi1>, vector<16xi32>
      %select_n3A_239 = arith.select %gt3A_232, %select_n3A_227, %select_n3A_238 : vector<16xi1>, vector<16xi32>
      %select_n3A_240 = arith.select %gt3A_232, %gather3A_231, %select_n3A_224 : vector<16xi1>, vector<16xf32>
      %jit3A_241 = arith.constant 14 : i32
      %broadcast_in_dim3A_242 = vector.broadcast %jit3A_241 : i32 to vector<16xi32>
      %select_n3A_243 = arith.select %gt3A_232, %broadcast_in_dim3A_242, %select_n3A_227 : vector<16xi1>, vector<16xi32>
      %add3A_244 = arith.constant 15 : i32
      %add3A_245 = vector.broadcast %add3A_244 : i32 to vector<16xi32>
      %add3A_246 = arith.addi %mul3A_17, %add3A_245 : vector<16xi32>
      %gather3A_247 = tpu.vector_load_idx %arg7[%add3A_246] : memref<32768xf32, #tpu.memory_space<vmem>>[vector<16xi32>], vector<16xf32>,
      %gt3A_248 = arith.cmpf ogt, %gather3A_247, %select_n3A_240 : vector<16xf32>
      %gt3A_249 = arith.cmpf ogt, %gather3A_247, %select_n3A_235 : vector<16xf32>
      %select_n3A_250 = arith.select %gt3A_249, %gather3A_247, %select_n3A_235 : vector<16xi1>, vector<16xf32>
      %select_n3A_251 = arith.select %gt3A_248, %select_n3A_240, %select_n3A_250 : vector<16xi1>, vector<16xf32>
      %jit3A_252 = arith.constant 15 : i32
      %broadcast_in_dim3A_253 = vector.broadcast %jit3A_252 : i32 to vector<16xi32>
      %select_n3A_254 = arith.select %gt3A_249, %broadcast_in_dim3A_253, %select_n3A_239 : vector<16xi1>, vector<16xi32>
      %select_n3A_255 = arith.select %gt3A_248, %select_n3A_243, %select_n3A_254 : vector<16xi1>, vector<16xi32>
      %select_n3A_256 = arith.select %gt3A_248, %gather3A_247, %select_n3A_240 : vector<16xi1>, vector<16xf32>
      %jit3A_257 = arith.constant 15 : i32
      %broadcast_in_dim3A_258 = vector.broadcast %jit3A_257 : i32 to vector<16xi32>
      %select_n3A_259 = arith.select %gt3A_248, %broadcast_in_dim3A_258, %select_n3A_243 : vector<16xi1>, vector<16xi32>
      %add3A_260 = arith.constant 16 : i32
      %add3A_261 = vector.broadcast %add3A_260 : i32 to vector<16xi32>
      %add3A_262 = arith.addi %mul3A_17, %add3A_261 : vector<16xi32>
      %gather3A_263 = tpu.vector_load_idx %arg7[%add3A_262] : memref<32768xf32, #tpu.memory_space<vmem>>[vector<16xi32>], vector<16xf32>,
      %gt3A_264 = arith.cmpf ogt, %gather3A_263, %select_n3A_256 : vector<16xf32>
      %gt3A_265 = arith.cmpf ogt, %gather3A_263, %select_n3A_251 : vector<16xf32>
      %select_n3A_266 = arith.select %gt3A_265, %gather3A_263, %select_n3A_251 : vector<16xi1>, vector<16xf32>
      %select_n3A_267 = arith.select %gt3A_264, %select_n3A_256, %select_n3A_266 : vector<16xi1>, vector<16xf32>
      %jit3A_268 = arith.constant 16 : i32
      %broadcast_in_dim3A_269 = vector.broadcast %jit3A_268 : i32 to vector<16xi32>
      %select_n3A_270 = arith.select %gt3A_265, %broadcast_in_dim3A_269, %select_n3A_255 : vector<16xi1>, vector<16xi32>
      %select_n3A_271 = arith.select %gt3A_264, %select_n3A_259, %select_n3A_270 : vector<16xi1>, vector<16xi32>
      %select_n3A_272 = arith.select %gt3A_264, %gather3A_263, %select_n3A_256 : vector<16xi1>, vector<16xf32>
      %jit3A_273 = arith.constant 16 : i32
      %broadcast_in_dim3A_274 = vector.broadcast %jit3A_273 : i32 to vector<16xi32>
      %select_n3A_275 = arith.select %gt3A_264, %broadcast_in_dim3A_274, %select_n3A_259 : vector<16xi1>, vector<16xi32>
      %add3A_276 = arith.constant 17 : i32
      %add3A_277 = vector.broadcast %add3A_276 : i32 to vector<16xi32>
      %add3A_278 = arith.addi %mul3A_17, %add3A_277 : vector<16xi32>
      %gather3A_279 = tpu.vector_load_idx %arg7[%add3A_278] : memref<32768xf32, #tpu.memory_space<vmem>>[vector<16xi32>], vector<16xf32>,
      %gt3A_280 = arith.cmpf ogt, %gather3A_279, %select_n3A_272 : vector<16xf32>
      %gt3A_281 = arith.cmpf ogt, %gather3A_279, %select_n3A_267 : vector<16xf32>
      %select_n3A_282 = arith.select %gt3A_281, %gather3A_279, %select_n3A_267 : vector<16xi1>, vector<16xf32>
      %select_n3A_283 = arith.select %gt3A_280, %select_n3A_272, %select_n3A_282 : vector<16xi1>, vector<16xf32>
      %jit3A_284 = arith.constant 17 : i32
      %broadcast_in_dim3A_285 = vector.broadcast %jit3A_284 : i32 to vector<16xi32>
      %select_n3A_286 = arith.select %gt3A_281, %broadcast_in_dim3A_285, %select_n3A_271 : vector<16xi1>, vector<16xi32>
      %select_n3A_287 = arith.select %gt3A_280, %select_n3A_275, %select_n3A_286 : vector<16xi1>, vector<16xi32>
      %select_n3A_288 = arith.select %gt3A_280, %gather3A_279, %select_n3A_272 : vector<16xi1>, vector<16xf32>
      %jit3A_289 = arith.constant 17 : i32
      %broadcast_in_dim3A_290 = vector.broadcast %jit3A_289 : i32 to vector<16xi32>
      %select_n3A_291 = arith.select %gt3A_280, %broadcast_in_dim3A_290, %select_n3A_275 : vector<16xi1>, vector<16xi32>
      %add3A_292 = arith.constant 18 : i32
      %add3A_293 = vector.broadcast %add3A_292 : i32 to vector<16xi32>
      %add3A_294 = arith.addi %mul3A_17, %add3A_293 : vector<16xi32>
      %gather3A_295 = tpu.vector_load_idx %arg7[%add3A_294] : memref<32768xf32, #tpu.memory_space<vmem>>[vector<16xi32>], vector<16xf32>,
      %gt3A_296 = arith.cmpf ogt, %gather3A_295, %select_n3A_288 : vector<16xf32>
      %gt3A_297 = arith.cmpf ogt, %gather3A_295, %select_n3A_283 : vector<16xf32>
      %select_n3A_298 = arith.select %gt3A_297, %gather3A_295, %select_n3A_283 : vector<16xi1>, vector<16xf32>
      %select_n3A_299 = arith.select %gt3A_296, %select_n3A_288, %select_n3A_298 : vector<16xi1>, vector<16xf32>
      %jit3A_300 = arith.constant 18 : i32
      %broadcast_in_dim3A_301 = vector.broadcast %jit3A_300 : i32 to vector<16xi32>
      %select_n3A_302 = arith.select %gt3A_297, %broadcast_in_dim3A_301, %select_n3A_287 : vector<16xi1>, vector<16xi32>
      %select_n3A_303 = arith.select %gt3A_296, %select_n3A_291, %select_n3A_302 : vector<16xi1>, vector<16xi32>
      %select_n3A_304 = arith.select %gt3A_296, %gather3A_295, %select_n3A_288 : vector<16xi1>, vector<16xf32>
      %jit3A_305 = arith.constant 18 : i32
      %broadcast_in_dim3A_306 = vector.broadcast %jit3A_305 : i32 to vector<16xi32>
      %select_n3A_307 = arith.select %gt3A_296, %broadcast_in_dim3A_306, %select_n3A_291 : vector<16xi1>, vector<16xi32>
      %add3A_308 = arith.constant 19 : i32
      %add3A_309 = vector.broadcast %add3A_308 : i32 to vector<16xi32>
      %add3A_310 = arith.addi %mul3A_17, %add3A_309 : vector<16xi32>
      %gather3A_311 = tpu.vector_load_idx %arg7[%add3A_310] : memref<32768xf32, #tpu.memory_space<vmem>>[vector<16xi32>], vector<16xf32>,
      %gt3A_312 = arith.cmpf ogt, %gather3A_311, %select_n3A_304 : vector<16xf32>
      %gt3A_313 = arith.cmpf ogt, %gather3A_311, %select_n3A_299 : vector<16xf32>
      %select_n3A_314 = arith.select %gt3A_313, %gather3A_311, %select_n3A_299 : vector<16xi1>, vector<16xf32>
      %select_n3A_315 = arith.select %gt3A_312, %select_n3A_304, %select_n3A_314 : vector<16xi1>, vector<16xf32>
      %jit3A_316 = arith.constant 19 : i32
      %broadcast_in_dim3A_317 = vector.broadcast %jit3A_316 : i32 to vector<16xi32>
      %select_n3A_318 = arith.select %gt3A_313, %broadcast_in_dim3A_317, %select_n3A_303 : vector<16xi1>, vector<16xi32>
      %select_n3A_319 = arith.select %gt3A_312, %select_n3A_307, %select_n3A_318 : vector<16xi1>, vector<16xi32>
      %select_n3A_320 = arith.select %gt3A_312, %gather3A_311, %select_n3A_304 : vector<16xi1>, vector<16xf32>
      %jit3A_321 = arith.constant 19 : i32
      %broadcast_in_dim3A_322 = vector.broadcast %jit3A_321 : i32 to vector<16xi32>
      %select_n3A_323 = arith.select %gt3A_312, %broadcast_in_dim3A_322, %select_n3A_307 : vector<16xi1>, vector<16xi32>
      %add3A_324 = arith.constant 20 : i32
      %add3A_325 = vector.broadcast %add3A_324 : i32 to vector<16xi32>
      %add3A_326 = arith.addi %mul3A_17, %add3A_325 : vector<16xi32>
      %gather3A_327 = tpu.vector_load_idx %arg7[%add3A_326] : memref<32768xf32, #tpu.memory_space<vmem>>[vector<16xi32>], vector<16xf32>,
      %gt3A_328 = arith.cmpf ogt, %gather3A_327, %select_n3A_320 : vector<16xf32>
      %gt3A_329 = arith.cmpf ogt, %gather3A_327, %select_n3A_315 : vector<16xf32>
      %select_n3A_330 = arith.select %gt3A_329, %gather3A_327, %select_n3A_315 : vector<16xi1>, vector<16xf32>
      %select_n3A_331 = arith.select %gt3A_328, %select_n3A_320, %select_n3A_330 : vector<16xi1>, vector<16xf32>
      %jit3A_332 = arith.constant 20 : i32
      %broadcast_in_dim3A_333 = vector.broadcast %jit3A_332 : i32 to vector<16xi32>
      %select_n3A_334 = arith.select %gt3A_329, %broadcast_in_dim3A_333, %select_n3A_319 : vector<16xi1>, vector<16xi32>
      %select_n3A_335 = arith.select %gt3A_328, %select_n3A_323, %select_n3A_334 : vector<16xi1>, vector<16xi32>
      %select_n3A_336 = arith.select %gt3A_328, %gather3A_327, %select_n3A_320 : vector<16xi1>, vector<16xf32>
      %jit3A_337 = arith.constant 20 : i32
      %broadcast_in_dim3A_338 = vector.broadcast %jit3A_337 : i32 to vector<16xi32>
      %select_n3A_339 = arith.select %gt3A_328, %broadcast_in_dim3A_338, %select_n3A_323 : vector<16xi1>, vector<16xi32>
      %add3A_340 = arith.constant 21 : i32
      %add3A_341 = vector.broadcast %add3A_340 : i32 to vector<16xi32>
      %add3A_342 = arith.addi %mul3A_17, %add3A_341 : vector<16xi32>
      %gather3A_343 = tpu.vector_load_idx %arg7[%add3A_342] : memref<32768xf32, #tpu.memory_space<vmem>>[vector<16xi32>], vector<16xf32>,
      %gt3A_344 = arith.cmpf ogt, %gather3A_343, %select_n3A_336 : vector<16xf32>
      %gt3A_345 = arith.cmpf ogt, %gather3A_343, %select_n3A_331 : vector<16xf32>
      %select_n3A_346 = arith.select %gt3A_345, %gather3A_343, %select_n3A_331 : vector<16xi1>, vector<16xf32>
      %select_n3A_347 = arith.select %gt3A_344, %select_n3A_336, %select_n3A_346 : vector<16xi1>, vector<16xf32>
      %jit3A_348 = arith.constant 21 : i32
      %broadcast_in_dim3A_349 = vector.broadcast %jit3A_348 : i32 to vector<16xi32>
      %select_n3A_350 = arith.select %gt3A_345, %broadcast_in_dim3A_349, %select_n3A_335 : vector<16xi1>, vector<16xi32>
      %select_n3A_351 = arith.select %gt3A_344, %select_n3A_339, %select_n3A_350 : vector<16xi1>, vector<16xi32>
      %select_n3A_352 = arith.select %gt3A_344, %gather3A_343, %select_n3A_336 : vector<16xi1>, vector<16xf32>
      %jit3A_353 = arith.constant 21 : i32
      %broadcast_in_dim3A_354 = vector.broadcast %jit3A_353 : i32 to vector<16xi32>
      %select_n3A_355 = arith.select %gt3A_344, %broadcast_in_dim3A_354, %select_n3A_339 : vector<16xi1>, vector<16xi32>
      %add3A_356 = arith.constant 22 : i32
      %add3A_357 = vector.broadcast %add3A_356 : i32 to vector<16xi32>
      %add3A_358 = arith.addi %mul3A_17, %add3A_357 : vector<16xi32>
      %gather3A_359 = tpu.vector_load_idx %arg7[%add3A_358] : memref<32768xf32, #tpu.memory_space<vmem>>[vector<16xi32>], vector<16xf32>,
      %gt3A_360 = arith.cmpf ogt, %gather3A_359, %select_n3A_352 : vector<16xf32>
      %gt3A_361 = arith.cmpf ogt, %gather3A_359, %select_n3A_347 : vector<16xf32>
      %select_n3A_362 = arith.select %gt3A_361, %gather3A_359, %select_n3A_347 : vector<16xi1>, vector<16xf32>
      %select_n3A_363 = arith.select %gt3A_360, %select_n3A_352, %select_n3A_362 : vector<16xi1>, vector<16xf32>
      %jit3A_364 = arith.constant 22 : i32
      %broadcast_in_dim3A_365 = vector.broadcast %jit3A_364 : i32 to vector<16xi32>
      %select_n3A_366 = arith.select %gt3A_361, %broadcast_in_dim3A_365, %select_n3A_351 : vector<16xi1>, vector<16xi32>
      %select_n3A_367 = arith.select %gt3A_360, %select_n3A_355, %select_n3A_366 : vector<16xi1>, vector<16xi32>
      %select_n3A_368 = arith.select %gt3A_360, %gather3A_359, %select_n3A_352 : vector<16xi1>, vector<16xf32>
      %jit3A_369 = arith.constant 22 : i32
      %broadcast_in_dim3A_370 = vector.broadcast %jit3A_369 : i32 to vector<16xi32>
      %select_n3A_371 = arith.select %gt3A_360, %broadcast_in_dim3A_370, %select_n3A_355 : vector<16xi1>, vector<16xi32>
      %add3A_372 = arith.constant 23 : i32
      %add3A_373 = vector.broadcast %add3A_372 : i32 to vector<16xi32>
      %add3A_374 = arith.addi %mul3A_17, %add3A_373 : vector<16xi32>
      %gather3A_375 = tpu.vector_load_idx %arg7[%add3A_374] : memref<32768xf32, #tpu.memory_space<vmem>>[vector<16xi32>], vector<16xf32>,
      %gt3A_376 = arith.cmpf ogt, %gather3A_375, %select_n3A_368 : vector<16xf32>
      %gt3A_377 = arith.cmpf ogt, %gather3A_375, %select_n3A_363 : vector<16xf32>
      %select_n3A_378 = arith.select %gt3A_377, %gather3A_375, %select_n3A_363 : vector<16xi1>, vector<16xf32>
      %select_n3A_379 = arith.select %gt3A_376, %select_n3A_368, %select_n3A_378 : vector<16xi1>, vector<16xf32>
      %jit3A_380 = arith.constant 23 : i32
      %broadcast_in_dim3A_381 = vector.broadcast %jit3A_380 : i32 to vector<16xi32>
      %select_n3A_382 = arith.select %gt3A_377, %broadcast_in_dim3A_381, %select_n3A_367 : vector<16xi1>, vector<16xi32>
      %select_n3A_383 = arith.select %gt3A_376, %select_n3A_371, %select_n3A_382 : vector<16xi1>, vector<16xi32>
      %select_n3A_384 = arith.select %gt3A_376, %gather3A_375, %select_n3A_368 : vector<16xi1>, vector<16xf32>
      %jit3A_385 = arith.constant 23 : i32
      %broadcast_in_dim3A_386 = vector.broadcast %jit3A_385 : i32 to vector<16xi32>
      %select_n3A_387 = arith.select %gt3A_376, %broadcast_in_dim3A_386, %select_n3A_371 : vector<16xi1>, vector<16xi32>
      %add3A_388 = arith.constant 24 : i32
      %add3A_389 = vector.broadcast %add3A_388 : i32 to vector<16xi32>
      %add3A_390 = arith.addi %mul3A_17, %add3A_389 : vector<16xi32>
      %gather3A_391 = tpu.vector_load_idx %arg7[%add3A_390] : memref<32768xf32, #tpu.memory_space<vmem>>[vector<16xi32>], vector<16xf32>,
      %gt3A_392 = arith.cmpf ogt, %gather3A_391, %select_n3A_384 : vector<16xf32>
      %gt3A_393 = arith.cmpf ogt, %gather3A_391, %select_n3A_379 : vector<16xf32>
      %select_n3A_394 = arith.select %gt3A_393, %gather3A_391, %select_n3A_379 : vector<16xi1>, vector<16xf32>
      %select_n3A_395 = arith.select %gt3A_392, %select_n3A_384, %select_n3A_394 : vector<16xi1>, vector<16xf32>
      %jit3A_396 = arith.constant 24 : i32
      %broadcast_in_dim3A_397 = vector.broadcast %jit3A_396 : i32 to vector<16xi32>
      %select_n3A_398 = arith.select %gt3A_393, %broadcast_in_dim3A_397, %select_n3A_383 : vector<16xi1>, vector<16xi32>
      %select_n3A_399 = arith.select %gt3A_392, %select_n3A_387, %select_n3A_398 : vector<16xi1>, vector<16xi32>
      %select_n3A_400 = arith.select %gt3A_392, %gather3A_391, %select_n3A_384 : vector<16xi1>, vector<16xf32>
      %jit3A_401 = arith.constant 24 : i32
      %broadcast_in_dim3A_402 = vector.broadcast %jit3A_401 : i32 to vector<16xi32>
      %select_n3A_403 = arith.select %gt3A_392, %broadcast_in_dim3A_402, %select_n3A_387 : vector<16xi1>, vector<16xi32>
      %add3A_404 = arith.constant 25 : i32
      %add3A_405 = vector.broadcast %add3A_404 : i32 to vector<16xi32>
      %add3A_406 = arith.addi %mul3A_17, %add3A_405 : vector<16xi32>
      %gather3A_407 = tpu.vector_load_idx %arg7[%add3A_406] : memref<32768xf32, #tpu.memory_space<vmem>>[vector<16xi32>], vector<16xf32>,
      %gt3A_408 = arith.cmpf ogt, %gather3A_407, %select_n3A_400 : vector<16xf32>
      %gt3A_409 = arith.cmpf ogt, %gather3A_407, %select_n3A_395 : vector<16xf32>
      %select_n3A_410 = arith.select %gt3A_409, %gather3A_407, %select_n3A_395 : vector<16xi1>, vector<16xf32>
      %select_n3A_411 = arith.select %gt3A_408, %select_n3A_400, %select_n3A_410 : vector<16xi1>, vector<16xf32>
      %jit3A_412 = arith.constant 25 : i32
      %broadcast_in_dim3A_413 = vector.broadcast %jit3A_412 : i32 to vector<16xi32>
      %select_n3A_414 = arith.select %gt3A_409, %broadcast_in_dim3A_413, %select_n3A_399 : vector<16xi1>, vector<16xi32>
      %select_n3A_415 = arith.select %gt3A_408, %select_n3A_403, %select_n3A_414 : vector<16xi1>, vector<16xi32>
      %select_n3A_416 = arith.select %gt3A_408, %gather3A_407, %select_n3A_400 : vector<16xi1>, vector<16xf32>
      %jit3A_417 = arith.constant 25 : i32
      %broadcast_in_dim3A_418 = vector.broadcast %jit3A_417 : i32 to vector<16xi32>
      %select_n3A_419 = arith.select %gt3A_408, %broadcast_in_dim3A_418, %select_n3A_403 : vector<16xi1>, vector<16xi32>
      %add3A_420 = arith.constant 26 : i32
      %add3A_421 = vector.broadcast %add3A_420 : i32 to vector<16xi32>
      %add3A_422 = arith.addi %mul3A_17, %add3A_421 : vector<16xi32>
      %gather3A_423 = tpu.vector_load_idx %arg7[%add3A_422] : memref<32768xf32, #tpu.memory_space<vmem>>[vector<16xi32>], vector<16xf32>,
      %gt3A_424 = arith.cmpf ogt, %gather3A_423, %select_n3A_416 : vector<16xf32>
      %gt3A_425 = arith.cmpf ogt, %gather3A_423, %select_n3A_411 : vector<16xf32>
      %select_n3A_426 = arith.select %gt3A_425, %gather3A_423, %select_n3A_411 : vector<16xi1>, vector<16xf32>
      %select_n3A_427 = arith.select %gt3A_424, %select_n3A_416, %select_n3A_426 : vector<16xi1>, vector<16xf32>
      %jit3A_428 = arith.constant 26 : i32
      %broadcast_in_dim3A_429 = vector.broadcast %jit3A_428 : i32 to vector<16xi32>
      %select_n3A_430 = arith.select %gt3A_425, %broadcast_in_dim3A_429, %select_n3A_415 : vector<16xi1>, vector<16xi32>
      %select_n3A_431 = arith.select %gt3A_424, %select_n3A_419, %select_n3A_430 : vector<16xi1>, vector<16xi32>
      %select_n3A_432 = arith.select %gt3A_424, %gather3A_423, %select_n3A_416 : vector<16xi1>, vector<16xf32>
      %jit3A_433 = arith.constant 26 : i32
      %broadcast_in_dim3A_434 = vector.broadcast %jit3A_433 : i32 to vector<16xi32>
      %select_n3A_435 = arith.select %gt3A_424, %broadcast_in_dim3A_434, %select_n3A_419 : vector<16xi1>, vector<16xi32>
      %add3A_436 = arith.constant 27 : i32
      %add3A_437 = vector.broadcast %add3A_436 : i32 to vector<16xi32>
      %add3A_438 = arith.addi %mul3A_17, %add3A_437 : vector<16xi32>
      %gather3A_439 = tpu.vector_load_idx %arg7[%add3A_438] : memref<32768xf32, #tpu.memory_space<vmem>>[vector<16xi32>], vector<16xf32>,
      %gt3A_440 = arith.cmpf ogt, %gather3A_439, %select_n3A_432 : vector<16xf32>
      %gt3A_441 = arith.cmpf ogt, %gather3A_439, %select_n3A_427 : vector<16xf32>
      %select_n3A_442 = arith.select %gt3A_441, %gather3A_439, %select_n3A_427 : vector<16xi1>, vector<16xf32>
      %select_n3A_443 = arith.select %gt3A_440, %select_n3A_432, %select_n3A_442 : vector<16xi1>, vector<16xf32>
      %jit3A_444 = arith.constant 27 : i32
      %broadcast_in_dim3A_445 = vector.broadcast %jit3A_444 : i32 to vector<16xi32>
      %select_n3A_446 = arith.select %gt3A_441, %broadcast_in_dim3A_445, %select_n3A_431 : vector<16xi1>, vector<16xi32>
      %select_n3A_447 = arith.select %gt3A_440, %select_n3A_435, %select_n3A_446 : vector<16xi1>, vector<16xi32>
      %select_n3A_448 = arith.select %gt3A_440, %gather3A_439, %select_n3A_432 : vector<16xi1>, vector<16xf32>
      %jit3A_449 = arith.constant 27 : i32
      %broadcast_in_dim3A_450 = vector.broadcast %jit3A_449 : i32 to vector<16xi32>
      %select_n3A_451 = arith.select %gt3A_440, %broadcast_in_dim3A_450, %select_n3A_435 : vector<16xi1>, vector<16xi32>
      %add3A_452 = arith.constant 28 : i32
      %add3A_453 = vector.broadcast %add3A_452 : i32 to vector<16xi32>
      %add3A_454 = arith.addi %mul3A_17, %add3A_453 : vector<16xi32>
      %gather3A_455 = tpu.vector_load_idx %arg7[%add3A_454] : memref<32768xf32, #tpu.memory_space<vmem>>[vector<16xi32>], vector<16xf32>,
      %gt3A_456 = arith.cmpf ogt, %gather3A_455, %select_n3A_448 : vector<16xf32>
      %gt3A_457 = arith.cmpf ogt, %gather3A_455, %select_n3A_443 : vector<16xf32>
      %select_n3A_458 = arith.select %gt3A_457, %gather3A_455, %select_n3A_443 : vector<16xi1>, vector<16xf32>
      %select_n3A_459 = arith.select %gt3A_456, %select_n3A_448, %select_n3A_458 : vector<16xi1>, vector<16xf32>
      %jit3A_460 = arith.constant 28 : i32
      %broadcast_in_dim3A_461 = vector.broadcast %jit3A_460 : i32 to vector<16xi32>
      %select_n3A_462 = arith.select %gt3A_457, %broadcast_in_dim3A_461, %select_n3A_447 : vector<16xi1>, vector<16xi32>
      %select_n3A_463 = arith.select %gt3A_456, %select_n3A_451, %select_n3A_462 : vector<16xi1>, vector<16xi32>
      %select_n3A_464 = arith.select %gt3A_456, %gather3A_455, %select_n3A_448 : vector<16xi1>, vector<16xf32>
      %jit3A_465 = arith.constant 28 : i32
      %broadcast_in_dim3A_466 = vector.broadcast %jit3A_465 : i32 to vector<16xi32>
      %select_n3A_467 = arith.select %gt3A_456, %broadcast_in_dim3A_466, %select_n3A_451 : vector<16xi1>, vector<16xi32>
      %add3A_468 = arith.constant 29 : i32
      %add3A_469 = vector.broadcast %add3A_468 : i32 to vector<16xi32>
      %add3A_470 = arith.addi %mul3A_17, %add3A_469 : vector<16xi32>
      %gather3A_471 = tpu.vector_load_idx %arg7[%add3A_470] : memref<32768xf32, #tpu.memory_space<vmem>>[vector<16xi32>], vector<16xf32>,
      %gt3A_472 = arith.cmpf ogt, %gather3A_471, %select_n3A_464 : vector<16xf32>
      %gt3A_473 = arith.cmpf ogt, %gather3A_471, %select_n3A_459 : vector<16xf32>
      %select_n3A_474 = arith.select %gt3A_473, %gather3A_471, %select_n3A_459 : vector<16xi1>, vector<16xf32>
      %select_n3A_475 = arith.select %gt3A_472, %select_n3A_464, %select_n3A_474 : vector<16xi1>, vector<16xf32>
      %jit3A_476 = arith.constant 29 : i32
      %broadcast_in_dim3A_477 = vector.broadcast %jit3A_476 : i32 to vector<16xi32>
      %select_n3A_478 = arith.select %gt3A_473, %broadcast_in_dim3A_477, %select_n3A_463 : vector<16xi1>, vector<16xi32>
      %select_n3A_479 = arith.select %gt3A_472, %select_n3A_467, %select_n3A_478 : vector<16xi1>, vector<16xi32>
      %select_n3A_480 = arith.select %gt3A_472, %gather3A_471, %select_n3A_464 : vector<16xi1>, vector<16xf32>
      %jit3A_481 = arith.constant 29 : i32
      %broadcast_in_dim3A_482 = vector.broadcast %jit3A_481 : i32 to vector<16xi32>
      %select_n3A_483 = arith.select %gt3A_472, %broadcast_in_dim3A_482, %select_n3A_467 : vector<16xi1>, vector<16xi32>
      %add3A_484 = arith.constant 30 : i32
      %add3A_485 = vector.broadcast %add3A_484 : i32 to vector<16xi32>
      %add3A_486 = arith.addi %mul3A_17, %add3A_485 : vector<16xi32>
      %gather3A_487 = tpu.vector_load_idx %arg7[%add3A_486] : memref<32768xf32, #tpu.memory_space<vmem>>[vector<16xi32>], vector<16xf32>,
      %gt3A_488 = arith.cmpf ogt, %gather3A_487, %select_n3A_480 : vector<16xf32>
      %gt3A_489 = arith.cmpf ogt, %gather3A_487, %select_n3A_475 : vector<16xf32>
      %select_n3A_490 = arith.select %gt3A_489, %gather3A_487, %select_n3A_475 : vector<16xi1>, vector<16xf32>
      %select_n3A_491 = arith.select %gt3A_488, %select_n3A_480, %select_n3A_490 : vector<16xi1>, vector<16xf32>
      %jit3A_492 = arith.constant 30 : i32
      %broadcast_in_dim3A_493 = vector.broadcast %jit3A_492 : i32 to vector<16xi32>
      %select_n3A_494 = arith.select %gt3A_489, %broadcast_in_dim3A_493, %select_n3A_479 : vector<16xi1>, vector<16xi32>
      %select_n3A_495 = arith.select %gt3A_488, %select_n3A_483, %select_n3A_494 : vector<16xi1>, vector<16xi32>
      %select_n3A_496 = arith.select %gt3A_488, %gather3A_487, %select_n3A_480 : vector<16xi1>, vector<16xf32>
      %jit3A_497 = arith.constant 30 : i32
      %broadcast_in_dim3A_498 = vector.broadcast %jit3A_497 : i32 to vector<16xi32>
      %select_n3A_499 = arith.select %gt3A_488, %broadcast_in_dim3A_498, %select_n3A_483 : vector<16xi1>, vector<16xi32>
      %add3A_500 = arith.constant 31 : i32
      %add3A_501 = vector.broadcast %add3A_500 : i32 to vector<16xi32>
      %add3A_502 = arith.addi %mul3A_17, %add3A_501 : vector<16xi32>
      %gather3A_503 = tpu.vector_load_idx %arg7[%add3A_502] : memref<32768xf32, #tpu.memory_space<vmem>>[vector<16xi32>], vector<16xf32>,
      %gt3A_504 = arith.cmpf ogt, %gather3A_503, %select_n3A_496 : vector<16xf32>
      %gt3A_505 = arith.cmpf ogt, %gather3A_503, %select_n3A_491 : vector<16xf32>
      %select_n3A_506 = arith.select %gt3A_505, %gather3A_503, %select_n3A_491 : vector<16xi1>, vector<16xf32>
      %select_n3A_507 = arith.select %gt3A_504, %select_n3A_496, %select_n3A_506 : vector<16xi1>, vector<16xf32>
      %jit3A_508 = arith.constant 31 : i32
      %broadcast_in_dim3A_509 = vector.broadcast %jit3A_508 : i32 to vector<16xi32>
      %select_n3A_510 = arith.select %gt3A_505, %broadcast_in_dim3A_509, %select_n3A_495 : vector<16xi1>, vector<16xi32>
      %select_n3A_511 = arith.select %gt3A_504, %select_n3A_499, %select_n3A_510 : vector<16xi1>, vector<16xi32>
      %select_n3A_512 = arith.select %gt3A_504, %gather3A_503, %select_n3A_496 : vector<16xi1>, vector<16xf32>
      %jit3A_513 = arith.constant 31 : i32
      %broadcast_in_dim3A_514 = vector.broadcast %jit3A_513 : i32 to vector<16xi32>
      %select_n3A_515 = arith.select %gt3A_504, %broadcast_in_dim3A_514, %select_n3A_499 : vector<16xi1>, vector<16xi32>
      %add3A_516 = arith.constant 32 : i32
      %add3A_517 = vector.broadcast %add3A_516 : i32 to vector<16xi32>
      %add3A_518 = arith.addi %mul3A_17, %add3A_517 : vector<16xi32>
      %gather3A_519 = tpu.vector_load_idx %arg7[%add3A_518] : memref<32768xf32, #tpu.memory_space<vmem>>[vector<16xi32>], vector<16xf32>,
      %gt3A_520 = arith.cmpf ogt, %gather3A_519, %select_n3A_512 : vector<16xf32>
      %gt3A_521 = arith.cmpf ogt, %gather3A_519, %select_n3A_507 : vector<16xf32>
      %select_n3A_522 = arith.select %gt3A_521, %gather3A_519, %select_n3A_507 : vector<16xi1>, vector<16xf32>
      %select_n3A_523 = arith.select %gt3A_520, %select_n3A_512, %select_n3A_522 : vector<16xi1>, vector<16xf32>
      %jit3A_524 = arith.constant 32 : i32
      %broadcast_in_dim3A_525 = vector.broadcast %jit3A_524 : i32 to vector<16xi32>
      %select_n3A_526 = arith.select %gt3A_521, %broadcast_in_dim3A_525, %select_n3A_511 : vector<16xi1>, vector<16xi32>
      %select_n3A_527 = arith.select %gt3A_520, %select_n3A_515, %select_n3A_526 : vector<16xi1>, vector<16xi32>
      %select_n3A_528 = arith.select %gt3A_520, %gather3A_519, %select_n3A_512 : vector<16xi1>, vector<16xf32>
      %jit3A_529 = arith.constant 32 : i32
      %broadcast_in_dim3A_530 = vector.broadcast %jit3A_529 : i32 to vector<16xi32>
      %select_n3A_531 = arith.select %gt3A_520, %broadcast_in_dim3A_530, %select_n3A_515 : vector<16xi1>, vector<16xi32>
      %add3A_532 = arith.constant 33 : i32
      %add3A_533 = vector.broadcast %add3A_532 : i32 to vector<16xi32>
      %add3A_534 = arith.addi %mul3A_17, %add3A_533 : vector<16xi32>
      %gather3A_535 = tpu.vector_load_idx %arg7[%add3A_534] : memref<32768xf32, #tpu.memory_space<vmem>>[vector<16xi32>], vector<16xf32>,
      %gt3A_536 = arith.cmpf ogt, %gather3A_535, %select_n3A_528 : vector<16xf32>
      %gt3A_537 = arith.cmpf ogt, %gather3A_535, %select_n3A_523 : vector<16xf32>
      %select_n3A_538 = arith.select %gt3A_537, %gather3A_535, %select_n3A_523 : vector<16xi1>, vector<16xf32>
      %select_n3A_539 = arith.select %gt3A_536, %select_n3A_528, %select_n3A_538 : vector<16xi1>, vector<16xf32>
      %jit3A_540 = arith.constant 33 : i32
      %broadcast_in_dim3A_541 = vector.broadcast %jit3A_540 : i32 to vector<16xi32>
      %select_n3A_542 = arith.select %gt3A_537, %broadcast_in_dim3A_541, %select_n3A_527 : vector<16xi1>, vector<16xi32>
      %select_n3A_543 = arith.select %gt3A_536, %select_n3A_531, %select_n3A_542 : vector<16xi1>, vector<16xi32>
      %select_n3A_544 = arith.select %gt3A_536, %gather3A_535, %select_n3A_528 : vector<16xi1>, vector<16xf32>
      %jit3A_545 = arith.constant 33 : i32
      %broadcast_in_dim3A_546 = vector.broadcast %jit3A_545 : i32 to vector<16xi32>
      %select_n3A_547 = arith.select %gt3A_536, %broadcast_in_dim3A_546, %select_n3A_531 : vector<16xi1>, vector<16xi32>
      %add3A_548 = arith.constant 34 : i32
      %add3A_549 = vector.broadcast %add3A_548 : i32 to vector<16xi32>
      %add3A_550 = arith.addi %mul3A_17, %add3A_549 : vector<16xi32>
      %gather3A_551 = tpu.vector_load_idx %arg7[%add3A_550] : memref<32768xf32, #tpu.memory_space<vmem>>[vector<16xi32>], vector<16xf32>,
      %gt3A_552 = arith.cmpf ogt, %gather3A_551, %select_n3A_544 : vector<16xf32>
      %gt3A_553 = arith.cmpf ogt, %gather3A_551, %select_n3A_539 : vector<16xf32>
      %select_n3A_554 = arith.select %gt3A_553, %gather3A_551, %select_n3A_539 : vector<16xi1>, vector<16xf32>
      %select_n3A_555 = arith.select %gt3A_552, %select_n3A_544, %select_n3A_554 : vector<16xi1>, vector<16xf32>
      %jit3A_556 = arith.constant 34 : i32
      %broadcast_in_dim3A_557 = vector.broadcast %jit3A_556 : i32 to vector<16xi32>
      %select_n3A_558 = arith.select %gt3A_553, %broadcast_in_dim3A_557, %select_n3A_543 : vector<16xi1>, vector<16xi32>
      %select_n3A_559 = arith.select %gt3A_552, %select_n3A_547, %select_n3A_558 : vector<16xi1>, vector<16xi32>
      %select_n3A_560 = arith.select %gt3A_552, %gather3A_551, %select_n3A_544 : vector<16xi1>, vector<16xf32>
      %jit3A_561 = arith.constant 34 : i32
      %broadcast_in_dim3A_562 = vector.broadcast %jit3A_561 : i32 to vector<16xi32>
      %select_n3A_563 = arith.select %gt3A_552, %broadcast_in_dim3A_562, %select_n3A_547 : vector<16xi1>, vector<16xi32>
      %add3A_564 = arith.constant 35 : i32
      %add3A_565 = vector.broadcast %add3A_564 : i32 to vector<16xi32>
      %add3A_566 = arith.addi %mul3A_17, %add3A_565 : vector<16xi32>
      %gather3A_567 = tpu.vector_load_idx %arg7[%add3A_566] : memref<32768xf32, #tpu.memory_space<vmem>>[vector<16xi32>], vector<16xf32>,
      %gt3A_568 = arith.cmpf ogt, %gather3A_567, %select_n3A_560 : vector<16xf32>
      %gt3A_569 = arith.cmpf ogt, %gather3A_567, %select_n3A_555 : vector<16xf32>
      %select_n3A_570 = arith.select %gt3A_569, %gather3A_567, %select_n3A_555 : vector<16xi1>, vector<16xf32>
      %select_n3A_571 = arith.select %gt3A_568, %select_n3A_560, %select_n3A_570 : vector<16xi1>, vector<16xf32>
      %jit3A_572 = arith.constant 35 : i32
      %broadcast_in_dim3A_573 = vector.broadcast %jit3A_572 : i32 to vector<16xi32>
      %select_n3A_574 = arith.select %gt3A_569, %broadcast_in_dim3A_573, %select_n3A_559 : vector<16xi1>, vector<16xi32>
      %select_n3A_575 = arith.select %gt3A_568, %select_n3A_563, %select_n3A_574 : vector<16xi1>, vector<16xi32>
      %select_n3A_576 = arith.select %gt3A_568, %gather3A_567, %select_n3A_560 : vector<16xi1>, vector<16xf32>
      %jit3A_577 = arith.constant 35 : i32
      %broadcast_in_dim3A_578 = vector.broadcast %jit3A_577 : i32 to vector<16xi32>
      %select_n3A_579 = arith.select %gt3A_568, %broadcast_in_dim3A_578, %select_n3A_563 : vector<16xi1>, vector<16xi32>
      %add3A_580 = arith.constant 36 : i32
      %add3A_581 = vector.broadcast %add3A_580 : i32 to vector<16xi32>
      %add3A_582 = arith.addi %mul3A_17, %add3A_581 : vector<16xi32>
      %gather3A_583 = tpu.vector_load_idx %arg7[%add3A_582] : memref<32768xf32, #tpu.memory_space<vmem>>[vector<16xi32>], vector<16xf32>,
      %gt3A_584 = arith.cmpf ogt, %gather3A_583, %select_n3A_576 : vector<16xf32>
      %gt3A_585 = arith.cmpf ogt, %gather3A_583, %select_n3A_571 : vector<16xf32>
      %select_n3A_586 = arith.select %gt3A_585, %gather3A_583, %select_n3A_571 : vector<16xi1>, vector<16xf32>
      %select_n3A_587 = arith.select %gt3A_584, %select_n3A_576, %select_n3A_586 : vector<16xi1>, vector<16xf32>
      %jit3A_588 = arith.constant 36 : i32
      %broadcast_in_dim3A_589 = vector.broadcast %jit3A_588 : i32 to vector<16xi32>
      %select_n3A_590 = arith.select %gt3A_585, %broadcast_in_dim3A_589, %select_n3A_575 : vector<16xi1>, vector<16xi32>
      %select_n3A_591 = arith.select %gt3A_584, %select_n3A_579, %select_n3A_590 : vector<16xi1>, vector<16xi32>
      %select_n3A_592 = arith.select %gt3A_584, %gather3A_583, %select_n3A_576 : vector<16xi1>, vector<16xf32>
      %jit3A_593 = arith.constant 36 : i32
      %broadcast_in_dim3A_594 = vector.broadcast %jit3A_593 : i32 to vector<16xi32>
      %select_n3A_595 = arith.select %gt3A_584, %broadcast_in_dim3A_594, %select_n3A_579 : vector<16xi1>, vector<16xi32>
      %add3A_596 = arith.constant 37 : i32
      %add3A_597 = vector.broadcast %add3A_596 : i32 to vector<16xi32>
      %add3A_598 = arith.addi %mul3A_17, %add3A_597 : vector<16xi32>
      %gather3A_599 = tpu.vector_load_idx %arg7[%add3A_598] : memref<32768xf32, #tpu.memory_space<vmem>>[vector<16xi32>], vector<16xf32>,
      %gt3A_600 = arith.cmpf ogt, %gather3A_599, %select_n3A_592 : vector<16xf32>
      %gt3A_601 = arith.cmpf ogt, %gather3A_599, %select_n3A_587 : vector<16xf32>
      %select_n3A_602 = arith.select %gt3A_601, %gather3A_599, %select_n3A_587 : vector<16xi1>, vector<16xf32>
      %select_n3A_603 = arith.select %gt3A_600, %select_n3A_592, %select_n3A_602 : vector<16xi1>, vector<16xf32>
      %jit3A_604 = arith.constant 37 : i32
      %broadcast_in_dim3A_605 = vector.broadcast %jit3A_604 : i32 to vector<16xi32>
      %select_n3A_606 = arith.select %gt3A_601, %broadcast_in_dim3A_605, %select_n3A_591 : vector<16xi1>, vector<16xi32>
      %select_n3A_607 = arith.select %gt3A_600, %select_n3A_595, %select_n3A_606 : vector<16xi1>, vector<16xi32>
      %select_n3A_608 = arith.select %gt3A_600, %gather3A_599, %select_n3A_592 : vector<16xi1>, vector<16xf32>
      %jit3A_609 = arith.constant 37 : i32
      %broadcast_in_dim3A_610 = vector.broadcast %jit3A_609 : i32 to vector<16xi32>
      %select_n3A_611 = arith.select %gt3A_600, %broadcast_in_dim3A_610, %select_n3A_595 : vector<16xi1>, vector<16xi32>
      %add3A_612 = arith.constant 38 : i32
      %add3A_613 = vector.broadcast %add3A_612 : i32 to vector<16xi32>
      %add3A_614 = arith.addi %mul3A_17, %add3A_613 : vector<16xi32>
      %gather3A_615 = tpu.vector_load_idx %arg7[%add3A_614] : memref<32768xf32, #tpu.memory_space<vmem>>[vector<16xi32>], vector<16xf32>,
      %gt3A_616 = arith.cmpf ogt, %gather3A_615, %select_n3A_608 : vector<16xf32>
      %gt3A_617 = arith.cmpf ogt, %gather3A_615, %select_n3A_603 : vector<16xf32>
      %select_n3A_618 = arith.select %gt3A_617, %gather3A_615, %select_n3A_603 : vector<16xi1>, vector<16xf32>
      %select_n3A_619 = arith.select %gt3A_616, %select_n3A_608, %select_n3A_618 : vector<16xi1>, vector<16xf32>
      %jit3A_620 = arith.constant 38 : i32
      %broadcast_in_dim3A_621 = vector.broadcast %jit3A_620 : i32 to vector<16xi32>
      %select_n3A_622 = arith.select %gt3A_617, %broadcast_in_dim3A_621, %select_n3A_607 : vector<16xi1>, vector<16xi32>
      %select_n3A_623 = arith.select %gt3A_616, %select_n3A_611, %select_n3A_622 : vector<16xi1>, vector<16xi32>
      %select_n3A_624 = arith.select %gt3A_616, %gather3A_615, %select_n3A_608 : vector<16xi1>, vector<16xf32>
      %jit3A_625 = arith.constant 38 : i32
      %broadcast_in_dim3A_626 = vector.broadcast %jit3A_625 : i32 to vector<16xi32>
      %select_n3A_627 = arith.select %gt3A_616, %broadcast_in_dim3A_626, %select_n3A_611 : vector<16xi1>, vector<16xi32>
      %add3A_628 = arith.constant 39 : i32
      %add3A_629 = vector.broadcast %add3A_628 : i32 to vector<16xi32>
      %add3A_630 = arith.addi %mul3A_17, %add3A_629 : vector<16xi32>
      %gather3A_631 = tpu.vector_load_idx %arg7[%add3A_630] : memref<32768xf32, #tpu.memory_space<vmem>>[vector<16xi32>], vector<16xf32>,
      %gt3A_632 = arith.cmpf ogt, %gather3A_631, %select_n3A_624 : vector<16xf32>
      %gt3A_633 = arith.cmpf ogt, %gather3A_631, %select_n3A_619 : vector<16xf32>
      %select_n3A_634 = arith.select %gt3A_633, %gather3A_631, %select_n3A_619 : vector<16xi1>, vector<16xf32>
      %select_n3A_635 = arith.select %gt3A_632, %select_n3A_624, %select_n3A_634 : vector<16xi1>, vector<16xf32>
      %jit3A_636 = arith.constant 39 : i32
      %broadcast_in_dim3A_637 = vector.broadcast %jit3A_636 : i32 to vector<16xi32>
      %select_n3A_638 = arith.select %gt3A_633, %broadcast_in_dim3A_637, %select_n3A_623 : vector<16xi1>, vector<16xi32>
      %select_n3A_639 = arith.select %gt3A_632, %select_n3A_627, %select_n3A_638 : vector<16xi1>, vector<16xi32>
      %select_n3A_640 = arith.select %gt3A_632, %gather3A_631, %select_n3A_624 : vector<16xi1>, vector<16xf32>
      %jit3A_641 = arith.constant 39 : i32
      %broadcast_in_dim3A_642 = vector.broadcast %jit3A_641 : i32 to vector<16xi32>
      %select_n3A_643 = arith.select %gt3A_632, %broadcast_in_dim3A_642, %select_n3A_627 : vector<16xi1>, vector<16xi32>
      %add3A_644 = arith.constant 40 : i32
      %add3A_645 = vector.broadcast %add3A_644 : i32 to vector<16xi32>
      %add3A_646 = arith.addi %mul3A_17, %add3A_645 : vector<16xi32>
      %gather3A_647 = tpu.vector_load_idx %arg7[%add3A_646] : memref<32768xf32, #tpu.memory_space<vmem>>[vector<16xi32>], vector<16xf32>,
      %gt3A_648 = arith.cmpf ogt, %gather3A_647, %select_n3A_640 : vector<16xf32>
      %gt3A_649 = arith.cmpf ogt, %gather3A_647, %select_n3A_635 : vector<16xf32>
      %select_n3A_650 = arith.select %gt3A_649, %gather3A_647, %select_n3A_635 : vector<16xi1>, vector<16xf32>
      %select_n3A_651 = arith.select %gt3A_648, %select_n3A_640, %select_n3A_650 : vector<16xi1>, vector<16xf32>
      %jit3A_652 = arith.constant 40 : i32
      %broadcast_in_dim3A_653 = vector.broadcast %jit3A_652 : i32 to vector<16xi32>
      %select_n3A_654 = arith.select %gt3A_649, %broadcast_in_dim3A_653, %select_n3A_639 : vector<16xi1>, vector<16xi32>
      %select_n3A_655 = arith.select %gt3A_648, %select_n3A_643, %select_n3A_654 : vector<16xi1>, vector<16xi32>
      %select_n3A_656 = arith.select %gt3A_648, %gather3A_647, %select_n3A_640 : vector<16xi1>, vector<16xf32>
      %jit3A_657 = arith.constant 40 : i32
      %broadcast_in_dim3A_658 = vector.broadcast %jit3A_657 : i32 to vector<16xi32>
      %select_n3A_659 = arith.select %gt3A_648, %broadcast_in_dim3A_658, %select_n3A_643 : vector<16xi1>, vector<16xi32>
      %add3A_660 = arith.constant 41 : i32
      %add3A_661 = vector.broadcast %add3A_660 : i32 to vector<16xi32>
      %add3A_662 = arith.addi %mul3A_17, %add3A_661 : vector<16xi32>
      %gather3A_663 = tpu.vector_load_idx %arg7[%add3A_662] : memref<32768xf32, #tpu.memory_space<vmem>>[vector<16xi32>], vector<16xf32>,
      %gt3A_664 = arith.cmpf ogt, %gather3A_663, %select_n3A_656 : vector<16xf32>
      %gt3A_665 = arith.cmpf ogt, %gather3A_663, %select_n3A_651 : vector<16xf32>
      %select_n3A_666 = arith.select %gt3A_665, %gather3A_663, %select_n3A_651 : vector<16xi1>, vector<16xf32>
      %select_n3A_667 = arith.select %gt3A_664, %select_n3A_656, %select_n3A_666 : vector<16xi1>, vector<16xf32>
      %jit3A_668 = arith.constant 41 : i32
      %broadcast_in_dim3A_669 = vector.broadcast %jit3A_668 : i32 to vector<16xi32>
      %select_n3A_670 = arith.select %gt3A_665, %broadcast_in_dim3A_669, %select_n3A_655 : vector<16xi1>, vector<16xi32>
      %select_n3A_671 = arith.select %gt3A_664, %select_n3A_659, %select_n3A_670 : vector<16xi1>, vector<16xi32>
      %select_n3A_672 = arith.select %gt3A_664, %gather3A_663, %select_n3A_656 : vector<16xi1>, vector<16xf32>
      %jit3A_673 = arith.constant 41 : i32
      %broadcast_in_dim3A_674 = vector.broadcast %jit3A_673 : i32 to vector<16xi32>
      %select_n3A_675 = arith.select %gt3A_664, %broadcast_in_dim3A_674, %select_n3A_659 : vector<16xi1>, vector<16xi32>
      %add3A_676 = arith.constant 42 : i32
      %add3A_677 = vector.broadcast %add3A_676 : i32 to vector<16xi32>
      %add3A_678 = arith.addi %mul3A_17, %add3A_677 : vector<16xi32>
      %gather3A_679 = tpu.vector_load_idx %arg7[%add3A_678] : memref<32768xf32, #tpu.memory_space<vmem>>[vector<16xi32>], vector<16xf32>,
      %gt3A_680 = arith.cmpf ogt, %gather3A_679, %select_n3A_672 : vector<16xf32>
      %gt3A_681 = arith.cmpf ogt, %gather3A_679, %select_n3A_667 : vector<16xf32>
      %select_n3A_682 = arith.select %gt3A_681, %gather3A_679, %select_n3A_667 : vector<16xi1>, vector<16xf32>
      %select_n3A_683 = arith.select %gt3A_680, %select_n3A_672, %select_n3A_682 : vector<16xi1>, vector<16xf32>
      %jit3A_684 = arith.constant 42 : i32
      %broadcast_in_dim3A_685 = vector.broadcast %jit3A_684 : i32 to vector<16xi32>
      %select_n3A_686 = arith.select %gt3A_681, %broadcast_in_dim3A_685, %select_n3A_671 : vector<16xi1>, vector<16xi32>
      %select_n3A_687 = arith.select %gt3A_680, %select_n3A_675, %select_n3A_686 : vector<16xi1>, vector<16xi32>
      %select_n3A_688 = arith.select %gt3A_680, %gather3A_679, %select_n3A_672 : vector<16xi1>, vector<16xf32>
      %jit3A_689 = arith.constant 42 : i32
      %broadcast_in_dim3A_690 = vector.broadcast %jit3A_689 : i32 to vector<16xi32>
      %select_n3A_691 = arith.select %gt3A_680, %broadcast_in_dim3A_690, %select_n3A_675 : vector<16xi1>, vector<16xi32>
      %add3A_692 = arith.constant 43 : i32
      %add3A_693 = vector.broadcast %add3A_692 : i32 to vector<16xi32>
      %add3A_694 = arith.addi %mul3A_17, %add3A_693 : vector<16xi32>
      %gather3A_695 = tpu.vector_load_idx %arg7[%add3A_694] : memref<32768xf32, #tpu.memory_space<vmem>>[vector<16xi32>], vector<16xf32>,
      %gt3A_696 = arith.cmpf ogt, %gather3A_695, %select_n3A_688 : vector<16xf32>
      %gt3A_697 = arith.cmpf ogt, %gather3A_695, %select_n3A_683 : vector<16xf32>
      %select_n3A_698 = arith.select %gt3A_697, %gather3A_695, %select_n3A_683 : vector<16xi1>, vector<16xf32>
      %select_n3A_699 = arith.select %gt3A_696, %select_n3A_688, %select_n3A_698 : vector<16xi1>, vector<16xf32>
      %jit3A_700 = arith.constant 43 : i32
      %broadcast_in_dim3A_701 = vector.broadcast %jit3A_700 : i32 to vector<16xi32>
      %select_n3A_702 = arith.select %gt3A_697, %broadcast_in_dim3A_701, %select_n3A_687 : vector<16xi1>, vector<16xi32>
      %select_n3A_703 = arith.select %gt3A_696, %select_n3A_691, %select_n3A_702 : vector<16xi1>, vector<16xi32>
      %select_n3A_704 = arith.select %gt3A_696, %gather3A_695, %select_n3A_688 : vector<16xi1>, vector<16xf32>
      %jit3A_705 = arith.constant 43 : i32
      %broadcast_in_dim3A_706 = vector.broadcast %jit3A_705 : i32 to vector<16xi32>
      %select_n3A_707 = arith.select %gt3A_696, %broadcast_in_dim3A_706, %select_n3A_691 : vector<16xi1>, vector<16xi32>
      %add3A_708 = arith.constant 44 : i32
      %add3A_709 = vector.broadcast %add3A_708 : i32 to vector<16xi32>
      %add3A_710 = arith.addi %mul3A_17, %add3A_709 : vector<16xi32>
      %gather3A_711 = tpu.vector_load_idx %arg7[%add3A_710] : memref<32768xf32, #tpu.memory_space<vmem>>[vector<16xi32>], vector<16xf32>,
      %gt3A_712 = arith.cmpf ogt, %gather3A_711, %select_n3A_704 : vector<16xf32>
      %gt3A_713 = arith.cmpf ogt, %gather3A_711, %select_n3A_699 : vector<16xf32>
      %select_n3A_714 = arith.select %gt3A_713, %gather3A_711, %select_n3A_699 : vector<16xi1>, vector<16xf32>
      %select_n3A_715 = arith.select %gt3A_712, %select_n3A_704, %select_n3A_714 : vector<16xi1>, vector<16xf32>
      %jit3A_716 = arith.constant 44 : i32
      %broadcast_in_dim3A_717 = vector.broadcast %jit3A_716 : i32 to vector<16xi32>
      %select_n3A_718 = arith.select %gt3A_713, %broadcast_in_dim3A_717, %select_n3A_703 : vector<16xi1>, vector<16xi32>
      %select_n3A_719 = arith.select %gt3A_712, %select_n3A_707, %select_n3A_718 : vector<16xi1>, vector<16xi32>
      %select_n3A_720 = arith.select %gt3A_712, %gather3A_711, %select_n3A_704 : vector<16xi1>, vector<16xf32>
      %jit3A_721 = arith.constant 44 : i32
      %broadcast_in_dim3A_722 = vector.broadcast %jit3A_721 : i32 to vector<16xi32>
      %select_n3A_723 = arith.select %gt3A_712, %broadcast_in_dim3A_722, %select_n3A_707 : vector<16xi1>, vector<16xi32>
      %add3A_724 = arith.constant 45 : i32
      %add3A_725 = vector.broadcast %add3A_724 : i32 to vector<16xi32>
      %add3A_726 = arith.addi %mul3A_17, %add3A_725 : vector<16xi32>
      %gather3A_727 = tpu.vector_load_idx %arg7[%add3A_726] : memref<32768xf32, #tpu.memory_space<vmem>>[vector<16xi32>], vector<16xf32>,
      %gt3A_728 = arith.cmpf ogt, %gather3A_727, %select_n3A_720 : vector<16xf32>
      %gt3A_729 = arith.cmpf ogt, %gather3A_727, %select_n3A_715 : vector<16xf32>
      %select_n3A_730 = arith.select %gt3A_729, %gather3A_727, %select_n3A_715 : vector<16xi1>, vector<16xf32>
      %select_n3A_731 = arith.select %gt3A_728, %select_n3A_720, %select_n3A_730 : vector<16xi1>, vector<16xf32>
      %jit3A_732 = arith.constant 45 : i32
      %broadcast_in_dim3A_733 = vector.broadcast %jit3A_732 : i32 to vector<16xi32>
      %select_n3A_734 = arith.select %gt3A_729, %broadcast_in_dim3A_733, %select_n3A_719 : vector<16xi1>, vector<16xi32>
      %select_n3A_735 = arith.select %gt3A_728, %select_n3A_723, %select_n3A_734 : vector<16xi1>, vector<16xi32>
      %select_n3A_736 = arith.select %gt3A_728, %gather3A_727, %select_n3A_720 : vector<16xi1>, vector<16xf32>
      %jit3A_737 = arith.constant 45 : i32
      %broadcast_in_dim3A_738 = vector.broadcast %jit3A_737 : i32 to vector<16xi32>
      %select_n3A_739 = arith.select %gt3A_728, %broadcast_in_dim3A_738, %select_n3A_723 : vector<16xi1>, vector<16xi32>
      %add3A_740 = arith.constant 46 : i32
      %add3A_741 = vector.broadcast %add3A_740 : i32 to vector<16xi32>
      %add3A_742 = arith.addi %mul3A_17, %add3A_741 : vector<16xi32>
      %gather3A_743 = tpu.vector_load_idx %arg7[%add3A_742] : memref<32768xf32, #tpu.memory_space<vmem>>[vector<16xi32>], vector<16xf32>,
      %gt3A_744 = arith.cmpf ogt, %gather3A_743, %select_n3A_736 : vector<16xf32>
      %gt3A_745 = arith.cmpf ogt, %gather3A_743, %select_n3A_731 : vector<16xf32>
      %select_n3A_746 = arith.select %gt3A_745, %gather3A_743, %select_n3A_731 : vector<16xi1>, vector<16xf32>
      %select_n3A_747 = arith.select %gt3A_744, %select_n3A_736, %select_n3A_746 : vector<16xi1>, vector<16xf32>
      %jit3A_748 = arith.constant 46 : i32
      %broadcast_in_dim3A_749 = vector.broadcast %jit3A_748 : i32 to vector<16xi32>
      %select_n3A_750 = arith.select %gt3A_745, %broadcast_in_dim3A_749, %select_n3A_735 : vector<16xi1>, vector<16xi32>
      %select_n3A_751 = arith.select %gt3A_744, %select_n3A_739, %select_n3A_750 : vector<16xi1>, vector<16xi32>
      %select_n3A_752 = arith.select %gt3A_744, %gather3A_743, %select_n3A_736 : vector<16xi1>, vector<16xf32>
      %jit3A_753 = arith.constant 46 : i32
      %broadcast_in_dim3A_754 = vector.broadcast %jit3A_753 : i32 to vector<16xi32>
      %select_n3A_755 = arith.select %gt3A_744, %broadcast_in_dim3A_754, %select_n3A_739 : vector<16xi1>, vector<16xi32>
      %add3A_756 = arith.constant 47 : i32
      %add3A_757 = vector.broadcast %add3A_756 : i32 to vector<16xi32>
      %add3A_758 = arith.addi %mul3A_17, %add3A_757 : vector<16xi32>
      %gather3A_759 = tpu.vector_load_idx %arg7[%add3A_758] : memref<32768xf32, #tpu.memory_space<vmem>>[vector<16xi32>], vector<16xf32>,
      %gt3A_760 = arith.cmpf ogt, %gather3A_759, %select_n3A_752 : vector<16xf32>
      %gt3A_761 = arith.cmpf ogt, %gather3A_759, %select_n3A_747 : vector<16xf32>
      %select_n3A_762 = arith.select %gt3A_761, %gather3A_759, %select_n3A_747 : vector<16xi1>, vector<16xf32>
      %select_n3A_763 = arith.select %gt3A_760, %select_n3A_752, %select_n3A_762 : vector<16xi1>, vector<16xf32>
      %jit3A_764 = arith.constant 47 : i32
      %broadcast_in_dim3A_765 = vector.broadcast %jit3A_764 : i32 to vector<16xi32>
      %select_n3A_766 = arith.select %gt3A_761, %broadcast_in_dim3A_765, %select_n3A_751 : vector<16xi1>, vector<16xi32>
      %select_n3A_767 = arith.select %gt3A_760, %select_n3A_755, %select_n3A_766 : vector<16xi1>, vector<16xi32>
      %select_n3A_768 = arith.select %gt3A_760, %gather3A_759, %select_n3A_752 : vector<16xi1>, vector<16xf32>
      %jit3A_769 = arith.constant 47 : i32
      %broadcast_in_dim3A_770 = vector.broadcast %jit3A_769 : i32 to vector<16xi32>
      %select_n3A_771 = arith.select %gt3A_760, %broadcast_in_dim3A_770, %select_n3A_755 : vector<16xi1>, vector<16xi32>
      %add3A_772 = arith.constant 48 : i32
      %add3A_773 = vector.broadcast %add3A_772 : i32 to vector<16xi32>
      %add3A_774 = arith.addi %mul3A_17, %add3A_773 : vector<16xi32>
      %gather3A_775 = tpu.vector_load_idx %arg7[%add3A_774] : memref<32768xf32, #tpu.memory_space<vmem>>[vector<16xi32>], vector<16xf32>,
      %gt3A_776 = arith.cmpf ogt, %gather3A_775, %select_n3A_768 : vector<16xf32>
      %gt3A_777 = arith.cmpf ogt, %gather3A_775, %select_n3A_763 : vector<16xf32>
      %select_n3A_778 = arith.select %gt3A_777, %gather3A_775, %select_n3A_763 : vector<16xi1>, vector<16xf32>
      %select_n3A_779 = arith.select %gt3A_776, %select_n3A_768, %select_n3A_778 : vector<16xi1>, vector<16xf32>
      %jit3A_780 = arith.constant 48 : i32
      %broadcast_in_dim3A_781 = vector.broadcast %jit3A_780 : i32 to vector<16xi32>
      %select_n3A_782 = arith.select %gt3A_777, %broadcast_in_dim3A_781, %select_n3A_767 : vector<16xi1>, vector<16xi32>
      %select_n3A_783 = arith.select %gt3A_776, %select_n3A_771, %select_n3A_782 : vector<16xi1>, vector<16xi32>
      %select_n3A_784 = arith.select %gt3A_776, %gather3A_775, %select_n3A_768 : vector<16xi1>, vector<16xf32>
      %jit3A_785 = arith.constant 48 : i32
      %broadcast_in_dim3A_786 = vector.broadcast %jit3A_785 : i32 to vector<16xi32>
      %select_n3A_787 = arith.select %gt3A_776, %broadcast_in_dim3A_786, %select_n3A_771 : vector<16xi1>, vector<16xi32>
      %add3A_788 = arith.constant 49 : i32
      %add3A_789 = vector.broadcast %add3A_788 : i32 to vector<16xi32>
      %add3A_790 = arith.addi %mul3A_17, %add3A_789 : vector<16xi32>
      %gather3A_791 = tpu.vector_load_idx %arg7[%add3A_790] : memref<32768xf32, #tpu.memory_space<vmem>>[vector<16xi32>], vector<16xf32>,
      %gt3A_792 = arith.cmpf ogt, %gather3A_791, %select_n3A_784 : vector<16xf32>
      %gt3A_793 = arith.cmpf ogt, %gather3A_791, %select_n3A_779 : vector<16xf32>
      %select_n3A_794 = arith.select %gt3A_793, %gather3A_791, %select_n3A_779 : vector<16xi1>, vector<16xf32>
      %select_n3A_795 = arith.select %gt3A_792, %select_n3A_784, %select_n3A_794 : vector<16xi1>, vector<16xf32>
      %jit3A_796 = arith.constant 49 : i32
      %broadcast_in_dim3A_797 = vector.broadcast %jit3A_796 : i32 to vector<16xi32>
      %select_n3A_798 = arith.select %gt3A_793, %broadcast_in_dim3A_797, %select_n3A_783 : vector<16xi1>, vector<16xi32>
      %select_n3A_799 = arith.select %gt3A_792, %select_n3A_787, %select_n3A_798 : vector<16xi1>, vector<16xi32>
      %select_n3A_800 = arith.select %gt3A_792, %gather3A_791, %select_n3A_784 : vector<16xi1>, vector<16xf32>
      %jit3A_801 = arith.constant 49 : i32
      %broadcast_in_dim3A_802 = vector.broadcast %jit3A_801 : i32 to vector<16xi32>
      %select_n3A_803 = arith.select %gt3A_792, %broadcast_in_dim3A_802, %select_n3A_787 : vector<16xi1>, vector<16xi32>
      %add3A_804 = arith.constant 50 : i32
      %add3A_805 = vector.broadcast %add3A_804 : i32 to vector<16xi32>
      %add3A_806 = arith.addi %mul3A_17, %add3A_805 : vector<16xi32>
      %gather3A_807 = tpu.vector_load_idx %arg7[%add3A_806] : memref<32768xf32, #tpu.memory_space<vmem>>[vector<16xi32>], vector<16xf32>,
      %gt3A_808 = arith.cmpf ogt, %gather3A_807, %select_n3A_800 : vector<16xf32>
      %gt3A_809 = arith.cmpf ogt, %gather3A_807, %select_n3A_795 : vector<16xf32>
      %select_n3A_810 = arith.select %gt3A_809, %gather3A_807, %select_n3A_795 : vector<16xi1>, vector<16xf32>
      %select_n3A_811 = arith.select %gt3A_808, %select_n3A_800, %select_n3A_810 : vector<16xi1>, vector<16xf32>
      %jit3A_812 = arith.constant 50 : i32
      %broadcast_in_dim3A_813 = vector.broadcast %jit3A_812 : i32 to vector<16xi32>
      %select_n3A_814 = arith.select %gt3A_809, %broadcast_in_dim3A_813, %select_n3A_799 : vector<16xi1>, vector<16xi32>
      %select_n3A_815 = arith.select %gt3A_808, %select_n3A_803, %select_n3A_814 : vector<16xi1>, vector<16xi32>
      %select_n3A_816 = arith.select %gt3A_808, %gather3A_807, %select_n3A_800 : vector<16xi1>, vector<16xf32>
      %jit3A_817 = arith.constant 50 : i32
      %broadcast_in_dim3A_818 = vector.broadcast %jit3A_817 : i32 to vector<16xi32>
      %select_n3A_819 = arith.select %gt3A_808, %broadcast_in_dim3A_818, %select_n3A_803 : vector<16xi1>, vector<16xi32>
      %add3A_820 = arith.constant 51 : i32
      %add3A_821 = vector.broadcast %add3A_820 : i32 to vector<16xi32>
      %add3A_822 = arith.addi %mul3A_17, %add3A_821 : vector<16xi32>
      %gather3A_823 = tpu.vector_load_idx %arg7[%add3A_822] : memref<32768xf32, #tpu.memory_space<vmem>>[vector<16xi32>], vector<16xf32>,
      %gt3A_824 = arith.cmpf ogt, %gather3A_823, %select_n3A_816 : vector<16xf32>
      %gt3A_825 = arith.cmpf ogt, %gather3A_823, %select_n3A_811 : vector<16xf32>
      %select_n3A_826 = arith.select %gt3A_825, %gather3A_823, %select_n3A_811 : vector<16xi1>, vector<16xf32>
      %select_n3A_827 = arith.select %gt3A_824, %select_n3A_816, %select_n3A_826 : vector<16xi1>, vector<16xf32>
      %jit3A_828 = arith.constant 51 : i32
      %broadcast_in_dim3A_829 = vector.broadcast %jit3A_828 : i32 to vector<16xi32>
      %select_n3A_830 = arith.select %gt3A_825, %broadcast_in_dim3A_829, %select_n3A_815 : vector<16xi1>, vector<16xi32>
      %select_n3A_831 = arith.select %gt3A_824, %select_n3A_819, %select_n3A_830 : vector<16xi1>, vector<16xi32>
      %select_n3A_832 = arith.select %gt3A_824, %gather3A_823, %select_n3A_816 : vector<16xi1>, vector<16xf32>
      %jit3A_833 = arith.constant 51 : i32
      %broadcast_in_dim3A_834 = vector.broadcast %jit3A_833 : i32 to vector<16xi32>
      %select_n3A_835 = arith.select %gt3A_824, %broadcast_in_dim3A_834, %select_n3A_819 : vector<16xi1>, vector<16xi32>
      %add3A_836 = arith.constant 52 : i32
      %add3A_837 = vector.broadcast %add3A_836 : i32 to vector<16xi32>
      %add3A_838 = arith.addi %mul3A_17, %add3A_837 : vector<16xi32>
      %gather3A_839 = tpu.vector_load_idx %arg7[%add3A_838] : memref<32768xf32, #tpu.memory_space<vmem>>[vector<16xi32>], vector<16xf32>,
      %gt3A_840 = arith.cmpf ogt, %gather3A_839, %select_n3A_832 : vector<16xf32>
      %gt3A_841 = arith.cmpf ogt, %gather3A_839, %select_n3A_827 : vector<16xf32>
      %select_n3A_842 = arith.select %gt3A_841, %gather3A_839, %select_n3A_827 : vector<16xi1>, vector<16xf32>
      %select_n3A_843 = arith.select %gt3A_840, %select_n3A_832, %select_n3A_842 : vector<16xi1>, vector<16xf32>
      %jit3A_844 = arith.constant 52 : i32
      %broadcast_in_dim3A_845 = vector.broadcast %jit3A_844 : i32 to vector<16xi32>
      %select_n3A_846 = arith.select %gt3A_841, %broadcast_in_dim3A_845, %select_n3A_831 : vector<16xi1>, vector<16xi32>
      %select_n3A_847 = arith.select %gt3A_840, %select_n3A_835, %select_n3A_846 : vector<16xi1>, vector<16xi32>
      %select_n3A_848 = arith.select %gt3A_840, %gather3A_839, %select_n3A_832 : vector<16xi1>, vector<16xf32>
      %jit3A_849 = arith.constant 52 : i32
      %broadcast_in_dim3A_850 = vector.broadcast %jit3A_849 : i32 to vector<16xi32>
      %select_n3A_851 = arith.select %gt3A_840, %broadcast_in_dim3A_850, %select_n3A_835 : vector<16xi1>, vector<16xi32>
      %add3A_852 = arith.constant 53 : i32
      %add3A_853 = vector.broadcast %add3A_852 : i32 to vector<16xi32>
      %add3A_854 = arith.addi %mul3A_17, %add3A_853 : vector<16xi32>
      %gather3A_855 = tpu.vector_load_idx %arg7[%add3A_854] : memref<32768xf32, #tpu.memory_space<vmem>>[vector<16xi32>], vector<16xf32>,
      %gt3A_856 = arith.cmpf ogt, %gather3A_855, %select_n3A_848 : vector<16xf32>
      %gt3A_857 = arith.cmpf ogt, %gather3A_855, %select_n3A_843 : vector<16xf32>
      %select_n3A_858 = arith.select %gt3A_857, %gather3A_855, %select_n3A_843 : vector<16xi1>, vector<16xf32>
      %select_n3A_859 = arith.select %gt3A_856, %select_n3A_848, %select_n3A_858 : vector<16xi1>, vector<16xf32>
      %jit3A_860 = arith.constant 53 : i32
      %broadcast_in_dim3A_861 = vector.broadcast %jit3A_860 : i32 to vector<16xi32>
      %select_n3A_862 = arith.select %gt3A_857, %broadcast_in_dim3A_861, %select_n3A_847 : vector<16xi1>, vector<16xi32>
      %select_n3A_863 = arith.select %gt3A_856, %select_n3A_851, %select_n3A_862 : vector<16xi1>, vector<16xi32>
      %select_n3A_864 = arith.select %gt3A_856, %gather3A_855, %select_n3A_848 : vector<16xi1>, vector<16xf32>
      %jit3A_865 = arith.constant 53 : i32
      %broadcast_in_dim3A_866 = vector.broadcast %jit3A_865 : i32 to vector<16xi32>
      %select_n3A_867 = arith.select %gt3A_856, %broadcast_in_dim3A_866, %select_n3A_851 : vector<16xi1>, vector<16xi32>
      %add3A_868 = arith.constant 54 : i32
      %add3A_869 = vector.broadcast %add3A_868 : i32 to vector<16xi32>
      %add3A_870 = arith.addi %mul3A_17, %add3A_869 : vector<16xi32>
      %gather3A_871 = tpu.vector_load_idx %arg7[%add3A_870] : memref<32768xf32, #tpu.memory_space<vmem>>[vector<16xi32>], vector<16xf32>,
      %gt3A_872 = arith.cmpf ogt, %gather3A_871, %select_n3A_864 : vector<16xf32>
      %gt3A_873 = arith.cmpf ogt, %gather3A_871, %select_n3A_859 : vector<16xf32>
      %select_n3A_874 = arith.select %gt3A_873, %gather3A_871, %select_n3A_859 : vector<16xi1>, vector<16xf32>
      %select_n3A_875 = arith.select %gt3A_872, %select_n3A_864, %select_n3A_874 : vector<16xi1>, vector<16xf32>
      %jit3A_876 = arith.constant 54 : i32
      %broadcast_in_dim3A_877 = vector.broadcast %jit3A_876 : i32 to vector<16xi32>
      %select_n3A_878 = arith.select %gt3A_873, %broadcast_in_dim3A_877, %select_n3A_863 : vector<16xi1>, vector<16xi32>
      %select_n3A_879 = arith.select %gt3A_872, %select_n3A_867, %select_n3A_878 : vector<16xi1>, vector<16xi32>
      %select_n3A_880 = arith.select %gt3A_872, %gather3A_871, %select_n3A_864 : vector<16xi1>, vector<16xf32>
      %jit3A_881 = arith.constant 54 : i32
      %broadcast_in_dim3A_882 = vector.broadcast %jit3A_881 : i32 to vector<16xi32>
      %select_n3A_883 = arith.select %gt3A_872, %broadcast_in_dim3A_882, %select_n3A_867 : vector<16xi1>, vector<16xi32>
      %add3A_884 = arith.constant 55 : i32
      %add3A_885 = vector.broadcast %add3A_884 : i32 to vector<16xi32>
      %add3A_886 = arith.addi %mul3A_17, %add3A_885 : vector<16xi32>
      %gather3A_887 = tpu.vector_load_idx %arg7[%add3A_886] : memref<32768xf32, #tpu.memory_space<vmem>>[vector<16xi32>], vector<16xf32>,
      %gt3A_888 = arith.cmpf ogt, %gather3A_887, %select_n3A_880 : vector<16xf32>
      %gt3A_889 = arith.cmpf ogt, %gather3A_887, %select_n3A_875 : vector<16xf32>
      %select_n3A_890 = arith.select %gt3A_889, %gather3A_887, %select_n3A_875 : vector<16xi1>, vector<16xf32>
      %select_n3A_891 = arith.select %gt3A_888, %select_n3A_880, %select_n3A_890 : vector<16xi1>, vector<16xf32>
      %jit3A_892 = arith.constant 55 : i32
      %broadcast_in_dim3A_893 = vector.broadcast %jit3A_892 : i32 to vector<16xi32>
      %select_n3A_894 = arith.select %gt3A_889, %broadcast_in_dim3A_893, %select_n3A_879 : vector<16xi1>, vector<16xi32>
      %select_n3A_895 = arith.select %gt3A_888, %select_n3A_883, %select_n3A_894 : vector<16xi1>, vector<16xi32>
      %select_n3A_896 = arith.select %gt3A_888, %gather3A_887, %select_n3A_880 : vector<16xi1>, vector<16xf32>
      %jit3A_897 = arith.constant 55 : i32
      %broadcast_in_dim3A_898 = vector.broadcast %jit3A_897 : i32 to vector<16xi32>
      %select_n3A_899 = arith.select %gt3A_888, %broadcast_in_dim3A_898, %select_n3A_883 : vector<16xi1>, vector<16xi32>
      %add3A_900 = arith.constant 56 : i32
      %add3A_901 = vector.broadcast %add3A_900 : i32 to vector<16xi32>
      %add3A_902 = arith.addi %mul3A_17, %add3A_901 : vector<16xi32>
      %gather3A_903 = tpu.vector_load_idx %arg7[%add3A_902] : memref<32768xf32, #tpu.memory_space<vmem>>[vector<16xi32>], vector<16xf32>,
      %gt3A_904 = arith.cmpf ogt, %gather3A_903, %select_n3A_896 : vector<16xf32>
      %gt3A_905 = arith.cmpf ogt, %gather3A_903, %select_n3A_891 : vector<16xf32>
      %select_n3A_906 = arith.select %gt3A_905, %gather3A_903, %select_n3A_891 : vector<16xi1>, vector<16xf32>
      %select_n3A_907 = arith.select %gt3A_904, %select_n3A_896, %select_n3A_906 : vector<16xi1>, vector<16xf32>
      %jit3A_908 = arith.constant 56 : i32
      %broadcast_in_dim3A_909 = vector.broadcast %jit3A_908 : i32 to vector<16xi32>
      %select_n3A_910 = arith.select %gt3A_905, %broadcast_in_dim3A_909, %select_n3A_895 : vector<16xi1>, vector<16xi32>
      %select_n3A_911 = arith.select %gt3A_904, %select_n3A_899, %select_n3A_910 : vector<16xi1>, vector<16xi32>
      %select_n3A_912 = arith.select %gt3A_904, %gather3A_903, %select_n3A_896 : vector<16xi1>, vector<16xf32>
      %jit3A_913 = arith.constant 56 : i32
      %broadcast_in_dim3A_914 = vector.broadcast %jit3A_913 : i32 to vector<16xi32>
      %select_n3A_915 = arith.select %gt3A_904, %broadcast_in_dim3A_914, %select_n3A_899 : vector<16xi1>, vector<16xi32>
      %add3A_916 = arith.constant 57 : i32
      %add3A_917 = vector.broadcast %add3A_916 : i32 to vector<16xi32>
      %add3A_918 = arith.addi %mul3A_17, %add3A_917 : vector<16xi32>
      %gather3A_919 = tpu.vector_load_idx %arg7[%add3A_918] : memref<32768xf32, #tpu.memory_space<vmem>>[vector<16xi32>], vector<16xf32>,
      %gt3A_920 = arith.cmpf ogt, %gather3A_919, %select_n3A_912 : vector<16xf32>
      %gt3A_921 = arith.cmpf ogt, %gather3A_919, %select_n3A_907 : vector<16xf32>
      %select_n3A_922 = arith.select %gt3A_921, %gather3A_919, %select_n3A_907 : vector<16xi1>, vector<16xf32>
      %select_n3A_923 = arith.select %gt3A_920, %select_n3A_912, %select_n3A_922 : vector<16xi1>, vector<16xf32>
      %jit3A_924 = arith.constant 57 : i32
      %broadcast_in_dim3A_925 = vector.broadcast %jit3A_924 : i32 to vector<16xi32>
      %select_n3A_926 = arith.select %gt3A_921, %broadcast_in_dim3A_925, %select_n3A_911 : vector<16xi1>, vector<16xi32>
      %select_n3A_927 = arith.select %gt3A_920, %select_n3A_915, %select_n3A_926 : vector<16xi1>, vector<16xi32>
      %select_n3A_928 = arith.select %gt3A_920, %gather3A_919, %select_n3A_912 : vector<16xi1>, vector<16xf32>
      %jit3A_929 = arith.constant 57 : i32
      %broadcast_in_dim3A_930 = vector.broadcast %jit3A_929 : i32 to vector<16xi32>
      %select_n3A_931 = arith.select %gt3A_920, %broadcast_in_dim3A_930, %select_n3A_915 : vector<16xi1>, vector<16xi32>
      %add3A_932 = arith.constant 58 : i32
      %add3A_933 = vector.broadcast %add3A_932 : i32 to vector<16xi32>
      %add3A_934 = arith.addi %mul3A_17, %add3A_933 : vector<16xi32>
      %gather3A_935 = tpu.vector_load_idx %arg7[%add3A_934] : memref<32768xf32, #tpu.memory_space<vmem>>[vector<16xi32>], vector<16xf32>,
      %gt3A_936 = arith.cmpf ogt, %gather3A_935, %select_n3A_928 : vector<16xf32>
      %gt3A_937 = arith.cmpf ogt, %gather3A_935, %select_n3A_923 : vector<16xf32>
      %select_n3A_938 = arith.select %gt3A_937, %gather3A_935, %select_n3A_923 : vector<16xi1>, vector<16xf32>
      %select_n3A_939 = arith.select %gt3A_936, %select_n3A_928, %select_n3A_938 : vector<16xi1>, vector<16xf32>
      %jit3A_940 = arith.constant 58 : i32
      %broadcast_in_dim3A_941 = vector.broadcast %jit3A_940 : i32 to vector<16xi32>
      %select_n3A_942 = arith.select %gt3A_937, %broadcast_in_dim3A_941, %select_n3A_927 : vector<16xi1>, vector<16xi32>
      %select_n3A_943 = arith.select %gt3A_936, %select_n3A_931, %select_n3A_942 : vector<16xi1>, vector<16xi32>
      %select_n3A_944 = arith.select %gt3A_936, %gather3A_935, %select_n3A_928 : vector<16xi1>, vector<16xf32>
      %jit3A_945 = arith.constant 58 : i32
      %broadcast_in_dim3A_946 = vector.broadcast %jit3A_945 : i32 to vector<16xi32>
      %select_n3A_947 = arith.select %gt3A_936, %broadcast_in_dim3A_946, %select_n3A_931 : vector<16xi1>, vector<16xi32>
      %add3A_948 = arith.constant 59 : i32
      %add3A_949 = vector.broadcast %add3A_948 : i32 to vector<16xi32>
      %add3A_950 = arith.addi %mul3A_17, %add3A_949 : vector<16xi32>
      %gather3A_951 = tpu.vector_load_idx %arg7[%add3A_950] : memref<32768xf32, #tpu.memory_space<vmem>>[vector<16xi32>], vector<16xf32>,
      %gt3A_952 = arith.cmpf ogt, %gather3A_951, %select_n3A_944 : vector<16xf32>
      %gt3A_953 = arith.cmpf ogt, %gather3A_951, %select_n3A_939 : vector<16xf32>
      %select_n3A_954 = arith.select %gt3A_953, %gather3A_951, %select_n3A_939 : vector<16xi1>, vector<16xf32>
      %select_n3A_955 = arith.select %gt3A_952, %select_n3A_944, %select_n3A_954 : vector<16xi1>, vector<16xf32>
      %jit3A_956 = arith.constant 59 : i32
      %broadcast_in_dim3A_957 = vector.broadcast %jit3A_956 : i32 to vector<16xi32>
      %select_n3A_958 = arith.select %gt3A_953, %broadcast_in_dim3A_957, %select_n3A_943 : vector<16xi1>, vector<16xi32>
      %select_n3A_959 = arith.select %gt3A_952, %select_n3A_947, %select_n3A_958 : vector<16xi1>, vector<16xi32>
      %select_n3A_960 = arith.select %gt3A_952, %gather3A_951, %select_n3A_944 : vector<16xi1>, vector<16xf32>
      %jit3A_961 = arith.constant 59 : i32
      %broadcast_in_dim3A_962 = vector.broadcast %jit3A_961 : i32 to vector<16xi32>
      %select_n3A_963 = arith.select %gt3A_952, %broadcast_in_dim3A_962, %select_n3A_947 : vector<16xi1>, vector<16xi32>
      %add3A_964 = arith.constant 60 : i32
      %add3A_965 = vector.broadcast %add3A_964 : i32 to vector<16xi32>
      %add3A_966 = arith.addi %mul3A_17, %add3A_965 : vector<16xi32>
      %gather3A_967 = tpu.vector_load_idx %arg7[%add3A_966] : memref<32768xf32, #tpu.memory_space<vmem>>[vector<16xi32>], vector<16xf32>,
      %gt3A_968 = arith.cmpf ogt, %gather3A_967, %select_n3A_960 : vector<16xf32>
      %gt3A_969 = arith.cmpf ogt, %gather3A_967, %select_n3A_955 : vector<16xf32>
      %select_n3A_970 = arith.select %gt3A_969, %gather3A_967, %select_n3A_955 : vector<16xi1>, vector<16xf32>
      %select_n3A_971 = arith.select %gt3A_968, %select_n3A_960, %select_n3A_970 : vector<16xi1>, vector<16xf32>
      %jit3A_972 = arith.constant 60 : i32
      %broadcast_in_dim3A_973 = vector.broadcast %jit3A_972 : i32 to vector<16xi32>
      %select_n3A_974 = arith.select %gt3A_969, %broadcast_in_dim3A_973, %select_n3A_959 : vector<16xi1>, vector<16xi32>
      %select_n3A_975 = arith.select %gt3A_968, %select_n3A_963, %select_n3A_974 : vector<16xi1>, vector<16xi32>
      %select_n3A_976 = arith.select %gt3A_968, %gather3A_967, %select_n3A_960 : vector<16xi1>, vector<16xf32>
      %jit3A_977 = arith.constant 60 : i32
      %broadcast_in_dim3A_978 = vector.broadcast %jit3A_977 : i32 to vector<16xi32>
      %select_n3A_979 = arith.select %gt3A_968, %broadcast_in_dim3A_978, %select_n3A_963 : vector<16xi1>, vector<16xi32>
      %add3A_980 = arith.constant 61 : i32
      %add3A_981 = vector.broadcast %add3A_980 : i32 to vector<16xi32>
      %add3A_982 = arith.addi %mul3A_17, %add3A_981 : vector<16xi32>
      %gather3A_983 = tpu.vector_load_idx %arg7[%add3A_982] : memref<32768xf32, #tpu.memory_space<vmem>>[vector<16xi32>], vector<16xf32>,
      %gt3A_984 = arith.cmpf ogt, %gather3A_983, %select_n3A_976 : vector<16xf32>
      %gt3A_985 = arith.cmpf ogt, %gather3A_983, %select_n3A_971 : vector<16xf32>
      %select_n3A_986 = arith.select %gt3A_985, %gather3A_983, %select_n3A_971 : vector<16xi1>, vector<16xf32>
      %select_n3A_987 = arith.select %gt3A_984, %select_n3A_976, %select_n3A_986 : vector<16xi1>, vector<16xf32>
      %jit3A_988 = arith.constant 61 : i32
      %broadcast_in_dim3A_989 = vector.broadcast %jit3A_988 : i32 to vector<16xi32>
      %select_n3A_990 = arith.select %gt3A_985, %broadcast_in_dim3A_989, %select_n3A_975 : vector<16xi1>, vector<16xi32>
      %select_n3A_991 = arith.select %gt3A_984, %select_n3A_979, %select_n3A_990 : vector<16xi1>, vector<16xi32>
      %select_n3A_992 = arith.select %gt3A_984, %gather3A_983, %select_n3A_976 : vector<16xi1>, vector<16xf32>
      %jit3A_993 = arith.constant 61 : i32
      %broadcast_in_dim3A_994 = vector.broadcast %jit3A_993 : i32 to vector<16xi32>
      %select_n3A_995 = arith.select %gt3A_984, %broadcast_in_dim3A_994, %select_n3A_979 : vector<16xi1>, vector<16xi32>
      %add3A_996 = arith.constant 62 : i32
      %add3A_997 = vector.broadcast %add3A_996 : i32 to vector<16xi32>
      %add3A_998 = arith.addi %mul3A_17, %add3A_997 : vector<16xi32>
      %gather3A_999 = tpu.vector_load_idx %arg7[%add3A_998] : memref<32768xf32, #tpu.memory_space<vmem>>[vector<16xi32>], vector<16xf32>,
      %gt3A_1000 = arith.cmpf ogt, %gather3A_999, %select_n3A_992 : vector<16xf32>
      %gt3A_1001 = arith.cmpf ogt, %gather3A_999, %select_n3A_987 : vector<16xf32>
      %select_n3A_1002 = arith.select %gt3A_1001, %gather3A_999, %select_n3A_987 : vector<16xi1>, vector<16xf32>
      %select_n3A_1003 = arith.select %gt3A_1000, %select_n3A_992, %select_n3A_1002 : vector<16xi1>, vector<16xf32>
      %jit3A_1004 = arith.constant 62 : i32
      %broadcast_in_dim3A_1005 = vector.broadcast %jit3A_1004 : i32 to vector<16xi32>
      %select_n3A_1006 = arith.select %gt3A_1001, %broadcast_in_dim3A_1005, %select_n3A_991 : vector<16xi1>, vector<16xi32>
      %select_n3A_1007 = arith.select %gt3A_1000, %select_n3A_995, %select_n3A_1006 : vector<16xi1>, vector<16xi32>
      %select_n3A_1008 = arith.select %gt3A_1000, %gather3A_999, %select_n3A_992 : vector<16xi1>, vector<16xf32>
      %jit3A_1009 = arith.constant 62 : i32
      %broadcast_in_dim3A_1010 = vector.broadcast %jit3A_1009 : i32 to vector<16xi32>
      %select_n3A_1011 = arith.select %gt3A_1000, %broadcast_in_dim3A_1010, %select_n3A_995 : vector<16xi1>, vector<16xi32>
      %add3A_1012 = arith.constant 63 : i32
      %add3A_1013 = vector.broadcast %add3A_1012 : i32 to vector<16xi32>
      %add3A_1014 = arith.addi %mul3A_17, %add3A_1013 : vector<16xi32>
      %gather3A_1015 = tpu.vector_load_idx %arg7[%add3A_1014] : memref<32768xf32, #tpu.memory_space<vmem>>[vector<16xi32>], vector<16xf32>,
      %gt3A_1016 = arith.cmpf ogt, %gather3A_1015, %select_n3A_1008 : vector<16xf32>
      %gt3A_1017 = arith.cmpf ogt, %gather3A_1015, %select_n3A_1003 : vector<16xf32>
      %select_n3A_1018 = arith.select %gt3A_1017, %gather3A_1015, %select_n3A_1003 : vector<16xi1>, vector<16xf32>
      %select_n3A_1019 = arith.select %gt3A_1016, %select_n3A_1008, %select_n3A_1018 : vector<16xi1>, vector<16xf32>
      %jit3A_1020 = arith.constant 63 : i32
      %broadcast_in_dim3A_1021 = vector.broadcast %jit3A_1020 : i32 to vector<16xi32>
      %select_n3A_1022 = arith.select %gt3A_1017, %broadcast_in_dim3A_1021, %select_n3A_1007 : vector<16xi1>, vector<16xi32>
      %select_n3A_1023 = arith.select %gt3A_1016, %select_n3A_1011, %select_n3A_1022 : vector<16xi1>, vector<16xi32>
      %select_n3A_1024 = arith.select %gt3A_1016, %gather3A_1015, %select_n3A_1008 : vector<16xi1>, vector<16xf32>
      %jit3A_1025 = arith.constant 63 : i32
      %broadcast_in_dim3A_1026 = vector.broadcast %jit3A_1025 : i32 to vector<16xi32>
      %select_n3A_1027 = arith.select %gt3A_1016, %broadcast_in_dim3A_1026, %select_n3A_1011 : vector<16xi1>, vector<16xi32>
      %sub3A = arith.subf %select_n3A_1019, %select_n3A_1024 : vector<16xf32>
      %exp3A = math.exp %sub3A : vector<16xf32>
      %add3A_1028 = arith.constant 1.000000e+00 : f32
      %add3A_1029 = vector.broadcast %add3A_1028 : f32 to vector<16xf32>
      %add3A_1030 = arith.addf %add3A_1029, %exp3A : vector<16xf32>
      %mul3A_1031 = arith.constant 16 : i32
      %mul3A_1032 = arith.muli %scan3A_10, %mul3A_1031 : i32
      %swap3A = arith.index_cast %mul3A_1032 : i32 to index
      %swap3A_1033 = tpu.vector_load %arg8[%swap3A] {strides = array<i32>} : memref<512xi32, #tpu.memory_space<vmem>>, vector<16xi32>,
      tpu.vector_store %arg8[%swap3A], %select_n3A_1027 {strides = array<i32>} : memref<512xi32, #tpu.memory_space<vmem>>, vector<16xi32>,
      %swap3A_1034 = arith.index_cast %mul3A_1032 : i32 to index
      %swap3A_1035 = tpu.vector_load %arg9[%swap3A_1034] {strides = array<i32>} : memref<512xi32, #tpu.memory_space<vmem>>, vector<16xi32>,
      tpu.vector_store %arg9[%swap3A_1034], %select_n3A_1023 {strides = array<i32>} : memref<512xi32, #tpu.memory_space<vmem>>, vector<16xi32>,
      %div3A = arith.constant 1.000000e+00 : f32
      %div3A_1036 = vector.broadcast %div3A : f32 to vector<16xf32>
      %div3A_1037 = arith.divf %div3A_1036, %add3A_1030 : vector<16xf32>
      %swap3A_1038 = arith.index_cast %mul3A_1032 : i32 to index
      %swap3A_1039 = tpu.vector_load %arg10[%swap3A_1038] {strides = array<i32>} : memref<512xf32, #tpu.memory_space<vmem>>, vector<16xf32>,
      tpu.vector_store %arg10[%swap3A_1038], %div3A_1037 {strides = array<i32>} : memref<512xf32, #tpu.memory_space<vmem>>, vector<16xf32>,
      %div3A_1040 = arith.divf %exp3A, %add3A_1030 : vector<16xf32>
      %swap3A_1041 = arith.index_cast %mul3A_1032 : i32 to index
      %swap3A_1042 = tpu.vector_load %arg11[%swap3A_1041] {strides = array<i32>} : memref<512xf32, #tpu.memory_space<vmem>>, vector<16xf32>,
      tpu.vector_store %arg11[%swap3A_1041], %div3A_1040 {strides = array<i32>} : memref<512xf32, #tpu.memory_space<vmem>>, vector<16xf32>,
    }
    %scan3A_9 = arith.constant 32 : i32
    "tpu.region"() ({
      %run_scoped3A = tpu.sem_alloc : memref<!tpu.dma_semaphore, #tpu.memory_space<semaphore_mem>>
      %dma_start3A = tpu.memref_slice %arg3[%mul3A_2] : memref<16384xi32, #tpu.memory_space<hbm>> -> memref<512xi32, #tpu.memory_space<hbm>>
      %dma_start3A_10 = tpu.memref_slice %arg3[%mul3A_2] : memref<16384xi32, #tpu.memory_space<hbm>> -> memref<512xi32, #tpu.memory_space<hbm>>
      tpu.enqueue_dma source(%arg8 : memref<512xi32, #tpu.memory_space<vmem>>) target(%dma_start3A_10 : memref<512xi32, #tpu.memory_space<hbm>>) target_semaphore(%run_scoped3A : memref<!tpu.dma_semaphore, #tpu.memory_space<semaphore_mem>>)
      %dma_wait3A = tpu.memref_slice %arg3[%mul3A_2] : memref<16384xi32, #tpu.memory_space<hbm>> -> memref<512xi32, #tpu.memory_space<hbm>>
      %dma_wait3A_11 = tpu.memref_slice %arg3[%mul3A_2] : memref<16384xi32, #tpu.memory_space<hbm>> -> memref<512xi32, #tpu.memory_space<hbm>>
      tpu.wait_dma2 semaphore(%run_scoped3A : memref<!tpu.dma_semaphore, #tpu.memory_space<semaphore_mem>>) src(%arg8 : memref<512xi32, #tpu.memory_space<vmem>>) dst(%dma_wait3A_11 : memref<512xi32, #tpu.memory_space<hbm>>)
      tpu.yield
    }) : () -> ()
    "tpu.region"() ({
      %run_scoped3A = tpu.sem_alloc : memref<!tpu.dma_semaphore, #tpu.memory_space<semaphore_mem>>
      %dma_start3A = tpu.memref_slice %arg4[%mul3A_2] : memref<16384xi32, #tpu.memory_space<hbm>> -> memref<512xi32, #tpu.memory_space<hbm>>
      %dma_start3A_10 = tpu.memref_slice %arg4[%mul3A_2] : memref<16384xi32, #tpu.memory_space<hbm>> -> memref<512xi32, #tpu.memory_space<hbm>>
      tpu.enqueue_dma source(%arg9 : memref<512xi32, #tpu.memory_space<vmem>>) target(%dma_start3A_10 : memref<512xi32, #tpu.memory_space<hbm>>) target_semaphore(%run_scoped3A : memref<!tpu.dma_semaphore, #tpu.memory_space<semaphore_mem>>)
      %dma_wait3A = tpu.memref_slice %arg4[%mul3A_2] : memref<16384xi32, #tpu.memory_space<hbm>> -> memref<512xi32, #tpu.memory_space<hbm>>
      %dma_wait3A_11 = tpu.memref_slice %arg4[%mul3A_2] : memref<16384xi32, #tpu.memory_space<hbm>> -> memref<512xi32, #tpu.memory_space<hbm>>
      tpu.wait_dma2 semaphore(%run_scoped3A : memref<!tpu.dma_semaphore, #tpu.memory_space<semaphore_mem>>) src(%arg9 : memref<512xi32, #tpu.memory_space<vmem>>) dst(%dma_wait3A_11 : memref<512xi32, #tpu.memory_space<hbm>>)
      tpu.yield
    }) : () -> ()
    "tpu.region"() ({
      %run_scoped3A = tpu.sem_alloc : memref<!tpu.dma_semaphore, #tpu.memory_space<semaphore_mem>>
      %dma_start3A = tpu.memref_slice %arg5[%mul3A_2] : memref<16384xf32, #tpu.memory_space<hbm>> -> memref<512xf32, #tpu.memory_space<hbm>>
      %dma_start3A_10 = tpu.memref_slice %arg5[%mul3A_2] : memref<16384xf32, #tpu.memory_space<hbm>> -> memref<512xf32, #tpu.memory_space<hbm>>
      tpu.enqueue_dma source(%arg10 : memref<512xf32, #tpu.memory_space<vmem>>) target(%dma_start3A_10 : memref<512xf32, #tpu.memory_space<hbm>>) target_semaphore(%run_scoped3A : memref<!tpu.dma_semaphore, #tpu.memory_space<semaphore_mem>>)
      %dma_wait3A = tpu.memref_slice %arg5[%mul3A_2] : memref<16384xf32, #tpu.memory_space<hbm>> -> memref<512xf32, #tpu.memory_space<hbm>>
      %dma_wait3A_11 = tpu.memref_slice %arg5[%mul3A_2] : memref<16384xf32, #tpu.memory_space<hbm>> -> memref<512xf32, #tpu.memory_space<hbm>>
      tpu.wait_dma2 semaphore(%run_scoped3A : memref<!tpu.dma_semaphore, #tpu.memory_space<semaphore_mem>>) src(%arg10 : memref<512xf32, #tpu.memory_space<vmem>>) dst(%dma_wait3A_11 : memref<512xf32, #tpu.memory_space<hbm>>)
      tpu.yield
    }) : () -> ()
    "tpu.region"() ({
      %run_scoped3A = tpu.sem_alloc : memref<!tpu.dma_semaphore, #tpu.memory_space<semaphore_mem>>
      %dma_start3A = tpu.memref_slice %arg6[%mul3A_2] : memref<16384xf32, #tpu.memory_space<hbm>> -> memref<512xf32, #tpu.memory_space<hbm>>
      %dma_start3A_10 = tpu.memref_slice %arg6[%mul3A_2] : memref<16384xf32, #tpu.memory_space<hbm>> -> memref<512xf32, #tpu.memory_space<hbm>>
      tpu.enqueue_dma source(%arg11 : memref<512xf32, #tpu.memory_space<vmem>>) target(%dma_start3A_10 : memref<512xf32, #tpu.memory_space<hbm>>) target_semaphore(%run_scoped3A : memref<!tpu.dma_semaphore, #tpu.memory_space<semaphore_mem>>)
      %dma_wait3A = tpu.memref_slice %arg6[%mul3A_2] : memref<16384xf32, #tpu.memory_space<hbm>> -> memref<512xf32, #tpu.memory_space<hbm>>
      %dma_wait3A_11 = tpu.memref_slice %arg6[%mul3A_2] : memref<16384xf32, #tpu.memory_space<hbm>> -> memref<512xf32, #tpu.memory_space<hbm>>
      tpu.wait_dma2 semaphore(%run_scoped3A : memref<!tpu.dma_semaphore, #tpu.memory_space<semaphore_mem>>) src(%arg11 : memref<512xf32, #tpu.memory_space<vmem>>) dst(%dma_wait3A_11 : memref<512xf32, #tpu.memory_space<hbm>>)
      tpu.yield
    }) : () -> ()
    return
  }
}

#map = affine_map<(d0, d1) -> (0)>
module attributes {stable_mosaic.version = 14 : i64} {
  func.func @_sc_topk_body(%arg0: i32, %arg1: i32, %arg2: memref<1048576xf32, #tpu.memory_space<hbm>>, %arg3: memref<16384xi32, #tpu.memory_space<hbm>>, %arg4: memref<16384xi32, #tpu.memory_space<hbm>>, %arg5: memref<16384xf32, #tpu.memory_space<hbm>>, %arg6: memref<16384xf32, #tpu.memory_space<hbm>>, %arg7: memref<32768xf32, #tpu.memory_space<vmem>>, %arg8: memref<512xi32, #tpu.memory_space<vmem>>, %arg9: memref<512xi32, #tpu.memory_space<vmem>>, %arg10: memref<512xf32, #tpu.memory_space<vmem>>, %arg11: memref<512xf32, #tpu.memory_space<vmem>>) attributes {dimension_semantics = [#tpu.dimension_semantics<core_parallel>, #tpu.dimension_semantics<subcore_parallel>], iteration_bounds = array<i64: 2, 16>, scalar_prefetch = 0 : i64, scratch_operands = 5 : i64, tpu.core_type = #tpu.core_type<sc_vector_subcore>, window_params = [{transform_indices = #map}, {transform_indices = #map}, {transform_indices = #map}, {transform_indices = #map}, {transform_indices = #map}]} {
    %mul3A = arith.constant 2 : i32
    %mul3A_0 = arith.muli %arg1, %mul3A : i32
    %add3A = arith.addi %mul3A_0, %arg0 : i32
    %mul3A_1 = arith.constant 512 : i32
    %mul3A_2 = arith.muli %add3A, %mul3A_1 : i32
    %mul3A_3 = arith.constant 64 : i32
    %mul3A_4 = arith.muli %mul3A_2, %mul3A_3 : i32
    "tpu.region"() ({
      %run_scoped3A = tpu.sem_alloc : memref<!tpu.dma_semaphore, #tpu.memory_space<semaphore_mem>>
      %dma_start3A = tpu.memref_slice %arg2[%mul3A_4] : memref<1048576xf32, #tpu.memory_space<hbm>> -> memref<32768xf32, #tpu.memory_space<hbm>>
      %dma_start3A_10 = tpu.memref_slice %arg2[%mul3A_4] : memref<1048576xf32, #tpu.memory_space<hbm>> -> memref<32768xf32, #tpu.memory_space<hbm>>
      tpu.enqueue_dma source(%dma_start3A_10 : memref<32768xf32, #tpu.memory_space<hbm>>) target(%arg7 : memref<32768xf32, #tpu.memory_space<vmem>>) target_semaphore(%run_scoped3A : memref<!tpu.dma_semaphore, #tpu.memory_space<semaphore_mem>>)
      %dma_wait3A = tpu.memref_slice %arg2[%mul3A_4] : memref<1048576xf32, #tpu.memory_space<hbm>> -> memref<32768xf32, #tpu.memory_space<hbm>>
      %dma_wait3A_11 = tpu.memref_slice %arg2[%mul3A_4] : memref<1048576xf32, #tpu.memory_space<hbm>> -> memref<32768xf32, #tpu.memory_space<hbm>>
      tpu.wait_dma2 semaphore(%run_scoped3A : memref<!tpu.dma_semaphore, #tpu.memory_space<semaphore_mem>>) src(%dma_wait3A_11 : memref<32768xf32, #tpu.memory_space<hbm>>) dst(%arg7 : memref<32768xf32, #tpu.memory_space<vmem>>)
      tpu.yield
    }) : () -> ()
    %iota3A = tpu.iota {dimensions = array<i32: 0>} : vector<16xi32>
    %scan3A = arith.constant 0 : i32
    %scan3A_5 = arith.constant 0 : i32
    %scan3A_6 = arith.constant 32 : i32
    %scan3A_7 = arith.addi %scan3A_5, %scan3A_6 : i32
    %scan3A_8 = arith.constant 1 : i32
    scf.for %scan3A_10 = %scan3A_5 to %scan3A_7 step %scan3A_8  : i32 {
      %mul3A_11 = arith.constant 16 : i32
      %mul3A_12 = arith.muli %scan3A_10, %mul3A_11 : i32
      %add3A_13 = vector.broadcast %mul3A_12 : i32 to vector<16xi32>
      %add3A_14 = arith.addi %add3A_13, %iota3A : vector<16xi32>
      %mul3A_15 = arith.constant 64 : i32
      %mul3A_16 = vector.broadcast %mul3A_15 : i32 to vector<16xi32>
      %mul3A_17 = arith.muli %add3A_14, %mul3A_16 : vector<16xi32>
      %gather3A = tpu.vector_load_idx %arg7[%mul3A_17] : memref<32768xf32, #tpu.memory_space<vmem>>[vector<16xi32>], vector<16xf32>,
      %broadcast_in_dim3A = arith.constant 0 : i32
      %broadcast_in_dim3A_18 = vector.broadcast %broadcast_in_dim3A : i32 to vector<16xi32>
      %broadcast_in_dim3A_19 = arith.constant 0xFF800000 : f32
      %broadcast_in_dim3A_20 = vector.broadcast %broadcast_in_dim3A_19 : f32 to vector<16xf32>
      %broadcast_in_dim3A_21 = arith.constant 0 : i32
      %broadcast_in_dim3A_22 = vector.broadcast %broadcast_in_dim3A_21 : i32 to vector<16xi32>
      %add3A_23 = arith.constant 1 : i32
      %add3A_24 = vector.broadcast %add3A_23 : i32 to vector<16xi32>
      %add3A_25 = arith.addi %mul3A_17, %add3A_24 : vector<16xi32>
      %gather3A_26 = tpu.vector_load_idx %arg7[%add3A_25] : memref<32768xf32, #tpu.memory_space<vmem>>[vector<16xi32>], vector<16xf32>,
      %gt3A = arith.cmpf ogt, %gather3A_26, %gather3A : vector<16xf32>
      %gt3A_27 = arith.cmpf ogt, %gather3A_26, %broadcast_in_dim3A_20 : vector<16xf32>
      %select_n3A = arith.select %gt3A_27, %gather3A_26, %broadcast_in_dim3A_20 : vector<16xi1>, vector<16xf32>
      %select_n3A_28 = arith.select %gt3A, %gather3A, %select_n3A : vector<16xi1>, vector<16xf32>
      %jit3A = arith.constant 1 : i32
      %broadcast_in_dim3A_29 = vector.broadcast %jit3A : i32 to vector<16xi32>
      %select_n3A_30 = arith.select %gt3A_27, %broadcast_in_dim3A_29, %broadcast_in_dim3A_22 : vector<16xi1>, vector<16xi32>
      %select_n3A_31 = arith.select %gt3A, %broadcast_in_dim3A_18, %select_n3A_30 : vector<16xi1>, vector<16xi32>
      %select_n3A_32 = arith.select %gt3A, %gather3A_26, %gather3A : vector<16xi1>, vector<16xf32>
      %jit3A_33 = arith.constant 1 : i32
      %broadcast_in_dim3A_34 = vector.broadcast %jit3A_33 : i32 to vector<16xi32>
      %select_n3A_35 = arith.select %gt3A, %broadcast_in_dim3A_34, %broadcast_in_dim3A_18 : vector<16xi1>, vector<16xi32>
      %add3A_36 = arith.constant 2 : i32
      %add3A_37 = vector.broadcast %add3A_36 : i32 to vector<16xi32>
      %add3A_38 = arith.addi %mul3A_17, %add3A_37 : vector<16xi32>
      %gather3A_39 = tpu.vector_load_idx %arg7[%add3A_38] : memref<32768xf32, #tpu.memory_space<vmem>>[vector<16xi32>], vector<16xf32>,
      %gt3A_40 = arith.cmpf ogt, %gather3A_39, %select_n3A_32 : vector<16xf32>
      %gt3A_41 = arith.cmpf ogt, %gather3A_39, %select_n3A_28 : vector<16xf32>
      %select_n3A_42 = arith.select %gt3A_41, %gather3A_39, %select_n3A_28 : vector<16xi1>, vector<16xf32>
      %select_n3A_43 = arith.select %gt3A_40, %select_n3A_32, %select_n3A_42 : vector<16xi1>, vector<16xf32>
      %jit3A_44 = arith.constant 2 : i32
      %broadcast_in_dim3A_45 = vector.broadcast %jit3A_44 : i32 to vector<16xi32>
      %select_n3A_46 = arith.select %gt3A_41, %broadcast_in_dim3A_45, %select_n3A_31 : vector<16xi1>, vector<16xi32>
      %select_n3A_47 = arith.select %gt3A_40, %select_n3A_35, %select_n3A_46 : vector<16xi1>, vector<16xi32>
      %select_n3A_48 = arith.select %gt3A_40, %gather3A_39, %select_n3A_32 : vector<16xi1>, vector<16xf32>
      %jit3A_49 = arith.constant 2 : i32
      %broadcast_in_dim3A_50 = vector.broadcast %jit3A_49 : i32 to vector<16xi32>
      %select_n3A_51 = arith.select %gt3A_40, %broadcast_in_dim3A_50, %select_n3A_35 : vector<16xi1>, vector<16xi32>
      %add3A_52 = arith.constant 3 : i32
      %add3A_53 = vector.broadcast %add3A_52 : i32 to vector<16xi32>
      %add3A_54 = arith.addi %mul3A_17, %add3A_53 : vector<16xi32>
      %gather3A_55 = tpu.vector_load_idx %arg7[%add3A_54] : memref<32768xf32, #tpu.memory_space<vmem>>[vector<16xi32>], vector<16xf32>,
      %gt3A_56 = arith.cmpf ogt, %gather3A_55, %select_n3A_48 : vector<16xf32>
      %gt3A_57 = arith.cmpf ogt, %gather3A_55, %select_n3A_43 : vector<16xf32>
      %select_n3A_58 = arith.select %gt3A_57, %gather3A_55, %select_n3A_43 : vector<16xi1>, vector<16xf32>
      %select_n3A_59 = arith.select %gt3A_56, %select_n3A_48, %select_n3A_58 : vector<16xi1>, vector<16xf32>
      %jit3A_60 = arith.constant 3 : i32
      %broadcast_in_dim3A_61 = vector.broadcast %jit3A_60 : i32 to vector<16xi32>
      %select_n3A_62 = arith.select %gt3A_57, %broadcast_in_dim3A_61, %select_n3A_47 : vector<16xi1>, vector<16xi32>
      %select_n3A_63 = arith.select %gt3A_56, %select_n3A_51, %select_n3A_62 : vector<16xi1>, vector<16xi32>
      %select_n3A_64 = arith.select %gt3A_56, %gather3A_55, %select_n3A_48 : vector<16xi1>, vector<16xf32>
      %jit3A_65 = arith.constant 3 : i32
      %broadcast_in_dim3A_66 = vector.broadcast %jit3A_65 : i32 to vector<16xi32>
      %select_n3A_67 = arith.select %gt3A_56, %broadcast_in_dim3A_66, %select_n3A_51 : vector<16xi1>, vector<16xi32>
      %add3A_68 = arith.constant 4 : i32
      %add3A_69 = vector.broadcast %add3A_68 : i32 to vector<16xi32>
      %add3A_70 = arith.addi %mul3A_17, %add3A_69 : vector<16xi32>
      %gather3A_71 = tpu.vector_load_idx %arg7[%add3A_70] : memref<32768xf32, #tpu.memory_space<vmem>>[vector<16xi32>], vector<16xf32>,
      %gt3A_72 = arith.cmpf ogt, %gather3A_71, %select_n3A_64 : vector<16xf32>
      %gt3A_73 = arith.cmpf ogt, %gather3A_71, %select_n3A_59 : vector<16xf32>
      %select_n3A_74 = arith.select %gt3A_73, %gather3A_71, %select_n3A_59 : vector<16xi1>, vector<16xf32>
      %select_n3A_75 = arith.select %gt3A_72, %select_n3A_64, %select_n3A_74 : vector<16xi1>, vector<16xf32>
      %jit3A_76 = arith.constant 4 : i32
      %broadcast_in_dim3A_77 = vector.broadcast %jit3A_76 : i32 to vector<16xi32>
      %select_n3A_78 = arith.select %gt3A_73, %broadcast_in_dim3A_77, %select_n3A_63 : vector<16xi1>, vector<16xi32>
      %select_n3A_79 = arith.select %gt3A_72, %select_n3A_67, %select_n3A_78 : vector<16xi1>, vector<16xi32>
      %select_n3A_80 = arith.select %gt3A_72, %gather3A_71, %select_n3A_64 : vector<16xi1>, vector<16xf32>
      %jit3A_81 = arith.constant 4 : i32
      %broadcast_in_dim3A_82 = vector.broadcast %jit3A_81 : i32 to vector<16xi32>
      %select_n3A_83 = arith.select %gt3A_72, %broadcast_in_dim3A_82, %select_n3A_67 : vector<16xi1>, vector<16xi32>
      %add3A_84 = arith.constant 5 : i32
      %add3A_85 = vector.broadcast %add3A_84 : i32 to vector<16xi32>
      %add3A_86 = arith.addi %mul3A_17, %add3A_85 : vector<16xi32>
      %gather3A_87 = tpu.vector_load_idx %arg7[%add3A_86] : memref<32768xf32, #tpu.memory_space<vmem>>[vector<16xi32>], vector<16xf32>,
      %gt3A_88 = arith.cmpf ogt, %gather3A_87, %select_n3A_80 : vector<16xf32>
      %gt3A_89 = arith.cmpf ogt, %gather3A_87, %select_n3A_75 : vector<16xf32>
      %select_n3A_90 = arith.select %gt3A_89, %gather3A_87, %select_n3A_75 : vector<16xi1>, vector<16xf32>
      %select_n3A_91 = arith.select %gt3A_88, %select_n3A_80, %select_n3A_90 : vector<16xi1>, vector<16xf32>
      %jit3A_92 = arith.constant 5 : i32
      %broadcast_in_dim3A_93 = vector.broadcast %jit3A_92 : i32 to vector<16xi32>
      %select_n3A_94 = arith.select %gt3A_89, %broadcast_in_dim3A_93, %select_n3A_79 : vector<16xi1>, vector<16xi32>
      %select_n3A_95 = arith.select %gt3A_88, %select_n3A_83, %select_n3A_94 : vector<16xi1>, vector<16xi32>
      %select_n3A_96 = arith.select %gt3A_88, %gather3A_87, %select_n3A_80 : vector<16xi1>, vector<16xf32>
      %jit3A_97 = arith.constant 5 : i32
      %broadcast_in_dim3A_98 = vector.broadcast %jit3A_97 : i32 to vector<16xi32>
      %select_n3A_99 = arith.select %gt3A_88, %broadcast_in_dim3A_98, %select_n3A_83 : vector<16xi1>, vector<16xi32>
      %add3A_100 = arith.constant 6 : i32
      %add3A_101 = vector.broadcast %add3A_100 : i32 to vector<16xi32>
      %add3A_102 = arith.addi %mul3A_17, %add3A_101 : vector<16xi32>
      %gather3A_103 = tpu.vector_load_idx %arg7[%add3A_102] : memref<32768xf32, #tpu.memory_space<vmem>>[vector<16xi32>], vector<16xf32>,
      %gt3A_104 = arith.cmpf ogt, %gather3A_103, %select_n3A_96 : vector<16xf32>
      %gt3A_105 = arith.cmpf ogt, %gather3A_103, %select_n3A_91 : vector<16xf32>
      %select_n3A_106 = arith.select %gt3A_105, %gather3A_103, %select_n3A_91 : vector<16xi1>, vector<16xf32>
      %select_n3A_107 = arith.select %gt3A_104, %select_n3A_96, %select_n3A_106 : vector<16xi1>, vector<16xf32>
      %jit3A_108 = arith.constant 6 : i32
      %broadcast_in_dim3A_109 = vector.broadcast %jit3A_108 : i32 to vector<16xi32>
      %select_n3A_110 = arith.select %gt3A_105, %broadcast_in_dim3A_109, %select_n3A_95 : vector<16xi1>, vector<16xi32>
      %select_n3A_111 = arith.select %gt3A_104, %select_n3A_99, %select_n3A_110 : vector<16xi1>, vector<16xi32>
      %select_n3A_112 = arith.select %gt3A_104, %gather3A_103, %select_n3A_96 : vector<16xi1>, vector<16xf32>
      %jit3A_113 = arith.constant 6 : i32
      %broadcast_in_dim3A_114 = vector.broadcast %jit3A_113 : i32 to vector<16xi32>
      %select_n3A_115 = arith.select %gt3A_104, %broadcast_in_dim3A_114, %select_n3A_99 : vector<16xi1>, vector<16xi32>
      %add3A_116 = arith.constant 7 : i32
      %add3A_117 = vector.broadcast %add3A_116 : i32 to vector<16xi32>
      %add3A_118 = arith.addi %mul3A_17, %add3A_117 : vector<16xi32>
      %gather3A_119 = tpu.vector_load_idx %arg7[%add3A_118] : memref<32768xf32, #tpu.memory_space<vmem>>[vector<16xi32>], vector<16xf32>,
      %gt3A_120 = arith.cmpf ogt, %gather3A_119, %select_n3A_112 : vector<16xf32>
      %gt3A_121 = arith.cmpf ogt, %gather3A_119, %select_n3A_107 : vector<16xf32>
      %select_n3A_122 = arith.select %gt3A_121, %gather3A_119, %select_n3A_107 : vector<16xi1>, vector<16xf32>
      %select_n3A_123 = arith.select %gt3A_120, %select_n3A_112, %select_n3A_122 : vector<16xi1>, vector<16xf32>
      %jit3A_124 = arith.constant 7 : i32
      %broadcast_in_dim3A_125 = vector.broadcast %jit3A_124 : i32 to vector<16xi32>
      %select_n3A_126 = arith.select %gt3A_121, %broadcast_in_dim3A_125, %select_n3A_111 : vector<16xi1>, vector<16xi32>
      %select_n3A_127 = arith.select %gt3A_120, %select_n3A_115, %select_n3A_126 : vector<16xi1>, vector<16xi32>
      %select_n3A_128 = arith.select %gt3A_120, %gather3A_119, %select_n3A_112 : vector<16xi1>, vector<16xf32>
      %jit3A_129 = arith.constant 7 : i32
      %broadcast_in_dim3A_130 = vector.broadcast %jit3A_129 : i32 to vector<16xi32>
      %select_n3A_131 = arith.select %gt3A_120, %broadcast_in_dim3A_130, %select_n3A_115 : vector<16xi1>, vector<16xi32>
      %add3A_132 = arith.constant 8 : i32
      %add3A_133 = vector.broadcast %add3A_132 : i32 to vector<16xi32>
      %add3A_134 = arith.addi %mul3A_17, %add3A_133 : vector<16xi32>
      %gather3A_135 = tpu.vector_load_idx %arg7[%add3A_134] : memref<32768xf32, #tpu.memory_space<vmem>>[vector<16xi32>], vector<16xf32>,
      %gt3A_136 = arith.cmpf ogt, %gather3A_135, %select_n3A_128 : vector<16xf32>
      %gt3A_137 = arith.cmpf ogt, %gather3A_135, %select_n3A_123 : vector<16xf32>
      %select_n3A_138 = arith.select %gt3A_137, %gather3A_135, %select_n3A_123 : vector<16xi1>, vector<16xf32>
      %select_n3A_139 = arith.select %gt3A_136, %select_n3A_128, %select_n3A_138 : vector<16xi1>, vector<16xf32>
      %jit3A_140 = arith.constant 8 : i32
      %broadcast_in_dim3A_141 = vector.broadcast %jit3A_140 : i32 to vector<16xi32>
      %select_n3A_142 = arith.select %gt3A_137, %broadcast_in_dim3A_141, %select_n3A_127 : vector<16xi1>, vector<16xi32>
      %select_n3A_143 = arith.select %gt3A_136, %select_n3A_131, %select_n3A_142 : vector<16xi1>, vector<16xi32>
      %select_n3A_144 = arith.select %gt3A_136, %gather3A_135, %select_n3A_128 : vector<16xi1>, vector<16xf32>
      %jit3A_145 = arith.constant 8 : i32
      %broadcast_in_dim3A_146 = vector.broadcast %jit3A_145 : i32 to vector<16xi32>
      %select_n3A_147 = arith.select %gt3A_136, %broadcast_in_dim3A_146, %select_n3A_131 : vector<16xi1>, vector<16xi32>
      %add3A_148 = arith.constant 9 : i32
      %add3A_149 = vector.broadcast %add3A_148 : i32 to vector<16xi32>
      %add3A_150 = arith.addi %mul3A_17, %add3A_149 : vector<16xi32>
      %gather3A_151 = tpu.vector_load_idx %arg7[%add3A_150] : memref<32768xf32, #tpu.memory_space<vmem>>[vector<16xi32>], vector<16xf32>,
      %gt3A_152 = arith.cmpf ogt, %gather3A_151, %select_n3A_144 : vector<16xf32>
      %gt3A_153 = arith.cmpf ogt, %gather3A_151, %select_n3A_139 : vector<16xf32>
      %select_n3A_154 = arith.select %gt3A_153, %gather3A_151, %select_n3A_139 : vector<16xi1>, vector<16xf32>
      %select_n3A_155 = arith.select %gt3A_152, %select_n3A_144, %select_n3A_154 : vector<16xi1>, vector<16xf32>
      %jit3A_156 = arith.constant 9 : i32
      %broadcast_in_dim3A_157 = vector.broadcast %jit3A_156 : i32 to vector<16xi32>
      %select_n3A_158 = arith.select %gt3A_153, %broadcast_in_dim3A_157, %select_n3A_143 : vector<16xi1>, vector<16xi32>
      %select_n3A_159 = arith.select %gt3A_152, %select_n3A_147, %select_n3A_158 : vector<16xi1>, vector<16xi32>
      %select_n3A_160 = arith.select %gt3A_152, %gather3A_151, %select_n3A_144 : vector<16xi1>, vector<16xf32>
      %jit3A_161 = arith.constant 9 : i32
      %broadcast_in_dim3A_162 = vector.broadcast %jit3A_161 : i32 to vector<16xi32>
      %select_n3A_163 = arith.select %gt3A_152, %broadcast_in_dim3A_162, %select_n3A_147 : vector<16xi1>, vector<16xi32>
      %add3A_164 = arith.constant 10 : i32
      %add3A_165 = vector.broadcast %add3A_164 : i32 to vector<16xi32>
      %add3A_166 = arith.addi %mul3A_17, %add3A_165 : vector<16xi32>
      %gather3A_167 = tpu.vector_load_idx %arg7[%add3A_166] : memref<32768xf32, #tpu.memory_space<vmem>>[vector<16xi32>], vector<16xf32>,
      %gt3A_168 = arith.cmpf ogt, %gather3A_167, %select_n3A_160 : vector<16xf32>
      %gt3A_169 = arith.cmpf ogt, %gather3A_167, %select_n3A_155 : vector<16xf32>
      %select_n3A_170 = arith.select %gt3A_169, %gather3A_167, %select_n3A_155 : vector<16xi1>, vector<16xf32>
      %select_n3A_171 = arith.select %gt3A_168, %select_n3A_160, %select_n3A_170 : vector<16xi1>, vector<16xf32>
      %jit3A_172 = arith.constant 10 : i32
      %broadcast_in_dim3A_173 = vector.broadcast %jit3A_172 : i32 to vector<16xi32>
      %select_n3A_174 = arith.select %gt3A_169, %broadcast_in_dim3A_173, %select_n3A_159 : vector<16xi1>, vector<16xi32>
      %select_n3A_175 = arith.select %gt3A_168, %select_n3A_163, %select_n3A_174 : vector<16xi1>, vector<16xi32>
      %select_n3A_176 = arith.select %gt3A_168, %gather3A_167, %select_n3A_160 : vector<16xi1>, vector<16xf32>
      %jit3A_177 = arith.constant 10 : i32
      %broadcast_in_dim3A_178 = vector.broadcast %jit3A_177 : i32 to vector<16xi32>
      %select_n3A_179 = arith.select %gt3A_168, %broadcast_in_dim3A_178, %select_n3A_163 : vector<16xi1>, vector<16xi32>
      %add3A_180 = arith.constant 11 : i32
      %add3A_181 = vector.broadcast %add3A_180 : i32 to vector<16xi32>
      %add3A_182 = arith.addi %mul3A_17, %add3A_181 : vector<16xi32>
      %gather3A_183 = tpu.vector_load_idx %arg7[%add3A_182] : memref<32768xf32, #tpu.memory_space<vmem>>[vector<16xi32>], vector<16xf32>,
      %gt3A_184 = arith.cmpf ogt, %gather3A_183, %select_n3A_176 : vector<16xf32>
      %gt3A_185 = arith.cmpf ogt, %gather3A_183, %select_n3A_171 : vector<16xf32>
      %select_n3A_186 = arith.select %gt3A_185, %gather3A_183, %select_n3A_171 : vector<16xi1>, vector<16xf32>
      %select_n3A_187 = arith.select %gt3A_184, %select_n3A_176, %select_n3A_186 : vector<16xi1>, vector<16xf32>
      %jit3A_188 = arith.constant 11 : i32
      %broadcast_in_dim3A_189 = vector.broadcast %jit3A_188 : i32 to vector<16xi32>
      %select_n3A_190 = arith.select %gt3A_185, %broadcast_in_dim3A_189, %select_n3A_175 : vector<16xi1>, vector<16xi32>
      %select_n3A_191 = arith.select %gt3A_184, %select_n3A_179, %select_n3A_190 : vector<16xi1>, vector<16xi32>
      %select_n3A_192 = arith.select %gt3A_184, %gather3A_183, %select_n3A_176 : vector<16xi1>, vector<16xf32>
      %jit3A_193 = arith.constant 11 : i32
      %broadcast_in_dim3A_194 = vector.broadcast %jit3A_193 : i32 to vector<16xi32>
      %select_n3A_195 = arith.select %gt3A_184, %broadcast_in_dim3A_194, %select_n3A_179 : vector<16xi1>, vector<16xi32>
      %add3A_196 = arith.constant 12 : i32
      %add3A_197 = vector.broadcast %add3A_196 : i32 to vector<16xi32>
      %add3A_198 = arith.addi %mul3A_17, %add3A_197 : vector<16xi32>
      %gather3A_199 = tpu.vector_load_idx %arg7[%add3A_198] : memref<32768xf32, #tpu.memory_space<vmem>>[vector<16xi32>], vector<16xf32>,
      %gt3A_200 = arith.cmpf ogt, %gather3A_199, %select_n3A_192 : vector<16xf32>
      %gt3A_201 = arith.cmpf ogt, %gather3A_199, %select_n3A_187 : vector<16xf32>
      %select_n3A_202 = arith.select %gt3A_201, %gather3A_199, %select_n3A_187 : vector<16xi1>, vector<16xf32>
      %select_n3A_203 = arith.select %gt3A_200, %select_n3A_192, %select_n3A_202 : vector<16xi1>, vector<16xf32>
      %jit3A_204 = arith.constant 12 : i32
      %broadcast_in_dim3A_205 = vector.broadcast %jit3A_204 : i32 to vector<16xi32>
      %select_n3A_206 = arith.select %gt3A_201, %broadcast_in_dim3A_205, %select_n3A_191 : vector<16xi1>, vector<16xi32>
      %select_n3A_207 = arith.select %gt3A_200, %select_n3A_195, %select_n3A_206 : vector<16xi1>, vector<16xi32>
      %select_n3A_208 = arith.select %gt3A_200, %gather3A_199, %select_n3A_192 : vector<16xi1>, vector<16xf32>
      %jit3A_209 = arith.constant 12 : i32
      %broadcast_in_dim3A_210 = vector.broadcast %jit3A_209 : i32 to vector<16xi32>
      %select_n3A_211 = arith.select %gt3A_200, %broadcast_in_dim3A_210, %select_n3A_195 : vector<16xi1>, vector<16xi32>
      %add3A_212 = arith.constant 13 : i32
      %add3A_213 = vector.broadcast %add3A_212 : i32 to vector<16xi32>
      %add3A_214 = arith.addi %mul3A_17, %add3A_213 : vector<16xi32>
      %gather3A_215 = tpu.vector_load_idx %arg7[%add3A_214] : memref<32768xf32, #tpu.memory_space<vmem>>[vector<16xi32>], vector<16xf32>,
      %gt3A_216 = arith.cmpf ogt, %gather3A_215, %select_n3A_208 : vector<16xf32>
      %gt3A_217 = arith.cmpf ogt, %gather3A_215, %select_n3A_203 : vector<16xf32>
      %select_n3A_218 = arith.select %gt3A_217, %gather3A_215, %select_n3A_203 : vector<16xi1>, vector<16xf32>
      %select_n3A_219 = arith.select %gt3A_216, %select_n3A_208, %select_n3A_218 : vector<16xi1>, vector<16xf32>
      %jit3A_220 = arith.constant 13 : i32
      %broadcast_in_dim3A_221 = vector.broadcast %jit3A_220 : i32 to vector<16xi32>
      %select_n3A_222 = arith.select %gt3A_217, %broadcast_in_dim3A_221, %select_n3A_207 : vector<16xi1>, vector<16xi32>
      %select_n3A_223 = arith.select %gt3A_216, %select_n3A_211, %select_n3A_222 : vector<16xi1>, vector<16xi32>
      %select_n3A_224 = arith.select %gt3A_216, %gather3A_215, %select_n3A_208 : vector<16xi1>, vector<16xf32>
      %jit3A_225 = arith.constant 13 : i32
      %broadcast_in_dim3A_226 = vector.broadcast %jit3A_225 : i32 to vector<16xi32>
      %select_n3A_227 = arith.select %gt3A_216, %broadcast_in_dim3A_226, %select_n3A_211 : vector<16xi1>, vector<16xi32>
      %add3A_228 = arith.constant 14 : i32
      %add3A_229 = vector.broadcast %add3A_228 : i32 to vector<16xi32>
      %add3A_230 = arith.addi %mul3A_17, %add3A_229 : vector<16xi32>
      %gather3A_231 = tpu.vector_load_idx %arg7[%add3A_230] : memref<32768xf32, #tpu.memory_space<vmem>>[vector<16xi32>], vector<16xf32>,
      %gt3A_232 = arith.cmpf ogt, %gather3A_231, %select_n3A_224 : vector<16xf32>
      %gt3A_233 = arith.cmpf ogt, %gather3A_231, %select_n3A_219 : vector<16xf32>
      %select_n3A_234 = arith.select %gt3A_233, %gather3A_231, %select_n3A_219 : vector<16xi1>, vector<16xf32>
      %select_n3A_235 = arith.select %gt3A_232, %select_n3A_224, %select_n3A_234 : vector<16xi1>, vector<16xf32>
      %jit3A_236 = arith.constant 14 : i32
      %broadcast_in_dim3A_237 = vector.broadcast %jit3A_236 : i32 to vector<16xi32>
      %select_n3A_238 = arith.select %gt3A_233, %broadcast_in_dim3A_237, %select_n3A_223 : vector<16xi1>, vector<16xi32>
      %select_n3A_239 = arith.select %gt3A_232, %select_n3A_227, %select_n3A_238 : vector<16xi1>, vector<16xi32>
      %select_n3A_240 = arith.select %gt3A_232, %gather3A_231, %select_n3A_224 : vector<16xi1>, vector<16xf32>
      %jit3A_241 = arith.constant 14 : i32
      %broadcast_in_dim3A_242 = vector.broadcast %jit3A_241 : i32 to vector<16xi32>
      %select_n3A_243 = arith.select %gt3A_232, %broadcast_in_dim3A_242, %select_n3A_227 : vector<16xi1>, vector<16xi32>
      %add3A_244 = arith.constant 15 : i32
      %add3A_245 = vector.broadcast %add3A_244 : i32 to vector<16xi32>
      %add3A_246 = arith.addi %mul3A_17, %add3A_245 : vector<16xi32>
      %gather3A_247 = tpu.vector_load_idx %arg7[%add3A_246] : memref<32768xf32, #tpu.memory_space<vmem>>[vector<16xi32>], vector<16xf32>,
      %gt3A_248 = arith.cmpf ogt, %gather3A_247, %select_n3A_240 : vector<16xf32>
      %gt3A_249 = arith.cmpf ogt, %gather3A_247, %select_n3A_235 : vector<16xf32>
      %select_n3A_250 = arith.select %gt3A_249, %gather3A_247, %select_n3A_235 : vector<16xi1>, vector<16xf32>
      %select_n3A_251 = arith.select %gt3A_248, %select_n3A_240, %select_n3A_250 : vector<16xi1>, vector<16xf32>
      %jit3A_252 = arith.constant 15 : i32
      %broadcast_in_dim3A_253 = vector.broadcast %jit3A_252 : i32 to vector<16xi32>
      %select_n3A_254 = arith.select %gt3A_249, %broadcast_in_dim3A_253, %select_n3A_239 : vector<16xi1>, vector<16xi32>
      %select_n3A_255 = arith.select %gt3A_248, %select_n3A_243, %select_n3A_254 : vector<16xi1>, vector<16xi32>
      %select_n3A_256 = arith.select %gt3A_248, %gather3A_247, %select_n3A_240 : vector<16xi1>, vector<16xf32>
      %jit3A_257 = arith.constant 15 : i32
      %broadcast_in_dim3A_258 = vector.broadcast %jit3A_257 : i32 to vector<16xi32>
      %select_n3A_259 = arith.select %gt3A_248, %broadcast_in_dim3A_258, %select_n3A_243 : vector<16xi1>, vector<16xi32>
      %add3A_260 = arith.constant 16 : i32
      %add3A_261 = vector.broadcast %add3A_260 : i32 to vector<16xi32>
      %add3A_262 = arith.addi %mul3A_17, %add3A_261 : vector<16xi32>
      %gather3A_263 = tpu.vector_load_idx %arg7[%add3A_262] : memref<32768xf32, #tpu.memory_space<vmem>>[vector<16xi32>], vector<16xf32>,
      %gt3A_264 = arith.cmpf ogt, %gather3A_263, %select_n3A_256 : vector<16xf32>
      %gt3A_265 = arith.cmpf ogt, %gather3A_263, %select_n3A_251 : vector<16xf32>
      %select_n3A_266 = arith.select %gt3A_265, %gather3A_263, %select_n3A_251 : vector<16xi1>, vector<16xf32>
      %select_n3A_267 = arith.select %gt3A_264, %select_n3A_256, %select_n3A_266 : vector<16xi1>, vector<16xf32>
      %jit3A_268 = arith.constant 16 : i32
      %broadcast_in_dim3A_269 = vector.broadcast %jit3A_268 : i32 to vector<16xi32>
      %select_n3A_270 = arith.select %gt3A_265, %broadcast_in_dim3A_269, %select_n3A_255 : vector<16xi1>, vector<16xi32>
      %select_n3A_271 = arith.select %gt3A_264, %select_n3A_259, %select_n3A_270 : vector<16xi1>, vector<16xi32>
      %select_n3A_272 = arith.select %gt3A_264, %gather3A_263, %select_n3A_256 : vector<16xi1>, vector<16xf32>
      %jit3A_273 = arith.constant 16 : i32
      %broadcast_in_dim3A_274 = vector.broadcast %jit3A_273 : i32 to vector<16xi32>
      %select_n3A_275 = arith.select %gt3A_264, %broadcast_in_dim3A_274, %select_n3A_259 : vector<16xi1>, vector<16xi32>
      %add3A_276 = arith.constant 17 : i32
      %add3A_277 = vector.broadcast %add3A_276 : i32 to vector<16xi32>
      %add3A_278 = arith.addi %mul3A_17, %add3A_277 : vector<16xi32>
      %gather3A_279 = tpu.vector_load_idx %arg7[%add3A_278] : memref<32768xf32, #tpu.memory_space<vmem>>[vector<16xi32>], vector<16xf32>,
      %gt3A_280 = arith.cmpf ogt, %gather3A_279, %select_n3A_272 : vector<16xf32>
      %gt3A_281 = arith.cmpf ogt, %gather3A_279, %select_n3A_267 : vector<16xf32>
      %select_n3A_282 = arith.select %gt3A_281, %gather3A_279, %select_n3A_267 : vector<16xi1>, vector<16xf32>
      %select_n3A_283 = arith.select %gt3A_280, %select_n3A_272, %select_n3A_282 : vector<16xi1>, vector<16xf32>
      %jit3A_284 = arith.constant 17 : i32
      %broadcast_in_dim3A_285 = vector.broadcast %jit3A_284 : i32 to vector<16xi32>
      %select_n3A_286 = arith.select %gt3A_281, %broadcast_in_dim3A_285, %select_n3A_271 : vector<16xi1>, vector<16xi32>
      %select_n3A_287 = arith.select %gt3A_280, %select_n3A_275, %select_n3A_286 : vector<16xi1>, vector<16xi32>
      %select_n3A_288 = arith.select %gt3A_280, %gather3A_279, %select_n3A_272 : vector<16xi1>, vector<16xf32>
      %jit3A_289 = arith.constant 17 : i32
      %broadcast_in_dim3A_290 = vector.broadcast %jit3A_289 : i32 to vector<16xi32>
      %select_n3A_291 = arith.select %gt3A_280, %broadcast_in_dim3A_290, %select_n3A_275 : vector<16xi1>, vector<16xi32>
      %add3A_292 = arith.constant 18 : i32
      %add3A_293 = vector.broadcast %add3A_292 : i32 to vector<16xi32>
      %add3A_294 = arith.addi %mul3A_17, %add3A_293 : vector<16xi32>
      %gather3A_295 = tpu.vector_load_idx %arg7[%add3A_294] : memref<32768xf32, #tpu.memory_space<vmem>>[vector<16xi32>], vector<16xf32>,
      %gt3A_296 = arith.cmpf ogt, %gather3A_295, %select_n3A_288 : vector<16xf32>
      %gt3A_297 = arith.cmpf ogt, %gather3A_295, %select_n3A_283 : vector<16xf32>
      %select_n3A_298 = arith.select %gt3A_297, %gather3A_295, %select_n3A_283 : vector<16xi1>, vector<16xf32>
      %select_n3A_299 = arith.select %gt3A_296, %select_n3A_288, %select_n3A_298 : vector<16xi1>, vector<16xf32>
      %jit3A_300 = arith.constant 18 : i32
      %broadcast_in_dim3A_301 = vector.broadcast %jit3A_300 : i32 to vector<16xi32>
      %select_n3A_302 = arith.select %gt3A_297, %broadcast_in_dim3A_301, %select_n3A_287 : vector<16xi1>, vector<16xi32>
      %select_n3A_303 = arith.select %gt3A_296, %select_n3A_291, %select_n3A_302 : vector<16xi1>, vector<16xi32>
      %select_n3A_304 = arith.select %gt3A_296, %gather3A_295, %select_n3A_288 : vector<16xi1>, vector<16xf32>
      %jit3A_305 = arith.constant 18 : i32
      %broadcast_in_dim3A_306 = vector.broadcast %jit3A_305 : i32 to vector<16xi32>
      %select_n3A_307 = arith.select %gt3A_296, %broadcast_in_dim3A_306, %select_n3A_291 : vector<16xi1>, vector<16xi32>
      %add3A_308 = arith.constant 19 : i32
      %add3A_309 = vector.broadcast %add3A_308 : i32 to vector<16xi32>
      %add3A_310 = arith.addi %mul3A_17, %add3A_309 : vector<16xi32>
      %gather3A_311 = tpu.vector_load_idx %arg7[%add3A_310] : memref<32768xf32, #tpu.memory_space<vmem>>[vector<16xi32>], vector<16xf32>,
      %gt3A_312 = arith.cmpf ogt, %gather3A_311, %select_n3A_304 : vector<16xf32>
      %gt3A_313 = arith.cmpf ogt, %gather3A_311, %select_n3A_299 : vector<16xf32>
      %select_n3A_314 = arith.select %gt3A_313, %gather3A_311, %select_n3A_299 : vector<16xi1>, vector<16xf32>
      %select_n3A_315 = arith.select %gt3A_312, %select_n3A_304, %select_n3A_314 : vector<16xi1>, vector<16xf32>
      %jit3A_316 = arith.constant 19 : i32
      %broadcast_in_dim3A_317 = vector.broadcast %jit3A_316 : i32 to vector<16xi32>
      %select_n3A_318 = arith.select %gt3A_313, %broadcast_in_dim3A_317, %select_n3A_303 : vector<16xi1>, vector<16xi32>
      %select_n3A_319 = arith.select %gt3A_312, %select_n3A_307, %select_n3A_318 : vector<16xi1>, vector<16xi32>
      %select_n3A_320 = arith.select %gt3A_312, %gather3A_311, %select_n3A_304 : vector<16xi1>, vector<16xf32>
      %jit3A_321 = arith.constant 19 : i32
      %broadcast_in_dim3A_322 = vector.broadcast %jit3A_321 : i32 to vector<16xi32>
      %select_n3A_323 = arith.select %gt3A_312, %broadcast_in_dim3A_322, %select_n3A_307 : vector<16xi1>, vector<16xi32>
      %add3A_324 = arith.constant 20 : i32
      %add3A_325 = vector.broadcast %add3A_324 : i32 to vector<16xi32>
      %add3A_326 = arith.addi %mul3A_17, %add3A_325 : vector<16xi32>
      %gather3A_327 = tpu.vector_load_idx %arg7[%add3A_326] : memref<32768xf32, #tpu.memory_space<vmem>>[vector<16xi32>], vector<16xf32>,
      %gt3A_328 = arith.cmpf ogt, %gather3A_327, %select_n3A_320 : vector<16xf32>
      %gt3A_329 = arith.cmpf ogt, %gather3A_327, %select_n3A_315 : vector<16xf32>
      %select_n3A_330 = arith.select %gt3A_329, %gather3A_327, %select_n3A_315 : vector<16xi1>, vector<16xf32>
      %select_n3A_331 = arith.select %gt3A_328, %select_n3A_320, %select_n3A_330 : vector<16xi1>, vector<16xf32>
      %jit3A_332 = arith.constant 20 : i32
      %broadcast_in_dim3A_333 = vector.broadcast %jit3A_332 : i32 to vector<16xi32>
      %select_n3A_334 = arith.select %gt3A_329, %broadcast_in_dim3A_333, %select_n3A_319 : vector<16xi1>, vector<16xi32>
      %select_n3A_335 = arith.select %gt3A_328, %select_n3A_323, %select_n3A_334 : vector<16xi1>, vector<16xi32>
      %select_n3A_336 = arith.select %gt3A_328, %gather3A_327, %select_n3A_320 : vector<16xi1>, vector<16xf32>
      %jit3A_337 = arith.constant 20 : i32
      %broadcast_in_dim3A_338 = vector.broadcast %jit3A_337 : i32 to vector<16xi32>
      %select_n3A_339 = arith.select %gt3A_328, %broadcast_in_dim3A_338, %select_n3A_323 : vector<16xi1>, vector<16xi32>
      %add3A_340 = arith.constant 21 : i32
      %add3A_341 = vector.broadcast %add3A_340 : i32 to vector<16xi32>
      %add3A_342 = arith.addi %mul3A_17, %add3A_341 : vector<16xi32>
      %gather3A_343 = tpu.vector_load_idx %arg7[%add3A_342] : memref<32768xf32, #tpu.memory_space<vmem>>[vector<16xi32>], vector<16xf32>,
      %gt3A_344 = arith.cmpf ogt, %gather3A_343, %select_n3A_336 : vector<16xf32>
      %gt3A_345 = arith.cmpf ogt, %gather3A_343, %select_n3A_331 : vector<16xf32>
      %select_n3A_346 = arith.select %gt3A_345, %gather3A_343, %select_n3A_331 : vector<16xi1>, vector<16xf32>
      %select_n3A_347 = arith.select %gt3A_344, %select_n3A_336, %select_n3A_346 : vector<16xi1>, vector<16xf32>
      %jit3A_348 = arith.constant 21 : i32
      %broadcast_in_dim3A_349 = vector.broadcast %jit3A_348 : i32 to vector<16xi32>
      %select_n3A_350 = arith.select %gt3A_345, %broadcast_in_dim3A_349, %select_n3A_335 : vector<16xi1>, vector<16xi32>
      %select_n3A_351 = arith.select %gt3A_344, %select_n3A_339, %select_n3A_350 : vector<16xi1>, vector<16xi32>
      %select_n3A_352 = arith.select %gt3A_344, %gather3A_343, %select_n3A_336 : vector<16xi1>, vector<16xf32>
      %jit3A_353 = arith.constant 21 : i32
      %broadcast_in_dim3A_354 = vector.broadcast %jit3A_353 : i32 to vector<16xi32>
      %select_n3A_355 = arith.select %gt3A_344, %broadcast_in_dim3A_354, %select_n3A_339 : vector<16xi1>, vector<16xi32>
      %add3A_356 = arith.constant 22 : i32
      %add3A_357 = vector.broadcast %add3A_356 : i32 to vector<16xi32>
      %add3A_358 = arith.addi %mul3A_17, %add3A_357 : vector<16xi32>
      %gather3A_359 = tpu.vector_load_idx %arg7[%add3A_358] : memref<32768xf32, #tpu.memory_space<vmem>>[vector<16xi32>], vector<16xf32>,
      %gt3A_360 = arith.cmpf ogt, %gather3A_359, %select_n3A_352 : vector<16xf32>
      %gt3A_361 = arith.cmpf ogt, %gather3A_359, %select_n3A_347 : vector<16xf32>
      %select_n3A_362 = arith.select %gt3A_361, %gather3A_359, %select_n3A_347 : vector<16xi1>, vector<16xf32>
      %select_n3A_363 = arith.select %gt3A_360, %select_n3A_352, %select_n3A_362 : vector<16xi1>, vector<16xf32>
      %jit3A_364 = arith.constant 22 : i32
      %broadcast_in_dim3A_365 = vector.broadcast %jit3A_364 : i32 to vector<16xi32>
      %select_n3A_366 = arith.select %gt3A_361, %broadcast_in_dim3A_365, %select_n3A_351 : vector<16xi1>, vector<16xi32>
      %select_n3A_367 = arith.select %gt3A_360, %select_n3A_355, %select_n3A_366 : vector<16xi1>, vector<16xi32>
      %select_n3A_368 = arith.select %gt3A_360, %gather3A_359, %select_n3A_352 : vector<16xi1>, vector<16xf32>
      %jit3A_369 = arith.constant 22 : i32
      %broadcast_in_dim3A_370 = vector.broadcast %jit3A_369 : i32 to vector<16xi32>
      %select_n3A_371 = arith.select %gt3A_360, %broadcast_in_dim3A_370, %select_n3A_355 : vector<16xi1>, vector<16xi32>
      %add3A_372 = arith.constant 23 : i32
      %add3A_373 = vector.broadcast %add3A_372 : i32 to vector<16xi32>
      %add3A_374 = arith.addi %mul3A_17, %add3A_373 : vector<16xi32>
      %gather3A_375 = tpu.vector_load_idx %arg7[%add3A_374] : memref<32768xf32, #tpu.memory_space<vmem>>[vector<16xi32>], vector<16xf32>,
      %gt3A_376 = arith.cmpf ogt, %gather3A_375, %select_n3A_368 : vector<16xf32>
      %gt3A_377 = arith.cmpf ogt, %gather3A_375, %select_n3A_363 : vector<16xf32>
      %select_n3A_378 = arith.select %gt3A_377, %gather3A_375, %select_n3A_363 : vector<16xi1>, vector<16xf32>
      %select_n3A_379 = arith.select %gt3A_376, %select_n3A_368, %select_n3A_378 : vector<16xi1>, vector<16xf32>
      %jit3A_380 = arith.constant 23 : i32
      %broadcast_in_dim3A_381 = vector.broadcast %jit3A_380 : i32 to vector<16xi32>
      %select_n3A_382 = arith.select %gt3A_377, %broadcast_in_dim3A_381, %select_n3A_367 : vector<16xi1>, vector<16xi32>
      %select_n3A_383 = arith.select %gt3A_376, %select_n3A_371, %select_n3A_382 : vector<16xi1>, vector<16xi32>
      %select_n3A_384 = arith.select %gt3A_376, %gather3A_375, %select_n3A_368 : vector<16xi1>, vector<16xf32>
      %jit3A_385 = arith.constant 23 : i32
      %broadcast_in_dim3A_386 = vector.broadcast %jit3A_385 : i32 to vector<16xi32>
      %select_n3A_387 = arith.select %gt3A_376, %broadcast_in_dim3A_386, %select_n3A_371 : vector<16xi1>, vector<16xi32>
      %add3A_388 = arith.constant 24 : i32
      %add3A_389 = vector.broadcast %add3A_388 : i32 to vector<16xi32>
      %add3A_390 = arith.addi %mul3A_17, %add3A_389 : vector<16xi32>
      %gather3A_391 = tpu.vector_load_idx %arg7[%add3A_390] : memref<32768xf32, #tpu.memory_space<vmem>>[vector<16xi32>], vector<16xf32>,
      %gt3A_392 = arith.cmpf ogt, %gather3A_391, %select_n3A_384 : vector<16xf32>
      %gt3A_393 = arith.cmpf ogt, %gather3A_391, %select_n3A_379 : vector<16xf32>
      %select_n3A_394 = arith.select %gt3A_393, %gather3A_391, %select_n3A_379 : vector<16xi1>, vector<16xf32>
      %select_n3A_395 = arith.select %gt3A_392, %select_n3A_384, %select_n3A_394 : vector<16xi1>, vector<16xf32>
      %jit3A_396 = arith.constant 24 : i32
      %broadcast_in_dim3A_397 = vector.broadcast %jit3A_396 : i32 to vector<16xi32>
      %select_n3A_398 = arith.select %gt3A_393, %broadcast_in_dim3A_397, %select_n3A_383 : vector<16xi1>, vector<16xi32>
      %select_n3A_399 = arith.select %gt3A_392, %select_n3A_387, %select_n3A_398 : vector<16xi1>, vector<16xi32>
      %select_n3A_400 = arith.select %gt3A_392, %gather3A_391, %select_n3A_384 : vector<16xi1>, vector<16xf32>
      %jit3A_401 = arith.constant 24 : i32
      %broadcast_in_dim3A_402 = vector.broadcast %jit3A_401 : i32 to vector<16xi32>
      %select_n3A_403 = arith.select %gt3A_392, %broadcast_in_dim3A_402, %select_n3A_387 : vector<16xi1>, vector<16xi32>
      %add3A_404 = arith.constant 25 : i32
      %add3A_405 = vector.broadcast %add3A_404 : i32 to vector<16xi32>
      %add3A_406 = arith.addi %mul3A_17, %add3A_405 : vector<16xi32>
      %gather3A_407 = tpu.vector_load_idx %arg7[%add3A_406] : memref<32768xf32, #tpu.memory_space<vmem>>[vector<16xi32>], vector<16xf32>,
      %gt3A_408 = arith.cmpf ogt, %gather3A_407, %select_n3A_400 : vector<16xf32>
      %gt3A_409 = arith.cmpf ogt, %gather3A_407, %select_n3A_395 : vector<16xf32>
      %select_n3A_410 = arith.select %gt3A_409, %gather3A_407, %select_n3A_395 : vector<16xi1>, vector<16xf32>
      %select_n3A_411 = arith.select %gt3A_408, %select_n3A_400, %select_n3A_410 : vector<16xi1>, vector<16xf32>
      %jit3A_412 = arith.constant 25 : i32
      %broadcast_in_dim3A_413 = vector.broadcast %jit3A_412 : i32 to vector<16xi32>
      %select_n3A_414 = arith.select %gt3A_409, %broadcast_in_dim3A_413, %select_n3A_399 : vector<16xi1>, vector<16xi32>
      %select_n3A_415 = arith.select %gt3A_408, %select_n3A_403, %select_n3A_414 : vector<16xi1>, vector<16xi32>
      %select_n3A_416 = arith.select %gt3A_408, %gather3A_407, %select_n3A_400 : vector<16xi1>, vector<16xf32>
      %jit3A_417 = arith.constant 25 : i32
      %broadcast_in_dim3A_418 = vector.broadcast %jit3A_417 : i32 to vector<16xi32>
      %select_n3A_419 = arith.select %gt3A_408, %broadcast_in_dim3A_418, %select_n3A_403 : vector<16xi1>, vector<16xi32>
      %add3A_420 = arith.constant 26 : i32
      %add3A_421 = vector.broadcast %add3A_420 : i32 to vector<16xi32>
      %add3A_422 = arith.addi %mul3A_17, %add3A_421 : vector<16xi32>
      %gather3A_423 = tpu.vector_load_idx %arg7[%add3A_422] : memref<32768xf32, #tpu.memory_space<vmem>>[vector<16xi32>], vector<16xf32>,
      %gt3A_424 = arith.cmpf ogt, %gather3A_423, %select_n3A_416 : vector<16xf32>
      %gt3A_425 = arith.cmpf ogt, %gather3A_423, %select_n3A_411 : vector<16xf32>
      %select_n3A_426 = arith.select %gt3A_425, %gather3A_423, %select_n3A_411 : vector<16xi1>, vector<16xf32>
      %select_n3A_427 = arith.select %gt3A_424, %select_n3A_416, %select_n3A_426 : vector<16xi1>, vector<16xf32>
      %jit3A_428 = arith.constant 26 : i32
      %broadcast_in_dim3A_429 = vector.broadcast %jit3A_428 : i32 to vector<16xi32>
      %select_n3A_430 = arith.select %gt3A_425, %broadcast_in_dim3A_429, %select_n3A_415 : vector<16xi1>, vector<16xi32>
      %select_n3A_431 = arith.select %gt3A_424, %select_n3A_419, %select_n3A_430 : vector<16xi1>, vector<16xi32>
      %select_n3A_432 = arith.select %gt3A_424, %gather3A_423, %select_n3A_416 : vector<16xi1>, vector<16xf32>
      %jit3A_433 = arith.constant 26 : i32
      %broadcast_in_dim3A_434 = vector.broadcast %jit3A_433 : i32 to vector<16xi32>
      %select_n3A_435 = arith.select %gt3A_424, %broadcast_in_dim3A_434, %select_n3A_419 : vector<16xi1>, vector<16xi32>
      %add3A_436 = arith.constant 27 : i32
      %add3A_437 = vector.broadcast %add3A_436 : i32 to vector<16xi32>
      %add3A_438 = arith.addi %mul3A_17, %add3A_437 : vector<16xi32>
      %gather3A_439 = tpu.vector_load_idx %arg7[%add3A_438] : memref<32768xf32, #tpu.memory_space<vmem>>[vector<16xi32>], vector<16xf32>,
      %gt3A_440 = arith.cmpf ogt, %gather3A_439, %select_n3A_432 : vector<16xf32>
      %gt3A_441 = arith.cmpf ogt, %gather3A_439, %select_n3A_427 : vector<16xf32>
      %select_n3A_442 = arith.select %gt3A_441, %gather3A_439, %select_n3A_427 : vector<16xi1>, vector<16xf32>
      %select_n3A_443 = arith.select %gt3A_440, %select_n3A_432, %select_n3A_442 : vector<16xi1>, vector<16xf32>
      %jit3A_444 = arith.constant 27 : i32
      %broadcast_in_dim3A_445 = vector.broadcast %jit3A_444 : i32 to vector<16xi32>
      %select_n3A_446 = arith.select %gt3A_441, %broadcast_in_dim3A_445, %select_n3A_431 : vector<16xi1>, vector<16xi32>
      %select_n3A_447 = arith.select %gt3A_440, %select_n3A_435, %select_n3A_446 : vector<16xi1>, vector<16xi32>
      %select_n3A_448 = arith.select %gt3A_440, %gather3A_439, %select_n3A_432 : vector<16xi1>, vector<16xf32>
      %jit3A_449 = arith.constant 27 : i32
      %broadcast_in_dim3A_450 = vector.broadcast %jit3A_449 : i32 to vector<16xi32>
      %select_n3A_451 = arith.select %gt3A_440, %broadcast_in_dim3A_450, %select_n3A_435 : vector<16xi1>, vector<16xi32>
      %add3A_452 = arith.constant 28 : i32
      %add3A_453 = vector.broadcast %add3A_452 : i32 to vector<16xi32>
      %add3A_454 = arith.addi %mul3A_17, %add3A_453 : vector<16xi32>
      %gather3A_455 = tpu.vector_load_idx %arg7[%add3A_454] : memref<32768xf32, #tpu.memory_space<vmem>>[vector<16xi32>], vector<16xf32>,
      %gt3A_456 = arith.cmpf ogt, %gather3A_455, %select_n3A_448 : vector<16xf32>
      %gt3A_457 = arith.cmpf ogt, %gather3A_455, %select_n3A_443 : vector<16xf32>
      %select_n3A_458 = arith.select %gt3A_457, %gather3A_455, %select_n3A_443 : vector<16xi1>, vector<16xf32>
      %select_n3A_459 = arith.select %gt3A_456, %select_n3A_448, %select_n3A_458 : vector<16xi1>, vector<16xf32>
      %jit3A_460 = arith.constant 28 : i32
      %broadcast_in_dim3A_461 = vector.broadcast %jit3A_460 : i32 to vector<16xi32>
      %select_n3A_462 = arith.select %gt3A_457, %broadcast_in_dim3A_461, %select_n3A_447 : vector<16xi1>, vector<16xi32>
      %select_n3A_463 = arith.select %gt3A_456, %select_n3A_451, %select_n3A_462 : vector<16xi1>, vector<16xi32>
      %select_n3A_464 = arith.select %gt3A_456, %gather3A_455, %select_n3A_448 : vector<16xi1>, vector<16xf32>
      %jit3A_465 = arith.constant 28 : i32
      %broadcast_in_dim3A_466 = vector.broadcast %jit3A_465 : i32 to vector<16xi32>
      %select_n3A_467 = arith.select %gt3A_456, %broadcast_in_dim3A_466, %select_n3A_451 : vector<16xi1>, vector<16xi32>
      %add3A_468 = arith.constant 29 : i32
      %add3A_469 = vector.broadcast %add3A_468 : i32 to vector<16xi32>
      %add3A_470 = arith.addi %mul3A_17, %add3A_469 : vector<16xi32>
      %gather3A_471 = tpu.vector_load_idx %arg7[%add3A_470] : memref<32768xf32, #tpu.memory_space<vmem>>[vector<16xi32>], vector<16xf32>,
      %gt3A_472 = arith.cmpf ogt, %gather3A_471, %select_n3A_464 : vector<16xf32>
      %gt3A_473 = arith.cmpf ogt, %gather3A_471, %select_n3A_459 : vector<16xf32>
      %select_n3A_474 = arith.select %gt3A_473, %gather3A_471, %select_n3A_459 : vector<16xi1>, vector<16xf32>
      %select_n3A_475 = arith.select %gt3A_472, %select_n3A_464, %select_n3A_474 : vector<16xi1>, vector<16xf32>
      %jit3A_476 = arith.constant 29 : i32
      %broadcast_in_dim3A_477 = vector.broadcast %jit3A_476 : i32 to vector<16xi32>
      %select_n3A_478 = arith.select %gt3A_473, %broadcast_in_dim3A_477, %select_n3A_463 : vector<16xi1>, vector<16xi32>
      %select_n3A_479 = arith.select %gt3A_472, %select_n3A_467, %select_n3A_478 : vector<16xi1>, vector<16xi32>
      %select_n3A_480 = arith.select %gt3A_472, %gather3A_471, %select_n3A_464 : vector<16xi1>, vector<16xf32>
      %jit3A_481 = arith.constant 29 : i32
      %broadcast_in_dim3A_482 = vector.broadcast %jit3A_481 : i32 to vector<16xi32>
      %select_n3A_483 = arith.select %gt3A_472, %broadcast_in_dim3A_482, %select_n3A_467 : vector<16xi1>, vector<16xi32>
      %add3A_484 = arith.constant 30 : i32
      %add3A_485 = vector.broadcast %add3A_484 : i32 to vector<16xi32>
      %add3A_486 = arith.addi %mul3A_17, %add3A_485 : vector<16xi32>
      %gather3A_487 = tpu.vector_load_idx %arg7[%add3A_486] : memref<32768xf32, #tpu.memory_space<vmem>>[vector<16xi32>], vector<16xf32>,
      %gt3A_488 = arith.cmpf ogt, %gather3A_487, %select_n3A_480 : vector<16xf32>
      %gt3A_489 = arith.cmpf ogt, %gather3A_487, %select_n3A_475 : vector<16xf32>
      %select_n3A_490 = arith.select %gt3A_489, %gather3A_487, %select_n3A_475 : vector<16xi1>, vector<16xf32>
      %select_n3A_491 = arith.select %gt3A_488, %select_n3A_480, %select_n3A_490 : vector<16xi1>, vector<16xf32>
      %jit3A_492 = arith.constant 30 : i32
      %broadcast_in_dim3A_493 = vector.broadcast %jit3A_492 : i32 to vector<16xi32>
      %select_n3A_494 = arith.select %gt3A_489, %broadcast_in_dim3A_493, %select_n3A_479 : vector<16xi1>, vector<16xi32>
      %select_n3A_495 = arith.select %gt3A_488, %select_n3A_483, %select_n3A_494 : vector<16xi1>, vector<16xi32>
      %select_n3A_496 = arith.select %gt3A_488, %gather3A_487, %select_n3A_480 : vector<16xi1>, vector<16xf32>
      %jit3A_497 = arith.constant 30 : i32
      %broadcast_in_dim3A_498 = vector.broadcast %jit3A_497 : i32 to vector<16xi32>
      %select_n3A_499 = arith.select %gt3A_488, %broadcast_in_dim3A_498, %select_n3A_483 : vector<16xi1>, vector<16xi32>
      %add3A_500 = arith.constant 31 : i32
      %add3A_501 = vector.broadcast %add3A_500 : i32 to vector<16xi32>
      %add3A_502 = arith.addi %mul3A_17, %add3A_501 : vector<16xi32>
      %gather3A_503 = tpu.vector_load_idx %arg7[%add3A_502] : memref<32768xf32, #tpu.memory_space<vmem>>[vector<16xi32>], vector<16xf32>,
      %gt3A_504 = arith.cmpf ogt, %gather3A_503, %select_n3A_496 : vector<16xf32>
      %gt3A_505 = arith.cmpf ogt, %gather3A_503, %select_n3A_491 : vector<16xf32>
      %select_n3A_506 = arith.select %gt3A_505, %gather3A_503, %select_n3A_491 : vector<16xi1>, vector<16xf32>
      %select_n3A_507 = arith.select %gt3A_504, %select_n3A_496, %select_n3A_506 : vector<16xi1>, vector<16xf32>
      %jit3A_508 = arith.constant 31 : i32
      %broadcast_in_dim3A_509 = vector.broadcast %jit3A_508 : i32 to vector<16xi32>
      %select_n3A_510 = arith.select %gt3A_505, %broadcast_in_dim3A_509, %select_n3A_495 : vector<16xi1>, vector<16xi32>
      %select_n3A_511 = arith.select %gt3A_504, %select_n3A_499, %select_n3A_510 : vector<16xi1>, vector<16xi32>
      %select_n3A_512 = arith.select %gt3A_504, %gather3A_503, %select_n3A_496 : vector<16xi1>, vector<16xf32>
      %jit3A_513 = arith.constant 31 : i32
      %broadcast_in_dim3A_514 = vector.broadcast %jit3A_513 : i32 to vector<16xi32>
      %select_n3A_515 = arith.select %gt3A_504, %broadcast_in_dim3A_514, %select_n3A_499 : vector<16xi1>, vector<16xi32>
      %add3A_516 = arith.constant 32 : i32
      %add3A_517 = vector.broadcast %add3A_516 : i32 to vector<16xi32>
      %add3A_518 = arith.addi %mul3A_17, %add3A_517 : vector<16xi32>
      %gather3A_519 = tpu.vector_load_idx %arg7[%add3A_518] : memref<32768xf32, #tpu.memory_space<vmem>>[vector<16xi32>], vector<16xf32>,
      %gt3A_520 = arith.cmpf ogt, %gather3A_519, %select_n3A_512 : vector<16xf32>
      %gt3A_521 = arith.cmpf ogt, %gather3A_519, %select_n3A_507 : vector<16xf32>
      %select_n3A_522 = arith.select %gt3A_521, %gather3A_519, %select_n3A_507 : vector<16xi1>, vector<16xf32>
      %select_n3A_523 = arith.select %gt3A_520, %select_n3A_512, %select_n3A_522 : vector<16xi1>, vector<16xf32>
      %jit3A_524 = arith.constant 32 : i32
      %broadcast_in_dim3A_525 = vector.broadcast %jit3A_524 : i32 to vector<16xi32>
      %select_n3A_526 = arith.select %gt3A_521, %broadcast_in_dim3A_525, %select_n3A_511 : vector<16xi1>, vector<16xi32>
      %select_n3A_527 = arith.select %gt3A_520, %select_n3A_515, %select_n3A_526 : vector<16xi1>, vector<16xi32>
      %select_n3A_528 = arith.select %gt3A_520, %gather3A_519, %select_n3A_512 : vector<16xi1>, vector<16xf32>
      %jit3A_529 = arith.constant 32 : i32
      %broadcast_in_dim3A_530 = vector.broadcast %jit3A_529 : i32 to vector<16xi32>
      %select_n3A_531 = arith.select %gt3A_520, %broadcast_in_dim3A_530, %select_n3A_515 : vector<16xi1>, vector<16xi32>
      %add3A_532 = arith.constant 33 : i32
      %add3A_533 = vector.broadcast %add3A_532 : i32 to vector<16xi32>
      %add3A_534 = arith.addi %mul3A_17, %add3A_533 : vector<16xi32>
      %gather3A_535 = tpu.vector_load_idx %arg7[%add3A_534] : memref<32768xf32, #tpu.memory_space<vmem>>[vector<16xi32>], vector<16xf32>,
      %gt3A_536 = arith.cmpf ogt, %gather3A_535, %select_n3A_528 : vector<16xf32>
      %gt3A_537 = arith.cmpf ogt, %gather3A_535, %select_n3A_523 : vector<16xf32>
      %select_n3A_538 = arith.select %gt3A_537, %gather3A_535, %select_n3A_523 : vector<16xi1>, vector<16xf32>
      %select_n3A_539 = arith.select %gt3A_536, %select_n3A_528, %select_n3A_538 : vector<16xi1>, vector<16xf32>
      %jit3A_540 = arith.constant 33 : i32
      %broadcast_in_dim3A_541 = vector.broadcast %jit3A_540 : i32 to vector<16xi32>
      %select_n3A_542 = arith.select %gt3A_537, %broadcast_in_dim3A_541, %select_n3A_527 : vector<16xi1>, vector<16xi32>
      %select_n3A_543 = arith.select %gt3A_536, %select_n3A_531, %select_n3A_542 : vector<16xi1>, vector<16xi32>
      %select_n3A_544 = arith.select %gt3A_536, %gather3A_535, %select_n3A_528 : vector<16xi1>, vector<16xf32>
      %jit3A_545 = arith.constant 33 : i32
      %broadcast_in_dim3A_546 = vector.broadcast %jit3A_545 : i32 to vector<16xi32>
      %select_n3A_547 = arith.select %gt3A_536, %broadcast_in_dim3A_546, %select_n3A_531 : vector<16xi1>, vector<16xi32>
      %add3A_548 = arith.constant 34 : i32
      %add3A_549 = vector.broadcast %add3A_548 : i32 to vector<16xi32>
      %add3A_550 = arith.addi %mul3A_17, %add3A_549 : vector<16xi32>
      %gather3A_551 = tpu.vector_load_idx %arg7[%add3A_550] : memref<32768xf32, #tpu.memory_space<vmem>>[vector<16xi32>], vector<16xf32>,
      %gt3A_552 = arith.cmpf ogt, %gather3A_551, %select_n3A_544 : vector<16xf32>
      %gt3A_553 = arith.cmpf ogt, %gather3A_551, %select_n3A_539 : vector<16xf32>
      %select_n3A_554 = arith.select %gt3A_553, %gather3A_551, %select_n3A_539 : vector<16xi1>, vector<16xf32>
      %select_n3A_555 = arith.select %gt3A_552, %select_n3A_544, %select_n3A_554 : vector<16xi1>, vector<16xf32>
      %jit3A_556 = arith.constant 34 : i32
      %broadcast_in_dim3A_557 = vector.broadcast %jit3A_556 : i32 to vector<16xi32>
      %select_n3A_558 = arith.select %gt3A_553, %broadcast_in_dim3A_557, %select_n3A_543 : vector<16xi1>, vector<16xi32>
      %select_n3A_559 = arith.select %gt3A_552, %select_n3A_547, %select_n3A_558 : vector<16xi1>, vector<16xi32>
      %select_n3A_560 = arith.select %gt3A_552, %gather3A_551, %select_n3A_544 : vector<16xi1>, vector<16xf32>
      %jit3A_561 = arith.constant 34 : i32
      %broadcast_in_dim3A_562 = vector.broadcast %jit3A_561 : i32 to vector<16xi32>
      %select_n3A_563 = arith.select %gt3A_552, %broadcast_in_dim3A_562, %select_n3A_547 : vector<16xi1>, vector<16xi32>
      %add3A_564 = arith.constant 35 : i32
      %add3A_565 = vector.broadcast %add3A_564 : i32 to vector<16xi32>
      %add3A_566 = arith.addi %mul3A_17, %add3A_565 : vector<16xi32>
      %gather3A_567 = tpu.vector_load_idx %arg7[%add3A_566] : memref<32768xf32, #tpu.memory_space<vmem>>[vector<16xi32>], vector<16xf32>,
      %gt3A_568 = arith.cmpf ogt, %gather3A_567, %select_n3A_560 : vector<16xf32>
      %gt3A_569 = arith.cmpf ogt, %gather3A_567, %select_n3A_555 : vector<16xf32>
      %select_n3A_570 = arith.select %gt3A_569, %gather3A_567, %select_n3A_555 : vector<16xi1>, vector<16xf32>
      %select_n3A_571 = arith.select %gt3A_568, %select_n3A_560, %select_n3A_570 : vector<16xi1>, vector<16xf32>
      %jit3A_572 = arith.constant 35 : i32
      %broadcast_in_dim3A_573 = vector.broadcast %jit3A_572 : i32 to vector<16xi32>
      %select_n3A_574 = arith.select %gt3A_569, %broadcast_in_dim3A_573, %select_n3A_559 : vector<16xi1>, vector<16xi32>
      %select_n3A_575 = arith.select %gt3A_568, %select_n3A_563, %select_n3A_574 : vector<16xi1>, vector<16xi32>
      %select_n3A_576 = arith.select %gt3A_568, %gather3A_567, %select_n3A_560 : vector<16xi1>, vector<16xf32>
      %jit3A_577 = arith.constant 35 : i32
      %broadcast_in_dim3A_578 = vector.broadcast %jit3A_577 : i32 to vector<16xi32>
      %select_n3A_579 = arith.select %gt3A_568, %broadcast_in_dim3A_578, %select_n3A_563 : vector<16xi1>, vector<16xi32>
      %add3A_580 = arith.constant 36 : i32
      %add3A_581 = vector.broadcast %add3A_580 : i32 to vector<16xi32>
      %add3A_582 = arith.addi %mul3A_17, %add3A_581 : vector<16xi32>
      %gather3A_583 = tpu.vector_load_idx %arg7[%add3A_582] : memref<32768xf32, #tpu.memory_space<vmem>>[vector<16xi32>], vector<16xf32>,
      %gt3A_584 = arith.cmpf ogt, %gather3A_583, %select_n3A_576 : vector<16xf32>
      %gt3A_585 = arith.cmpf ogt, %gather3A_583, %select_n3A_571 : vector<16xf32>
      %select_n3A_586 = arith.select %gt3A_585, %gather3A_583, %select_n3A_571 : vector<16xi1>, vector<16xf32>
      %select_n3A_587 = arith.select %gt3A_584, %select_n3A_576, %select_n3A_586 : vector<16xi1>, vector<16xf32>
      %jit3A_588 = arith.constant 36 : i32
      %broadcast_in_dim3A_589 = vector.broadcast %jit3A_588 : i32 to vector<16xi32>
      %select_n3A_590 = arith.select %gt3A_585, %broadcast_in_dim3A_589, %select_n3A_575 : vector<16xi1>, vector<16xi32>
      %select_n3A_591 = arith.select %gt3A_584, %select_n3A_579, %select_n3A_590 : vector<16xi1>, vector<16xi32>
      %select_n3A_592 = arith.select %gt3A_584, %gather3A_583, %select_n3A_576 : vector<16xi1>, vector<16xf32>
      %jit3A_593 = arith.constant 36 : i32
      %broadcast_in_dim3A_594 = vector.broadcast %jit3A_593 : i32 to vector<16xi32>
      %select_n3A_595 = arith.select %gt3A_584, %broadcast_in_dim3A_594, %select_n3A_579 : vector<16xi1>, vector<16xi32>
      %add3A_596 = arith.constant 37 : i32
      %add3A_597 = vector.broadcast %add3A_596 : i32 to vector<16xi32>
      %add3A_598 = arith.addi %mul3A_17, %add3A_597 : vector<16xi32>
      %gather3A_599 = tpu.vector_load_idx %arg7[%add3A_598] : memref<32768xf32, #tpu.memory_space<vmem>>[vector<16xi32>], vector<16xf32>,
      %gt3A_600 = arith.cmpf ogt, %gather3A_599, %select_n3A_592 : vector<16xf32>
      %gt3A_601 = arith.cmpf ogt, %gather3A_599, %select_n3A_587 : vector<16xf32>
      %select_n3A_602 = arith.select %gt3A_601, %gather3A_599, %select_n3A_587 : vector<16xi1>, vector<16xf32>
      %select_n3A_603 = arith.select %gt3A_600, %select_n3A_592, %select_n3A_602 : vector<16xi1>, vector<16xf32>
      %jit3A_604 = arith.constant 37 : i32
      %broadcast_in_dim3A_605 = vector.broadcast %jit3A_604 : i32 to vector<16xi32>
      %select_n3A_606 = arith.select %gt3A_601, %broadcast_in_dim3A_605, %select_n3A_591 : vector<16xi1>, vector<16xi32>
      %select_n3A_607 = arith.select %gt3A_600, %select_n3A_595, %select_n3A_606 : vector<16xi1>, vector<16xi32>
      %select_n3A_608 = arith.select %gt3A_600, %gather3A_599, %select_n3A_592 : vector<16xi1>, vector<16xf32>
      %jit3A_609 = arith.constant 37 : i32
      %broadcast_in_dim3A_610 = vector.broadcast %jit3A_609 : i32 to vector<16xi32>
      %select_n3A_611 = arith.select %gt3A_600, %broadcast_in_dim3A_610, %select_n3A_595 : vector<16xi1>, vector<16xi32>
      %add3A_612 = arith.constant 38 : i32
      %add3A_613 = vector.broadcast %add3A_612 : i32 to vector<16xi32>
      %add3A_614 = arith.addi %mul3A_17, %add3A_613 : vector<16xi32>
      %gather3A_615 = tpu.vector_load_idx %arg7[%add3A_614] : memref<32768xf32, #tpu.memory_space<vmem>>[vector<16xi32>], vector<16xf32>,
      %gt3A_616 = arith.cmpf ogt, %gather3A_615, %select_n3A_608 : vector<16xf32>
      %gt3A_617 = arith.cmpf ogt, %gather3A_615, %select_n3A_603 : vector<16xf32>
      %select_n3A_618 = arith.select %gt3A_617, %gather3A_615, %select_n3A_603 : vector<16xi1>, vector<16xf32>
      %select_n3A_619 = arith.select %gt3A_616, %select_n3A_608, %select_n3A_618 : vector<16xi1>, vector<16xf32>
      %jit3A_620 = arith.constant 38 : i32
      %broadcast_in_dim3A_621 = vector.broadcast %jit3A_620 : i32 to vector<16xi32>
      %select_n3A_622 = arith.select %gt3A_617, %broadcast_in_dim3A_621, %select_n3A_607 : vector<16xi1>, vector<16xi32>
      %select_n3A_623 = arith.select %gt3A_616, %select_n3A_611, %select_n3A_622 : vector<16xi1>, vector<16xi32>
      %select_n3A_624 = arith.select %gt3A_616, %gather3A_615, %select_n3A_608 : vector<16xi1>, vector<16xf32>
      %jit3A_625 = arith.constant 38 : i32
      %broadcast_in_dim3A_626 = vector.broadcast %jit3A_625 : i32 to vector<16xi32>
      %select_n3A_627 = arith.select %gt3A_616, %broadcast_in_dim3A_626, %select_n3A_611 : vector<16xi1>, vector<16xi32>
      %add3A_628 = arith.constant 39 : i32
      %add3A_629 = vector.broadcast %add3A_628 : i32 to vector<16xi32>
      %add3A_630 = arith.addi %mul3A_17, %add3A_629 : vector<16xi32>
      %gather3A_631 = tpu.vector_load_idx %arg7[%add3A_630] : memref<32768xf32, #tpu.memory_space<vmem>>[vector<16xi32>], vector<16xf32>,
      %gt3A_632 = arith.cmpf ogt, %gather3A_631, %select_n3A_624 : vector<16xf32>
      %gt3A_633 = arith.cmpf ogt, %gather3A_631, %select_n3A_619 : vector<16xf32>
      %select_n3A_634 = arith.select %gt3A_633, %gather3A_631, %select_n3A_619 : vector<16xi1>, vector<16xf32>
      %select_n3A_635 = arith.select %gt3A_632, %select_n3A_624, %select_n3A_634 : vector<16xi1>, vector<16xf32>
      %jit3A_636 = arith.constant 39 : i32
      %broadcast_in_dim3A_637 = vector.broadcast %jit3A_636 : i32 to vector<16xi32>
      %select_n3A_638 = arith.select %gt3A_633, %broadcast_in_dim3A_637, %select_n3A_623 : vector<16xi1>, vector<16xi32>
      %select_n3A_639 = arith.select %gt3A_632, %select_n3A_627, %select_n3A_638 : vector<16xi1>, vector<16xi32>
      %select_n3A_640 = arith.select %gt3A_632, %gather3A_631, %select_n3A_624 : vector<16xi1>, vector<16xf32>
      %jit3A_641 = arith.constant 39 : i32
      %broadcast_in_dim3A_642 = vector.broadcast %jit3A_641 : i32 to vector<16xi32>
      %select_n3A_643 = arith.select %gt3A_632, %broadcast_in_dim3A_642, %select_n3A_627 : vector<16xi1>, vector<16xi32>
      %add3A_644 = arith.constant 40 : i32
      %add3A_645 = vector.broadcast %add3A_644 : i32 to vector<16xi32>
      %add3A_646 = arith.addi %mul3A_17, %add3A_645 : vector<16xi32>
      %gather3A_647 = tpu.vector_load_idx %arg7[%add3A_646] : memref<32768xf32, #tpu.memory_space<vmem>>[vector<16xi32>], vector<16xf32>,
      %gt3A_648 = arith.cmpf ogt, %gather3A_647, %select_n3A_640 : vector<16xf32>
      %gt3A_649 = arith.cmpf ogt, %gather3A_647, %select_n3A_635 : vector<16xf32>
      %select_n3A_650 = arith.select %gt3A_649, %gather3A_647, %select_n3A_635 : vector<16xi1>, vector<16xf32>
      %select_n3A_651 = arith.select %gt3A_648, %select_n3A_640, %select_n3A_650 : vector<16xi1>, vector<16xf32>
      %jit3A_652 = arith.constant 40 : i32
      %broadcast_in_dim3A_653 = vector.broadcast %jit3A_652 : i32 to vector<16xi32>
      %select_n3A_654 = arith.select %gt3A_649, %broadcast_in_dim3A_653, %select_n3A_639 : vector<16xi1>, vector<16xi32>
      %select_n3A_655 = arith.select %gt3A_648, %select_n3A_643, %select_n3A_654 : vector<16xi1>, vector<16xi32>
      %select_n3A_656 = arith.select %gt3A_648, %gather3A_647, %select_n3A_640 : vector<16xi1>, vector<16xf32>
      %jit3A_657 = arith.constant 40 : i32
      %broadcast_in_dim3A_658 = vector.broadcast %jit3A_657 : i32 to vector<16xi32>
      %select_n3A_659 = arith.select %gt3A_648, %broadcast_in_dim3A_658, %select_n3A_643 : vector<16xi1>, vector<16xi32>
      %add3A_660 = arith.constant 41 : i32
      %add3A_661 = vector.broadcast %add3A_660 : i32 to vector<16xi32>
      %add3A_662 = arith.addi %mul3A_17, %add3A_661 : vector<16xi32>
      %gather3A_663 = tpu.vector_load_idx %arg7[%add3A_662] : memref<32768xf32, #tpu.memory_space<vmem>>[vector<16xi32>], vector<16xf32>,
      %gt3A_664 = arith.cmpf ogt, %gather3A_663, %select_n3A_656 : vector<16xf32>
      %gt3A_665 = arith.cmpf ogt, %gather3A_663, %select_n3A_651 : vector<16xf32>
      %select_n3A_666 = arith.select %gt3A_665, %gather3A_663, %select_n3A_651 : vector<16xi1>, vector<16xf32>
      %select_n3A_667 = arith.select %gt3A_664, %select_n3A_656, %select_n3A_666 : vector<16xi1>, vector<16xf32>
      %jit3A_668 = arith.constant 41 : i32
      %broadcast_in_dim3A_669 = vector.broadcast %jit3A_668 : i32 to vector<16xi32>
      %select_n3A_670 = arith.select %gt3A_665, %broadcast_in_dim3A_669, %select_n3A_655 : vector<16xi1>, vector<16xi32>
      %select_n3A_671 = arith.select %gt3A_664, %select_n3A_659, %select_n3A_670 : vector<16xi1>, vector<16xi32>
      %select_n3A_672 = arith.select %gt3A_664, %gather3A_663, %select_n3A_656 : vector<16xi1>, vector<16xf32>
      %jit3A_673 = arith.constant 41 : i32
      %broadcast_in_dim3A_674 = vector.broadcast %jit3A_673 : i32 to vector<16xi32>
      %select_n3A_675 = arith.select %gt3A_664, %broadcast_in_dim3A_674, %select_n3A_659 : vector<16xi1>, vector<16xi32>
      %add3A_676 = arith.constant 42 : i32
      %add3A_677 = vector.broadcast %add3A_676 : i32 to vector<16xi32>
      %add3A_678 = arith.addi %mul3A_17, %add3A_677 : vector<16xi32>
      %gather3A_679 = tpu.vector_load_idx %arg7[%add3A_678] : memref<32768xf32, #tpu.memory_space<vmem>>[vector<16xi32>], vector<16xf32>,
      %gt3A_680 = arith.cmpf ogt, %gather3A_679, %select_n3A_672 : vector<16xf32>
      %gt3A_681 = arith.cmpf ogt, %gather3A_679, %select_n3A_667 : vector<16xf32>
      %select_n3A_682 = arith.select %gt3A_681, %gather3A_679, %select_n3A_667 : vector<16xi1>, vector<16xf32>
      %select_n3A_683 = arith.select %gt3A_680, %select_n3A_672, %select_n3A_682 : vector<16xi1>, vector<16xf32>
      %jit3A_684 = arith.constant 42 : i32
      %broadcast_in_dim3A_685 = vector.broadcast %jit3A_684 : i32 to vector<16xi32>
      %select_n3A_686 = arith.select %gt3A_681, %broadcast_in_dim3A_685, %select_n3A_671 : vector<16xi1>, vector<16xi32>
      %select_n3A_687 = arith.select %gt3A_680, %select_n3A_675, %select_n3A_686 : vector<16xi1>, vector<16xi32>
      %select_n3A_688 = arith.select %gt3A_680, %gather3A_679, %select_n3A_672 : vector<16xi1>, vector<16xf32>
      %jit3A_689 = arith.constant 42 : i32
      %broadcast_in_dim3A_690 = vector.broadcast %jit3A_689 : i32 to vector<16xi32>
      %select_n3A_691 = arith.select %gt3A_680, %broadcast_in_dim3A_690, %select_n3A_675 : vector<16xi1>, vector<16xi32>
      %add3A_692 = arith.constant 43 : i32
      %add3A_693 = vector.broadcast %add3A_692 : i32 to vector<16xi32>
      %add3A_694 = arith.addi %mul3A_17, %add3A_693 : vector<16xi32>
      %gather3A_695 = tpu.vector_load_idx %arg7[%add3A_694] : memref<32768xf32, #tpu.memory_space<vmem>>[vector<16xi32>], vector<16xf32>,
      %gt3A_696 = arith.cmpf ogt, %gather3A_695, %select_n3A_688 : vector<16xf32>
      %gt3A_697 = arith.cmpf ogt, %gather3A_695, %select_n3A_683 : vector<16xf32>
      %select_n3A_698 = arith.select %gt3A_697, %gather3A_695, %select_n3A_683 : vector<16xi1>, vector<16xf32>
      %select_n3A_699 = arith.select %gt3A_696, %select_n3A_688, %select_n3A_698 : vector<16xi1>, vector<16xf32>
      %jit3A_700 = arith.constant 43 : i32
      %broadcast_in_dim3A_701 = vector.broadcast %jit3A_700 : i32 to vector<16xi32>
      %select_n3A_702 = arith.select %gt3A_697, %broadcast_in_dim3A_701, %select_n3A_687 : vector<16xi1>, vector<16xi32>
      %select_n3A_703 = arith.select %gt3A_696, %select_n3A_691, %select_n3A_702 : vector<16xi1>, vector<16xi32>
      %select_n3A_704 = arith.select %gt3A_696, %gather3A_695, %select_n3A_688 : vector<16xi1>, vector<16xf32>
      %jit3A_705 = arith.constant 43 : i32
      %broadcast_in_dim3A_706 = vector.broadcast %jit3A_705 : i32 to vector<16xi32>
      %select_n3A_707 = arith.select %gt3A_696, %broadcast_in_dim3A_706, %select_n3A_691 : vector<16xi1>, vector<16xi32>
      %add3A_708 = arith.constant 44 : i32
      %add3A_709 = vector.broadcast %add3A_708 : i32 to vector<16xi32>
      %add3A_710 = arith.addi %mul3A_17, %add3A_709 : vector<16xi32>
      %gather3A_711 = tpu.vector_load_idx %arg7[%add3A_710] : memref<32768xf32, #tpu.memory_space<vmem>>[vector<16xi32>], vector<16xf32>,
      %gt3A_712 = arith.cmpf ogt, %gather3A_711, %select_n3A_704 : vector<16xf32>
      %gt3A_713 = arith.cmpf ogt, %gather3A_711, %select_n3A_699 : vector<16xf32>
      %select_n3A_714 = arith.select %gt3A_713, %gather3A_711, %select_n3A_699 : vector<16xi1>, vector<16xf32>
      %select_n3A_715 = arith.select %gt3A_712, %select_n3A_704, %select_n3A_714 : vector<16xi1>, vector<16xf32>
      %jit3A_716 = arith.constant 44 : i32
      %broadcast_in_dim3A_717 = vector.broadcast %jit3A_716 : i32 to vector<16xi32>
      %select_n3A_718 = arith.select %gt3A_713, %broadcast_in_dim3A_717, %select_n3A_703 : vector<16xi1>, vector<16xi32>
      %select_n3A_719 = arith.select %gt3A_712, %select_n3A_707, %select_n3A_718 : vector<16xi1>, vector<16xi32>
      %select_n3A_720 = arith.select %gt3A_712, %gather3A_711, %select_n3A_704 : vector<16xi1>, vector<16xf32>
      %jit3A_721 = arith.constant 44 : i32
      %broadcast_in_dim3A_722 = vector.broadcast %jit3A_721 : i32 to vector<16xi32>
      %select_n3A_723 = arith.select %gt3A_712, %broadcast_in_dim3A_722, %select_n3A_707 : vector<16xi1>, vector<16xi32>
      %add3A_724 = arith.constant 45 : i32
      %add3A_725 = vector.broadcast %add3A_724 : i32 to vector<16xi32>
      %add3A_726 = arith.addi %mul3A_17, %add3A_725 : vector<16xi32>
      %gather3A_727 = tpu.vector_load_idx %arg7[%add3A_726] : memref<32768xf32, #tpu.memory_space<vmem>>[vector<16xi32>], vector<16xf32>,
      %gt3A_728 = arith.cmpf ogt, %gather3A_727, %select_n3A_720 : vector<16xf32>
      %gt3A_729 = arith.cmpf ogt, %gather3A_727, %select_n3A_715 : vector<16xf32>
      %select_n3A_730 = arith.select %gt3A_729, %gather3A_727, %select_n3A_715 : vector<16xi1>, vector<16xf32>
      %select_n3A_731 = arith.select %gt3A_728, %select_n3A_720, %select_n3A_730 : vector<16xi1>, vector<16xf32>
      %jit3A_732 = arith.constant 45 : i32
      %broadcast_in_dim3A_733 = vector.broadcast %jit3A_732 : i32 to vector<16xi32>
      %select_n3A_734 = arith.select %gt3A_729, %broadcast_in_dim3A_733, %select_n3A_719 : vector<16xi1>, vector<16xi32>
      %select_n3A_735 = arith.select %gt3A_728, %select_n3A_723, %select_n3A_734 : vector<16xi1>, vector<16xi32>
      %select_n3A_736 = arith.select %gt3A_728, %gather3A_727, %select_n3A_720 : vector<16xi1>, vector<16xf32>
      %jit3A_737 = arith.constant 45 : i32
      %broadcast_in_dim3A_738 = vector.broadcast %jit3A_737 : i32 to vector<16xi32>
      %select_n3A_739 = arith.select %gt3A_728, %broadcast_in_dim3A_738, %select_n3A_723 : vector<16xi1>, vector<16xi32>
      %add3A_740 = arith.constant 46 : i32
      %add3A_741 = vector.broadcast %add3A_740 : i32 to vector<16xi32>
      %add3A_742 = arith.addi %mul3A_17, %add3A_741 : vector<16xi32>
      %gather3A_743 = tpu.vector_load_idx %arg7[%add3A_742] : memref<32768xf32, #tpu.memory_space<vmem>>[vector<16xi32>], vector<16xf32>,
      %gt3A_744 = arith.cmpf ogt, %gather3A_743, %select_n3A_736 : vector<16xf32>
      %gt3A_745 = arith.cmpf ogt, %gather3A_743, %select_n3A_731 : vector<16xf32>
      %select_n3A_746 = arith.select %gt3A_745, %gather3A_743, %select_n3A_731 : vector<16xi1>, vector<16xf32>
      %select_n3A_747 = arith.select %gt3A_744, %select_n3A_736, %select_n3A_746 : vector<16xi1>, vector<16xf32>
      %jit3A_748 = arith.constant 46 : i32
      %broadcast_in_dim3A_749 = vector.broadcast %jit3A_748 : i32 to vector<16xi32>
      %select_n3A_750 = arith.select %gt3A_745, %broadcast_in_dim3A_749, %select_n3A_735 : vector<16xi1>, vector<16xi32>
      %select_n3A_751 = arith.select %gt3A_744, %select_n3A_739, %select_n3A_750 : vector<16xi1>, vector<16xi32>
      %select_n3A_752 = arith.select %gt3A_744, %gather3A_743, %select_n3A_736 : vector<16xi1>, vector<16xf32>
      %jit3A_753 = arith.constant 46 : i32
      %broadcast_in_dim3A_754 = vector.broadcast %jit3A_753 : i32 to vector<16xi32>
      %select_n3A_755 = arith.select %gt3A_744, %broadcast_in_dim3A_754, %select_n3A_739 : vector<16xi1>, vector<16xi32>
      %add3A_756 = arith.constant 47 : i32
      %add3A_757 = vector.broadcast %add3A_756 : i32 to vector<16xi32>
      %add3A_758 = arith.addi %mul3A_17, %add3A_757 : vector<16xi32>
      %gather3A_759 = tpu.vector_load_idx %arg7[%add3A_758] : memref<32768xf32, #tpu.memory_space<vmem>>[vector<16xi32>], vector<16xf32>,
      %gt3A_760 = arith.cmpf ogt, %gather3A_759, %select_n3A_752 : vector<16xf32>
      %gt3A_761 = arith.cmpf ogt, %gather3A_759, %select_n3A_747 : vector<16xf32>
      %select_n3A_762 = arith.select %gt3A_761, %gather3A_759, %select_n3A_747 : vector<16xi1>, vector<16xf32>
      %select_n3A_763 = arith.select %gt3A_760, %select_n3A_752, %select_n3A_762 : vector<16xi1>, vector<16xf32>
      %jit3A_764 = arith.constant 47 : i32
      %broadcast_in_dim3A_765 = vector.broadcast %jit3A_764 : i32 to vector<16xi32>
      %select_n3A_766 = arith.select %gt3A_761, %broadcast_in_dim3A_765, %select_n3A_751 : vector<16xi1>, vector<16xi32>
      %select_n3A_767 = arith.select %gt3A_760, %select_n3A_755, %select_n3A_766 : vector<16xi1>, vector<16xi32>
      %select_n3A_768 = arith.select %gt3A_760, %gather3A_759, %select_n3A_752 : vector<16xi1>, vector<16xf32>
      %jit3A_769 = arith.constant 47 : i32
      %broadcast_in_dim3A_770 = vector.broadcast %jit3A_769 : i32 to vector<16xi32>
      %select_n3A_771 = arith.select %gt3A_760, %broadcast_in_dim3A_770, %select_n3A_755 : vector<16xi1>, vector<16xi32>
      %add3A_772 = arith.constant 48 : i32
      %add3A_773 = vector.broadcast %add3A_772 : i32 to vector<16xi32>
      %add3A_774 = arith.addi %mul3A_17, %add3A_773 : vector<16xi32>
      %gather3A_775 = tpu.vector_load_idx %arg7[%add3A_774] : memref<32768xf32, #tpu.memory_space<vmem>>[vector<16xi32>], vector<16xf32>,
      %gt3A_776 = arith.cmpf ogt, %gather3A_775, %select_n3A_768 : vector<16xf32>
      %gt3A_777 = arith.cmpf ogt, %gather3A_775, %select_n3A_763 : vector<16xf32>
      %select_n3A_778 = arith.select %gt3A_777, %gather3A_775, %select_n3A_763 : vector<16xi1>, vector<16xf32>
      %select_n3A_779 = arith.select %gt3A_776, %select_n3A_768, %select_n3A_778 : vector<16xi1>, vector<16xf32>
      %jit3A_780 = arith.constant 48 : i32
      %broadcast_in_dim3A_781 = vector.broadcast %jit3A_780 : i32 to vector<16xi32>
      %select_n3A_782 = arith.select %gt3A_777, %broadcast_in_dim3A_781, %select_n3A_767 : vector<16xi1>, vector<16xi32>
      %select_n3A_783 = arith.select %gt3A_776, %select_n3A_771, %select_n3A_782 : vector<16xi1>, vector<16xi32>
      %select_n3A_784 = arith.select %gt3A_776, %gather3A_775, %select_n3A_768 : vector<16xi1>, vector<16xf32>
      %jit3A_785 = arith.constant 48 : i32
      %broadcast_in_dim3A_786 = vector.broadcast %jit3A_785 : i32 to vector<16xi32>
      %select_n3A_787 = arith.select %gt3A_776, %broadcast_in_dim3A_786, %select_n3A_771 : vector<16xi1>, vector<16xi32>
      %add3A_788 = arith.constant 49 : i32
      %add3A_789 = vector.broadcast %add3A_788 : i32 to vector<16xi32>
      %add3A_790 = arith.addi %mul3A_17, %add3A_789 : vector<16xi32>
      %gather3A_791 = tpu.vector_load_idx %arg7[%add3A_790] : memref<32768xf32, #tpu.memory_space<vmem>>[vector<16xi32>], vector<16xf32>,
      %gt3A_792 = arith.cmpf ogt, %gather3A_791, %select_n3A_784 : vector<16xf32>
      %gt3A_793 = arith.cmpf ogt, %gather3A_791, %select_n3A_779 : vector<16xf32>
      %select_n3A_794 = arith.select %gt3A_793, %gather3A_791, %select_n3A_779 : vector<16xi1>, vector<16xf32>
      %select_n3A_795 = arith.select %gt3A_792, %select_n3A_784, %select_n3A_794 : vector<16xi1>, vector<16xf32>
      %jit3A_796 = arith.constant 49 : i32
      %broadcast_in_dim3A_797 = vector.broadcast %jit3A_796 : i32 to vector<16xi32>
      %select_n3A_798 = arith.select %gt3A_793, %broadcast_in_dim3A_797, %select_n3A_783 : vector<16xi1>, vector<16xi32>
      %select_n3A_799 = arith.select %gt3A_792, %select_n3A_787, %select_n3A_798 : vector<16xi1>, vector<16xi32>
      %select_n3A_800 = arith.select %gt3A_792, %gather3A_791, %select_n3A_784 : vector<16xi1>, vector<16xf32>
      %jit3A_801 = arith.constant 49 : i32
      %broadcast_in_dim3A_802 = vector.broadcast %jit3A_801 : i32 to vector<16xi32>
      %select_n3A_803 = arith.select %gt3A_792, %broadcast_in_dim3A_802, %select_n3A_787 : vector<16xi1>, vector<16xi32>
      %add3A_804 = arith.constant 50 : i32
      %add3A_805 = vector.broadcast %add3A_804 : i32 to vector<16xi32>
      %add3A_806 = arith.addi %mul3A_17, %add3A_805 : vector<16xi32>
      %gather3A_807 = tpu.vector_load_idx %arg7[%add3A_806] : memref<32768xf32, #tpu.memory_space<vmem>>[vector<16xi32>], vector<16xf32>,
      %gt3A_808 = arith.cmpf ogt, %gather3A_807, %select_n3A_800 : vector<16xf32>
      %gt3A_809 = arith.cmpf ogt, %gather3A_807, %select_n3A_795 : vector<16xf32>
      %select_n3A_810 = arith.select %gt3A_809, %gather3A_807, %select_n3A_795 : vector<16xi1>, vector<16xf32>
      %select_n3A_811 = arith.select %gt3A_808, %select_n3A_800, %select_n3A_810 : vector<16xi1>, vector<16xf32>
      %jit3A_812 = arith.constant 50 : i32
      %broadcast_in_dim3A_813 = vector.broadcast %jit3A_812 : i32 to vector<16xi32>
      %select_n3A_814 = arith.select %gt3A_809, %broadcast_in_dim3A_813, %select_n3A_799 : vector<16xi1>, vector<16xi32>
      %select_n3A_815 = arith.select %gt3A_808, %select_n3A_803, %select_n3A_814 : vector<16xi1>, vector<16xi32>
      %select_n3A_816 = arith.select %gt3A_808, %gather3A_807, %select_n3A_800 : vector<16xi1>, vector<16xf32>
      %jit3A_817 = arith.constant 50 : i32
      %broadcast_in_dim3A_818 = vector.broadcast %jit3A_817 : i32 to vector<16xi32>
      %select_n3A_819 = arith.select %gt3A_808, %broadcast_in_dim3A_818, %select_n3A_803 : vector<16xi1>, vector<16xi32>
      %add3A_820 = arith.constant 51 : i32
      %add3A_821 = vector.broadcast %add3A_820 : i32 to vector<16xi32>
      %add3A_822 = arith.addi %mul3A_17, %add3A_821 : vector<16xi32>
      %gather3A_823 = tpu.vector_load_idx %arg7[%add3A_822] : memref<32768xf32, #tpu.memory_space<vmem>>[vector<16xi32>], vector<16xf32>,
      %gt3A_824 = arith.cmpf ogt, %gather3A_823, %select_n3A_816 : vector<16xf32>
      %gt3A_825 = arith.cmpf ogt, %gather3A_823, %select_n3A_811 : vector<16xf32>
      %select_n3A_826 = arith.select %gt3A_825, %gather3A_823, %select_n3A_811 : vector<16xi1>, vector<16xf32>
      %select_n3A_827 = arith.select %gt3A_824, %select_n3A_816, %select_n3A_826 : vector<16xi1>, vector<16xf32>
      %jit3A_828 = arith.constant 51 : i32
      %broadcast_in_dim3A_829 = vector.broadcast %jit3A_828 : i32 to vector<16xi32>
      %select_n3A_830 = arith.select %gt3A_825, %broadcast_in_dim3A_829, %select_n3A_815 : vector<16xi1>, vector<16xi32>
      %select_n3A_831 = arith.select %gt3A_824, %select_n3A_819, %select_n3A_830 : vector<16xi1>, vector<16xi32>
      %select_n3A_832 = arith.select %gt3A_824, %gather3A_823, %select_n3A_816 : vector<16xi1>, vector<16xf32>
      %jit3A_833 = arith.constant 51 : i32
      %broadcast_in_dim3A_834 = vector.broadcast %jit3A_833 : i32 to vector<16xi32>
      %select_n3A_835 = arith.select %gt3A_824, %broadcast_in_dim3A_834, %select_n3A_819 : vector<16xi1>, vector<16xi32>
      %add3A_836 = arith.constant 52 : i32
      %add3A_837 = vector.broadcast %add3A_836 : i32 to vector<16xi32>
      %add3A_838 = arith.addi %mul3A_17, %add3A_837 : vector<16xi32>
      %gather3A_839 = tpu.vector_load_idx %arg7[%add3A_838] : memref<32768xf32, #tpu.memory_space<vmem>>[vector<16xi32>], vector<16xf32>,
      %gt3A_840 = arith.cmpf ogt, %gather3A_839, %select_n3A_832 : vector<16xf32>
      %gt3A_841 = arith.cmpf ogt, %gather3A_839, %select_n3A_827 : vector<16xf32>
      %select_n3A_842 = arith.select %gt3A_841, %gather3A_839, %select_n3A_827 : vector<16xi1>, vector<16xf32>
      %select_n3A_843 = arith.select %gt3A_840, %select_n3A_832, %select_n3A_842 : vector<16xi1>, vector<16xf32>
      %jit3A_844 = arith.constant 52 : i32
      %broadcast_in_dim3A_845 = vector.broadcast %jit3A_844 : i32 to vector<16xi32>
      %select_n3A_846 = arith.select %gt3A_841, %broadcast_in_dim3A_845, %select_n3A_831 : vector<16xi1>, vector<16xi32>
      %select_n3A_847 = arith.select %gt3A_840, %select_n3A_835, %select_n3A_846 : vector<16xi1>, vector<16xi32>
      %select_n3A_848 = arith.select %gt3A_840, %gather3A_839, %select_n3A_832 : vector<16xi1>, vector<16xf32>
      %jit3A_849 = arith.constant 52 : i32
      %broadcast_in_dim3A_850 = vector.broadcast %jit3A_849 : i32 to vector<16xi32>
      %select_n3A_851 = arith.select %gt3A_840, %broadcast_in_dim3A_850, %select_n3A_835 : vector<16xi1>, vector<16xi32>
      %add3A_852 = arith.constant 53 : i32
      %add3A_853 = vector.broadcast %add3A_852 : i32 to vector<16xi32>
      %add3A_854 = arith.addi %mul3A_17, %add3A_853 : vector<16xi32>
      %gather3A_855 = tpu.vector_load_idx %arg7[%add3A_854] : memref<32768xf32, #tpu.memory_space<vmem>>[vector<16xi32>], vector<16xf32>,
      %gt3A_856 = arith.cmpf ogt, %gather3A_855, %select_n3A_848 : vector<16xf32>
      %gt3A_857 = arith.cmpf ogt, %gather3A_855, %select_n3A_843 : vector<16xf32>
      %select_n3A_858 = arith.select %gt3A_857, %gather3A_855, %select_n3A_843 : vector<16xi1>, vector<16xf32>
      %select_n3A_859 = arith.select %gt3A_856, %select_n3A_848, %select_n3A_858 : vector<16xi1>, vector<16xf32>
      %jit3A_860 = arith.constant 53 : i32
      %broadcast_in_dim3A_861 = vector.broadcast %jit3A_860 : i32 to vector<16xi32>
      %select_n3A_862 = arith.select %gt3A_857, %broadcast_in_dim3A_861, %select_n3A_847 : vector<16xi1>, vector<16xi32>
      %select_n3A_863 = arith.select %gt3A_856, %select_n3A_851, %select_n3A_862 : vector<16xi1>, vector<16xi32>
      %select_n3A_864 = arith.select %gt3A_856, %gather3A_855, %select_n3A_848 : vector<16xi1>, vector<16xf32>
      %jit3A_865 = arith.constant 53 : i32
      %broadcast_in_dim3A_866 = vector.broadcast %jit3A_865 : i32 to vector<16xi32>
      %select_n3A_867 = arith.select %gt3A_856, %broadcast_in_dim3A_866, %select_n3A_851 : vector<16xi1>, vector<16xi32>
      %add3A_868 = arith.constant 54 : i32
      %add3A_869 = vector.broadcast %add3A_868 : i32 to vector<16xi32>
      %add3A_870 = arith.addi %mul3A_17, %add3A_869 : vector<16xi32>
      %gather3A_871 = tpu.vector_load_idx %arg7[%add3A_870] : memref<32768xf32, #tpu.memory_space<vmem>>[vector<16xi32>], vector<16xf32>,
      %gt3A_872 = arith.cmpf ogt, %gather3A_871, %select_n3A_864 : vector<16xf32>
      %gt3A_873 = arith.cmpf ogt, %gather3A_871, %select_n3A_859 : vector<16xf32>
      %select_n3A_874 = arith.select %gt3A_873, %gather3A_871, %select_n3A_859 : vector<16xi1>, vector<16xf32>
      %select_n3A_875 = arith.select %gt3A_872, %select_n3A_864, %select_n3A_874 : vector<16xi1>, vector<16xf32>
      %jit3A_876 = arith.constant 54 : i32
      %broadcast_in_dim3A_877 = vector.broadcast %jit3A_876 : i32 to vector<16xi32>
      %select_n3A_878 = arith.select %gt3A_873, %broadcast_in_dim3A_877, %select_n3A_863 : vector<16xi1>, vector<16xi32>
      %select_n3A_879 = arith.select %gt3A_872, %select_n3A_867, %select_n3A_878 : vector<16xi1>, vector<16xi32>
      %select_n3A_880 = arith.select %gt3A_872, %gather3A_871, %select_n3A_864 : vector<16xi1>, vector<16xf32>
      %jit3A_881 = arith.constant 54 : i32
      %broadcast_in_dim3A_882 = vector.broadcast %jit3A_881 : i32 to vector<16xi32>
      %select_n3A_883 = arith.select %gt3A_872, %broadcast_in_dim3A_882, %select_n3A_867 : vector<16xi1>, vector<16xi32>
      %add3A_884 = arith.constant 55 : i32
      %add3A_885 = vector.broadcast %add3A_884 : i32 to vector<16xi32>
      %add3A_886 = arith.addi %mul3A_17, %add3A_885 : vector<16xi32>
      %gather3A_887 = tpu.vector_load_idx %arg7[%add3A_886] : memref<32768xf32, #tpu.memory_space<vmem>>[vector<16xi32>], vector<16xf32>,
      %gt3A_888 = arith.cmpf ogt, %gather3A_887, %select_n3A_880 : vector<16xf32>
      %gt3A_889 = arith.cmpf ogt, %gather3A_887, %select_n3A_875 : vector<16xf32>
      %select_n3A_890 = arith.select %gt3A_889, %gather3A_887, %select_n3A_875 : vector<16xi1>, vector<16xf32>
      %select_n3A_891 = arith.select %gt3A_888, %select_n3A_880, %select_n3A_890 : vector<16xi1>, vector<16xf32>
      %jit3A_892 = arith.constant 55 : i32
      %broadcast_in_dim3A_893 = vector.broadcast %jit3A_892 : i32 to vector<16xi32>
      %select_n3A_894 = arith.select %gt3A_889, %broadcast_in_dim3A_893, %select_n3A_879 : vector<16xi1>, vector<16xi32>
      %select_n3A_895 = arith.select %gt3A_888, %select_n3A_883, %select_n3A_894 : vector<16xi1>, vector<16xi32>
      %select_n3A_896 = arith.select %gt3A_888, %gather3A_887, %select_n3A_880 : vector<16xi1>, vector<16xf32>
      %jit3A_897 = arith.constant 55 : i32
      %broadcast_in_dim3A_898 = vector.broadcast %jit3A_897 : i32 to vector<16xi32>
      %select_n3A_899 = arith.select %gt3A_888, %broadcast_in_dim3A_898, %select_n3A_883 : vector<16xi1>, vector<16xi32>
      %add3A_900 = arith.constant 56 : i32
      %add3A_901 = vector.broadcast %add3A_900 : i32 to vector<16xi32>
      %add3A_902 = arith.addi %mul3A_17, %add3A_901 : vector<16xi32>
      %gather3A_903 = tpu.vector_load_idx %arg7[%add3A_902] : memref<32768xf32, #tpu.memory_space<vmem>>[vector<16xi32>], vector<16xf32>,
      %gt3A_904 = arith.cmpf ogt, %gather3A_903, %select_n3A_896 : vector<16xf32>
      %gt3A_905 = arith.cmpf ogt, %gather3A_903, %select_n3A_891 : vector<16xf32>
      %select_n3A_906 = arith.select %gt3A_905, %gather3A_903, %select_n3A_891 : vector<16xi1>, vector<16xf32>
      %select_n3A_907 = arith.select %gt3A_904, %select_n3A_896, %select_n3A_906 : vector<16xi1>, vector<16xf32>
      %jit3A_908 = arith.constant 56 : i32
      %broadcast_in_dim3A_909 = vector.broadcast %jit3A_908 : i32 to vector<16xi32>
      %select_n3A_910 = arith.select %gt3A_905, %broadcast_in_dim3A_909, %select_n3A_895 : vector<16xi1>, vector<16xi32>
      %select_n3A_911 = arith.select %gt3A_904, %select_n3A_899, %select_n3A_910 : vector<16xi1>, vector<16xi32>
      %select_n3A_912 = arith.select %gt3A_904, %gather3A_903, %select_n3A_896 : vector<16xi1>, vector<16xf32>
      %jit3A_913 = arith.constant 56 : i32
      %broadcast_in_dim3A_914 = vector.broadcast %jit3A_913 : i32 to vector<16xi32>
      %select_n3A_915 = arith.select %gt3A_904, %broadcast_in_dim3A_914, %select_n3A_899 : vector<16xi1>, vector<16xi32>
      %add3A_916 = arith.constant 57 : i32
      %add3A_917 = vector.broadcast %add3A_916 : i32 to vector<16xi32>
      %add3A_918 = arith.addi %mul3A_17, %add3A_917 : vector<16xi32>
      %gather3A_919 = tpu.vector_load_idx %arg7[%add3A_918] : memref<32768xf32, #tpu.memory_space<vmem>>[vector<16xi32>], vector<16xf32>,
      %gt3A_920 = arith.cmpf ogt, %gather3A_919, %select_n3A_912 : vector<16xf32>
      %gt3A_921 = arith.cmpf ogt, %gather3A_919, %select_n3A_907 : vector<16xf32>
      %select_n3A_922 = arith.select %gt3A_921, %gather3A_919, %select_n3A_907 : vector<16xi1>, vector<16xf32>
      %select_n3A_923 = arith.select %gt3A_920, %select_n3A_912, %select_n3A_922 : vector<16xi1>, vector<16xf32>
      %jit3A_924 = arith.constant 57 : i32
      %broadcast_in_dim3A_925 = vector.broadcast %jit3A_924 : i32 to vector<16xi32>
      %select_n3A_926 = arith.select %gt3A_921, %broadcast_in_dim3A_925, %select_n3A_911 : vector<16xi1>, vector<16xi32>
      %select_n3A_927 = arith.select %gt3A_920, %select_n3A_915, %select_n3A_926 : vector<16xi1>, vector<16xi32>
      %select_n3A_928 = arith.select %gt3A_920, %gather3A_919, %select_n3A_912 : vector<16xi1>, vector<16xf32>
      %jit3A_929 = arith.constant 57 : i32
      %broadcast_in_dim3A_930 = vector.broadcast %jit3A_929 : i32 to vector<16xi32>
      %select_n3A_931 = arith.select %gt3A_920, %broadcast_in_dim3A_930, %select_n3A_915 : vector<16xi1>, vector<16xi32>
      %add3A_932 = arith.constant 58 : i32
      %add3A_933 = vector.broadcast %add3A_932 : i32 to vector<16xi32>
      %add3A_934 = arith.addi %mul3A_17, %add3A_933 : vector<16xi32>
      %gather3A_935 = tpu.vector_load_idx %arg7[%add3A_934] : memref<32768xf32, #tpu.memory_space<vmem>>[vector<16xi32>], vector<16xf32>,
      %gt3A_936 = arith.cmpf ogt, %gather3A_935, %select_n3A_928 : vector<16xf32>
      %gt3A_937 = arith.cmpf ogt, %gather3A_935, %select_n3A_923 : vector<16xf32>
      %select_n3A_938 = arith.select %gt3A_937, %gather3A_935, %select_n3A_923 : vector<16xi1>, vector<16xf32>
      %select_n3A_939 = arith.select %gt3A_936, %select_n3A_928, %select_n3A_938 : vector<16xi1>, vector<16xf32>
      %jit3A_940 = arith.constant 58 : i32
      %broadcast_in_dim3A_941 = vector.broadcast %jit3A_940 : i32 to vector<16xi32>
      %select_n3A_942 = arith.select %gt3A_937, %broadcast_in_dim3A_941, %select_n3A_927 : vector<16xi1>, vector<16xi32>
      %select_n3A_943 = arith.select %gt3A_936, %select_n3A_931, %select_n3A_942 : vector<16xi1>, vector<16xi32>
      %select_n3A_944 = arith.select %gt3A_936, %gather3A_935, %select_n3A_928 : vector<16xi1>, vector<16xf32>
      %jit3A_945 = arith.constant 58 : i32
      %broadcast_in_dim3A_946 = vector.broadcast %jit3A_945 : i32 to vector<16xi32>
      %select_n3A_947 = arith.select %gt3A_936, %broadcast_in_dim3A_946, %select_n3A_931 : vector<16xi1>, vector<16xi32>
      %add3A_948 = arith.constant 59 : i32
      %add3A_949 = vector.broadcast %add3A_948 : i32 to vector<16xi32>
      %add3A_950 = arith.addi %mul3A_17, %add3A_949 : vector<16xi32>
      %gather3A_951 = tpu.vector_load_idx %arg7[%add3A_950] : memref<32768xf32, #tpu.memory_space<vmem>>[vector<16xi32>], vector<16xf32>,
      %gt3A_952 = arith.cmpf ogt, %gather3A_951, %select_n3A_944 : vector<16xf32>
      %gt3A_953 = arith.cmpf ogt, %gather3A_951, %select_n3A_939 : vector<16xf32>
      %select_n3A_954 = arith.select %gt3A_953, %gather3A_951, %select_n3A_939 : vector<16xi1>, vector<16xf32>
      %select_n3A_955 = arith.select %gt3A_952, %select_n3A_944, %select_n3A_954 : vector<16xi1>, vector<16xf32>
      %jit3A_956 = arith.constant 59 : i32
      %broadcast_in_dim3A_957 = vector.broadcast %jit3A_956 : i32 to vector<16xi32>
      %select_n3A_958 = arith.select %gt3A_953, %broadcast_in_dim3A_957, %select_n3A_943 : vector<16xi1>, vector<16xi32>
      %select_n3A_959 = arith.select %gt3A_952, %select_n3A_947, %select_n3A_958 : vector<16xi1>, vector<16xi32>
      %select_n3A_960 = arith.select %gt3A_952, %gather3A_951, %select_n3A_944 : vector<16xi1>, vector<16xf32>
      %jit3A_961 = arith.constant 59 : i32
      %broadcast_in_dim3A_962 = vector.broadcast %jit3A_961 : i32 to vector<16xi32>
      %select_n3A_963 = arith.select %gt3A_952, %broadcast_in_dim3A_962, %select_n3A_947 : vector<16xi1>, vector<16xi32>
      %add3A_964 = arith.constant 60 : i32
      %add3A_965 = vector.broadcast %add3A_964 : i32 to vector<16xi32>
      %add3A_966 = arith.addi %mul3A_17, %add3A_965 : vector<16xi32>
      %gather3A_967 = tpu.vector_load_idx %arg7[%add3A_966] : memref<32768xf32, #tpu.memory_space<vmem>>[vector<16xi32>], vector<16xf32>,
      %gt3A_968 = arith.cmpf ogt, %gather3A_967, %select_n3A_960 : vector<16xf32>
      %gt3A_969 = arith.cmpf ogt, %gather3A_967, %select_n3A_955 : vector<16xf32>
      %select_n3A_970 = arith.select %gt3A_969, %gather3A_967, %select_n3A_955 : vector<16xi1>, vector<16xf32>
      %select_n3A_971 = arith.select %gt3A_968, %select_n3A_960, %select_n3A_970 : vector<16xi1>, vector<16xf32>
      %jit3A_972 = arith.constant 60 : i32
      %broadcast_in_dim3A_973 = vector.broadcast %jit3A_972 : i32 to vector<16xi32>
      %select_n3A_974 = arith.select %gt3A_969, %broadcast_in_dim3A_973, %select_n3A_959 : vector<16xi1>, vector<16xi32>
      %select_n3A_975 = arith.select %gt3A_968, %select_n3A_963, %select_n3A_974 : vector<16xi1>, vector<16xi32>
      %select_n3A_976 = arith.select %gt3A_968, %gather3A_967, %select_n3A_960 : vector<16xi1>, vector<16xf32>
      %jit3A_977 = arith.constant 60 : i32
      %broadcast_in_dim3A_978 = vector.broadcast %jit3A_977 : i32 to vector<16xi32>
      %select_n3A_979 = arith.select %gt3A_968, %broadcast_in_dim3A_978, %select_n3A_963 : vector<16xi1>, vector<16xi32>
      %add3A_980 = arith.constant 61 : i32
      %add3A_981 = vector.broadcast %add3A_980 : i32 to vector<16xi32>
      %add3A_982 = arith.addi %mul3A_17, %add3A_981 : vector<16xi32>
      %gather3A_983 = tpu.vector_load_idx %arg7[%add3A_982] : memref<32768xf32, #tpu.memory_space<vmem>>[vector<16xi32>], vector<16xf32>,
      %gt3A_984 = arith.cmpf ogt, %gather3A_983, %select_n3A_976 : vector<16xf32>
      %gt3A_985 = arith.cmpf ogt, %gather3A_983, %select_n3A_971 : vector<16xf32>
      %select_n3A_986 = arith.select %gt3A_985, %gather3A_983, %select_n3A_971 : vector<16xi1>, vector<16xf32>
      %select_n3A_987 = arith.select %gt3A_984, %select_n3A_976, %select_n3A_986 : vector<16xi1>, vector<16xf32>
      %jit3A_988 = arith.constant 61 : i32
      %broadcast_in_dim3A_989 = vector.broadcast %jit3A_988 : i32 to vector<16xi32>
      %select_n3A_990 = arith.select %gt3A_985, %broadcast_in_dim3A_989, %select_n3A_975 : vector<16xi1>, vector<16xi32>
      %select_n3A_991 = arith.select %gt3A_984, %select_n3A_979, %select_n3A_990 : vector<16xi1>, vector<16xi32>
      %select_n3A_992 = arith.select %gt3A_984, %gather3A_983, %select_n3A_976 : vector<16xi1>, vector<16xf32>
      %jit3A_993 = arith.constant 61 : i32
      %broadcast_in_dim3A_994 = vector.broadcast %jit3A_993 : i32 to vector<16xi32>
      %select_n3A_995 = arith.select %gt3A_984, %broadcast_in_dim3A_994, %select_n3A_979 : vector<16xi1>, vector<16xi32>
      %add3A_996 = arith.constant 62 : i32
      %add3A_997 = vector.broadcast %add3A_996 : i32 to vector<16xi32>
      %add3A_998 = arith.addi %mul3A_17, %add3A_997 : vector<16xi32>
      %gather3A_999 = tpu.vector_load_idx %arg7[%add3A_998] : memref<32768xf32, #tpu.memory_space<vmem>>[vector<16xi32>], vector<16xf32>,
      %gt3A_1000 = arith.cmpf ogt, %gather3A_999, %select_n3A_992 : vector<16xf32>
      %gt3A_1001 = arith.cmpf ogt, %gather3A_999, %select_n3A_987 : vector<16xf32>
      %select_n3A_1002 = arith.select %gt3A_1001, %gather3A_999, %select_n3A_987 : vector<16xi1>, vector<16xf32>
      %select_n3A_1003 = arith.select %gt3A_1000, %select_n3A_992, %select_n3A_1002 : vector<16xi1>, vector<16xf32>
      %jit3A_1004 = arith.constant 62 : i32
      %broadcast_in_dim3A_1005 = vector.broadcast %jit3A_1004 : i32 to vector<16xi32>
      %select_n3A_1006 = arith.select %gt3A_1001, %broadcast_in_dim3A_1005, %select_n3A_991 : vector<16xi1>, vector<16xi32>
      %select_n3A_1007 = arith.select %gt3A_1000, %select_n3A_995, %select_n3A_1006 : vector<16xi1>, vector<16xi32>
      %select_n3A_1008 = arith.select %gt3A_1000, %gather3A_999, %select_n3A_992 : vector<16xi1>, vector<16xf32>
      %jit3A_1009 = arith.constant 62 : i32
      %broadcast_in_dim3A_1010 = vector.broadcast %jit3A_1009 : i32 to vector<16xi32>
      %select_n3A_1011 = arith.select %gt3A_1000, %broadcast_in_dim3A_1010, %select_n3A_995 : vector<16xi1>, vector<16xi32>
      %add3A_1012 = arith.constant 63 : i32
      %add3A_1013 = vector.broadcast %add3A_1012 : i32 to vector<16xi32>
      %add3A_1014 = arith.addi %mul3A_17, %add3A_1013 : vector<16xi32>
      %gather3A_1015 = tpu.vector_load_idx %arg7[%add3A_1014] : memref<32768xf32, #tpu.memory_space<vmem>>[vector<16xi32>], vector<16xf32>,
      %gt3A_1016 = arith.cmpf ogt, %gather3A_1015, %select_n3A_1008 : vector<16xf32>
      %gt3A_1017 = arith.cmpf ogt, %gather3A_1015, %select_n3A_1003 : vector<16xf32>
      %select_n3A_1018 = arith.select %gt3A_1017, %gather3A_1015, %select_n3A_1003 : vector<16xi1>, vector<16xf32>
      %select_n3A_1019 = arith.select %gt3A_1016, %select_n3A_1008, %select_n3A_1018 : vector<16xi1>, vector<16xf32>
      %jit3A_1020 = arith.constant 63 : i32
      %broadcast_in_dim3A_1021 = vector.broadcast %jit3A_1020 : i32 to vector<16xi32>
      %select_n3A_1022 = arith.select %gt3A_1017, %broadcast_in_dim3A_1021, %select_n3A_1007 : vector<16xi1>, vector<16xi32>
      %select_n3A_1023 = arith.select %gt3A_1016, %select_n3A_1011, %select_n3A_1022 : vector<16xi1>, vector<16xi32>
      %select_n3A_1024 = arith.select %gt3A_1016, %gather3A_1015, %select_n3A_1008 : vector<16xi1>, vector<16xf32>
      %jit3A_1025 = arith.constant 63 : i32
      %broadcast_in_dim3A_1026 = vector.broadcast %jit3A_1025 : i32 to vector<16xi32>
      %select_n3A_1027 = arith.select %gt3A_1016, %broadcast_in_dim3A_1026, %select_n3A_1011 : vector<16xi1>, vector<16xi32>
      %sub3A = arith.subf %select_n3A_1019, %select_n3A_1024 : vector<16xf32>
      %exp3A = math.exp %sub3A : vector<16xf32>
      %add3A_1028 = arith.constant 1.000000e+00 : f32
      %add3A_1029 = vector.broadcast %add3A_1028 : f32 to vector<16xf32>
      %add3A_1030 = arith.addf %add3A_1029, %exp3A : vector<16xf32>
      %mul3A_1031 = arith.constant 16 : i32
      %mul3A_1032 = arith.muli %scan3A_10, %mul3A_1031 : i32
      %swap3A = arith.index_cast %mul3A_1032 : i32 to index
      %swap3A_1033 = tpu.vector_load %arg8[%swap3A] {strides = array<i32>} : memref<512xi32, #tpu.memory_space<vmem>>, vector<16xi32>,
      tpu.vector_store %arg8[%swap3A], %select_n3A_1027 {strides = array<i32>} : memref<512xi32, #tpu.memory_space<vmem>>, vector<16xi32>,
      %swap3A_1034 = arith.index_cast %mul3A_1032 : i32 to index
      %swap3A_1035 = tpu.vector_load %arg9[%swap3A_1034] {strides = array<i32>} : memref<512xi32, #tpu.memory_space<vmem>>, vector<16xi32>,
      tpu.vector_store %arg9[%swap3A_1034], %select_n3A_1023 {strides = array<i32>} : memref<512xi32, #tpu.memory_space<vmem>>, vector<16xi32>,
      %div3A = arith.constant 1.000000e+00 : f32
      %div3A_1036 = vector.broadcast %div3A : f32 to vector<16xf32>
      %div3A_1037 = arith.divf %div3A_1036, %add3A_1030 : vector<16xf32>
      %swap3A_1038 = arith.index_cast %mul3A_1032 : i32 to index
      %swap3A_1039 = tpu.vector_load %arg10[%swap3A_1038] {strides = array<i32>} : memref<512xf32, #tpu.memory_space<vmem>>, vector<16xf32>,
      tpu.vector_store %arg10[%swap3A_1038], %div3A_1037 {strides = array<i32>} : memref<512xf32, #tpu.memory_space<vmem>>, vector<16xf32>,
      %div3A_1040 = arith.divf %exp3A, %add3A_1030 : vector<16xf32>
      %swap3A_1041 = arith.index_cast %mul3A_1032 : i32 to index
      %swap3A_1042 = tpu.vector_load %arg11[%swap3A_1041] {strides = array<i32>} : memref<512xf32, #tpu.memory_space<vmem>>, vector<16xf32>,
      tpu.vector_store %arg11[%swap3A_1041], %div3A_1040 {strides = array<i32>} : memref<512xf32, #tpu.memory_space<vmem>>, vector<16xf32>,
    }
    %scan3A_9 = arith.constant 32 : i32
    "tpu.region"() ({
      %run_scoped3A = tpu.sem_alloc : memref<!tpu.dma_semaphore, #tpu.memory_space<semaphore_mem>>
      %dma_start3A = tpu.memref_slice %arg3[%mul3A_2] : memref<16384xi32, #tpu.memory_space<hbm>> -> memref<512xi32, #tpu.memory_space<hbm>>
      %dma_start3A_10 = tpu.memref_slice %arg3[%mul3A_2] : memref<16384xi32, #tpu.memory_space<hbm>> -> memref<512xi32, #tpu.memory_space<hbm>>
      tpu.enqueue_dma source(%arg8 : memref<512xi32, #tpu.memory_space<vmem>>) target(%dma_start3A_10 : memref<512xi32, #tpu.memory_space<hbm>>) target_semaphore(%run_scoped3A : memref<!tpu.dma_semaphore, #tpu.memory_space<semaphore_mem>>)
      %dma_wait3A = tpu.memref_slice %arg3[%mul3A_2] : memref<16384xi32, #tpu.memory_space<hbm>> -> memref<512xi32, #tpu.memory_space<hbm>>
      %dma_wait3A_11 = tpu.memref_slice %arg3[%mul3A_2] : memref<16384xi32, #tpu.memory_space<hbm>> -> memref<512xi32, #tpu.memory_space<hbm>>
      tpu.wait_dma2 semaphore(%run_scoped3A : memref<!tpu.dma_semaphore, #tpu.memory_space<semaphore_mem>>) src(%arg8 : memref<512xi32, #tpu.memory_space<vmem>>) dst(%dma_wait3A_11 : memref<512xi32, #tpu.memory_space<hbm>>)
      tpu.yield
    }) : () -> ()
    "tpu.region"() ({
      %run_scoped3A = tpu.sem_alloc : memref<!tpu.dma_semaphore, #tpu.memory_space<semaphore_mem>>
      %dma_start3A = tpu.memref_slice %arg4[%mul3A_2] : memref<16384xi32, #tpu.memory_space<hbm>> -> memref<512xi32, #tpu.memory_space<hbm>>
      %dma_start3A_10 = tpu.memref_slice %arg4[%mul3A_2] : memref<16384xi32, #tpu.memory_space<hbm>> -> memref<512xi32, #tpu.memory_space<hbm>>
      tpu.enqueue_dma source(%arg9 : memref<512xi32, #tpu.memory_space<vmem>>) target(%dma_start3A_10 : memref<512xi32, #tpu.memory_space<hbm>>) target_semaphore(%run_scoped3A : memref<!tpu.dma_semaphore, #tpu.memory_space<semaphore_mem>>)
      %dma_wait3A = tpu.memref_slice %arg4[%mul3A_2] : memref<16384xi32, #tpu.memory_space<hbm>> -> memref<512xi32, #tpu.memory_space<hbm>>
      %dma_wait3A_11 = tpu.memref_slice %arg4[%mul3A_2] : memref<16384xi32, #tpu.memory_space<hbm>> -> memref<512xi32, #tpu.memory_space<hbm>>
      tpu.wait_dma2 semaphore(%run_scoped3A : memref<!tpu.dma_semaphore, #tpu.memory_space<semaphore_mem>>) src(%arg9 : memref<512xi32, #tpu.memory_space<vmem>>) dst(%dma_wait3A_11 : memref<512xi32, #tpu.memory_space<hbm>>)
      tpu.yield
    }) : () -> ()
    "tpu.region"() ({
      %run_scoped3A = tpu.sem_alloc : memref<!tpu.dma_semaphore, #tpu.memory_space<semaphore_mem>>
      %dma_start3A = tpu.memref_slice %arg5[%mul3A_2] : memref<16384xf32, #tpu.memory_space<hbm>> -> memref<512xf32, #tpu.memory_space<hbm>>
      %dma_start3A_10 = tpu.memref_slice %arg5[%mul3A_2] : memref<16384xf32, #tpu.memory_space<hbm>> -> memref<512xf32, #tpu.memory_space<hbm>>
      tpu.enqueue_dma source(%arg10 : memref<512xf32, #tpu.memory_space<vmem>>) target(%dma_start3A_10 : memref<512xf32, #tpu.memory_space<hbm>>) target_semaphore(%run_scoped3A : memref<!tpu.dma_semaphore, #tpu.memory_space<semaphore_mem>>)
      %dma_wait3A = tpu.memref_slice %arg5[%mul3A_2] : memref<16384xf32, #tpu.memory_space<hbm>> -> memref<512xf32, #tpu.memory_space<hbm>>
      %dma_wait3A_11 = tpu.memref_slice %arg5[%mul3A_2] : memref<16384xf32, #tpu.memory_space<hbm>> -> memref<512xf32, #tpu.memory_space<hbm>>
      tpu.wait_dma2 semaphore(%run_scoped3A : memref<!tpu.dma_semaphore, #tpu.memory_space<semaphore_mem>>) src(%arg10 : memref<512xf32, #tpu.memory_space<vmem>>) dst(%dma_wait3A_11 : memref<512xf32, #tpu.memory_space<hbm>>)
      tpu.yield
    }) : () -> ()
    "tpu.region"() ({
      %run_scoped3A = tpu.sem_alloc : memref<!tpu.dma_semaphore, #tpu.memory_space<semaphore_mem>>
      %dma_start3A = tpu.memref_slice %arg6[%mul3A_2] : memref<16384xf32, #tpu.memory_space<hbm>> -> memref<512xf32, #tpu.memory_space<hbm>>
      %dma_start3A_10 = tpu.memref_slice %arg6[%mul3A_2] : memref<16384xf32, #tpu.memory_space<hbm>> -> memref<512xf32, #tpu.memory_space<hbm>>
      tpu.enqueue_dma source(%arg11 : memref<512xf32, #tpu.memory_space<vmem>>) target(%dma_start3A_10 : memref<512xf32, #tpu.memory_space<hbm>>) target_semaphore(%run_scoped3A : memref<!tpu.dma_semaphore, #tpu.memory_space<semaphore_mem>>)
      %dma_wait3A = tpu.memref_slice %arg6[%mul3A_2] : memref<16384xf32, #tpu.memory_space<hbm>> -> memref<512xf32, #tpu.memory_space<hbm>>
      %dma_wait3A_11 = tpu.memref_slice %arg6[%mul3A_2] : memref<16384xf32, #tpu.memory_space<hbm>> -> memref<512xf32, #tpu.memory_space<hbm>>
      tpu.wait_dma2 semaphore(%run_scoped3A : memref<!tpu.dma_semaphore, #tpu.memory_space<semaphore_mem>>) src(%arg11 : memref<512xf32, #tpu.memory_space<vmem>>) dst(%dma_wait3A_11 : memref<512xf32, #tpu.memory_space<hbm>>)
      tpu.yield
    }) : () -> ()
    return
  }
}

module attributes {stable_mosaic.version = 14 : i64} {
  func.func @_mlp_body(%arg0: i32, %arg1: memref<4096x768xf32, #tpu.memory_space<vmem>>, %arg2: memref<768x256xf32, #tpu.memory_space<vmem>>, %arg3: memref<1x256xf32, #tpu.memory_space<vmem>>, %arg4: memref<256x64xf32, #tpu.memory_space<vmem>>, %arg5: memref<1x64xf32, #tpu.memory_space<vmem>>, %arg6: memref<4096x64xf32, #tpu.memory_space<vmem>>) attributes {dimension_semantics = [#tpu.dimension_semantics<parallel>], iteration_bounds = array<i64: 4>, scalar_prefetch = 0 : i64, scratch_operands = 0 : i64, tpu.core_type = #tpu.core_type<tc>, window_params = [{transform_indices = @transform_0, window_bounds = array<i64: 4096, 768>}, {pipeline_mode = #tpu.pipeline_mode<synchronous>, transform_indices = @transform_1, window_bounds = array<i64: 768, 256>}, {pipeline_mode = #tpu.pipeline_mode<synchronous>, transform_indices = @transform_2, window_bounds = array<i64: 1, 256>}, {pipeline_mode = #tpu.pipeline_mode<synchronous>, transform_indices = @transform_3, window_bounds = array<i64: 256, 64>}, {pipeline_mode = #tpu.pipeline_mode<synchronous>, transform_indices = @transform_4, window_bounds = array<i64: 1, 64>}, {transform_indices = @transform_5, window_bounds = array<i64: 4096, 64>}]} {
    %get3A = arith.constant 0 : index
    %get3A_0 = arith.constant 0 : index
    %get3A_1 = vector.load %arg1[%get3A, %get3A_0] : memref<4096x768xf32, #tpu.memory_space<vmem>>, vector<4096x768xf32>
    %get3A_2 = arith.constant 0 : index
    %get3A_3 = arith.constant 0 : index
    %get3A_4 = vector.load %arg2[%get3A_2, %get3A_3] : memref<768x256xf32, #tpu.memory_space<vmem>>, vector<768x256xf32>
    %dot_general3A = arith.constant dense<0.000000e+00> : vector<4096x256xf32>
    %dot_general3A_5 = tpu.matmul %get3A_1, %get3A_4, %dot_general3A {dimension_numbers = #tpu.dot_dimension_numbers<[1], [0], [0], [1], [0, 0, 1, 1], [], []>, transpose_lhs_hint = false} : vector<4096x768xf32>, vector<768x256xf32>, vector<4096x256xf32> -> vector<4096x256xf32>
    %get3A_6 = arith.constant 0 : index
    %get3A_7 = arith.constant 0 : index
    %get3A_8 = vector.load %arg3[%get3A_6, %get3A_7] : memref<1x256xf32, #tpu.memory_space<vmem>>, vector<1x256xf32>
    %add3A = vector.broadcast %get3A_8 : vector<1x256xf32> to vector<4096x256xf32>
    %add3A_9 = arith.addf %dot_general3A_5, %add3A : vector<4096x256xf32>
    %max3A = arith.constant 0.000000e+00 : f32
    %max3A_10 = vector.broadcast %max3A : f32 to vector<4096x256xf32>
    %max3A_11 = arith.maximumf %add3A_9, %max3A_10 : vector<4096x256xf32>
    %get3A_12 = arith.constant 0 : index
    %get3A_13 = arith.constant 0 : index
    %get3A_14 = vector.load %arg4[%get3A_12, %get3A_13] : memref<256x64xf32, #tpu.memory_space<vmem>>, vector<256x64xf32>
    %dot_general3A_15 = arith.constant dense<0.000000e+00> : vector<4096x64xf32>
    %dot_general3A_16 = tpu.matmul %max3A_11, %get3A_14, %dot_general3A_15 {dimension_numbers = #tpu.dot_dimension_numbers<[1], [0], [0], [1], [0, 0, 1, 1], [], []>, transpose_lhs_hint = false} : vector<4096x256xf32>, vector<256x64xf32>, vector<4096x64xf32> -> vector<4096x64xf32>
    %get3A_17 = arith.constant 0 : index
    %get3A_18 = arith.constant 0 : index
    %get3A_19 = vector.load %arg5[%get3A_17, %get3A_18] : memref<1x64xf32, #tpu.memory_space<vmem>>, vector<1x64xf32>
    %add3A_20 = vector.broadcast %get3A_19 : vector<1x64xf32> to vector<4096x64xf32>
    %add3A_21 = arith.addf %dot_general3A_16, %add3A_20 : vector<4096x64xf32>
    %swap3A = arith.constant 0 : index
    %swap3A_22 = arith.constant 0 : index
    %swap3A_23 = vector.load %arg6[%swap3A, %swap3A_22] : memref<4096x64xf32, #tpu.memory_space<vmem>>, vector<4096x64xf32>
    tpu.vector_store %arg6[%swap3A, %swap3A_22], %add3A_21 {strides = array<i32>} : memref<4096x64xf32, #tpu.memory_space<vmem>>, vector<4096x64xf32>,
    return
  }
  func.func @transform_0(%arg0: i32) -> (i32, i32) {
    %add3A = arith.constant 4 : i32
    %add3A_0 = arith.addi %arg0, %add3A : i32
    %c0_i32 = arith.constant 0 : i32
    %c0_i32_1 = arith.constant 0 : i32
    return %add3A_0, %c0_i32 : i32, i32
  }
  func.func @transform_1(%arg0: i32) -> (i32, i32) {
    %c0_i32 = arith.constant 0 : i32
    %c0_i32_0 = arith.constant 0 : i32
    %c0_i32_1 = arith.constant 0 : i32
    return %c0_i32, %c0_i32_0 : i32, i32
  }
  func.func @transform_2(%arg0: i32) -> (i32, i32) {
    %c0_i32 = arith.constant 0 : i32
    %c0_i32_0 = arith.constant 0 : i32
    %c0_i32_1 = arith.constant 0 : i32
    return %c0_i32, %c0_i32_0 : i32, i32
  }
  func.func @transform_3(%arg0: i32) -> (i32, i32) {
    %c0_i32 = arith.constant 0 : i32
    %c0_i32_0 = arith.constant 0 : i32
    %c0_i32_1 = arith.constant 0 : i32
    return %c0_i32, %c0_i32_0 : i32, i32
  }
  func.func @transform_4(%arg0: i32) -> (i32, i32) {
    %c0_i32 = arith.constant 0 : i32
    %c0_i32_0 = arith.constant 0 : i32
    %c0_i32_1 = arith.constant 0 : i32
    return %c0_i32, %c0_i32_0 : i32, i32
  }
  func.func @transform_5(%arg0: i32) -> (i32, i32) {
    %c0_i32 = arith.constant 0 : i32
    %c0_i32_0 = arith.constant 0 : i32
    return %arg0, %c0_i32 : i32, i32
  }
}

module attributes {stable_mosaic.version = 14 : i64} {
  func.func @_mlp_body(%arg0: i32, %arg1: memref<4096x768xf32, #tpu.memory_space<vmem>>, %arg2: memref<768x256xf32, #tpu.memory_space<vmem>>, %arg3: memref<1x256xf32, #tpu.memory_space<vmem>>, %arg4: memref<256x64xf32, #tpu.memory_space<vmem>>, %arg5: memref<1x64xf32, #tpu.memory_space<vmem>>, %arg6: memref<4096x64xf32, #tpu.memory_space<vmem>>) attributes {dimension_semantics = [#tpu.dimension_semantics<parallel>], iteration_bounds = array<i64: 4>, scalar_prefetch = 0 : i64, scratch_operands = 0 : i64, tpu.core_type = #tpu.core_type<tc>, window_params = [{transform_indices = @transform_0, window_bounds = array<i64: 4096, 768>}, {pipeline_mode = #tpu.pipeline_mode<synchronous>, transform_indices = @transform_1, window_bounds = array<i64: 768, 256>}, {pipeline_mode = #tpu.pipeline_mode<synchronous>, transform_indices = @transform_2, window_bounds = array<i64: 1, 256>}, {pipeline_mode = #tpu.pipeline_mode<synchronous>, transform_indices = @transform_3, window_bounds = array<i64: 256, 64>}, {pipeline_mode = #tpu.pipeline_mode<synchronous>, transform_indices = @transform_4, window_bounds = array<i64: 1, 64>}, {transform_indices = @transform_5, window_bounds = array<i64: 4096, 64>}]} {
    %get3A = arith.constant 0 : index
    %get3A_0 = arith.constant 0 : index
    %get3A_1 = vector.load %arg1[%get3A, %get3A_0] : memref<4096x768xf32, #tpu.memory_space<vmem>>, vector<4096x768xf32>
    %get3A_2 = arith.constant 0 : index
    %get3A_3 = arith.constant 0 : index
    %get3A_4 = vector.load %arg2[%get3A_2, %get3A_3] : memref<768x256xf32, #tpu.memory_space<vmem>>, vector<768x256xf32>
    %dot_general3A = arith.constant dense<0.000000e+00> : vector<4096x256xf32>
    %dot_general3A_5 = tpu.matmul %get3A_1, %get3A_4, %dot_general3A {dimension_numbers = #tpu.dot_dimension_numbers<[1], [0], [0], [1], [0, 0, 1, 1], [], []>, transpose_lhs_hint = false} : vector<4096x768xf32>, vector<768x256xf32>, vector<4096x256xf32> -> vector<4096x256xf32>
    %get3A_6 = arith.constant 0 : index
    %get3A_7 = arith.constant 0 : index
    %get3A_8 = vector.load %arg3[%get3A_6, %get3A_7] : memref<1x256xf32, #tpu.memory_space<vmem>>, vector<1x256xf32>
    %add3A = vector.broadcast %get3A_8 : vector<1x256xf32> to vector<4096x256xf32>
    %add3A_9 = arith.addf %dot_general3A_5, %add3A : vector<4096x256xf32>
    %max3A = arith.constant 0.000000e+00 : f32
    %max3A_10 = vector.broadcast %max3A : f32 to vector<4096x256xf32>
    %max3A_11 = arith.maximumf %add3A_9, %max3A_10 : vector<4096x256xf32>
    %get3A_12 = arith.constant 0 : index
    %get3A_13 = arith.constant 0 : index
    %get3A_14 = vector.load %arg4[%get3A_12, %get3A_13] : memref<256x64xf32, #tpu.memory_space<vmem>>, vector<256x64xf32>
    %dot_general3A_15 = arith.constant dense<0.000000e+00> : vector<4096x64xf32>
    %dot_general3A_16 = tpu.matmul %max3A_11, %get3A_14, %dot_general3A_15 {dimension_numbers = #tpu.dot_dimension_numbers<[1], [0], [0], [1], [0, 0, 1, 1], [], []>, transpose_lhs_hint = false} : vector<4096x256xf32>, vector<256x64xf32>, vector<4096x64xf32> -> vector<4096x64xf32>
    %get3A_17 = arith.constant 0 : index
    %get3A_18 = arith.constant 0 : index
    %get3A_19 = vector.load %arg5[%get3A_17, %get3A_18] : memref<1x64xf32, #tpu.memory_space<vmem>>, vector<1x64xf32>
    %add3A_20 = vector.broadcast %get3A_19 : vector<1x64xf32> to vector<4096x64xf32>
    %add3A_21 = arith.addf %dot_general3A_16, %add3A_20 : vector<4096x64xf32>
    %swap3A = arith.constant 0 : index
    %swap3A_22 = arith.constant 0 : index
    %swap3A_23 = vector.load %arg6[%swap3A, %swap3A_22] : memref<4096x64xf32, #tpu.memory_space<vmem>>, vector<4096x64xf32>
    tpu.vector_store %arg6[%swap3A, %swap3A_22], %add3A_21 {strides = array<i32>} : memref<4096x64xf32, #tpu.memory_space<vmem>>, vector<4096x64xf32>,
    return
  }
  func.func @transform_0(%arg0: i32) -> (i32, i32) {
    %add3A = arith.constant 0 : i32
    %add3A_0 = arith.addi %arg0, %add3A : i32
    %c0_i32 = arith.constant 0 : i32
    %c0_i32_1 = arith.constant 0 : i32
    return %add3A_0, %c0_i32 : i32, i32
  }
  func.func @transform_1(%arg0: i32) -> (i32, i32) {
    %c0_i32 = arith.constant 0 : i32
    %c0_i32_0 = arith.constant 0 : i32
    %c0_i32_1 = arith.constant 0 : i32
    return %c0_i32, %c0_i32_0 : i32, i32
  }
  func.func @transform_2(%arg0: i32) -> (i32, i32) {
    %c0_i32 = arith.constant 0 : i32
    %c0_i32_0 = arith.constant 0 : i32
    %c0_i32_1 = arith.constant 0 : i32
    return %c0_i32, %c0_i32_0 : i32, i32
  }
  func.func @transform_3(%arg0: i32) -> (i32, i32) {
    %c0_i32 = arith.constant 0 : i32
    %c0_i32_0 = arith.constant 0 : i32
    %c0_i32_1 = arith.constant 0 : i32
    return %c0_i32, %c0_i32_0 : i32, i32
  }
  func.func @transform_4(%arg0: i32) -> (i32, i32) {
    %c0_i32 = arith.constant 0 : i32
    %c0_i32_0 = arith.constant 0 : i32
    %c0_i32_1 = arith.constant 0 : i32
    return %c0_i32, %c0_i32_0 : i32, i32
  }
  func.func @transform_5(%arg0: i32) -> (i32, i32) {
    %c0_i32 = arith.constant 0 : i32
    %c0_i32_0 = arith.constant 0 : i32
    return %arg0, %c0_i32 : i32, i32
  }
}

</mosaic_0001>

<sc_bundles>
// kernel: kernel.6.cloned.1.call-start
scs
__scs_entry_jumppad:
0x0: {  	(pc) =	sbr.rel $0x88, $3  }
0x1: {  	(tag) =	ssettag $0x0;
	lr =	simm.s32 $0x1  }
0x2: {  	[smem:$0x3F9C] =	sst lr;
	_ =	strace $0xD0000000  }
0x3: {  	_ = 	snop  }
0x4: {  	_ = 	snop  }
0x5: {  	_ = 	snop  }
0x6: {  	_ = 	snop  }
0x7: {  	_ = 	snop  }
__scs_overlays_trampoline_lowered:
0x8: {  	[smem:$0x3FAB] =	sst s0  }
0x9: {  	[smem:$0x3FAC] =	sst s1  }
0xa: {  	[smem:$0x3FAD] =	sst s2  }
0xb: {  	[smem:$0x3FAE] =	sst s3  }
0xc: {  	[smem:$0x3FAF] =	sst s4  }
0xd: {  	[smem:$0x3FB0] =	sst s5  }
0xe: {  	[smem:$0x3FB1] =	sst s6  }
0xf: {  	[smem:$0x3FB2] =	sst s7  }
0x10: {  	[smem:$0x3FB3] =	sst s8  }
0x11: {  	[smem:$0x3FB4] =	sst s9;
	s0 =	simm.s32 @!p0 $0x0  }
0x12: {  	s1 =	sld [smem:$0x3F9A];
	s0 =	simm.s32 @p0 $0x1  }
0x13: {  	[smem:$0x3FB5] =	sst s0;
	s0 =	simm.s32 @!p1 $0x0  }
0x14: {  	s2 =	sld [smem:$0x3F99];
	s0 =	simm.s32 @p1 $0x1  }
0x15: {  	[smem:$0x3FB6] =	sst s0;
	s0 =	simm.s32 @!p2 $0x0  }
0x16: {  	s3 =	sld [smem:$0x3FDB];
	s0 =	simm.s32 @p2 $0x1  }
0x17: {  	s4 =	simm.s32 $0x1BF5;
	[smem:$0x3FB8] =	sst s0  }
0x18: {  	s0 =	sld [smem:$0x3F9B];
	_ =	swait.ge [sflag:s4], $0x0  }
0x19: {  	s7 =	sld [smem:$0x3F9C]  }
0x1a: {  	s8 =	sadd.s32 $0xFFFFE003, lr  }
0x1b: {  	s9 =	sadd.s32 $0xFFFFFEF7, lr;
	s5 =	simm.s32 $0xFFFFFFFF;
	p2 =	slt.u32 s8, $0xFFFFF086  }
0x1c: {  	p1 =	slt.u32 s9, $0xF7A;
	s5 =	simm.s32 @!p2 $0x0  }
0x1d: {  	s5 =	simm.s32 @p1 $0x1;
	p0 =	seq.s32 s7, s2  }
0x1e: {  	s7 =	smul.u32 @!p0 $0xF7A, s2;
	p2 =	seq.s32 @!p0 s5, $0x0  }
0x1f: {  	s9 =	smul.u32 $0xF7A, s1;
	s8 =	simm.s32 @!p0 $0x1BF5;
	p2 =	por !p2, p0  }
0x20: {  	[sflag:s8] =	ssyncset.s32 @!p0 $0xFFFFF086;
	s6 =	sadd.s32 @!p0 s3, s7;
	s7 =	simm.s32 @!p0 $0x108  }
0x21: {  	s3 =	sadd.s32 s3, s9;
	s6 =	sadd.s32 @!p0 $0x88, s6;
	s7 =	simm.s32 @p2 $0x1082  }
0x22: {  	[simem:s7], [sflag:s8] =	dma.local @!p0 [hbm:s6], $0xF7A  }
0x23: {  	s9 =	sor.u32 $0xD0000000, s2;
	s6 =	simm.s32 $0x108;
	_ =	swait.ge @!p0 [sflag:s8], $0x0  }
0x24: {  	s3 =	sadd.s32 $0x88, s3;
	s6 =	simm.s32 @!p1 $0x1082;
	[sflag:s4] =	ssyncset.s32 $0xFFFFF086  }
0x25: {  	[simem:s6], [sflag:s4] =	dma.local [hbm:s3], $0xF7A  }
0x26: {  	[smem:$0x3F9C] =	sst s1;
	(tag) =	ssettag s2;
	_ =	strace s9  }
0x27: {  	s1 =	sld [smem:$0x3FAC]  }
0x28: {  	s2 =	sld [smem:$0x3FAD]  }
0x29: {  	s4 =	sld [smem:$0x3FAF]  }
0x2a: {  	p0 =	seq.s32 s5, $0x0;
	s5 =	sld [smem:$0x3FB0]  }
0x2b: {  	s6 =	sld [smem:$0x3FB1]  }
0x2c: {  	s7 =	sld [smem:$0x3FB2]  }
0x2d: {  	s3 =	simm.s32 $0x108;
	s8 =	sld [smem:$0x3FB3]  }
0x2e: {  	s3 =	simm.s32 @!p0 $0x1082;
	s9 =	sld [smem:$0x3FB4]  }
0x2f: {  	lr =	sadd.s32 s0, s3;
	s0 =	sld [smem:$0x3FAB]  }
0x30: {  	s3 =	sld [smem:$0x3FAE]  }
0x31: {  	[smem:$0x3FB7] =	sst s10  }
0x32: {  	s10 =	sld [smem:$0x3FB5];
	_ =	sdelay $0x3  }
0x33: {  	p0 =	seq.s32 s10, $0x1;
	s10 =	sld [smem:$0x3FB7];
	_ =	sdelay $0x3  }
0x34: {  	[smem:$0x3FB7] =	sst s10  }
0x35: {  	s10 =	sld [smem:$0x3FB6];
	_ =	sdelay $0x3  }
0x36: {  	p1 =	seq.s32 s10, $0x1;
	s10 =	sld [smem:$0x3FB7];
	_ =	sdelay $0x3  }
0x37: {  	[smem:$0x3FB7] =	sst s10  }
0x38: {  	s10 =	sld [smem:$0x3FB8]  }
0x39: {  	_ = 	snop;
	(pc) =	sbr.ind lr, $3  }
0x3a: {  	_ = 	snop  }
0x3b: {  	_ = 	snop  }
0x3c: {  	p2 =	seq.s32 s10, $0x1;
	s10 =	sld [smem:$0x3FB7]  }
0x3d: {  	_ =	shalt  }
0x3e: {  	_ =	shalt  }
0x3f: {  	_ =	shalt  }
0x40: {  	_ =	shalt  }
0x41: {  	_ =	shalt  }
0x42: {  	_ =	shalt  }
0x43: {  	_ =	shalt  }
0x44: {  	_ =	shalt  }
0x45: {  	_ =	shalt  }
0x46: {  	_ =	shalt  }
0x47: {  	_ =	shalt  }
0x48: {  	_ =	shalt  }
0x49: {  	_ =	shalt  }
0x4a: {  	_ =	shalt  }
0x4b: {  	_ =	shalt  }
0x4c: {  	_ =	shalt  }
0x4d: {  	_ =	shalt  }
0x4e: {  	_ =	shalt  }
0x4f: {  	_ =	shalt  }
0x50: {  	_ =	shalt  }
0x51: {  	_ =	shalt  }
0x52: {  	_ =	shalt  }
0x53: {  	_ =	shalt  }
0x54: {  	_ =	shalt  }
0x55: {  	_ =	shalt  }
0x56: {  	_ =	shalt  }
0x57: {  	_ =	shalt  }
0x58: {  	_ =	shalt  }
0x59: {  	_ =	shalt  }
0x5a: {  	_ =	shalt  }
0x5b: {  	_ =	shalt  }
0x5c: {  	_ =	shalt  }
0x5d: {  	_ =	shalt  }
0x5e: {  	_ =	shalt  }
0x5f: {  	_ =	shalt  }
0x60: {  	_ =	shalt  }
0x61: {  	_ =	shalt  }
0x62: {  	_ =	shalt  }
0x63: {  	_ =	shalt  }
0x64: {  	_ =	shalt  }
0x65: {  	_ =	shalt  }
0x66: {  	_ =	shalt  }
0x67: {  	_ =	shalt  }
0x68: {  	_ =	shalt  }
0x69: {  	_ =	shalt  }
0x6a: {  	_ =	shalt  }
0x6b: {  	_ =	shalt  }
0x6c: {  	_ =	shalt  }
0x6d: {  	_ =	shalt  }
0x6e: {  	_ =	shalt  }
0x6f: {  	_ =	shalt  }
0x70: {  	_ =	shalt  }
0x71: {  	_ =	shalt  }
0x72: {  	_ =	shalt  }
0x73: {  	_ =	shalt  }
0x74: {  	_ =	shalt  }
0x75: {  	_ =	shalt  }
0x76: {  	_ =	shalt  }
0x77: {  	_ =	shalt  }
0x78: {  	_ =	shalt  }
0x79: {  	_ =	shalt  }
0x7a: {  	_ =	shalt  }
0x7b: {  	_ =	shalt  }
0x7c: {  	_ =	shalt  }
0x7d: {  	_ =	shalt  }
0x7e: {  	_ =	shalt  }
0x7f: {  	_ =	shalt  }
0x80: {  	_ =	shalt  }
0x81: {  	_ =	shalt  }
0x82: {  	_ =	shalt  }
0x83: {  	_ =	shalt  }
0x84: {  	_ =	shalt  }
0x85: {  	_ =	shalt  }
0x86: {  	_ =	shalt  }
0x87: {  	_ =	shalt  }
.Lfunc_end0:
.L_simem_size_0:
called_computation_lowered:
.L_overlay_start_0:
0x88: {  	s2 =	sld [smem:$0x3FD9]  }
0x89: {  	s3 =	sld [smem:$0x3FFE];
	_ =	sdelay $0x1  }
0x8a: {  	s1 =	srdreg.scid  }
0x8b: {  	s0 =	sand.u32 $0x1, s1  }
0x8c: {  	s15 =	sshll.u32 s0, $0xA;
	s2 =	sadd.s32 s3, s2  }
0x8d: {  	s2 =	sadd.s32 s2, s15  }
0x8e: {  	[smem:$0x3FC3] =	sst s2  }
0x8f: {  	_ = 	snop  }
0x90: {  	s2 =	sld [smem:$0x3FD0];
	_ =	sdelay $0x2  }
0x91: {  	s4 =	simm.s32 $0xB;
	s16 =	simm.s32 $0x10  }
0x92: {  	[smem:s16], [sflag:s4] =	dma.local [hbm:s2], $0x1  }
0x93: {  	_ =	swait.eq [sflag:s4], $0x1  }
0x94: {  	[sflag:s4] =	ssyncset.done $0x0  }
0x95: {  	s17 =	sld [smem:$0x10];
	[sflag:s4] =	ssyncadd.s32 $0xFFFFFFFF  }
0x96: {  	s18 =	sld [smem:$0x11];
	(tm) =	ssettm $0x1  }
0x97: {  	s19 =	sld [smem:$0x3FFB];
	_ =	sdelay $0x3  }
0x98: {  	_ =	strace s19  }
0x99: {  	s2 =	sld [smem:$0x3FFC];
	_ =	sdelay $0x3  }
0x9a: {  	_ =	strace s2  }
0x9b: {  	s2 =	sld [smem:$0x3FFD];
	_ =	sdelay $0x3  }
0x9c: {  	_ =	strace s2  }
0x9d: {  	_ =	strace $0x8FFFFFFF  }
0x9e: {  	s20 =	sld [smem:$0x3FDB];
	_ =	sdelay $0x1  }
0x9f: {  	s5 =	simm.s32 $_scs_section_size  }
0xa0: {  	s6 =	simm.s32 $_size__tile_overlayer_lowered;
	s7 =	simm.s32 $_tile_overlayer_lowered  }
0xa1: {  	s8 =	simm.s32 $0x1BFF;
	s21 =	sshll.u32 s7, $0x1;
	s5 =	sadd.s32 s5, s20  }
0xa2: {  	s22 =	simm.s32 $0x0;
	s6 =	sshll.u32 s6, $0x1;
	s7 =	sadd.s32 s21, s5  }
0xa3: {  	[timem:s22], [sflag:s8] =	dma.local [hbm:s7], s6  }
0xa4: {  	_ =	swait.ge [sflag:s8], s6  }
0xa5: {  	s6 =	ssub.s32 $0x0, s6;
	[sflag:s8] =	ssyncset.done $0x0  }
0xa6: {  	[sflag:s8] =	ssyncadd.s32 s6;
	_ =	sdelay $0x1  }
0xa7: {  	s23 =	simm.s32 $0x1B8B  }
0xa8: {  	_ =	swait.ge [sflag:s23], $0x1  }
0xa9: {  	[sflag:s23] =	ssyncset.done $0x0  }
0xaa: {  	[sflag:s23] =	ssyncadd.s32 $0xFFFFFFFF  }
0xab: {  	s6 =	sld [smem:$0x0]  }
0xac: {  	s7 =	sand.u32 $0xFFFFFFFE, s1  }
0xad: {  	p0 =	sne.s32 s1, s7  }
0xae: {  	s7 =	sshll.u32 @p0 s7, $0xE  }
0xaf: {  	s7 =	sadd.s32 @p0 $0x11B8D, s7;
	s8 =	sshll.u32 @p0 s6, $0x11  }
0xb0: {  	s7 =	sor.u32 @p0 s8, s7  }
0xb1: {  	[sflag:s7] =	ssyncadd.remote.s32 @p0 $0x1;
	_ =	sdelay $0x1  }
0xb2: {  	s7 =	simm.s32 @p0 $0x1B8D  }
0xb3: {  	_ =	swait.eq @p0 [sflag:s7], $0x1  }
0xb4: {  	[sflag:s7] =	ssyncadd.s32 @p0 $0xFFFFFFFF  }
0xb5: {  	s8 =	sshll.u32 @!p0 s1, $0xE  }
0xb6: {  	s8 =	sor.u32 @!p0 $0x4000, s8;
	s7 =	simm.s32 @!p0 $0x1B8D  }
0xb7: {  	s6 =	sshll.u32 @!p0 s6, $0x11;
	s8 =	sadd.s32 @!p0 $0x11B8D, s8;
	_ =	swait.eq @!p0 [sflag:s7], $0x1  }
0xb8: {  	s6 =	sor.u32 @!p0 s6, s8;
	[sflag:s7] =	ssyncadd.s32 @!p0 $0xFFFFFFFF  }
0xb9: {  	s25 =	simm.s32 $0x1B8E;
	s24 =	sld [smem:$0x3FFE];
	[sflag:s6] =	ssyncadd.remote.s32 @!p0 $0x1  }
0xba: {  	s26 =	simm.s32 $execute0_lowered;
	[smem:$0x3FD2] =	sst s25  }
0xbb: {  	s7 =	sshll.u32 s26, $0x1;
	_ =	strace $0x80000049;
	[dreg:$0x1] =	wrdreg $0xFFFFFFFF  }
0xbc: {  	s28 =	simm.s32 $_size_execute0_lowered;
	s5 =	sadd.s32 s5, s7;
	[dreg:$0x0] =	wrdreg $0x0  }
0xbd: {  	s7 =	sshll.u32 s28, $0x1;
	[dreg:$0x2] =	wrdreg s5  }
0xbe: {  	[dreg:$0x3] =	wrdreg s7  }
0xbf: {  	[dreg:$0x4] =	wrdreg $0xC0  }
0xc0: {  	_ =	task [dreg:s22], $0x5FFFF  }
0xc1: {  	[dreg:$0x1] =	wrdreg $0xFFFFFFFF  }
0xc2: {  	[dreg:$0x0] =	wrdreg $0x60  }
0xc3: {  	[dreg:$0x2] =	wrdreg s24  }
0xc4: {  	[dreg:$0x3] =	wrdreg s18  }
0xc5: {  	[dreg:$0x4] =	wrdreg s17  }
0xc6: {  	[dreg:$0x5] =	wrdreg $0x9  }
0xc7: {  	_ =	task.clear_ibuf [dreg:s22], $0x6FFFF;
	_ =	strace $0x90000049  }
0xc8: {  	s29 =	simm.s32 $0x9;
	_ =	strace $0x8000004B  }
0xc9: {  	_ =	swait.ge [sflag:s29], $0x1  }
0xca: {  	[sflag:s29] =	ssyncadd.s32 $0xFFFFFFFF  }
0xcb: {  	_ =	strace $0x9000004B  }
0xcc: {  	_ =	sfence  }
0xcd: {  	s30 =	sld [smem:$0x0];
	_ =	sdelay $0x2  }
0xce: {  	s31 =	sshll.u32 s1, $0xD;
	s1 =	sshrl.u32 s1, $0x2  }
0xcf: {  	s4 =	sand.u32 $0x4000, s31;
	s1 =	sadd.s32 s1, s30  }
0xd0: {  	s0 =	sor.u32 s4, s0;
	s1 =	sshll.u32 s1, $0x11  }
0xd1: {  	s0 =	sor.u32 s1, s0  }
0xd2: {  	s0 =	sadd.s32 $0x8F2B, s0  }
0xd3: {  	[sflag:s0] =	ssyncadd.remote.s32 $0x1  }
0xd4: {  	_ =	sfence.sel $0xFFFF  }
0xd5: {  	[dreg:$0x0] =	wrdreg $0xFFFFFFFF;
	(pc) =	sbr.abs _section_cstart, $3  }
0xd6: {  	[dreg:$0x1] =	wrdreg $0xFFFFFFFF  }
0xd7: {  	_ =	task.clear_ibuf [dreg:s22], $0x2FFFF;
	_ =	strace $0x9FFFFFFF  }
0xd8: {  	(tm) =	ssettm $0x7FFFFFFF  }
0xd9: {  	_ =	shalt  }
tec
execute0_lowered:
.L_overlay_start_1:
0x0: {  	(tag) =	ssettag $0x1  }
0x1: {  	s3 =	rddreg [dreg:$0x0]  }
0x2: {  	s4 =	rddreg [dreg:$0x1]  }
0x3: {  	s5 =	rddreg [dreg:$0x2]  }
0x4: {  	s0 =	rddreg [dreg:$0x3]  }
0x5: {  	s2 =	simm.s32 $0x0;
	s6 =	srdreg.scid;
	s1 =	stileid.u32  }
0x6: {  	s11 =	simm.s32 $0x8200;
	s12 =	simm.s32 $0x8400;
	s13 =	simm.s32 $0x8600  }
0x7: {  	[smem:$0x7FF] =	sst s2;
	s6 =	sand.u32 $0x1, s6;
	s7 =	sshll.u32 s1, $0x1  }
0x8: {  	s14 =	simm.s32 $0x0;
	_ =	strace $0x8000004A;
	s7 =	sor.u32 s6, s7  }
0x9: {  	s6 =	ssub.s32 $0x2, s6;
	s8 =	sshll.u32 s7, $0xC;
	s7 =	sshll.u32 s7, $0x6  }
0xa: {  	s9 =	sshrl.u32 s6, $0x1;
	s8 =	sadd.s32 s8, s3;
	s10 =	sadd.s32 s7, s3  }
0xb: {  	s9 =	ssub.s32 s6, s9;
	s4 =	sadd.s32 s4, s7;
	s5 =	sadd.s32 s5, s7  }
0xc: {  	v0 =	vlaneseq.u32;
	s3 =	sadd.s32 $0x23A00, s8;
	s6 =	sadd.s32 $0x43A00, s10;
	s7 =	sadd.s32 $0x44200, s10  }
0xd: {  	v1 =	vimm.s32 $0x0;
	v0 =	vmul.u32 $0x40, v0;
	s8 =	smax.u32 s9, $0x1;
	s9 =	simm.s32 $0x1;
	s10 =	simm.s32 $0x8000  }
.LBB2_1:
0xe: {  	v2 =	vmov s2  }
0xf: {  	v2 =	vshll.u32 v2, $0x6  }
0x10: {  	v2 =	vor.u32 v0, v2  }
0x11: {  	[tilespmem:s2], [sflag:$0x1] =	stream.linear.gather [hbm4b:s3+s2], $0x8000, $0x38;
	v3 =	vor.u32 $0x1, v2;
	[tilespmem:$0x8800] =	vst v63  }
0x12: {  	_ =	swait.ge [sflag:s9], $0x8000  }
0x13: {  	[sflag:s9] =	ssyncset.done $0x0  }
0x14: {  	[sflag:s9] =	ssyncadd.s32 $0xFFFF8000  }
0x15: {  	v4 =	vor.u32 $0x2, v2;
	v5 =	vld.idx.msk [tilespmem:v2+s2+$0x0], $0xffff  }
0x16: {  	v3 =	vld.idx.msk [tilespmem:v3+s2+$0x0], $0xffff;
	_ =	sdelay $0x1  }
0x17: {  	v6 =	vor.u32 $0x3, v2;
	_ =	sdelay $0x1  }
0x18: {  	v8 =	vimm.s32 $0x0;
	v7 =	vor.u32 $0x4, v2;
	v4 =	vld.idx.msk [tilespmem:v4+s2+$0x0], $0xffff  }
0x19: {  	vm0 =	vlt.f32 v3, $-Inf;
	vm1 =	vgt.f32 v3, $-Inf;
	vm2 =	vgt.f32 v3, v5  }
0x1a: {  	v8 =	vsel vm2, $0xFFFFFFFF, v8;
	vm13 =	vmor vm1, vm0  }
0x1b: {  	v6 =	vld.idx.msk [tilespmem:v6+s2+$0x0], $0xffff;
	vm1 =	vmneg vm2;
	[tilespmem:$0x1FC60] =	vst v8;
	v8 =	vnsel vm13, $0xFF800000, v3  }
0x1c: {  	v9 =	vor.u32 $0x5, v2;
	v8 =	vsel vm1, v8, v5  }
0x1d: {  	v3 =	vsel vm1, v5, v3;
	vm14 =	vgt.f32 v4, v8  }
0x1e: {  	v5 =	vld.idx.msk [tilespmem:v7+s2+$0x0], $0xffff;
	vm2 =	vgt.f32 v4, v3;
	v7 =	vsel vm14, v4, v8  }
0x1f: {  	v7 =	vsel vm2, v3, v7  }
0x20: {  	v8 =	vor.u32 $0x6, v2;
	v3 =	vsel vm2, v4, v3;
	vm15 =	vgt.f32 v6, v7  }
0x21: {  	v4 =	vld.idx.msk [tilespmem:v9+s2+$0x0], $0xffff;
	vm3 =	vgt.f32 v6, v3;
	v7 =	vsel vm15, v6, v7  }
0x22: {  	v9 =	vor.u32 $0x7, v2;
	v7 =	vsel vm3, v3, v7  }
0x23: {  	v3 =	vsel vm3, v6, v3;
	v6 =	vimm.s32 $0x0;
	vm9 =	vgt.f32 v5, v7  }
0x24: {  	vm4 =	vgt.f32 v5, v3;
	v6 =	vsel vm9, $0xFFFFFFFF, v6;
	v7 =	vsel vm9, v5, v7  }
0x25: {  	[tilespmem:$0x1FC70] =	vst v6;
	v6 =	vld.idx.msk [tilespmem:v8+s2+$0x0], $0xffff;
	v7 =	vsel vm4, v3, v7  }
0x26: {  	v3 =	vsel vm4, v5, v3;
	v5 =	vimm.s32 $0x0;
	vm10 =	vgt.f32 v4, v7  }
0x27: {  	v8 =	vor.u32 $0x8, v2;
	v5 =	vsel vm10, $0xFFFFFFFF, v5  }
0x28: {  	vm5 =	vgt.f32 v4, v3;
	v7 =	vsel vm10, v4, v7;
	[tilespmem:$0x1FC80] =	vst v5;
	v5 =	vld.idx.msk [tilespmem:v9+s2+$0x0], $0xffff  }
0x29: {  	v9 =	vor.u32 $0x9, v2;
	v7 =	vsel vm5, v3, v7  }
0x2a: {  	v3 =	vsel vm5, v4, v3;
	v4 =	vimm.s32 $0x0;
	vm11 =	vgt.f32 v6, v7  }
0x2b: {  	vm6 =	vgt.f32 v6, v3;
	v4 =	vsel vm11, $0xFFFFFFFF, v4;
	v7 =	vsel vm11, v6, v7  }
0x2c: {  	[tilespmem:$0x1FC90] =	vst v4;
	v4 =	vld.idx.msk [tilespmem:v8+s2+$0x0], $0xffff;
	v7 =	vsel vm6, v3, v7  }
0x2d: {  	v3 =	vsel vm6, v6, v3;
	v6 =	vimm.s32 $0x0;
	vm12 =	vgt.f32 v5, v7  }
0x2e: {  	v8 =	vor.u32 $0xA, v2;
	v6 =	vsel vm12, $0xFFFFFFFF, v6  }
0x2f: {  	vm7 =	vgt.f32 v5, v3;
	v7 =	vsel vm12, v5, v7;
	[tilespmem:$0x1FCA0] =	vst v6;
	v6 =	vld.idx.msk [tilespmem:v9+s2+$0x0], $0xffff  }
0x30: {  	v9 =	vor.u32 $0xB, v2;
	v7 =	vsel vm7, v3, v7  }
0x31: {  	v3 =	vsel vm7, v5, v3;
	v5 =	vimm.s32 $0x0;
	vm8 =	vgt.f32 v4, v7  }
0x32: {  	v5 =	vsel vm8, $0xFFFFFFFF, v5;
	v7 =	vsel vm8, v4, v7;
	vm8 =	vgt.f32 v4, v3  }
0x33: {  	[tilespmem:$0x1FCB0] =	vst v5;
	v5 =	vld.idx.msk [tilespmem:v8+s2+$0x0], $0xffff;
	v7 =	vsel vm8, v3, v7  }
0x34: {  	v3 =	vsel vm8, v4, v3;
	v4 =	vimm.s32 $0x0;
	vm9 =	vgt.f32 v6, v7  }
0x35: {  	v8 =	vor.u32 $0xC, v2;
	v4 =	vsel vm9, $0xFFFFFFFF, v4  }
0x36: {  	v7 =	vsel vm9, v6, v7;
	vm9 =	vgt.f32 v6, v3;
	[tilespmem:$0x1FCC0] =	vst v4;
	v4 =	vld.idx.msk [tilespmem:v9+s2+$0x0], $0xffff  }
0x37: {  	v9 =	vor.u32 $0xD, v2;
	v7 =	vsel vm9, v3, v7  }
0x38: {  	v3 =	vsel vm9, v6, v3;
	v6 =	vimm.s32 $0x0;
	vm10 =	vgt.f32 v5, v7  }
0x39: {  	v6 =	vsel vm10, $0xFFFFFFFF, v6;
	v7 =	vsel vm10, v5, v7;
	vm10 =	vgt.f32 v5, v3  }
0x3a: {  	[tilespmem:$0x1FCD0] =	vst v6;
	v6 =	vld.idx.msk [tilespmem:v8+s2+$0x0], $0xffff;
	v7 =	vsel vm10, v3, v7  }
0x3b: {  	v3 =	vsel vm10, v5, v3;
	v5 =	vimm.s32 $0x0;
	vm11 =	vgt.f32 v4, v7  }
0x3c: {  	v8 =	vor.u32 $0xE, v2;
	v5 =	vsel vm11, $0xFFFFFFFF, v5  }
0x3d: {  	v7 =	vsel vm11, v4, v7;
	vm11 =	vgt.f32 v4, v3;
	[tilespmem:$0x1FCE0] =	vst v5;
	v5 =	vld.idx.msk [tilespmem:v9+s2+$0x0], $0xffff  }
0x3e: {  	v9 =	vor.u32 $0xF, v2;
	v7 =	vsel vm11, v3, v7  }
0x3f: {  	v11 =	vld [tilespmem:$0x1FC60];
	v3 =	vsel vm11, v4, v3;
	v4 =	vimm.s32 $0x0;
	vm12 =	vgt.f32 v6, v7  }
0x40: {  	v4 =	vsel vm12, $0xFFFFFFFF, v4;
	v7 =	vsel vm12, v6, v7;
	vm12 =	vgt.f32 v6, v3  }
0x41: {  	v10 =	vor.u32 $0x11, v2;
	[tilespmem:$0x1FCF0] =	vst v4;
	v4 =	vld.idx.msk [tilespmem:v8+s2+$0x0], $0xffff;
	v7 =	vsel vm12, v3, v7  }
0x42: {  	v3 =	vsel vm12, v6, v3;
	v6 =	vimm.s32 $0x0;
	vm0 =	vgt.f32 v5, v7  }
0x43: {  	vm1 =	vmand vm1, vm13;
	v8 =	vor.u32 $0x10, v2;
	v6 =	vsel vm0, $0xFFFFFFFF, v6  }
0x44: {  	vm13 =	vgt.f32 v5, v3;
	v7 =	vsel vm0, v5, v7;
	vm0 =	vnez.u8 v11;
	[tilespmem:$0x1FD00] =	vst v6;
	v6 =	vld.idx.msk [tilespmem:v9+s2+$0x0], $0xffff  }
0x45: {  	v9 =	vsel vm1, $0x1, v1;
	v7 =	vsel vm13, v3, v7;
	v11 =	vsel vm0, $0x1, v1  }
0x46: {  	v3 =	vsel vm13, v5, v3;
	v5 =	vimm.s32 $0x0;
	vm0 =	vgt.f32 v4, v7  }
0x47: {  	vm1 =	vgt.f32 v4, v3;
	v5 =	vsel vm0, $0xFFFFFFFF, v5;
	v7 =	vsel vm0, v4, v7  }
0x48: {  	[tilespmem:$0x1FD10] =	vst v5;
	v5 =	vsel vm14, $0x2, v9;
	v7 =	vsel vm1, v3, v7  }
0x49: {  	v8 =	vld.idx.msk [tilespmem:v8+s2+$0x0], $0xffff;
	v3 =	vsel vm1, v4, v3;
	v5 =	vsel vm2, v11, v5;
	vm14 =	vgt.f32 v6, v7  }
0x4a: {  	v11 =	vsel vm2, $0x2, v11;
	vm2 =	vgt.f32 v6, v3;
	v7 =	vsel vm14, v6, v7  }
0x4b: {  	v7 =	vsel vm2, v3, v7;
	v3 =	vsel vm2, v6, v3;
	v6 =	vld [tilespmem:$0x1FC70]  }
0x4c: {  	v4 =	vsel vm15, $0x3, v5;
	v5 =	vld.idx.msk [tilespmem:v10+s2+$0x0], $0xffff;
	_ =	sdelay $0x1  }
0x4d: {  	v9 =	vor.u32 $0x12, v2;
	v4 =	vsel vm3, v11, v4;
	vm15 =	vgt.f32 v8, v7  }
0x4e: {  	v11 =	vsel vm3, $0x3, v11;
	vm3 =	vgt.f32 v8, v3;
	v7 =	vsel vm15, v8, v7  }
0x4f: {  	v7 =	vsel vm3, v3, v7;
	v3 =	vsel vm3, v8, v3;
	vm0 =	vnez.u8 v6  }
0x50: {  	v8 =	vimm.s32 $0x0;
	v4 =	vsel vm0, $0x4, v4;
	vm0 =	vgt.f32 v5, v7  }
0x51: {  	v8 =	vsel vm0, $0xFFFFFFFF, v8  }
0x52: {  	[tilespmem:$0x1FD20] =	vst v8;
	v8 =	vld [tilespmem:$0x1FC80];
	_ =	sdelay $0x2  }
0x53: {  	v6 =	vld.idx.msk [tilespmem:v9+s2+$0x0], $0xffff;
	_ =	sdelay $0x1  }
0x54: {  	v4 =	vsel vm4, v11, v4;
	v11 =	vsel vm4, $0x4, v11;
	vm4 =	vnez.u8 v8  }
0x55: {  	v7 =	vsel vm0, v5, v7;
	v4 =	vsel vm4, $0x5, v4;
	vm4 =	vgt.f32 v5, v3  }
0x56: {  	v10 =	vor.u32 $0x13, v2;
	v7 =	vsel vm4, v3, v7  }
0x57: {  	v3 =	vsel vm4, v5, v3;
	v5 =	vimm.s32 $0x0;
	vm0 =	vgt.f32 v6, v7  }
0x58: {  	v5 =	vsel vm0, $0xFFFFFFFF, v5  }
0x59: {  	[tilespmem:$0x1FD30] =	vst v5;
	v5 =	vld [tilespmem:$0x1FC90];
	_ =	sdelay $0x2  }
0x5a: {  	v8 =	vld.idx.msk [tilespmem:v10+s2+$0x0], $0xffff;
	_ =	sdelay $0x1  }
0x5b: {  	v4 =	vsel vm5, v11, v4;
	v11 =	vsel vm5, $0x5, v11;
	vm5 =	vnez.u8 v5  }
0x5c: {  	v7 =	vsel vm0, v6, v7;
	v4 =	vsel vm5, $0x6, v4;
	vm5 =	vgt.f32 v6, v3  }
0x5d: {  	v9 =	vor.u32 $0x14, v2;
	v7 =	vsel vm5, v3, v7  }
0x5e: {  	v3 =	vsel vm5, v6, v3;
	v6 =	vimm.s32 $0x0;
	vm0 =	vgt.f32 v8, v7  }
0x5f: {  	v6 =	vsel vm0, $0xFFFFFFFF, v6  }
0x60: {  	[tilespmem:$0x1FD40] =	vst v6;
	v6 =	vld [tilespmem:$0x1FCA0]  }
0x61: {  	v12 =	vld [tilespmem:$0x1FCB0]  }
0x62: {  	v10 =	vor.u32 $0x15, v2  }
0x63: {  	v5 =	vld.idx.msk [tilespmem:v9+s2+$0x0], $0xffff  }
0x64: {  	v4 =	vsel vm6, v11, v4  }
0x65: {  	v11 =	vsel vm6, $0x6, v11;
	v7 =	vsel vm0, v8, v7;
	vm6 =	vnez.u8 v6  }
0x66: {  	vm0 =	vnez.u8 v12;
	v4 =	vsel vm6, $0x7, v4;
	vm6 =	vgt.f32 v8, v3  }
0x67: {  	v6 =	vld.idx.msk [tilespmem:v10+s2+$0x0], $0xffff;
	v4 =	vsel vm7, v11, v4;
	v7 =	vsel vm6, v3, v7;
	v3 =	vsel vm6, v8, v3  }
0x68: {  	v8 =	vimm.s32 $0x0;
	v4 =	vsel vm0, $0x8, v4;
	vm0 =	vgt.f32 v5, v7  }
0x69: {  	v8 =	vsel vm0, $0xFFFFFFFF, v8  }
0x6a: {  	v7 =	vsel vm0, v5, v7;
	[tilespmem:$0x1FD50] =	vst v8;
	v8 =	vsel vm7, $0x7, v11;
	vm7 =	vgt.f32 v5, v3  }
0x6b: {  	v9 =	vor.u32 $0x16, v2;
	v7 =	vsel vm7, v3, v7  }
0x6c: {  	v3 =	vsel vm7, v5, v3;
	v5 =	vimm.s32 $0x0;
	vm0 =	vgt.f32 v6, v7  }
0x6d: {  	v5 =	vsel vm0, $0xFFFFFFFF, v5  }
0x6e: {  	[tilespmem:$0x1FD60] =	vst v5;
	v5 =	vld [tilespmem:$0x1FCC0];
	_ =	sdelay $0x2  }
0x6f: {  	v9 =	vld.idx.msk [tilespmem:v9+s2+$0x0], $0xffff;
	_ =	sdelay $0x1  }
0x70: {  	v4 =	vsel vm8, v8, v4;
	v8 =	vsel vm8, $0x8, v8;
	vm8 =	vnez.u8 v5  }
0x71: {  	v7 =	vsel vm0, v6, v7;
	v4 =	vsel vm8, $0x9, v4;
	vm8 =	vgt.f32 v6, v3  }
0x72: {  	v10 =	vor.u32 $0x17, v2;
	v7 =	vsel vm8, v3, v7  }
0x73: {  	v3 =	vsel vm8, v6, v3;
	v6 =	vimm.s32 $0x0;
	vm0 =	vgt.f32 v9, v7  }
0x74: {  	v6 =	vsel vm0, $0xFFFFFFFF, v6  }
0x75: {  	[tilespmem:$0x1FD70] =	vst v6;
	v6 =	vld [tilespmem:$0x1FCD0];
	_ =	sdelay $0x2  }
0x76: {  	v5 =	vld.idx.msk [tilespmem:v10+s2+$0x0], $0xffff;
	_ =	sdelay $0x1  }
0x77: {  	v4 =	vsel vm9, v8, v4;
	v8 =	vsel vm9, $0x9, v8;
	vm9 =	vnez.u8 v6  }
0x78: {  	v7 =	vsel vm0, v9, v7;
	v4 =	vsel vm9, $0xA, v4;
	vm9 =	vgt.f32 v9, v3  }
0x79: {  	v11 =	vor.u32 $0x18, v2;
	v7 =	vsel vm9, v3, v7  }
0x7a: {  	v3 =	vsel vm9, v9, v3;
	v9 =	vimm.s32 $0x0;
	vm0 =	vgt.f32 v5, v7  }
0x7b: {  	v9 =	vsel vm0, $0xFFFFFFFF, v9  }
0x7c: {  	[tilespmem:$0x1FD80] =	vst v9;
	v9 =	vld [tilespmem:$0x1FCE0];
	_ =	sdelay $0x2  }
0x7d: {  	v6 =	vld.idx.msk [tilespmem:v11+s2+$0x0], $0xffff;
	_ =	sdelay $0x1  }
0x7e: {  	v4 =	vsel vm10, v8, v4;
	v8 =	vsel vm10, $0xA, v8;
	vm10 =	vnez.u8 v9  }
0x7f: {  	v7 =	vsel vm0, v5, v7;
	v4 =	vsel vm10, $0xB, v4;
	vm10 =	vgt.f32 v5, v3  }
0x80: {  	v10 =	vor.u32 $0x19, v2;
	v7 =	vsel vm10, v3, v7  }
0x81: {  	v3 =	vsel vm10, v5, v3;
	v5 =	vimm.s32 $0x0;
	vm0 =	vgt.f32 v6, v7  }
0x82: {  	v5 =	vsel vm0, $0xFFFFFFFF, v5  }
0x83: {  	[tilespmem:$0x1FD90] =	vst v5;
	v5 =	vld [tilespmem:$0x1FCF0];
	_ =	sdelay $0x2  }
0x84: {  	v9 =	vld.idx.msk [tilespmem:v10+s2+$0x0], $0xffff  }
0x85: {  	v11 =	vor.u32 $0x1A, v2  }
0x86: {  	v4 =	vsel vm11, v8, v4;
	v8 =	vsel vm11, $0xB, v8;
	vm11 =	vnez.u8 v5  }
0x87: {  	v7 =	vsel vm0, v6, v7;
	v4 =	vsel vm11, $0xC, v4;
	vm11 =	vgt.f32 v6, v3  }
0x88: {  	v4 =	vsel vm12, v8, v4;
	v7 =	vsel vm11, v3, v7;
	v8 =	vsel vm12, $0xC, v8  }
0x89: {  	v3 =	vsel vm11, v6, v3;
	v6 =	vimm.s32 $0x0;
	vm12 =	vgt.f32 v9, v7  }
0x8a: {  	v6 =	vsel vm12, $0xFFFFFFFF, v6  }
0x8b: {  	[tilespmem:$0x1FDA0] =	vst v6;
	v6 =	vld [tilespmem:$0x1FD00];
	_ =	sdelay $0x1  }
0x8c: {  	v5 =	vld.idx.msk [tilespmem:v11+s2+$0x0], $0xffff;
	_ =	sdelay $0x1  }
0x8d: {  	v7 =	vsel vm12, v9, v7;
	vm12 =	vgt.f32 v9, v3  }
0x8e: {  	v10 =	vor.u32 $0x1B, v2;
	v7 =	vsel vm12, v3, v7;
	vm0 =	vnez.u8 v6  }
0x8f: {  	v3 =	vsel vm12, v9, v3;
	v9 =	vimm.s32 $0x0;
	v4 =	vsel vm0, $0xD, v4  }
0x90: {  	v4 =	vsel vm13, v8, v4;
	v8 =	vsel vm13, $0xD, v8;
	vm13 =	vgt.f32 v5, v7  }
0x91: {  	v9 =	vsel vm13, $0xFFFFFFFF, v9  }
0x92: {  	v11 =	vor.u32 $0x1C, v2;
	[tilespmem:$0x1FDB0] =	vst v9;
	v9 =	vld [tilespmem:$0x1FD10];
	_ =	sdelay $0x1  }
0x93: {  	v6 =	vld.idx.msk [tilespmem:v10+s2+$0x0], $0xffff  }
0x94: {  	v10 =	vor.u32 $0x1D, v2  }
0x95: {  	v7 =	vsel vm13, v5, v7;
	vm13 =	vgt.f32 v5, v3  }
0x96: {  	v7 =	vsel vm13, v3, v7;
	vm0 =	vnez.u8 v9;
	v9 =	vld.idx.msk [tilespmem:v11+s2+$0x0], $0xffff  }
0x97: {  	v3 =	vsel vm13, v5, v3;
	v11 =	vor.u32 $0x1E, v2;
	v4 =	vsel vm0, $0xE, v4  }
0x98: {  	v4 =	vsel vm1, v8, v4;
	v8 =	vsel vm1, $0xE, v8;
	vm1 =	vgt.f32 v6, v7  }
0x99: {  	v5 =	vld.idx.msk [tilespmem:v10+s2+$0x0], $0xffff;
	v4 =	vsel vm14, $0xF, v4;
	v7 =	vsel vm1, v6, v7;
	vm14 =	vgt.f32 v6, v3  }
0x9a: {  	v4 =	vsel vm2, v8, v4;
	v7 =	vsel vm14, v3, v7;
	v3 =	vsel vm14, v6, v3  }
0x9b: {  	v6 =	vimm.s32 $0x0;
	vm0 =	vgt.f32 v9, v7;
	v4 =	vsel vm15, $0x10, v4  }
0x9c: {  	vm15 =	vgt.f32 v9, v3;
	v6 =	vsel vm0, $0xFFFFFFFF, v6;
	v7 =	vsel vm0, v9, v7  }
0x9d: {  	v8 =	vsel vm2, $0xF, v8;
	[tilespmem:$0x1FDC0] =	vst v6;
	v6 =	vld.idx.msk [tilespmem:v11+s2+$0x0], $0xffff;
	v7 =	vsel vm15, v3, v7  }
0x9e: {  	v3 =	vsel vm15, v9, v3;
	v9 =	vimm.s32 $0x0;
	vm2 =	vgt.f32 v5, v7  }
0x9f: {  	v9 =	vsel vm2, $0xFFFFFFFF, v9  }
0xa0: {  	v10 =	vor.u32 $0x1F, v2;
	v7 =	vsel vm2, v5, v7;
	vm2 =	vgt.f32 v5, v3;
	[tilespmem:$0x1FDD0] =	vst v9;
	v9 =	vld [tilespmem:$0x1FD20]  }
0xa1: {  	v4 =	vsel vm3, v8, v4;
	v8 =	vsel vm3, $0x10, v8;
	v7 =	vsel vm2, v3, v7  }
0xa2: {  	v3 =	vsel vm2, v5, v3;
	v5 =	vimm.s32 $0x0;
	vm3 =	vgt.f32 v6, v7  }
0xa3: {  	v5 =	vsel vm3, $0xFFFFFFFF, v5  }
0xa4: {  	[tilespmem:$0x1FDE0] =	vst v5;
	v5 =	vld [tilespmem:$0x1FD30]  }
0xa5: {  	vm0 =	vnez.u8 v9;
	v9 =	vld.idx.msk [tilespmem:v10+s2+$0x0], $0xffff;
	_ =	sdelay $0x1  }
0xa6: {  	v11 =	vor.u32 $0x20, v2;
	v7 =	vsel vm3, v6, v7;
	vm3 =	vgt.f32 v6, v3  }
0xa7: {  	v7 =	vsel vm3, v3, v7;
	v3 =	vsel vm3, v6, v3;
	v4 =	vsel vm0, $0x11, v4  }
0xa8: {  	v4 =	vsel vm4, v8, v4;
	v8 =	vsel vm4, $0x11, v8;
	vm4 =	vnez.u8 v5  }
0xa9: {  	v6 =	vimm.s32 $0x0;
	v4 =	vsel vm4, $0x12, v4;
	vm4 =	vgt.f32 v9, v7  }
0xaa: {  	v6 =	vsel vm4, $0xFFFFFFFF, v6  }
0xab: {  	v10 =	vor.u32 $0x21, v2;
	[tilespmem:$0x1FDF0] =	vst v6;
	v6 =	vld [tilespmem:$0x1FD40];
	_ =	sdelay $0x1  }
0xac: {  	v5 =	vld.idx.msk [tilespmem:v11+s2+$0x0], $0xffff;
	_ =	sdelay $0x1  }
0xad: {  	v4 =	vsel vm5, v8, v4;
	v8 =	vsel vm5, $0x12, v8  }
0xae: {  	v7 =	vsel vm4, v9, v7;
	vm4 =	vgt.f32 v9, v3;
	vm5 =	vnez.u8 v6;
	v6 =	vld.idx.msk [tilespmem:v10+s2+$0x0], $0xffff  }
0xaf: {  	v7 =	vsel vm4, v3, v7;
	v3 =	vsel vm4, v9, v3  }
0xb0: {  	v9 =	vimm.s32 $0x0;
	v4 =	vsel vm5, $0x13, v4;
	vm5 =	vgt.f32 v5, v7  }
0xb1: {  	v9 =	vsel vm5, $0xFFFFFFFF, v9;
	v7 =	vsel vm5, v5, v7;
	vm5 =	vgt.f32 v5, v3  }
0xb2: {  	v11 =	vor.u32 $0x22, v2;
	v7 =	vsel vm5, v3, v7  }
0xb3: {  	[tilespmem:$0x1FE00] =	vst v9;
	v9 =	vld [tilespmem:$0x1FD50];
	v3 =	vsel vm5, v5, v3;
	v5 =	vimm.s32 $0x0;
	vm0 =	vgt.f32 v6, v7  }
0xb4: {  	v5 =	vsel vm0, $0xFFFFFFFF, v5  }
0xb5: {  	[tilespmem:$0x1FE10] =	vst v5;
	v5 =	vld [tilespmem:$0x1FD60];
	_ =	sdelay $0x2  }
0xb6: {  	v4 =	vsel vm6, v8, v4;
	v8 =	vsel vm6, $0x13, v8;
	vm6 =	vnez.u8 v9;
	v9 =	vld.idx.msk [tilespmem:v11+s2+$0x0], $0xffff  }
0xb7: {  	v4 =	vsel vm6, $0x14, v4  }
0xb8: {  	v4 =	vsel vm7, v8, v4;
	vm6 =	vnez.u8 v5  }
0xb9: {  	v7 =	vsel vm0, v6, v7;
	v4 =	vsel vm6, $0x15, v4;
	vm6 =	vgt.f32 v6, v3  }
0xba: {  	v10 =	vor.u32 $0x23, v2;
	v7 =	vsel vm6, v3, v7  }
0xbb: {  	v3 =	vsel vm6, v6, v3;
	v6 =	vimm.s32 $0x0;
	vm0 =	vgt.f32 v9, v7  }
0xbc: {  	v6 =	vsel vm0, $0xFFFFFFFF, v6  }
0xbd: {  	[tilespmem:$0x1FE20] =	vst v6;
	v6 =	vld [tilespmem:$0x1FD70];
	_ =	sdelay $0x2  }
0xbe: {  	v5 =	vld.idx.msk [tilespmem:v10+s2+$0x0], $0xffff  }
0xbf: {  	v8 =	vsel vm7, $0x14, v8  }
0xc0: {  	v4 =	vsel vm8, v8, v4;
	vm7 =	vnez.u8 v6  }
0xc1: {  	v7 =	vsel vm0, v9, v7;
	v4 =	vsel vm7, $0x16, v4;
	vm7 =	vgt.f32 v9, v3  }
0xc2: {  	v11 =	vor.u32 $0x24, v2;
	v7 =	vsel vm7, v3, v7  }
0xc3: {  	v3 =	vsel vm7, v9, v3;
	v9 =	vimm.s32 $0x0;
	vm0 =	vgt.f32 v5, v7  }
0xc4: {  	v9 =	vsel vm0, $0xFFFFFFFF, v9  }
0xc5: {  	[tilespmem:$0x1FE30] =	vst v9;
	v9 =	vld [tilespmem:$0x1FD80];
	_ =	sdelay $0x2  }
0xc6: {  	v6 =	vld.idx.msk [tilespmem:v11+s2+$0x0], $0xffff  }
0xc7: {  	v8 =	vsel vm8, $0x15, v8  }
0xc8: {  	v4 =	vsel vm9, v8, v4;
	vm8 =	vnez.u8 v9  }
0xc9: {  	v7 =	vsel vm0, v5, v7;
	v4 =	vsel vm8, $0x17, v4;
	vm8 =	vgt.f32 v5, v3  }
0xca: {  	v10 =	vor.u32 $0x25, v2;
	v7 =	vsel vm8, v3, v7  }
0xcb: {  	v3 =	vsel vm8, v5, v3;
	v5 =	vimm.s32 $0x0;
	vm0 =	vgt.f32 v6, v7  }
0xcc: {  	v5 =	vsel vm0, $0xFFFFFFFF, v5  }
0xcd: {  	[tilespmem:$0x1FE40] =	vst v5;
	v5 =	vld [tilespmem:$0x1FD90];
	_ =	sdelay $0x2  }
0xce: {  	v9 =	vld.idx.msk [tilespmem:v10+s2+$0x0], $0xffff  }
0xcf: {  	v8 =	vsel vm9, $0x16, v8  }
0xd0: {  	v4 =	vsel vm10, v8, v4;
	vm9 =	vnez.u8 v5  }
0xd1: {  	v7 =	vsel vm0, v6, v7;
	v4 =	vsel vm9, $0x18, v4;
	vm9 =	vgt.f32 v6, v3  }
0xd2: {  	v11 =	vor.u32 $0x26, v2;
	v7 =	vsel vm9, v3, v7  }
0xd3: {  	v3 =	vsel vm9, v6, v3;
	v6 =	vimm.s32 $0x0;
	vm0 =	vgt.f32 v9, v7  }
0xd4: {  	v6 =	vsel vm0, $0xFFFFFFFF, v6  }
0xd5: {  	[tilespmem:$0x1FE50] =	vst v6;
	v6 =	vld [tilespmem:$0x1FDA0];
	_ =	sdelay $0x2  }
0xd6: {  	v5 =	vld.idx.msk [tilespmem:v11+s2+$0x0], $0xffff  }
0xd7: {  	v8 =	vsel vm10, $0x17, v8  }
0xd8: {  	v10 =	vor.u32 $0x27, v2;
	v4 =	vsel vm11, v8, v4;
	vm10 =	vnez.u8 v6  }
0xd9: {  	v7 =	vsel vm0, v9, v7;
	v4 =	vsel vm10, $0x19, v4;
	vm10 =	vgt.f32 v9, v3  }
0xda: {  	v7 =	vsel vm10, v3, v7  }
0xdb: {  	v3 =	vsel vm10, v9, v3;
	v9 =	vimm.s32 $0x0;
	vm0 =	vgt.f32 v5, v7  }
0xdc: {  	v9 =	vsel vm0, $0xFFFFFFFF, v9  }
0xdd: {  	[tilespmem:$0x1FE60] =	vst v9;
	v9 =	vld [tilespmem:$0x1FDB0]  }
0xde: {  	v11 =	vor.u32 $0x28, v2;
	v6 =	vld.idx.msk [tilespmem:v10+s2+$0x0], $0xffff  }
0xdf: {  	v12 =	vld [tilespmem:$0x1FDC0];
	v8 =	vsel vm11, $0x18, v8  }
0xe0: {  	v10 =	vor.u32 $0x29, v2;
	v4 =	vsel vm12, v8, v4  }
0xe1: {  	v8 =	vsel vm12, $0x19, v8;
	vm11 =	vgt.f32 v5, v3;
	v7 =	vsel vm0, v5, v7  }
0xe2: {  	v7 =	vsel vm11, v3, v7;
	v3 =	vsel vm11, v5, v3;
	vm12 =	vnez.u8 v9  }
0xe3: {  	v5 =	vimm.s32 $0x0;
	vm0 =	vgt.f32 v6, v3;
	v9 =	vld.idx.msk [tilespmem:v11+s2+$0x0], $0xffff;
	v4 =	vsel vm12, $0x1A, v4  }
0xe4: {  	v11 =	vor.u32 $0x2A, v2;
	vm12 =	vnez.u8 v12;
	v4 =	vsel vm13, v8, v4  }
0xe5: {  	v12 =	vld [tilespmem:$0x1FDD0];
	v8 =	vsel vm13, $0x1A, v8;
	vm13 =	vgt.f32 v6, v7;
	v4 =	vsel vm1, $0x1B, v4  }
0xe6: {  	v5 =	vsel vm13, $0xFFFFFFFF, v5;
	v7 =	vsel vm13, v6, v7;
	v4 =	vsel vm14, v8, v4  }
0xe7: {  	[tilespmem:$0x1FE70] =	vst v5;
	v5 =	vld.idx.msk [tilespmem:v10+s2+$0x0], $0xffff;
	v10 =	vor.u32 $0x2B, v2;
	v7 =	vsel vm0, v3, v7;
	v3 =	vsel vm0, v6, v3  }
0xe8: {  	v6 =	vimm.s32 $0x0;
	v4 =	vsel vm12, $0x1C, v4;
	vm13 =	vgt.f32 v9, v7  }
0xe9: {  	vm1 =	vgt.f32 v9, v3;
	v6 =	vsel vm13, $0xFFFFFFFF, v6;
	v7 =	vsel vm13, v9, v7  }
0xea: {  	vm12 =	vnez.u8 v12;
	[tilespmem:$0x1FE80] =	vst v6;
	v6 =	vsel vm14, $0x1B, v8;
	v8 =	vld.idx.msk [tilespmem:v11+s2+$0x0], $0xffff;
	v7 =	vsel vm1, v3, v7  }
0xeb: {  	v3 =	vsel vm1, v9, v3;
	v9 =	vimm.s32 $0x0;
	v4 =	vsel vm15, v6, v4  }
0xec: {  	v6 =	vsel vm15, $0x1C, v6;
	v4 =	vsel vm12, $0x1D, v4;
	vm12 =	vgt.f32 v5, v7  }
0xed: {  	v9 =	vsel vm12, $0xFFFFFFFF, v9;
	v7 =	vsel vm12, v5, v7;
	vm12 =	vgt.f32 v5, v3  }
0xee: {  	v4 =	vsel vm2, v6, v4;
	v6 =	vsel vm2, $0x1D, v6;
	v7 =	vsel vm12, v3, v7  }
0xef: {  	v3 =	vsel vm12, v5, v3;
	v5 =	vimm.s32 $0x0;
	vm2 =	vgt.f32 v8, v7  }
0xf0: {  	v5 =	vsel vm2, $0xFFFFFFFF, v5  }
0xf1: {  	[tilespmem:$0x1FEB0] =	vst v5;
	v5 =	vld [tilespmem:$0x1FDE0];
	_ =	sdelay $0x1  }
0xf2: {  	[tilespmem:$0x1FE90] =	vst v9;
	v9 =	vld.idx.msk [tilespmem:v10+s2+$0x0], $0xffff  }
0xf3: {  	v11 =	vor.u32 $0x2C, v2  }
0xf4: {  	v10 =	vimm.s32 $0x0;
	v7 =	vsel vm2, v8, v7;
	vm2 =	vgt.f32 v8, v3  }
0xf5: {  	v10 =	vsel vm12, $0xFFFFFFFF, v10;
	v7 =	vsel vm2, v3, v7;
	vm12 =	vnez.u8 v5  }
0xf6: {  	v3 =	vsel vm2, v8, v3;
	v8 =	vimm.s32 $0x0;
	v4 =	vsel vm12, $0x1E, v4  }
0xf7: {  	v4 =	vsel vm3, v6, v4;
	v6 =	vsel vm3, $0x1E, v6;
	vm3 =	vgt.f32 v9, v7  }
0xf8: {  	v8 =	vsel vm3, $0xFFFFFFFF, v8  }
0xf9: {  	[tilespmem:$0x1FEC0] =	vst v8;
	v8 =	vld [tilespmem:$0x1FDF0];
	_ =	sdelay $0x1  }
0xfa: {  	v5 =	vld.idx.msk [tilespmem:v11+s2+$0x0], $0xffff;
	_ =	sdelay $0x1  }
0xfb: {  	v7 =	vsel vm3, v9, v7;
	vm3 =	vgt.f32 v9, v3  }
0xfc: {  	[tilespmem:$0x1FEA0] =	vst v10;
	v10 =	vor.u32 $0x2D, v2;
	v7 =	vsel vm3, v3, v7;
	vm12 =	vnez.u8 v8  }
0xfd: {  	v3 =	vsel vm3, v9, v3;
	v9 =	vimm.s32 $0x0;
	v4 =	vsel vm12, $0x1F, v4  }
0xfe: {  	v4 =	vsel vm4, v6, v4;
	v6 =	vsel vm4, $0x1F, v6;
	vm4 =	vgt.f32 v5, v7  }
0xff: {  	v9 =	vsel vm4, $0xFFFFFFFF, v9  }
0x100: {  	v11 =	vor.u32 $0x2E, v2;
	[tilespmem:$0x1FED0] =	vst v9;
	v9 =	vld [tilespmem:$0x1FE00];
	_ =	sdelay $0x1  }
0x101: {  	v8 =	vld.idx.msk [tilespmem:v10+s2+$0x0], $0xffff;
	_ =	sdelay $0x1  }
0x102: {  	v7 =	vsel vm4, v5, v7;
	vm4 =	vgt.f32 v5, v3  }
0x103: {  	v7 =	vsel vm4, v3, v7;
	vm12 =	vnez.u8 v9;
	v9 =	vld.idx.msk [tilespmem:v11+s2+$0x0], $0xffff  }
0x104: {  	v3 =	vsel vm4, v5, v3;
	v5 =	vimm.s32 $0x0;
	v4 =	vsel vm12, $0x20, v4  }
0x105: {  	v4 =	vsel vm5, v6, v4;
	v6 =	vsel vm5, $0x20, v6;
	vm5 =	vgt.f32 v8, v7  }
0x106: {  	vm14 =	vgt.f32 v8, v3;
	v5 =	vsel vm5, $0xFFFFFFFF, v5;
	v7 =	vsel vm5, v8, v7  }
0x107: {  	v10 =	vor.u32 $0x2F, v2;
	[tilespmem:$0x1FEE0] =	vst v5;
	v5 =	vld [tilespmem:$0x1FE10];
	v7 =	vsel vm14, v3, v7  }
0x108: {  	v3 =	vsel vm14, v8, v3;
	v8 =	vimm.s32 $0x0;
	vm15 =	vgt.f32 v9, v7  }
0x109: {  	v8 =	vsel vm15, $0xFFFFFFFF, v8  }
0x10a: {  	v11 =	vor.u32 $0x30, v2;
	[tilespmem:$0x1FF00] =	vst v8;
	v8 =	vld [tilespmem:$0x1FE20];
	_ =	sdelay $0x1  }
0x10b: {  	vm12 =	vnez.u8 v5;
	v5 =	vld.idx.msk [tilespmem:v10+s2+$0x0], $0xffff  }
0x10c: {  	vm13 =	vgt.f32 v9, v3;
	v7 =	vsel vm15, v9, v7  }
0x10d: {  	v7 =	vsel vm13, v3, v7;
	v3 =	vsel vm13, v9, v3  }
0x10e: {  	v10 =	vimm.s32 $0x0;
	v4 =	vsel vm12, $0x21, v4;
	vm12 =	vnez.u8 v8;
	v8 =	vld.idx.msk [tilespmem:v11+s2+$0x0], $0xffff  }
0x10f: {  	v9 =	vimm.s32 $0x0;
	v10 =	vsel vm14, $0xFFFFFFFF, v10;
	v4 =	vsel vm6, v6, v4  }
0x110: {  	v11 =	vimm.s32 $0x0;
	v4 =	vsel vm12, $0x22, v4;
	vm14 =	vgt.f32 v5, v7  }
0x111: {  	[tilespmem:$0x1FEF0] =	vst v10;
	vm12 =	vgt.f32 v5, v3;
	v9 =	vsel vm14, $0xFFFFFFFF, v9;
	v7 =	vsel vm14, v5, v7  }
0x112: {  	v10 =	vor.u32 $0x31, v2;
	v11 =	vsel vm13, $0xFFFFFFFF, v11;
	[tilespmem:$0x1FF20] =	vst v9;
	v9 =	vld [tilespmem:$0x1FE30];
	v7 =	vsel vm12, v3, v7  }
0x113: {  	v3 =	vsel vm12, v5, v3;
	v5 =	vimm.s32 $0x0;
	vm13 =	vgt.f32 v8, v7  }
0x114: {  	[tilespmem:$0x1FF10] =	vst v11;
	v5 =	vsel vm13, $0xFFFFFFFF, v5  }
0x115: {  	v11 =	vor.u32 $0x32, v2;
	[tilespmem:$0x1FF30] =	vst v5;
	v5 =	vld [tilespmem:$0x1FE40];
	_ =	sdelay $0x1  }
0x116: {  	v6 =	vsel vm6, $0x21, v6;
	vm15 =	vnez.u8 v9;
	v9 =	vld.idx.msk [tilespmem:v10+s2+$0x0], $0xffff  }
0x117: {  	v4 =	vsel vm7, v6, v4  }
0x118: {  	v6 =	vsel vm7, $0x22, v6;
	v7 =	vsel vm13, v8, v7;
	vm13 =	vgt.f32 v8, v3  }
0x119: {  	v7 =	vsel vm13, v3, v7;
	v3 =	vsel vm13, v8, v3;
	vm14 =	vnez.u8 v5;
	v5 =	vld.idx.msk [tilespmem:v11+s2+$0x0], $0xffff  }
0x11a: {  	v8 =	vimm.s32 $0x0;
	v10 =	vor.u32 $0x33, v2;
	v4 =	vsel vm15, $0x23, v4  }
0x11b: {  	v4 =	vsel vm8, v6, v4;
	v6 =	vsel vm8, $0x23, v6;
	vm15 =	vgt.f32 v9, v7  }
0x11c: {  	v4 =	vsel vm14, $0x24, v4;
	vm14 =	vgt.f32 v9, v3;
	v7 =	vsel vm15, v9, v7  }
0x11d: {  	vm8 =	vmmov vm12;
	v8 =	vsel vm15, $0xFFFFFFFF, v8;
	v7 =	vsel vm14, v3, v7  }
0x11e: {  	[tilespmem:$0x1FF40] =	vst v8;
	v8 =	vld [tilespmem:$0x1FE50];
	v3 =	vsel vm14, v9, v3;
	v9 =	vimm.s32 $0x0;
	vm12 =	vgt.f32 v5, v7  }
0x11f: {  	v9 =	vsel vm12, $0xFFFFFFFF, v9  }
0x120: {  	[tilespmem:$0x1FF50] =	vst v9;
	v9 =	vld [tilespmem:$0x1FE60];
	_ =	sdelay $0x2  }
0x121: {  	v4 =	vsel vm9, v6, v4;
	v6 =	vsel vm9, $0x24, v6;
	vm9 =	vnez.u8 v8;
	v8 =	vld.idx.msk [tilespmem:v10+s2+$0x0], $0xffff  }
0x122: {  	v4 =	vsel vm9, $0x25, v4  }
0x123: {  	v4 =	vsel vm10, v6, v4;
	vm15 =	vnez.u8 v9  }
0x124: {  	v7 =	vsel vm12, v5, v7;
	v4 =	vsel vm15, $0x26, v4;
	vm15 =	vgt.f32 v5, v3  }
0x125: {  	v11 =	vor.u32 $0x34, v2;
	v7 =	vsel vm15, v3, v7  }
0x126: {  	v3 =	vsel vm15, v5, v3;
	v5 =	vimm.s32 $0x0;
	vm9 =	vgt.f32 v8, v7  }
0x127: {  	v5 =	vsel vm9, $0xFFFFFFFF, v5  }
0x128: {  	v10 =	vor.u32 $0x35, v2;
	[tilespmem:$0x1FF60] =	vst v5;
	v5 =	vld [tilespmem:$0x1FE70];
	_ =	sdelay $0x1  }
0x129: {  	v9 =	vld.idx.msk [tilespmem:v11+s2+$0x0], $0xffff;
	_ =	sdelay $0x1  }
0x12a: {  	v6 =	vsel vm10, $0x25, v6  }
0x12b: {  	vm12 =	vgt.f32 v8, v3;
	v7 =	vsel vm9, v8, v7;
	vm10 =	vnez.u8 v5;
	v5 =	vld.idx.msk [tilespmem:v10+s2+$0x0], $0xffff  }
0x12c: {  	v4 =	vsel vm11, v6, v4;
	v6 =	vsel vm11, $0x26, v6;
	v7 =	vsel vm12, v3, v7  }
0x12d: {  	v3 =	vsel vm12, v8, v3;
	v8 =	vimm.s32 $0x0;
	vm11 =	vgt.f32 v9, v7  }
0x12e: {  	v8 =	vsel vm11, $0xFFFFFFFF, v8;
	v7 =	vsel vm11, v9, v7;
	vm11 =	vgt.f32 v9, v3  }
0x12f: {  	v11 =	vor.u32 $0x36, v2;
	[tilespmem:$0x1FF70] =	vst v8;
	v8 =	vld [tilespmem:$0x1FE80];
	v7 =	vsel vm11, v3, v7;
	v3 =	vsel vm11, v9, v3  }
0x130: {  	v9 =	vimm.s32 $0x0;
	v4 =	vsel vm10, $0x27, v4;
	vm10 =	vgt.f32 v5, v7  }
0x131: {  	v9 =	vsel vm10, $0xFFFFFFFF, v9  }
0x132: {  	v10 =	vor.u32 $0x37, v2;
	[tilespmem:$0x1FF80] =	vst v9;
	v9 =	vld [tilespmem:$0x1FE90];
	_ =	sdelay $0x1  }
0x133: {  	vm9 =	vnez.u8 v8;
	v8 =	vld.idx.msk [tilespmem:v11+s2+$0x0], $0xffff  }
0x134: {  	v4 =	vsel vm0, v6, v4  }
0x135: {  	v4 =	vsel vm9, $0x28, v4  }
0x136: {  	vm9 =	vgt.f32 v5, v3;
	v7 =	vsel vm10, v5, v7;
	vm5 =	vnez.u8 v9;
	v9 =	vld.idx.msk [tilespmem:v10+s2+$0x0], $0xffff  }
0x137: {  	v6 =	vsel vm0, $0x27, v6;
	v11 =	vor.u32 $0x38, v2;
	v7 =	vsel vm9, v3, v7  }
0x138: {  	v3 =	vsel vm9, v5, v3;
	v5 =	vimm.s32 $0x0;
	vm7 =	vgt.f32 v8, v7  }
0x139: {  	v5 =	vsel vm7, $0xFFFFFFFF, v5;
	v7 =	vsel vm7, v8, v7;
	vm7 =	vgt.f32 v8, v3  }
0x13a: {  	v4 =	vsel vm1, v6, v4;
	v7 =	vsel vm7, v3, v7;
	v3 =	vsel vm7, v8, v3;
	v10 =	vld [tilespmem:$0x1FEA0]  }
0x13b: {  	[tilespmem:$0x1FF90] =	vst v5;
	v5 =	vld [tilespmem:$0x1FEB0];
	v8 =	vimm.s32 $0x0;
	v4 =	vsel vm5, $0x29, v4;
	vm5 =	vgt.f32 v9, v7  }
0x13c: {  	v8 =	vsel vm5, $0xFFFFFFFF, v8  }
0x13d: {  	[tilespmem:$0x1FFA0] =	vst v8;
	v8 =	vld [tilespmem:$0x1FEC0];
	_ =	sdelay $0x1  }
0x13e: {  	v6 =	vsel vm1, $0x28, v6;
	vm6 =	vnez.u8 v10  }
0x13f: {  	vm10 =	vnez.u8 v5;
	v5 =	vld.idx.msk [tilespmem:v11+s2+$0x0], $0xffff;
	v4 =	vsel vm6, v6, v4  }
0x140: {  	v6 =	vsel vm6, $0x29, v6;
	v4 =	vsel vm10, $0x2A, v4  }
0x141: {  	v4 =	vsel vm2, v6, v4;
	vm6 =	vnez.u8 v8  }
0x142: {  	v7 =	vsel vm5, v9, v7;
	v4 =	vsel vm6, $0x2B, v4;
	vm6 =	vgt.f32 v9, v3  }
0x143: {  	v10 =	vor.u32 $0x39, v2;
	v7 =	vsel vm6, v3, v7  }
0x144: {  	v3 =	vsel vm6, v9, v3;
	v9 =	vimm.s32 $0x0;
	vm10 =	vgt.f32 v5, v7  }
0x145: {  	v9 =	vsel vm10, $0xFFFFFFFF, v9  }
0x146: {  	[tilespmem:$0x1FFB0] =	vst v9;
	v9 =	vld [tilespmem:$0x1FED0];
	_ =	sdelay $0x2  }
0x147: {  	v8 =	vld.idx.msk [tilespmem:v10+s2+$0x0], $0xffff  }
0x148: {  	v6 =	vsel vm2, $0x2A, v6  }
0x149: {  	v4 =	vsel vm3, v6, v4;
	vm5 =	vnez.u8 v9  }
0x14a: {  	v7 =	vsel vm10, v5, v7;
	v4 =	vsel vm5, $0x2C, v4;
	vm5 =	vgt.f32 v5, v3  }
0x14b: {  	v11 =	vor.u32 $0x3A, v2;
	v7 =	vsel vm5, v3, v7  }
0x14c: {  	v3 =	vsel vm5, v5, v3;
	v5 =	vimm.s32 $0x0;
	vm10 =	vgt.f32 v8, v7  }
0x14d: {  	v5 =	vsel vm10, $0xFFFFFFFF, v5  }
0x14e: {  	[tilespmem:$0x1FFC0] =	vst v5;
	v5 =	vld [tilespmem:$0x1FEE0];
	_ =	sdelay $0x1  }
0x14f: {  	v10 =	vor.u32 $0x3B, v2  }
0x150: {  	v9 =	vld.idx.msk [tilespmem:v11+s2+$0x0], $0xffff  }
0x151: {  	v6 =	vsel vm3, $0x2B, v6  }
0x152: {  	v4 =	vsel vm4, v6, v4;
	v6 =	vsel vm4, $0x2C, v6;
	vm4 =	vnez.u8 v5  }
0x153: {  	v7 =	vsel vm10, v8, v7;
	v4 =	vsel vm4, $0x2D, v4;
	vm4 =	vgt.f32 v8, v3  }
0x154: {  	v5 =	vld.idx.msk [tilespmem:v10+s2+$0x0], $0xffff;
	v7 =	vsel vm4, v3, v7  }
0x155: {  	v10 =	vld [tilespmem:$0x1FEF0];
	v3 =	vsel vm4, v8, v3;
	v8 =	vimm.s32 $0x0;
	vm1 =	vgt.f32 v9, v7  }
0x156: {  	v8 =	vsel vm1, $0xFFFFFFFF, v8  }
0x157: {  	v11 =	vor.u32 $0x3C, v2;
	[tilespmem:$0x1FFD0] =	vst v8;
	v8 =	vld [tilespmem:$0x1FF00];
	_ =	sdelay $0x1  }
0x158: {  	vm3 =	vgt.f32 v9, v3;
	v7 =	vsel vm1, v9, v7  }
0x159: {  	vm10 =	vnez.u8 v10;
	v7 =	vsel vm3, v3, v7  }
0x15a: {  	v3 =	vsel vm3, v9, v3;
	v9 =	vimm.s32 $0x0;
	v4 =	vsel vm10, v6, v4  }
0x15b: {  	v6 =	vsel vm10, $0x2D, v6;
	vm1 =	vgt.f32 v5, v7;
	vm10 =	vnez.u8 v8;
	v8 =	vld.idx.msk [tilespmem:v11+s2+$0x0], $0xffff  }
0x15c: {  	v9 =	vsel vm1, $0xFFFFFFFF, v9;
	v11 =	vld [tilespmem:$0x1FF10]  }
0x15d: {  	[tilespmem:$0x1FFE0] =	vst v9;
	v9 =	vld [tilespmem:$0x1FF20];
	_ =	sdelay $0x2  }
0x15e: {  	vm2 =	vgt.f32 v5, v3;
	v7 =	vsel vm1, v5, v7  }
0x15f: {  	v7 =	vsel vm2, v3, v7;
	v4 =	vsel vm10, $0x2E, v4;
	vm10 =	vnez.u8 v11  }
0x160: {  	v4 =	vsel vm10, v6, v4;
	v6 =	vsel vm10, $0x2E, v6;
	vm10 =	vnez.u8 v9  }
0x161: {  	v3 =	vsel vm2, v5, v3;
	v5 =	vimm.s32 $0x0;
	v4 =	vsel vm10, $0x2F, v4  }
0x162: {  	v4 =	vsel vm8, v6, v4;
	v6 =	vsel vm8, $0x2F, v6;
	vm8 =	vgt.f32 v8, v7  }
0x163: {  	v10 =	vor.u32 $0x3D, v2;
	v5 =	vsel vm8, $0xFFFFFFFF, v5  }
0x164: {  	[tilespmem:$0x1FFF0] =	vst v5;
	v5 =	vld [tilespmem:$0x1FF30]  }
0x165: {  	v11 =	vor.u32 $0x3E, v2;
	vm1 =	vgt.f32 v8, v3;
	v7 =	vsel vm8, v8, v7  }
0x166: {  	v7 =	vsel vm1, v3, v7;
	v3 =	vsel vm1, v8, v3;
	v8 =	vld [tilespmem:$0x1FF40];
	_ =	sdelay $0x1  }
0x167: {  	v9 =	vld.idx.msk [tilespmem:v10+s2+$0x0], $0xffff  }
0x168: {  	vm10 =	vnez.u8 v5  }
0x169: {  	v5 =	vld.idx.msk [tilespmem:v11+s2+$0x0], $0xffff;
	v4 =	vsel vm10, $0x30, v4  }
0x16a: {  	v4 =	vsel vm13, v6, v4;
	v6 =	vsel vm13, $0x30, v6;
	vm13 =	vnez.u8 v8;
	v8 =	vld [tilespmem:$0x1FF50]  }
0x16b: {  	v2 =	vor.u32 $0x3F, v2  }
0x16c: {  	vm10 =	vgt.f32 v9, v7  }
0x16d: {  	v7 =	vsel vm10, v9, v7;
	v4 =	vsel vm13, $0x31, v4;
	vm13 =	vgt.f32 v9, v3  }
0x16e: {  	v4 =	vsel vm14, v6, v4;
	v7 =	vsel vm13, v3, v7;
	v6 =	vsel vm14, $0x31, v6  }
0x16f: {  	v3 =	vsel vm13, v9, v3;
	vm8 =	vgt.f32 v5, v7;
	vm14 =	vnez.u8 v8  }
0x170: {  	v2 =	vld.idx.msk [tilespmem:v2+s2+$0x0], $0xffff;
	v7 =	vsel vm8, v5, v7;
	v4 =	vsel vm14, $0x32, v4;
	vm14 =	vgt.f32 v5, v3  }
0x171: {  	v7 =	vsel vm14, v3, v7;
	v3 =	vsel vm14, v5, v3;
	v5 =	vld [tilespmem:$0x1FF60];
	_ =	sdelay $0x3  }
0x172: {  	v4 =	vsel vm15, v6, v4  }
0x173: {  	v6 =	vsel vm15, $0x32, v6;
	vm15 =	vgt.f32 v2, v7;
	vm0 =	vnez.u8 v5  }
0x174: {  	v5 =	vsel vm15, v2, v7;
	v4 =	vsel vm0, $0x33, v4;
	vm0 =	vgt.f32 v2, v3  }
0x175: {  	v5 =	vsel vm0, v3, v5  }
0x176: {  	v2 =	vsel vm0, v2, v3;
	v3 =	vsel vm12, v6, v4;
	v4 =	vsel vm12, $0x33, v6;
	v6 =	vld [tilespmem:$0x1FF70]  }
0x177: {  	v2 =	vsub.f32 v5, v2;
	v5 =	vld [tilespmem:$0x1FF80];
	_ =	sdelay $0x3  }
0x178: {  	vm12 =	vnez.u8 v6  }
0x179: {  	v3 =	vsel vm12, $0x34, v3;
	vm12 =	vnez.u8 v5;
	v5 =	vld [tilespmem:$0x1FF90];
	_ =	sdelay $0x2  }
0x17a: {  	v3 =	vsel vm11, v4, v3  }
0x17b: {  	v4 =	vsel vm11, $0x34, v4;
	v3 =	vsel vm12, $0x35, v3  }
0x17c: {  	v2 =	vmul.f32 $1.442695020e+00, v2;
	v3 =	vsel vm9, v4, v3;
	vm12 =	vnez.u8 v5  }
0x17d: {  	v4 =	vsel vm9, $0x35, v4;
	v3 =	vsel vm12, $0x36, v3  }
0x17e: {  	(erf) = vpow2.f32 v2;
	v2 =	vsel vm7, v4, v3;
	v3 =	vsel vm7, $0x36, v4;
	v4 =	vld [tilespmem:$0x1FFA0];
	_ =	sdelay $0x4  }
0x17f: {  	vm9 =	vnez.u8 v4;
	v4 =	vld [tilespmem:$0x1FFB0];
	_ =	sdelay $0x4  }
0x180: {  	vm11 =	vnez.u8 v4;
	v4 =	vld [tilespmem:$0x1FFC0];
	_ =	sdelay $0x4  }
0x181: {  	vm12 =	vnez.u8 v4;
	v4 =	vld [tilespmem:$0x1FFD0];
	_ =	sdelay $0x2  }
0x182: {  	v2 =	vsel vm9, $0x37, v2  }
0x183: {  	v2 =	vsel vm6, v3, v2  }
0x184: {  	v3 =	vsel vm6, $0x37, v3;
	v2 =	vsel vm11, $0x38, v2;
	vm9 =	vnez.u8 v4;
	v4 =	vld [tilespmem:$0x1FFE0]  }
0x185: {  	v2 =	vsel vm5, v3, v2  }
0x186: {  	v5 =	vld [tilespmem:$0x1FFF0];
	v3 =	vsel vm5, $0x38, v3;
	v2 =	vsel vm12, $0x39, v2  }
0x187: {  	v2 =	vsel vm4, v3, v2  }
0x188: {  	v3 =	vsel vm4, $0x39, v3;
	v2 =	vsel vm9, $0x3A, v2  }
0x189: {  	v12 =	vpop (erf);
	v2 =	vsel vm3, v3, v2;
	vm11 =	vnez.u8 v4  }
0x18a: {  	v3 =	vsel vm3, $0x3A, v3;
	v4 =	vadd.f32 $1.000000000e+00, v12;
	v2 =	vsel vm11, $0x3B, v2  }
0x18b: {  	vm12 =	vnez.u8 v5;
	v2 =	vsel vm2, v3, v2  }
0x18c: {  	v3 =	vsel vm2, $0x3B, v3;
	(erf) = vrcp.f32 v4;
	v2 =	vsel vm12, $0x3C, v2  }
0x18d: {  	v2 =	vsel vm1, v3, v2  }
0x18e: {  	v3 =	vsel vm1, $0x3C, v3;
	v2 =	vsel vm10, $0x3D, v2  }
0x18f: {  	s15 =	simm.s32 $0x10;
	v2 =	vsel vm13, v3, v2  }
0x190: {  	v4 =	vmov s15;
	v3 =	vsel vm13, $0x3D, v3;
	v2 =	vsel vm8, $0x3E, v2  }
0x191: {  	v4 =	vshll.u32 v4, $0x6;
	v2 =	vsel vm14, v3, v2  }
0x192: {  	v3 =	vsel vm14, $0x3E, v3;
	v5 =	vsel vm15, $0x3F, v2;
	v2 =	vor.u32 v0, v4  }
0x193: {  	v4 =	vsel vm0, $0x3F, v3;
	v3 =	vsel vm0, v3, v5;
	v11 =	vor.u32 $0x1, v2  }
0x194: {  	[tilespmem:s10+$0x0] =	vst v4;
	v10 =	vor.u32 $0x2, v2;
	v9 =	vor.u32 $0x3, v2;
	v8 =	vor.u32 $0x4, v2  }
0x195: {  	s22 =	simm.s32 $0x20;
	s16 =	simm.s32 $0x8410;
	s18 =	simm.s32 $0x8000;
	v7 =	vor.u32 $0x5, v2;
	v6 =	vor.u32 $0x6, v2;
	v5 =	vor.u32 $0x7, v2;
	[tilespmem:s11+$0x0] =	vst v3;
	v13 =	vpop (erf)  }
0x196: {  	s17 =	simm.s32 $0x8200;
	s19 =	simm.s32 $0x8600;
	s15 =	simm.s32 $0x8610;
	v4 =	vor.u32 $0x8, v2;
	v3 =	vor.u32 $0x9, v2;
	[tilespmem:s12+$0x0] =	vst v13;
	v12 =	vmul.f32 v13, v12  }
.LBB2_2:
0x197: {  	s18 =	sadd.s32 $0x10, s18  }
0x198: {  	s17 =	sadd.s32 $0x10, s17;
	s21 =	smov.u32 s22;
	s20 =	sadd.s32 $0x10, s22  }
0x199: {  	p0 =	sne.s32 s22, $0x1F0;
	[tilespmem:s19+$0x0] =	vst v12;
	s19 =	smov.u32 s15  }
0x19a: {  	v11 =	vld.idx.msk [tilespmem:v11+s2+$0x0], $0xffff  }
0x19b: {  	v12 =	vld.idx.msk [tilespmem:v2+s2+$0x0], $0xffff;
	_ =	sdelay $0x2  }
0x19c: {  	v10 =	vld.idx.msk [tilespmem:v10+s2+$0x0], $0xffff;
	_ =	sdelay $0x1  }
0x19d: {  	vm0 =	vlt.f32 v11, $-Inf;
	vm1 =	vgt.f32 v11, $-Inf  }
0x19e: {  	vm2 =	vgt.f32 v11, v12;
	vm0 =	vmor vm1, vm0;
	v9 =	vld.idx.msk [tilespmem:v9+s2+$0x0], $0xffff  }
0x19f: {  	vm1 =	vmneg vm2;
	v13 =	vnsel vm0, $0xFF800000, v11  }
0x1a0: {  	v13 =	vsel vm1, v13, v12;
	vm0 =	vmand vm1, vm0;
	v11 =	vsel vm1, v12, v11  }
0x1a1: {  	v14 =	vsel vm2, $0x1, v1;
	v12 =	vsel vm0, $0x1, v1;
	vm0 =	vgt.f32 v10, v13;
	v8 =	vld.idx.msk [tilespmem:v8+s2+$0x0], $0xffff  }
0x1a2: {  	vm1 =	vgt.f32 v10, v11;
	v13 =	vsel vm0, v10, v13;
	v12 =	vsel vm0, $0x2, v12  }
0x1a3: {  	v10 =	vsel vm1, v10, v11;
	v13 =	vsel vm1, v11, v13;
	v11 =	vsel vm1, $0x2, v14  }
0x1a4: {  	v12 =	vsel vm1, v14, v12;
	vm0 =	vgt.f32 v9, v13;
	v7 =	vld.idx.msk [tilespmem:v7+s2+$0x0], $0xffff  }
0x1a5: {  	vm1 =	vgt.f32 v9, v10;
	v13 =	vsel vm0, v9, v13;
	v12 =	vsel vm0, $0x3, v12  }
0x1a6: {  	v9 =	vsel vm1, v9, v10;
	v13 =	vsel vm1, v10, v13;
	v12 =	vsel vm1, v11, v12  }
0x1a7: {  	v10 =	vsel vm1, $0x3, v11;
	vm0 =	vgt.f32 v8, v13;
	v6 =	vld.idx.msk [tilespmem:v6+s2+$0x0], $0xffff  }
0x1a8: {  	vm1 =	vgt.f32 v8, v9;
	v11 =	vsel vm0, v8, v13;
	v12 =	vsel vm0, $0x4, v12  }
0x1a9: {  	v8 =	vsel vm1, v8, v9;
	v11 =	vsel vm1, v9, v11;
	v12 =	vsel vm1, v10, v12  }
0x1aa: {  	v9 =	vsel vm1, $0x4, v10;
	vm0 =	vgt.f32 v7, v11;
	v5 =	vld.idx.msk [tilespmem:v5+s2+$0x0], $0xffff  }
0x1ab: {  	vm1 =	vgt.f32 v7, v8;
	v10 =	vsel vm0, v7, v11;
	v11 =	vsel vm0, $0x5, v12  }
0x1ac: {  	v7 =	vsel vm1, v7, v8;
	v10 =	vsel vm1, v8, v10;
	v11 =	vsel vm1, v9, v11  }
0x1ad: {  	v8 =	vsel vm1, $0x5, v9;
	v9 =	vor.u32 $0xA, v2;
	vm0 =	vgt.f32 v6, v10;
	v4 =	vld.idx.msk [tilespmem:v4+s2+$0x0], $0xffff  }
0x1ae: {  	vm1 =	vgt.f32 v6, v7;
	v10 =	vsel vm0, v6, v10;
	v11 =	vsel vm0, $0x6, v11  }
0x1af: {  	v6 =	vsel vm1, v6, v7;
	v10 =	vsel vm1, v7, v10;
	v11 =	vsel vm1, v8, v11  }
0x1b0: {  	v7 =	vsel vm1, $0x6, v8;
	v8 =	vor.u32 $0xB, v2;
	vm0 =	vgt.f32 v5, v10;
	v3 =	vld.idx.msk [tilespmem:v3+s2+$0x0], $0xffff  }
0x1b1: {  	vm1 =	vgt.f32 v5, v6;
	v10 =	vsel vm0, v5, v10;
	v11 =	vsel vm0, $0x7, v11  }
0x1b2: {  	v5 =	vsel vm1, v5, v6;
	v10 =	vsel vm1, v6, v10;
	v11 =	vsel vm1, v7, v11  }
0x1b3: {  	v12 =	vor.u32 $0xD, v2;
	vm0 =	vgt.f32 v4, v10;
	v6 =	vld.idx.msk [tilespmem:v9+s2+$0x0], $0xffff;
	v9 =	vor.u32 $0xC, v2  }
0x1b4: {  	vm2 =	vgt.f32 v4, v5;
	v10 =	vsel vm0, v4, v10;
	v11 =	vsel vm0, $0x8, v11  }
0x1b5: {  	v7 =	vsel vm1, $0x7, v7;
	v4 =	vsel vm2, v4, v5;
	v10 =	vsel vm2, v5, v10  }
0x1b6: {  	v5 =	vsel vm2, v7, v11;
	v7 =	vsel vm2, $0x8, v7;
	vm0 =	vgt.f32 v3, v10;
	v8 =	vld.idx.msk [tilespmem:v8+s2+$0x0], $0xffff  }
0x1b7: {  	vm1 =	vgt.f32 v3, v4;
	v10 =	vsel vm0, v3, v10;
	v5 =	vsel vm0, $0x9, v5  }
0x1b8: {  	v3 =	vsel vm1, v3, v4;
	v10 =	vsel vm1, v4, v10;
	v5 =	vsel vm1, v7, v5  }
0x1b9: {  	v4 =	vsel vm1, $0x9, v7;
	vm0 =	vgt.f32 v6, v10;
	v7 =	vld.idx.msk [tilespmem:v9+s2+$0x0], $0xffff;
	v9 =	vor.u32 $0xE, v2  }
0x1ba: {  	vm1 =	vgt.f32 v6, v3;
	v10 =	vsel vm0, v6, v10;
	v5 =	vsel vm0, $0xA, v5  }
0x1bb: {  	v10 =	vsel vm1, v3, v10;
	v5 =	vsel vm1, v4, v5;
	v4 =	vsel vm1, $0xA, v4  }
0x1bc: {  	v11 =	vor.u32 $0xF, v2;
	v3 =	vsel vm1, v6, v3;
	vm0 =	vgt.f32 v8, v10;
	v6 =	vld.idx.msk [tilespmem:v12+s2+$0x0], $0xffff  }
0x1bd: {  	vm1 =	vgt.f32 v8, v3;
	v10 =	vsel vm0, v8, v10;
	v5 =	vsel vm0, $0xB, v5  }
0x1be: {  	v12 =	vor.u32 $0x10, v2;
	v10 =	vsel vm1, v3, v10;
	v5 =	vsel vm1, v4, v5  }
0x1bf: {  	v3 =	vsel vm1, v8, v3;
	v4 =	vsel vm1, $0xB, v4;
	vm0 =	vgt.f32 v7, v10;
	v8 =	vld.idx.msk [tilespmem:v9+s2+$0x0], $0xffff  }
0x1c0: {  	vm1 =	vgt.f32 v7, v3;
	v9 =	vsel vm0, v7, v10;
	v5 =	vsel vm0, $0xC, v5  }
0x1c1: {  	v9 =	vsel vm1, v3, v9;
	v5 =	vsel vm1, v4, v5;
	v3 =	vsel vm1, v7, v3  }
0x1c2: {  	v10 =	vor.u32 $0x11, v2;
	v4 =	vsel vm1, $0xC, v4;
	vm0 =	vgt.f32 v6, v9;
	v7 =	vld.idx.msk [tilespmem:v11+s2+$0x0], $0xffff  }
0x1c3: {  	vm1 =	vgt.f32 v6, v3;
	v9 =	vsel vm0, v6, v9;
	v5 =	vsel vm0, $0xD, v5  }
0x1c4: {  	v11 =	vor.u32 $0x12, v2;
	v9 =	vsel vm1, v3, v9;
	v5 =	vsel vm1, v4, v5  }
0x1c5: {  	v3 =	vsel vm1, v6, v3;
	v4 =	vsel vm1, $0xD, v4;
	vm0 =	vgt.f32 v8, v9;
	v6 =	vld.idx.msk [tilespmem:v12+s2+$0x0], $0xffff  }
0x1c6: {  	vm1 =	vgt.f32 v8, v3;
	v9 =	vsel vm0, v8, v9;
	v5 =	vsel vm0, $0xE, v5  }
0x1c7: {  	v12 =	vor.u32 $0x13, v2;
	v9 =	vsel vm1, v3, v9;
	v5 =	vsel vm1, v4, v5  }
0x1c8: {  	v3 =	vsel vm1, v8, v3;
	v4 =	vsel vm1, $0xE, v4;
	vm0 =	vgt.f32 v7, v9;
	v8 =	vld.idx.msk [tilespmem:v10+s2+$0x0], $0xffff  }
0x1c9: {  	vm1 =	vgt.f32 v7, v3;
	v9 =	vsel vm0, v7, v9;
	v5 =	vsel vm0, $0xF, v5  }
0x1ca: {  	v9 =	vsel vm1, v3, v9;
	v5 =	vsel vm1, v4, v5;
	v3 =	vsel vm1, v7, v3  }
0x1cb: {  	v10 =	vor.u32 $0x14, v2;
	vm0 =	vgt.f32 v6, v9;
	v7 =	vld.idx.msk [tilespmem:v11+s2+$0x0], $0xffff;
	v11 =	vor.u32 $0x15, v2  }
0x1cc: {  	v4 =	vsel vm1, $0xF, v4;
	vm1 =	vgt.f32 v6, v3;
	v9 =	vsel vm0, v6, v9  }
0x1cd: {  	v5 =	vsel vm0, $0x10, v5;
	v13 =	vsel vm1, $0x10, v4;
	v9 =	vsel vm1, v3, v9  }
0x1ce: {  	v4 =	vsel vm1, v4, v5;
	v3 =	vsel vm1, v6, v3;
	vm0 =	vgt.f32 v8, v9;
	v5 =	vld.idx.msk [tilespmem:v12+s2+$0x0], $0xffff  }
0x1cf: {  	vm1 =	vgt.f32 v8, v3;
	v6 =	vsel vm0, v8, v9;
	v4 =	vsel vm0, $0x11, v4  }
0x1d0: {  	v9 =	vor.u32 $0x16, v2;
	v6 =	vsel vm1, v3, v6;
	v4 =	vsel vm1, v13, v4  }
0x1d1: {  	v3 =	vsel vm1, v8, v3;
	v8 =	vsel vm1, $0x11, v13;
	vm0 =	vgt.f32 v7, v6;
	v10 =	vld.idx.msk [tilespmem:v10+s2+$0x0], $0xffff  }
0x1d2: {  	vm1 =	vgt.f32 v7, v3;
	v6 =	vsel vm0, v7, v6;
	v4 =	vsel vm0, $0x12, v4  }
0x1d3: {  	v12 =	vor.u32 $0x18, v2;
	v6 =	vsel vm1, v3, v6;
	v4 =	vsel vm1, v8, v4  }
0x1d4: {  	v3 =	vsel vm1, v7, v3;
	vm0 =	vgt.f32 v5, v6;
	v7 =	vld.idx.msk [tilespmem:v11+s2+$0x0], $0xffff;
	v11 =	vor.u32 $0x17, v2  }
0x1d5: {  	v8 =	vsel vm1, $0x12, v8;
	vm1 =	vgt.f32 v5, v3;
	v6 =	vsel vm0, v5, v6  }
0x1d6: {  	v4 =	vsel vm0, $0x13, v4;
	v13 =	vsel vm1, $0x13, v8;
	v6 =	vsel vm1, v3, v6  }
0x1d7: {  	v4 =	vsel vm1, v8, v4;
	v3 =	vsel vm1, v5, v3;
	vm0 =	vgt.f32 v10, v6;
	v5 =	vld.idx.msk [tilespmem:v9+s2+$0x0], $0xffff  }
0x1d8: {  	vm1 =	vgt.f32 v10, v3;
	v6 =	vsel vm0, v10, v6;
	v4 =	vsel vm0, $0x14, v4  }
0x1d9: {  	v8 =	vor.u32 $0x19, v2;
	v6 =	vsel vm1, v3, v6;
	v4 =	vsel vm1, v13, v4  }
0x1da: {  	v9 =	vsel vm1, $0x14, v13;
	v3 =	vsel vm1, v10, v3;
	vm0 =	vgt.f32 v7, v6;
	v10 =	vld.idx.msk [tilespmem:v11+s2+$0x0], $0xffff  }
0x1db: {  	vm1 =	vgt.f32 v7, v3;
	v6 =	vsel vm0, v7, v6;
	v4 =	vsel vm0, $0x15, v4  }
0x1dc: {  	v11 =	vor.u32 $0x1A, v2;
	v6 =	vsel vm1, v3, v6;
	v4 =	vsel vm1, v9, v4  }
0x1dd: {  	v3 =	vsel vm1, v7, v3;
	v7 =	vsel vm1, $0x15, v9;
	vm0 =	vgt.f32 v5, v6;
	v9 =	vld.idx.msk [tilespmem:v12+s2+$0x0], $0xffff  }
0x1de: {  	vm1 =	vgt.f32 v5, v3;
	v6 =	vsel vm0, v5, v6;
	v4 =	vsel vm0, $0x16, v4  }
0x1df: {  	v6 =	vsel vm1, v3, v6;
	v4 =	vsel vm1, v7, v4;
	v3 =	vsel vm1, v5, v3  }
0x1e0: {  	v5 =	vsel vm1, $0x16, v7;
	vm0 =	vgt.f32 v10, v6;
	v7 =	vld.idx.msk [tilespmem:v8+s2+$0x0], $0xffff;
	v8 =	vor.u32 $0x1B, v2  }
0x1e1: {  	vm1 =	vgt.f32 v10, v3;
	v6 =	vsel vm0, v10, v6;
	v4 =	vsel vm0, $0x17, v4  }
0x1e2: {  	v6 =	vsel vm1, v3, v6;
	v4 =	vsel vm1, v5, v4;
	v3 =	vsel vm1, v10, v3  }
0x1e3: {  	v5 =	vsel vm1, $0x17, v5;
	vm0 =	vgt.f32 v9, v6;
	v10 =	vld.idx.msk [tilespmem:v11+s2+$0x0], $0xffff;
	v11 =	vor.u32 $0x1C, v2  }
0x1e4: {  	vm1 =	vgt.f32 v9, v3;
	v6 =	vsel vm0, v9, v6;
	v4 =	vsel vm0, $0x18, v4  }
0x1e5: {  	v6 =	vsel vm1, v3, v6;
	v4 =	vsel vm1, v5, v4;
	v3 =	vsel vm1, v9, v3  }
0x1e6: {  	v5 =	vsel vm1, $0x18, v5;
	v9 =	vor.u32 $0x1D, v2;
	vm0 =	vgt.f32 v7, v6;
	v8 =	vld.idx.msk [tilespmem:v8+s2+$0x0], $0xffff  }
0x1e7: {  	vm1 =	vgt.f32 v7, v3;
	v6 =	vsel vm0, v7, v6;
	v4 =	vsel vm0, $0x19, v4  }
0x1e8: {  	v6 =	vsel vm1, v3, v6;
	v4 =	vsel vm1, v5, v4;
	v3 =	vsel vm1, v7, v3  }
0x1e9: {  	v5 =	vsel vm1, $0x19, v5;
	vm0 =	vgt.f32 v10, v6;
	v7 =	vld.idx.msk [tilespmem:v11+s2+$0x0], $0xffff;
	v11 =	vor.u32 $0x1E, v2  }
0x1ea: {  	vm1 =	vgt.f32 v10, v3;
	v6 =	vsel vm0, v10, v6;
	v4 =	vsel vm0, $0x1A, v4  }
0x1eb: {  	v6 =	vsel vm1, v3, v6;
	v4 =	vsel vm1, v5, v4;
	v3 =	vsel vm1, v10, v3  }
0x1ec: {  	v5 =	vsel vm1, $0x1A, v5;
	v10 =	vor.u32 $0x1F, v2;
	vm0 =	vgt.f32 v8, v6;
	v9 =	vld.idx.msk [tilespmem:v9+s2+$0x0], $0xffff  }
0x1ed: {  	vm1 =	vgt.f32 v8, v3;
	v6 =	vsel vm0, v8, v6;
	v4 =	vsel vm0, $0x1B, v4  }
0x1ee: {  	v6 =	vsel vm1, v3, v6;
	v4 =	vsel vm1, v5, v4;
	v3 =	vsel vm1, v8, v3  }
0x1ef: {  	v12 =	vor.u32 $0x23, v2;
	vm0 =	vgt.f32 v7, v6;
	v8 =	vld.idx.msk [tilespmem:v11+s2+$0x0], $0xffff;
	v11 =	vor.u32 $0x20, v2  }
0x1f0: {  	vm2 =	vgt.f32 v7, v3;
	v6 =	vsel vm0, v7, v6;
	v4 =	vsel vm0, $0x1C, v4  }
0x1f1: {  	v13 =	vor.u32 $0x21, v2;
	v5 =	vsel vm1, $0x1B, v5;
	v6 =	vsel vm2, v3, v6  }
0x1f2: {  	v4 =	vsel vm2, v5, v4;
	v3 =	vsel vm2, v7, v3;
	vm0 =	vgt.f32 v9, v6;
	v7 =	vld.idx.msk [tilespmem:v10+s2+$0x0], $0xffff  }
0x1f3: {  	vm1 =	vgt.f32 v9, v3;
	v6 =	vsel vm0, v9, v6;
	v4 =	vsel vm0, $0x1D, v4  }
0x1f4: {  	v5 =	vsel vm2, $0x1C, v5;
	v10 =	vor.u32 $0x22, v2;
	v6 =	vsel vm1, v3, v6  }
0x1f5: {  	v3 =	vsel vm1, v9, v3;
	v9 =	vsel vm1, $0x1D, v5;
	vm0 =	vgt.f32 v8, v6;
	v11 =	vld.idx.msk [tilespmem:v11+s2+$0x0], $0xffff  }
0x1f6: {  	v4 =	vsel vm1, v5, v4;
	vm1 =	vgt.f32 v8, v3;
	v5 =	vsel vm0, v8, v6  }
0x1f7: {  	v4 =	vsel vm0, $0x1E, v4;
	v5 =	vsel vm1, v3, v5;
	v3 =	vsel vm1, v8, v3  }
0x1f8: {  	v6 =	vsel vm1, $0x1E, v9;
	v4 =	vsel vm1, v9, v4;
	vm0 =	vgt.f32 v7, v5;
	v8 =	vld.idx.msk [tilespmem:v13+s2+$0x0], $0xffff  }
0x1f9: {  	vm1 =	vgt.f32 v7, v3;
	v5 =	vsel vm0, v7, v5;
	v4 =	vsel vm0, $0x1F, v4  }
0x1fa: {  	v5 =	vsel vm1, v3, v5;
	v4 =	vsel vm1, v6, v4;
	v6 =	vsel vm1, $0x1F, v6  }
0x1fb: {  	v9 =	vor.u32 $0x24, v2;
	v3 =	vsel vm1, v7, v3;
	vm0 =	vgt.f32 v11, v5;
	v7 =	vld.idx.msk [tilespmem:v10+s2+$0x0], $0xffff  }
0x1fc: {  	vm1 =	vgt.f32 v11, v3;
	v5 =	vsel vm0, v11, v5;
	v4 =	vsel vm0, $0x20, v4  }
0x1fd: {  	v10 =	vor.u32 $0x25, v2;
	v5 =	vsel vm1, v3, v5;
	v4 =	vsel vm1, v6, v4  }
0x1fe: {  	v3 =	vsel vm1, v11, v3;
	v6 =	vsel vm1, $0x20, v6;
	vm0 =	vgt.f32 v8, v5;
	v11 =	vld.idx.msk [tilespmem:v12+s2+$0x0], $0xffff  }
0x1ff: {  	vm1 =	vgt.f32 v8, v3;
	v5 =	vsel vm0, v8, v5;
	v4 =	vsel vm0, $0x21, v4  }
0x200: {  	v5 =	vsel vm1, v3, v5;
	v4 =	vsel vm1, v6, v4;
	v6 =	vsel vm1, $0x21, v6  }
0x201: {  	v3 =	vsel vm1, v8, v3;
	vm0 =	vgt.f32 v7, v5;
	v8 =	vld.idx.msk [tilespmem:v9+s2+$0x0], $0xffff;
	v9 =	vor.u32 $0x26, v2  }
0x202: {  	vm1 =	vgt.f32 v7, v3;
	v5 =	vsel vm0, v7, v5;
	v4 =	vsel vm0, $0x22, v4  }
0x203: {  	v5 =	vsel vm1, v3, v5;
	v4 =	vsel vm1, v6, v4;
	v3 =	vsel vm1, v7, v3  }
0x204: {  	v6 =	vsel vm1, $0x22, v6;
	vm0 =	vgt.f32 v11, v5;
	v7 =	vld.idx.msk [tilespmem:v10+s2+$0x0], $0xffff;
	v10 =	vor.u32 $0x27, v2  }
0x205: {  	vm1 =	vgt.f32 v11, v3;
	v5 =	vsel vm0, v11, v5;
	v4 =	vsel vm0, $0x23, v4  }
0x206: {  	v12 =	vor.u32 $0x28, v2;
	v5 =	vsel vm1, v3, v5;
	v4 =	vsel vm1, v6, v4  }
0x207: {  	v3 =	vsel vm1, v11, v3;
	v6 =	vsel vm1, $0x23, v6;
	vm0 =	vgt.f32 v8, v5;
	v9 =	vld.idx.msk [tilespmem:v9+s2+$0x0], $0xffff  }
0x208: {  	vm1 =	vgt.f32 v8, v3;
	v5 =	vsel vm0, v8, v5;
	v4 =	vsel vm0, $0x24, v4  }
0x209: {  	v11 =	vor.u32 $0x29, v2;
	v5 =	vsel vm1, v3, v5;
	v4 =	vsel vm1, v6, v4  }
0x20a: {  	v3 =	vsel vm1, v8, v3;
	v6 =	vsel vm1, $0x24, v6;
	vm0 =	vgt.f32 v7, v5;
	v8 =	vld.idx.msk [tilespmem:v10+s2+$0x0], $0xffff  }
0x20b: {  	vm1 =	vgt.f32 v7, v3;
	v5 =	vsel vm0, v7, v5;
	v4 =	vsel vm0, $0x25, v4  }
0x20c: {  	v5 =	vsel vm1, v3, v5;
	v4 =	vsel vm1, v6, v4;
	v3 =	vsel vm1, v7, v3  }
0x20d: {  	v10 =	vor.u32 $0x2A, v2;
	v6 =	vsel vm1, $0x25, v6;
	vm0 =	vgt.f32 v9, v5;
	v7 =	vld.idx.msk [tilespmem:v12+s2+$0x0], $0xffff  }
0x20e: {  	vm1 =	vgt.f32 v9, v3;
	v5 =	vsel vm0, v9, v5;
	v4 =	vsel vm0, $0x26, v4  }
0x20f: {  	v5 =	vsel vm1, v3, v5;
	v4 =	vsel vm1, v6, v4;
	v3 =	vsel vm1, v9, v3  }
0x210: {  	v6 =	vsel vm1, $0x26, v6;
	vm0 =	vgt.f32 v8, v5;
	v9 =	vld.idx.msk [tilespmem:v11+s2+$0x0], $0xffff;
	v11 =	vor.u32 $0x2B, v2  }
0x211: {  	vm1 =	vgt.f32 v8, v3;
	v5 =	vsel vm0, v8, v5;
	v4 =	vsel vm0, $0x27, v4  }
0x212: {  	v12 =	vor.u32 $0x2C, v2;
	v5 =	vsel vm1, v3, v5;
	v4 =	vsel vm1, v6, v4  }
0x213: {  	v3 =	vsel vm1, v8, v3;
	v6 =	vsel vm1, $0x27, v6;
	vm0 =	vgt.f32 v7, v5;
	v8 =	vld.idx.msk [tilespmem:v10+s2+$0x0], $0xffff  }
0x214: {  	vm1 =	vgt.f32 v7, v3;
	v5 =	vsel vm0, v7, v5;
	v4 =	vsel vm0, $0x28, v4  }
0x215: {  	v10 =	vor.u32 $0x2D, v2;
	v5 =	vsel vm1, v3, v5;
	v4 =	vsel vm1, v6, v4  }
0x216: {  	v3 =	vsel vm1, v7, v3;
	v6 =	vsel vm1, $0x28, v6;
	vm0 =	vgt.f32 v9, v5;
	v7 =	vld.idx.msk [tilespmem:v11+s2+$0x0], $0xffff  }
0x217: {  	vm1 =	vgt.f32 v9, v3;
	v5 =	vsel vm0, v9, v5;
	v4 =	vsel vm0, $0x29, v4  }
0x218: {  	v5 =	vsel vm1, v3, v5;
	v4 =	vsel vm1, v6, v4;
	v6 =	vsel vm1, $0x29, v6  }
0x219: {  	v11 =	vor.u32 $0x2E, v2;
	v3 =	vsel vm1, v9, v3;
	vm0 =	vgt.f32 v8, v5;
	v9 =	vld.idx.msk [tilespmem:v12+s2+$0x0], $0xffff  }
0x21a: {  	vm1 =	vgt.f32 v8, v3;
	v5 =	vsel vm0, v8, v5;
	v4 =	vsel vm0, $0x2A, v4  }
0x21b: {  	v8 =	vsel vm1, v8, v3;
	v5 =	vsel vm1, v3, v5;
	v12 =	vsel vm1, v6, v4  }
0x21c: {  	v4 =	vor.u32 $0x39, v2;
	v3 =	vor.u32 $0x3A, v2;
	vm6 =	vgt.f32 v7, v5;
	v10 =	vld.idx.msk [tilespmem:v10+s2+$0x0], $0xffff  }
0x21d: {  	v13 =	vor.u32 $0x2F, v2;
	vm0 =	vgt.f32 v7, v8;
	v5 =	vsel vm6, v7, v5  }
0x21e: {  	v15 =	vor.u32 $0x37, v2;
	v14 =	vor.u32 $0x36, v2;
	v5 =	vsel vm0, v8, v5  }
0x21f: {  	v7 =	vsel vm0, v7, v8;
	vm3 =	vgt.f32 v9, v5;
	v8 =	vld.idx.msk [tilespmem:v11+s2+$0x0], $0xffff;
	v11 =	vor.u32 $0x35, v2  }
0x220: {  	v16 =	vor.u32 $0x30, v2;
	vm2 =	vgt.f32 v9, v7;
	v5 =	vsel vm3, v9, v5  }
0x221: {  	v17 =	vor.u32 $0x33, v2;
	v18 =	vor.u32 $0x34, v2;
	v5 =	vsel vm2, v7, v5  }
0x222: {  	v7 =	vsel vm2, v9, v7;
	vm5 =	vgt.f32 v10, v5;
	v9 =	vld.idx.msk [tilespmem:v13+s2+$0x0], $0xffff;
	v13 =	vor.u32 $0x32, v2  }
0x223: {  	v19 =	vor.u32 $0x31, v2;
	vm4 =	vgt.f32 v10, v7;
	v5 =	vsel vm5, v10, v5  }
0x224: {  	v6 =	vsel vm1, $0x2A, v6;
	v12 =	vsel vm6, $0x2B, v12;
	v5 =	vsel vm4, v7, v5  }
0x225: {  	v20 =	vsel vm0, $0x2B, v6;
	v7 =	vsel vm4, v10, v7;
	vm6 =	vgt.f32 v8, v5;
	v10 =	vld.idx.msk [tilespmem:v16+s2+$0x0], $0xffff  }
0x226: {  	vm1 =	vgt.f32 v8, v7;
	v16 =	vsel vm2, $0x2C, v20;
	v5 =	vsel vm6, v8, v5  }
0x227: {  	v21 =	vsel vm4, $0x2D, v16;
	v5 =	vsel vm1, v7, v5;
	v7 =	vsel vm1, v8, v7  }
0x228: {  	v6 =	vsel vm0, v6, v12;
	v8 =	vsel vm1, $0x2E, v21;
	vm0 =	vgt.f32 v9, v5;
	v12 =	vld.idx.msk [tilespmem:v19+s2+$0x0], $0xffff  }
0x229: {  	v6 =	vsel vm3, $0x2C, v6;
	vm3 =	vgt.f32 v9, v7;
	v5 =	vsel vm0, v9, v5  }
0x22a: {  	v6 =	vsel vm2, v20, v6;
	v19 =	vsel vm3, $0x2F, v8;
	v5 =	vsel vm3, v7, v5  }
0x22b: {  	v6 =	vsel vm5, $0x2D, v6;
	v7 =	vsel vm3, v9, v7;
	vm2 =	vgt.f32 v10, v5;
	v9 =	vld.idx.msk [tilespmem:v13+s2+$0x0], $0xffff  }
0x22c: {  	v6 =	vsel vm4, v16, v6;
	vm4 =	vgt.f32 v10, v7;
	v5 =	vsel vm2, v10, v5  }
0x22d: {  	v6 =	vsel vm6, $0x2E, v6;
	v13 =	vsel vm4, $0x30, v19;
	v5 =	vsel vm4, v7, v5  }
0x22e: {  	v6 =	vsel vm1, v21, v6;
	v7 =	vsel vm4, v10, v7;
	vm1 =	vgt.f32 v12, v5;
	v10 =	vld.idx.msk [tilespmem:v17+s2+$0x0], $0xffff  }
0x22f: {  	v6 =	vsel vm0, $0x2F, v6;
	vm0 =	vgt.f32 v12, v7;
	v5 =	vsel vm1, v12, v5  }
0x230: {  	v6 =	vsel vm3, v8, v6;
	v8 =	vsel vm0, $0x31, v13;
	v5 =	vsel vm0, v7, v5  }
0x231: {  	v6 =	vsel vm2, $0x30, v6;
	v7 =	vsel vm0, v12, v7;
	vm2 =	vgt.f32 v9, v5;
	v12 =	vld.idx.msk [tilespmem:v18+s2+$0x0], $0xffff  }
0x232: {  	v6 =	vsel vm4, v19, v6;
	vm3 =	vgt.f32 v9, v7;
	v5 =	vsel vm2, v9, v5  }
0x233: {  	v6 =	vsel vm1, $0x31, v6;
	v5 =	vsel vm3, v7, v5;
	v7 =	vsel vm3, v9, v7  }
0x234: {  	v6 =	vsel vm0, v13, v6;
	v9 =	vsel vm3, $0x32, v8;
	vm0 =	vgt.f32 v10, v5;
	v11 =	vld.idx.msk [tilespmem:v11+s2+$0x0], $0xffff  }
0x235: {  	v6 =	vsel vm2, $0x32, v6;
	vm1 =	vgt.f32 v10, v7;
	v5 =	vsel vm0, v10, v5  }
0x236: {  	v6 =	vsel vm3, v8, v6;
	v8 =	vor.u32 $0x38, v2;
	v5 =	vsel vm1, v7, v5  }
0x237: {  	v6 =	vsel vm0, $0x33, v6;
	v7 =	vsel vm1, v10, v7;
	vm0 =	vgt.f32 v12, v5;
	v10 =	vld.idx.msk [tilespmem:v14+s2+$0x0], $0xffff  }
0x238: {  	v13 =	vsel vm1, $0x33, v9;
	vm2 =	vgt.f32 v12, v7;
	v5 =	vsel vm0, v12, v5  }
0x239: {  	v6 =	vsel vm1, v9, v6;
	v9 =	vsel vm2, $0x34, v13;
	v5 =	vsel vm2, v7, v5  }
0x23a: {  	v6 =	vsel vm0, $0x34, v6;
	v7 =	vsel vm2, v12, v7;
	vm0 =	vgt.f32 v11, v5;
	v12 =	vld.idx.msk [tilespmem:v15+s2+$0x0], $0xffff  }
0x23b: {  	v6 =	vsel vm2, v13, v6;
	vm1 =	vgt.f32 v11, v7;
	v5 =	vsel vm0, v11, v5  }
0x23c: {  	v6 =	vsel vm0, $0x35, v6;
	v13 =	vsel vm1, $0x35, v9;
	v5 =	vsel vm1, v7, v5  }
0x23d: {  	v6 =	vsel vm1, v9, v6;
	v7 =	vsel vm1, v11, v7;
	vm0 =	vgt.f32 v10, v5;
	v8 =	vld.idx.msk [tilespmem:v8+s2+$0x0], $0xffff  }
0x23e: {  	vm1 =	vgt.f32 v10, v7;
	v5 =	vsel vm0, v10, v5;
	v6 =	vsel vm0, $0x36, v6  }
0x23f: {  	v9 =	vsel vm1, $0x36, v13;
	v5 =	vsel vm1, v7, v5;
	v6 =	vsel vm1, v13, v6  }
0x240: {  	v7 =	vsel vm1, v10, v7;
	v10 =	vor.u32 $0x3B, v2;
	vm0 =	vgt.f32 v12, v5;
	v4 =	vld.idx.msk [tilespmem:v4+s2+$0x0], $0xffff  }
0x241: {  	vm1 =	vgt.f32 v12, v7;
	v5 =	vsel vm0, v12, v5;
	v6 =	vsel vm0, $0x37, v6  }
0x242: {  	v11 =	vor.u32 $0x3C, v2;
	v5 =	vsel vm1, v7, v5;
	v6 =	vsel vm1, v9, v6  }
0x243: {  	v7 =	vsel vm1, v12, v7;
	v9 =	vsel vm1, $0x37, v9;
	vm0 =	vgt.f32 v8, v5;
	v3 =	vld.idx.msk [tilespmem:v3+s2+$0x0], $0xffff  }
0x244: {  	vm1 =	vgt.f32 v8, v7;
	v5 =	vsel vm0, v8, v5;
	v6 =	vsel vm0, $0x38, v6  }
0x245: {  	v5 =	vsel vm1, v7, v5;
	v6 =	vsel vm1, v9, v6  }
0x246: {  	v7 =	vsel vm1, v8, v7;
	vm0 =	vgt.f32 v4, v5;
	v8 =	vld.idx.msk [tilespmem:v10+s2+$0x0], $0xffff;
	v10 =	vor.u32 $0x3F, v2  }
0x247: {  	v12 =	vor.u32 $0x3D, v2;
	vm2 =	vgt.f32 v4, v7;
	v5 =	vsel vm0, v4, v5  }
0x248: {  	v9 =	vsel vm1, $0x38, v9;
	v6 =	vsel vm0, $0x39, v6;
	v5 =	vsel vm2, v7, v5  }
0x249: {  	v4 =	vsel vm2, v4, v7;
	v6 =	vsel vm2, v9, v6;
	vm0 =	vgt.f32 v3, v5;
	v7 =	vld.idx.msk [tilespmem:v11+s2+$0x0], $0xffff  }
0x24a: {  	v2 =	vor.u32 $0x3E, v2;
	vm1 =	vgt.f32 v3, v4;
	v5 =	vsel vm0, v3, v5  }
0x24b: {  	v9 =	vsel vm2, $0x39, v9;
	v6 =	vsel vm0, $0x3A, v6;
	v5 =	vsel vm1, v4, v5  }
0x24c: {  	v3 =	vsel vm1, v3, v4;
	v6 =	vsel vm1, v9, v6;
	vm0 =	vgt.f32 v8, v5;
	v4 =	vld.idx.msk [tilespmem:v12+s2+$0x0], $0xffff  }
0x24d: {  	vm2 =	vgt.f32 v8, v3;
	v5 =	vsel vm0, v8, v5;
	v6 =	vsel vm0, $0x3B, v6  }
0x24e: {  	v9 =	vsel vm1, $0x3A, v9;
	v5 =	vsel vm2, v3, v5  }
0x24f: {  	v6 =	vsel vm2, v9, v6;
	v3 =	vsel vm2, v8, v3;
	vm0 =	vgt.f32 v7, v5;
	v2 =	vld.idx.msk [tilespmem:v2+s2+$0x0], $0xffff  }
0x250: {  	vm1 =	vgt.f32 v7, v3;
	v5 =	vsel vm0, v7, v5;
	v6 =	vsel vm0, $0x3C, v6  }
0x251: {  	v8 =	vsel vm2, $0x3B, v9;
	v5 =	vsel vm1, v3, v5  }
0x252: {  	v6 =	vsel vm1, v8, v6;
	v3 =	vsel vm1, v7, v3;
	vm0 =	vgt.f32 v4, v5;
	v7 =	vld.idx.msk [tilespmem:v10+s2+$0x0], $0xffff  }
0x253: {  	vm2 =	vgt.f32 v4, v3;
	v5 =	vsel vm0, v4, v5;
	v6 =	vsel vm0, $0x3D, v6  }
0x254: {  	v8 =	vsel vm1, $0x3C, v8;
	v5 =	vsel vm2, v3, v5  }
0x255: {  	v6 =	vsel vm2, v8, v6;
	v3 =	vsel vm2, v4, v3;
	vm0 =	vgt.f32 v2, v5  }
0x256: {  	vm1 =	vgt.f32 v2, v3;
	v4 =	vsel vm0, v2, v5;
	v5 =	vsel vm0, $0x3E, v6  }
0x257: {  	v6 =	vsel vm2, $0x3D, v8;
	v4 =	vsel vm1, v3, v4  }
0x258: {  	v2 =	vsel vm1, v2, v3;
	v5 =	vsel vm1, v6, v5;
	vm0 =	vgt.f32 v7, v4  }
0x259: {  	v3 =	vsel vm1, $0x3E, v6;
	vm1 =	vgt.f32 v7, v2;
	v4 =	vsel vm0, v7, v4  }
0x25a: {  	v6 =	vsel vm1, $0x3F, v3;
	v4 =	vsel vm1, v2, v4;
	v2 =	vsel vm1, v7, v2  }
0x25b: {  	v5 =	vsel vm0, $0x3F, v5;
	v2 =	vsub.f32 v4, v2;
	[tilespmem:s18+$0x0] =	vst v6  }
0x25c: {  	v3 =	vsel vm1, v3, v5  }
0x25d: {  	v2 =	vmul.f32 $1.442695020e+00, v2;
	[tilespmem:s17+$0x0] =	vst v3;
	_ =	sdelay $0x1  }
0x25e: {  	(erf) = vpow2.f32 v2;
	_ =	sdelay $0x8  }
0x25f: {  	v12 =	vpop (erf)  }
0x260: {  	v2 =	vadd.f32 $1.000000000e+00, v12;
	_ =	sdelay $0x1  }
0x261: {  	(erf) = vrcp.f32 v2;
	_ =	sdelay $0x3  }
0x262: {  	v2 =	vmov s21  }
0x263: {  	v2 =	vshll.u32 v2, $0x6  }
.Ltmp0:
0x264: {  	v2 =	vor.u32 v0, v2;
	(pc) =	sbr.rel @p0 .LBB2_2-.Ltmp0, $4  }
0x265: {  	v11 =	vor.u32 $0x1, v2;
	v10 =	vor.u32 $0x2, v2;
	v9 =	vor.u32 $0x3, v2  }
0x266: {  	v8 =	vor.u32 $0x4, v2;
	v7 =	vor.u32 $0x5, v2;
	v6 =	vor.u32 $0x6, v2  }
0x267: {  	v5 =	vor.u32 $0x7, v2;
	v4 =	vor.u32 $0x8, v2;
	v13 =	vpop (erf)  }
0x268: {  	s15 =	sadd.s32 $0x10, s15;
	s22 =	smov.u32 s20;
	v3 =	vor.u32 $0x9, v2;
	[tilespmem:s16+$0x0] =	vst v13;
	v12 =	vmul.f32 v13, v12;
	s16 =	sadd.s32 $0x10, s16  }
0x269: {  	_ =	sdelay $0x2  }
0x26a: {  	v13 =	vimm.s32 $0x0;
	v25 =	vimm.s32 $0x0;
	[tilespmem:s19+$0x0] =	vst v12  }
0x26b: {  	v27 =	vimm.s32 $0x0;
	v29 =	vimm.s32 $0x0;
	v31 =	vimm.s32 $0x0;
	v11 =	vld.idx.msk [tilespmem:v11+s2+$0x0], $0xffff  }
0x26c: {  	v33 =	vor.u32 $0xA, v2;
	v34 =	vimm.s32 $0x0;
	v36 =	vor.u32 $0xB, v2;
	v12 =	vld.idx.msk [tilespmem:v2+s2+$0x0], $0xffff  }
0x26d: {  	v37 =	vimm.s32 $0x0;
	v39 =	vor.u32 $0xC, v2;
	v40 =	vimm.s32 $0x0  }
0x26e: {  	v42 =	vor.u32 $0xD, v2;
	v43 =	vimm.s32 $0x0;
	v45 =	vor.u32 $0xE, v2  }
0x26f: {  	v46 =	vimm.s32 $0x0;
	v48 =	vor.u32 $0xF, v2;
	v49 =	vimm.s32 $0x0;
	v10 =	vld.idx.msk [tilespmem:v10+s2+$0x0], $0xffff  }
0x270: {  	v51 =	vor.u32 $0x10, v2;
	vm0 =	vlt.f32 v11, $-Inf;
	vm1 =	vgt.f32 v11, $-Inf  }
0x271: {  	v52 =	vimm.s32 $0x0;
	vm3 =	vgt.f32 v11, v12;
	vm2 =	vmor vm1, vm0  }
0x272: {  	v9 =	vld.idx.msk [tilespmem:v9+s2+$0x0], $0xffff;
	v13 =	vsel vm3, $0xFFFFFFFF, v13;
	vm1 =	vmneg vm3;
	v23 =	vnsel vm2, $0xFF800000, v11  }
0x273: {  	v54 =	vor.u32 $0x11, v2;
	v55 =	vimm.s32 $0x0;
	[tilespmem:$0x1F860] =	vst v13;
	v13 =	vsel vm1, v23, v12  }
0x274: {  	v58 =	vor.u32 $0x12, v2;
	v11 =	vsel vm1, v12, v11;
	vm15 =	vgt.f32 v10, v13  }
0x275: {  	v61 =	vor.u32 $0x13, v2;
	v8 =	vld.idx.msk [tilespmem:v8+s2+$0x0], $0xffff;
	vm3 =	vgt.f32 v10, v11;
	v24 =	vsel vm15, v10, v13  }
0x276: {  	v62 =	vimm.s32 $0x0;
	v14 =	vimm.s32 $0x0;
	v12 =	vsel vm3, v11, v24  }
0x277: {  	v17 =	vor.u32 $0x15, v2;
	v10 =	vsel vm3, v10, v11;
	vm10 =	vgt.f32 v9, v12  }
0x278: {  	v7 =	vld.idx.msk [tilespmem:v7+s2+$0x0], $0xffff;
	vm4 =	vgt.f32 v9, v10;
	v11 =	vsel vm10, $0xFFFFFFFF, v25;
	v26 =	vsel vm10, v9, v12  }
0x279: {  	v18 =	vimm.s32 $0x0;
	v21 =	vor.u32 $0x16, v2;
	[tilespmem:$0x1F870] =	vst v11;
	v11 =	vsel vm4, v10, v26  }
0x27a: {  	v22 =	vimm.s32 $0x0;
	v6 =	vld.idx.msk [tilespmem:v6+s2+$0x0], $0xffff;
	v9 =	vsel vm4, v9, v10;
	vm11 =	vgt.f32 v8, v11  }
0x27b: {  	v38 =	vld.idx.msk [tilespmem:v33+s2+$0x0], $0xffff;
	vm5 =	vgt.f32 v8, v9;
	v10 =	vsel vm11, $0xFFFFFFFF, v27;
	v28 =	vsel vm11, v8, v11  }
0x27c: {  	v47 =	vld.idx.msk [tilespmem:v42+s2+$0x0], $0xffff;
	v33 =	vor.u32 $0x19, v2;
	v42 =	vimm.s32 $0x0;
	[tilespmem:$0x1F880] =	vst v10;
	v10 =	vsel vm5, v9, v28  }
0x27d: {  	v50 =	vld.idx.msk [tilespmem:v45+s2+$0x0], $0xffff;
	v45 =	vor.u32 $0x1C, v2;
	v8 =	vsel vm5, v8, v9;
	vm12 =	vgt.f32 v7, v10  }
0x27e: {  	v5 =	vld.idx.msk [tilespmem:v5+s2+$0x0], $0xffff;
	vm6 =	vgt.f32 v7, v8;
	v9 =	vsel vm12, $0xFFFFFFFF, v29;
	v30 =	vsel vm12, v7, v10  }
0x27f: {  	v16 =	vld.idx.msk [tilespmem:v61+s2+$0x0], $0xffff;
	v61 =	vimm.s32 $0x0;
	vm2 =	vmand vm1, vm2;
	[tilespmem:$0x1F890] =	vst v9;
	v9 =	vsel vm6, v8, v30  }
0x280: {  	v57 =	vsel vm2, $0x1, v1;
	v59 =	vld [tilespmem:$0x1F860];
	v7 =	vsel vm6, v7, v8;
	vm13 =	vgt.f32 v6, v9  }
0x281: {  	v4 =	vld.idx.msk [tilespmem:v4+s2+$0x0], $0xffff;
	vm7 =	vgt.f32 v6, v7;
	v8 =	vsel vm13, $0xFFFFFFFF, v31;
	v32 =	vsel vm13, v6, v9  }
0x282: {  	v60 =	vsel vm15, $0x2, v57;
	v13 =	vor.u32 $0x14, v2;
	[tilespmem:$0x1F8A0] =	vst v8;
	v8 =	vsel vm7, v7, v32  }
0x283: {  	v57 =	vor.u32 $0x1F, v2;
	v6 =	vsel vm7, v6, v7;
	vm14 =	vgt.f32 v5, v8  }
0x284: {  	v3 =	vld.idx.msk [tilespmem:v3+s2+$0x0], $0xffff;
	vm8 =	vgt.f32 v5, v6;
	v7 =	vsel vm14, $0xFFFFFFFF, v34;
	v35 =	vsel vm14, v5, v8  }
0x285: {  	v24 =	vld.idx.msk [tilespmem:v17+s2+$0x0], $0xffff;
	v17 =	vimm.s32 $0x0;
	vm1 =	vnez.u8 v59;
	[tilespmem:$0x1F8B0] =	vst v7;
	v7 =	vsel vm8, v6, v35  }
0x286: {  	v25 =	vor.u32 $0x17, v2;
	v5 =	vsel vm8, v5, v6;
	vm9 =	vgt.f32 v4, v7  }
0x287: {  	v12 =	vld.idx.msk [tilespmem:v58+s2+$0x0], $0xffff;
	v6 =	vsel vm9, $0xFFFFFFFF, v37;
	v7 =	vsel vm9, v4, v7;
	vm9 =	vgt.f32 v4, v5  }
0x288: {  	v58 =	vimm.s32 $0x0;
	v26 =	vimm.s32 $0x0;
	v63 =	vld [tilespmem:$0x1F870];
	v7 =	vsel vm9, v5, v7  }
0x289: {  	v20 =	vld.idx.msk [tilespmem:v13+s2+$0x0], $0xffff;
	v13 =	vimm.s32 $0x0;
	v4 =	vsel vm9, v4, v5;
	vm10 =	vgt.f32 v3, v7  }
0x28a: {  	v41 =	vld.idx.msk [tilespmem:v36+s2+$0x0], $0xffff;
	v5 =	vsel vm10, $0xFFFFFFFF, v40;
	v7 =	vsel vm10, v3, v7;
	vm10 =	vgt.f32 v3, v4  }
0x28b: {  	v11 =	vsel vm1, $0x1, v1;
	v28 =	vld.idx.msk [tilespmem:v21+s2+$0x0], $0xffff;
	v21 =	vimm.s32 $0x0;
	v7 =	vsel vm10, v4, v7  }
0x28c: {  	v29 =	vor.u32 $0x18, v2;
	v3 =	vsel vm10, v3, v4;
	vm11 =	vgt.f32 v38, v7  }
0x28d: {  	v44 =	vld.idx.msk [tilespmem:v39+s2+$0x0], $0xffff;
	v4 =	vsel vm11, $0xFFFFFFFF, v43;
	v7 =	vsel vm11, v38, v7;
	vm11 =	vgt.f32 v38, v3  }
0x28e: {  	vm15 =	vnez.u8 v63;
	v31 =	vimm.s32 $0x0;
	v7 =	vsel vm11, v3, v7  }
0x28f: {  	v9 =	vld.idx.msk [tilespmem:v25+s2+$0x0], $0xffff;
	v25 =	vimm.s32 $0x0;
	v3 =	vsel vm11, v38, v3;
	vm12 =	vgt.f32 v41, v7  }
0x290: {  	[tilespmem:$0x1F8C0] =	vst v6;
	v6 =	vsel vm12, $0xFFFFFFFF, v46;
	v7 =	vsel vm12, v41, v7;
	vm12 =	vgt.f32 v41, v3  }
0x291: {  	v36 =	vld.idx.msk [tilespmem:v29+s2+$0x0], $0xffff;
	v29 =	vimm.s32 $0x0;
	v34 =	vimm.s32 $0x0;
	v7 =	vsel vm12, v3, v7  }
0x292: {  	v8 =	vld.idx.msk [tilespmem:v54+s2+$0x0], $0xffff;
	v54 =	vimm.s32 $0x0;
	v3 =	vsel vm12, v41, v3;
	vm13 =	vgt.f32 v44, v7  }
0x293: {  	[tilespmem:$0x1F8D0] =	vst v5;
	v5 =	vsel vm13, $0xFFFFFFFF, v49;
	v7 =	vsel vm13, v44, v7;
	vm13 =	vgt.f32 v44, v3  }
0x294: {  	v37 =	vor.u32 $0x1A, v2;
	v40 =	vld.idx.msk [tilespmem:v33+s2+$0x0], $0xffff;
	v33 =	vimm.s32 $0x0;
	v7 =	vsel vm13, v3, v7  }
0x295: {  	v38 =	vimm.s32 $0x0;
	v3 =	vsel vm13, v44, v3;
	vm14 =	vgt.f32 v47, v7  }
0x296: {  	v53 =	vld.idx.msk [tilespmem:v48+s2+$0x0], $0xffff;
	[tilespmem:$0x1F8E0] =	vst v4;
	v4 =	vsel vm14, $0xFFFFFFFF, v52;
	v7 =	vsel vm14, v47, v7;
	vm14 =	vgt.f32 v47, v3  }
0x297: {  	v46 =	vimm.s32 $0x0;
	v41 =	vor.u32 $0x1B, v2;
	v7 =	vsel vm14, v3, v7  }
0x298: {  	v49 =	vor.u32 $0x1D, v2;
	v3 =	vsel vm14, v47, v3;
	vm0 =	vgt.f32 v50, v7  }
0x299: {  	v56 =	vld.idx.msk [tilespmem:v51+s2+$0x0], $0xffff;
	[tilespmem:$0x1F8F0] =	vst v6;
	v6 =	vsel vm0, $0xFFFFFFFF, v55;
	v7 =	vsel vm0, v50, v7;
	vm0 =	vgt.f32 v50, v3  }
0x29a: {  	v15 =	vld [tilespmem:$0x1F880];
	[tilespmem:$0x1F900] =	vst v5;
	v5 =	vsel vm3, v11, v60;
	v11 =	vsel vm3, $0x2, v11;
	v7 =	vsel vm0, v3, v7  }
0x29b: {  	v44 =	vld.idx.msk [tilespmem:v37+s2+$0x0], $0xffff;
	v60 =	vor.u32 $0x20, v2;
	v3 =	vsel vm0, v50, v3;
	vm1 =	vgt.f32 v53, v7  }
0x29c: {  	v37 =	vimm.s32 $0x0;
	v48 =	vld.idx.msk [tilespmem:v41+s2+$0x0], $0xffff;
	vm2 =	vgt.f32 v53, v3;
	v7 =	vsel vm1, v53, v7  }
0x29d: {  	v52 =	vld.idx.msk [tilespmem:v45+s2+$0x0], $0xffff;
	v41 =	vimm.s32 $0x0;
	v45 =	vimm.s32 $0x0;
	v7 =	vsel vm2, v3, v7  }
0x29e: {  	v50 =	vimm.s32 $0x0;
	v3 =	vsel vm2, v53, v3;
	vm3 =	vgt.f32 v56, v7  }
0x29f: {  	v19 =	vld [tilespmem:$0x1F890];
	[tilespmem:$0x1F910] =	vst v4;
	v4 =	vsel vm3, $0xFFFFFFFF, v62;
	v7 =	vsel vm3, v56, v7;
	vm3 =	vgt.f32 v56, v3  }
0x2a0: {  	v53 =	vor.u32 $0x1E, v2;
	[tilespmem:$0x1F930] =	vst v4;
	v4 =	vsel vm15, $0x3, v5;
	v7 =	vsel vm3, v3, v7  }
0x2a1: {  	v23 =	vld [tilespmem:$0x1F8A0];
	v4 =	vsel vm4, v11, v4;
	v11 =	vsel vm4, $0x3, v11;
	vm4 =	vgt.f32 v8, v7  }
0x2a2: {  	[tilespmem:$0x1F920] =	vst v6;
	v3 =	vsel vm3, v56, v3;
	vm15 =	vnez.u8 v15;
	v6 =	vsel vm4, $0xFFFFFFFF, v14  }
0x2a3: {  	v4 =	vsel vm15, $0x4, v4;
	v7 =	vsel vm4, v8, v7;
	vm4 =	vgt.f32 v8, v3  }
0x2a4: {  	v27 =	vld [tilespmem:$0x1F8B0];
	vm15 =	vnez.u8 v19;
	v4 =	vsel vm5, v11, v4;
	v7 =	vsel vm4, v3, v7  }
0x2a5: {  	v11 =	vsel vm5, $0x4, v11;
	v3 =	vsel vm4, v8, v3;
	vm5 =	vgt.f32 v12, v7  }
0x2a6: {  	v4 =	vsel vm15, $0x5, v4;
	vm15 =	vnez.u8 v23;
	v8 =	vsel vm5, $0xFFFFFFFF, v18  }
0x2a7: {  	v30 =	vld [tilespmem:$0x1F8C0];
	v7 =	vsel vm5, v12, v7;
	vm5 =	vgt.f32 v12, v3;
	v4 =	vsel vm6, v11, v4  }
0x2a8: {  	v11 =	vsel vm6, $0x5, v11;
	v7 =	vsel vm5, v3, v7;
	v3 =	vsel vm5, v12, v3  }
0x2a9: {  	v4 =	vsel vm15, $0x6, v4;
	vm15 =	vnez.u8 v27;
	v12 =	vor.u32 $0x21, v2  }
0x2aa: {  	vm6 =	vgt.f32 v16, v7;
	v4 =	vsel vm7, v11, v4;
	v11 =	vsel vm7, $0x6, v11  }
0x2ab: {  	v5 =	vsel vm6, $0xFFFFFFFF, v22;
	v7 =	vsel vm6, v16, v7;
	vm6 =	vgt.f32 v16, v3  }
0x2ac: {  	v4 =	vsel vm15, $0x7, v4;
	vm15 =	vnez.u8 v30;
	v32 =	vsel vm8, $0x7, v11  }
0x2ad: {  	v35 =	vld [tilespmem:$0x1F8D0];
	v7 =	vsel vm6, v3, v7;
	v3 =	vsel vm6, v16, v3;
	v4 =	vsel vm8, v11, v4  }
0x2ae: {  	v16 =	vor.u32 $0x22, v2;
	vm7 =	vgt.f32 v20, v7;
	v4 =	vsel vm15, $0x8, v4  }
0x2af: {  	v39 =	vld [tilespmem:$0x1F8E0];
	[tilespmem:$0x1F940] =	vst v6;
	v6 =	vsel vm7, $0xFFFFFFFF, v26;
	v7 =	vsel vm7, v20, v7;
	vm7 =	vgt.f32 v20, v3  }
0x2b0: {  	v4 =	vsel vm9, v32, v4;
	v7 =	vsel vm7, v3, v7;
	v3 =	vsel vm7, v20, v3  }
0x2b1: {  	v20 =	vor.u32 $0x23, v2;
	vm15 =	vgt.f32 v24, v7;
	vm8 =	vgt.f32 v24, v3  }
0x2b2: {  	v43 =	vld [tilespmem:$0x1F8F0];
	[tilespmem:$0x1F950] =	vst v8;
	v8 =	vsel vm15, $0xFFFFFFFF, v31;
	v7 =	vsel vm15, v24, v7;
	vm15 =	vnez.u8 v35  }
0x2b3: {  	[tilespmem:$0x1F980] =	vst v8;
	v7 =	vsel vm8, v3, v7;
	v8 =	vsel vm9, $0x8, v32;
	v3 =	vsel vm8, v24, v3  }
0x2b4: {  	v4 =	vsel vm15, $0x9, v4;
	vm15 =	vnez.u8 v39;
	v24 =	vor.u32 $0x24, v2  }
0x2b5: {  	v47 =	vld [tilespmem:$0x1F900];
	v32 =	vor.u32 $0x26, v2;
	vm9 =	vgt.f32 v28, v7;
	v4 =	vsel vm10, v8, v4  }
0x2b6: {  	[tilespmem:$0x1F960] =	vst v5;
	v8 =	vsel vm10, $0x9, v8;
	v5 =	vsel vm9, $0xFFFFFFFF, v34;
	v7 =	vsel vm9, v28, v7  }
0x2b7: {  	vm9 =	vgt.f32 v28, v3;
	v4 =	vsel vm15, $0xA, v4;
	vm15 =	vnez.u8 v43  }
0x2b8: {  	v51 =	vld [tilespmem:$0x1F910];
	v7 =	vsel vm9, v3, v7;
	v3 =	vsel vm9, v28, v3;
	v4 =	vsel vm11, v8, v4  }
0x2b9: {  	v8 =	vsel vm11, $0xA, v8;
	v28 =	vor.u32 $0x25, v2;
	vm10 =	vgt.f32 v9, v7  }
0x2ba: {  	[tilespmem:$0x1F970] =	vst v6;
	v4 =	vsel vm15, $0xB, v4;
	vm15 =	vnez.u8 v47;
	v6 =	vsel vm10, $0xFFFFFFFF, v38  }
0x2bb: {  	v55 =	vld [tilespmem:$0x1F920];
	v7 =	vsel vm10, v9, v7;
	vm10 =	vgt.f32 v9, v3;
	v4 =	vsel vm12, v8, v4  }
0x2bc: {  	v8 =	vsel vm12, $0xB, v8;
	v7 =	vsel vm10, v3, v7;
	v3 =	vsel vm10, v9, v3  }
0x2bd: {  	v4 =	vsel vm15, $0xC, v4;
	vm15 =	vnez.u8 v51;
	v51 =	vor.u32 $0x2B, v2  }
0x2be: {  	vm11 =	vgt.f32 v36, v7;
	v4 =	vsel vm13, v8, v4;
	v8 =	vsel vm13, $0xC, v8  }
0x2bf: {  	v9 =	vsel vm11, $0xFFFFFFFF, v42;
	v7 =	vsel vm11, v36, v7;
	vm11 =	vgt.f32 v36, v3  }
0x2c0: {  	v4 =	vsel vm15, $0xD, v4;
	vm15 =	vnez.u8 v55;
	v55 =	vimm.s32 $0x0  }
0x2c1: {  	v62 =	vld [tilespmem:$0x1F930];
	v7 =	vsel vm11, v3, v7;
	v3 =	vsel vm11, v36, v3;
	v4 =	vsel vm14, v8, v4  }
0x2c2: {  	v8 =	vsel vm14, $0xD, v8;
	v36 =	vor.u32 $0x27, v2;
	vm12 =	vgt.f32 v40, v7  }
0x2c3: {  	[tilespmem:$0x1F990] =	vst v5;
	v4 =	vsel vm15, $0xE, v4;
	v5 =	vsel vm12, $0xFFFFFFFF, v46;
	v7 =	vsel vm12, v40, v7  }
0x2c4: {  	v14 =	vld [tilespmem:$0x1F940];
	vm12 =	vgt.f32 v40, v3;
	v4 =	vsel vm0, v8, v4;
	v8 =	vsel vm0, $0xE, v8  }
0x2c5: {  	v7 =	vsel vm12, v3, v7;
	v3 =	vsel vm12, v40, v3;
	v4 =	vsel vm1, $0xF, v4  }
0x2c6: {  	vm1 =	vnez.u8 v62;
	v40 =	vor.u32 $0x28, v2;
	v62 =	vor.u32 $0x2D, v2  }
0x2c7: {  	vm13 =	vgt.f32 v44, v7;
	v4 =	vsel vm2, v8, v4;
	v8 =	vsel vm2, $0xF, v8  }
0x2c8: {  	v18 =	vld [tilespmem:$0x1F950];
	[tilespmem:$0x1F9A0] =	vst v6;
	v6 =	vsel vm13, $0xFFFFFFFF, v50;
	v7 =	vsel vm13, v44, v7;
	vm13 =	vgt.f32 v44, v3  }
0x2c9: {  	v4 =	vsel vm1, $0x10, v4;
	vm1 =	vnez.u8 v14;
	v43 =	vld.idx.msk [tilespmem:v36+s2+$0x0], $0xffff;
	v36 =	vimm.s32 $0x0  }
0x2ca: {  	v14 =	vor.u32 $0x39, v2;
	v7 =	vsel vm13, v3, v7;
	v3 =	vsel vm13, v44, v3  }
0x2cb: {  	v4 =	vsel vm3, v8, v4;
	v8 =	vsel vm3, $0x10, v8;
	vm14 =	vgt.f32 v48, v7  }
0x2cc: {  	v22 =	vld [tilespmem:$0x1F960];
	[tilespmem:$0x1F9B0] =	vst v9;
	v44 =	vor.u32 $0x29, v2;
	v4 =	vsel vm1, $0x11, v4;
	v9 =	vsel vm14, $0xFFFFFFFF, v54  }
0x2cd: {  	v27 =	vld.idx.msk [tilespmem:v20+s2+$0x0], $0xffff;
	v7 =	vsel vm14, v48, v7;
	vm14 =	vgt.f32 v48, v3;
	v4 =	vsel vm4, v8, v4  }
0x2ce: {  	v8 =	vsel vm4, $0x11, v8;
	vm4 =	vnez.u8 v18;
	v47 =	vld.idx.msk [tilespmem:v40+s2+$0x0], $0xffff;
	v18 =	vimm.s32 $0x0  }
0x2cf: {  	v20 =	vld.idx.msk [tilespmem:v62+s2+$0x0], $0xffff;
	v40 =	vimm.s32 $0x0;
	v62 =	vimm.s32 $0x0;
	v7 =	vsel vm14, v3, v7  }
0x2d0: {  	v3 =	vsel vm14, v48, v3;
	v4 =	vsel vm4, $0x12, v4;
	v48 =	vor.u32 $0x2A, v2  }
0x2d1: {  	v26 =	vld [tilespmem:$0x1F970];
	vm15 =	vgt.f32 v52, v7;
	v4 =	vsel vm5, v8, v4;
	v8 =	vsel vm5, $0x12, v8  }
0x2d2: {  	v56 =	vld.idx.msk [tilespmem:v49+s2+$0x0], $0xffff;
	[tilespmem:$0x1F9C0] =	vst v5;
	vm5 =	vnez.u8 v22;
	v22 =	vimm.s32 $0x0;
	v5 =	vsel vm15, $0xFFFFFFFF, v58  }
0x2d3: {  	v30 =	vld [tilespmem:$0x1F980];
	v7 =	vsel vm15, v52, v7;
	vm15 =	vgt.f32 v52, v3;
	v4 =	vsel vm5, $0x13, v4  }
0x2d4: {  	v50 =	vld.idx.msk [tilespmem:v44+s2+$0x0], $0xffff;
	v58 =	vimm.s32 $0x0;
	v44 =	vimm.s32 $0x0;
	v7 =	vsel vm15, v3, v7  }
0x2d5: {  	v3 =	vsel vm15, v52, v3;
	v4 =	vsel vm6, v8, v4;
	v8 =	vsel vm6, $0x13, v8  }
0x2d6: {  	vm6 =	vnez.u8 v26;
	v52 =	vimm.s32 $0x0;
	v26 =	vimm.s32 $0x0  }
0x2d7: {  	v59 =	vld.idx.msk [tilespmem:v53+s2+$0x0], $0xffff;
	vm0 =	vgt.f32 v56, v7;
	vm2 =	vgt.f32 v56, v3;
	v4 =	vsel vm6, $0x14, v4  }
0x2d8: {  	v34 =	vld [tilespmem:$0x1F990];
	[tilespmem:$0x1F9D0] =	vst v6;
	v6 =	vsel vm0, $0xFFFFFFFF, v61;
	v7 =	vsel vm0, v56, v7;
	v4 =	vsel vm7, v8, v4  }
0x2d9: {  	v63 =	vld.idx.msk [tilespmem:v57+s2+$0x0], $0xffff;
	v8 =	vsel vm7, $0x14, v8;
	vm7 =	vnez.u8 v30;
	v61 =	vimm.s32 $0x0  }
0x2da: {  	v54 =	vld.idx.msk [tilespmem:v48+s2+$0x0], $0xffff;
	v30 =	vor.u32 $0x31, v2;
	v48 =	vor.u32 $0x35, v2;
	v7 =	vsel vm2, v3, v7  }
0x2db: {  	v38 =	vld [tilespmem:$0x1F9A0];
	v3 =	vsel vm2, v56, v3;
	v4 =	vsel vm7, $0x15, v4;
	v56 =	vor.u32 $0x2C, v2  }
0x2dc: {  	vm0 =	vgt.f32 v59, v7;
	vm3 =	vgt.f32 v59, v3;
	v4 =	vsel vm8, v8, v4  }
0x2dd: {  	v8 =	vsel vm8, $0x15, v8;
	vm8 =	vnez.u8 v34;
	v34 =	vimm.s32 $0x0  }
0x2de: {  	v42 =	vld [tilespmem:$0x1F9B0];
	[tilespmem:$0x1F9E0] =	vst v9;
	v9 =	vsel vm0, $0xFFFFFFFF, v13;
	v7 =	vsel vm0, v59, v7;
	v4 =	vsel vm8, $0x16, v4  }
0x2df: {  	v46 =	vld [tilespmem:$0x1F9C0];
	v7 =	vsel vm3, v3, v7;
	v3 =	vsel vm3, v59, v3;
	v4 =	vsel vm9, v8, v4  }
0x2e0: {  	v15 =	vld.idx.msk [tilespmem:v60+s2+$0x0], $0xffff;
	v8 =	vsel vm9, $0x16, v8;
	vm9 =	vnez.u8 v38;
	vm0 =	vgt.f32 v63, v7  }
0x2e1: {  	[tilespmem:$0x1F9F0] =	vst v5;
	vm4 =	vgt.f32 v63, v3;
	v4 =	vsel vm9, $0x17, v4;
	v5 =	vsel vm0, $0xFFFFFFFF, v17  }
0x2e2: {  	v49 =	vld [tilespmem:$0x1F9D0];
	v7 =	vsel vm0, v63, v7;
	v4 =	vsel vm10, v8, v4;
	v8 =	vsel vm10, $0x17, v8  }
0x2e3: {  	v19 =	vld.idx.msk [tilespmem:v12+s2+$0x0], $0xffff;
	vm10 =	vnez.u8 v42;
	v17 =	vor.u32 $0x2E, v2;
	v7 =	vsel vm4, v3, v7  }
0x2e4: {  	v3 =	vsel vm4, v63, v3;
	v4 =	vsel vm10, $0x18, v4;
	vm10 =	vnez.u8 v46  }
0x2e5: {  	vm0 =	vgt.f32 v15, v7;
	vm5 =	vgt.f32 v15, v3;
	v4 =	vsel vm11, v8, v4  }
0x2e6: {  	v23 =	vld.idx.msk [tilespmem:v16+s2+$0x0], $0xffff;
	[tilespmem:$0x1FA00] =	vst v6;
	v8 =	vsel vm11, $0x18, v8;
	v6 =	vsel vm0, $0xFFFFFFFF, v21;
	v7 =	vsel vm0, v15, v7  }
0x2e7: {  	v4 =	vsel vm10, $0x19, v4;
	vm10 =	vnez.u8 v49;
	v7 =	vsel vm5, v3, v7  }
0x2e8: {  	v21 =	vor.u32 $0x2F, v2;
	v3 =	vsel vm5, v15, v3;
	vm0 =	vgt.f32 v19, v7  }
0x2e9: {  	v49 =	vimm.s32 $0x0;
	vm6 =	vgt.f32 v19, v3;
	v7 =	vsel vm0, v19, v7  }
0x2ea: {  	v4 =	vsel vm12, v8, v4;
	v8 =	vsel vm12, $0x19, v8;
	v7 =	vsel vm6, v3, v7  }
0x2eb: {  	v53 =	vld [tilespmem:$0x1F9E0];
	[tilespmem:$0x1FA10] =	vst v9;
	v9 =	vsel vm0, $0xFFFFFFFF, v25;
	v3 =	vsel vm6, v19, v3;
	vm0 =	vgt.f32 v23, v7  }
0x2ec: {  	v31 =	vld.idx.msk [tilespmem:v24+s2+$0x0], $0xffff;
	v4 =	vsel vm10, $0x1A, v4;
	vm7 =	vgt.f32 v23, v3;
	v7 =	vsel vm0, v23, v7  }
0x2ed: {  	v15 =	vimm.s32 $0x0;
	v4 =	vsel vm13, v8, v4;
	v7 =	vsel vm7, v3, v7  }
0x2ee: {  	v57 =	vld [tilespmem:$0x1F9F0];
	[tilespmem:$0x1FA20] =	vst v5;
	v5 =	vsel vm0, $0xFFFFFFFF, v29;
	v3 =	vsel vm7, v23, v3;
	vm0 =	vgt.f32 v27, v7  }
0x2ef: {  	v35 =	vld.idx.msk [tilespmem:v28+s2+$0x0], $0xffff;
	v8 =	vsel vm13, $0x1A, v8;
	vm8 =	vgt.f32 v27, v3;
	v7 =	vsel vm0, v27, v7  }
0x2f0: {  	vm13 =	vnez.u8 v53;
	v25 =	vor.u32 $0x30, v2;
	v7 =	vsel vm8, v3, v7  }
0x2f1: {  	[tilespmem:$0x1FA30] =	vst v6;
	v6 =	vsel vm0, $0xFFFFFFFF, v33;
	v3 =	vsel vm8, v27, v3;
	vm0 =	vgt.f32 v31, v7  }
0x2f2: {  	v39 =	vld.idx.msk [tilespmem:v32+s2+$0x0], $0xffff;
	v53 =	vor.u32 $0x36, v2;
	vm9 =	vgt.f32 v31, v3;
	v7 =	vsel vm0, v31, v7  }
0x2f3: {  	v4 =	vsel vm13, $0x1B, v4;
	vm13 =	vnez.u8 v57;
	v7 =	vsel vm9, v3, v7  }
0x2f4: {  	[tilespmem:$0x1FA40] =	vst v9;
	v9 =	vsel vm0, $0xFFFFFFFF, v37;
	v3 =	vsel vm9, v31, v3;
	vm0 =	vgt.f32 v35, v7  }
0x2f5: {  	[tilespmem:$0x1FA50] =	vst v5;
	v5 =	vsel vm0, $0xFFFFFFFF, v41;
	v7 =	vsel vm0, v35, v7;
	vm0 =	vgt.f32 v35, v3  }
0x2f6: {  	v59 =	vsel vm14, $0x1B, v8;
	v57 =	vimm.s32 $0x0;
	v7 =	vsel vm0, v3, v7  }
0x2f7: {  	v4 =	vsel vm14, v8, v4;
	v3 =	vsel vm0, v35, v3;
	vm1 =	vgt.f32 v39, v7  }
0x2f8: {  	[tilespmem:$0x1FA60] =	vst v6;
	v6 =	vsel vm1, $0xFFFFFFFF, v45;
	v7 =	vsel vm1, v39, v7;
	vm1 =	vgt.f32 v39, v3  }
0x2f9: {  	v4 =	vsel vm13, $0x1C, v4;
	v29 =	vimm.s32 $0x0;
	v7 =	vsel vm1, v3, v7  }
0x2fa: {  	v4 =	vsel vm15, v59, v4;
	v3 =	vsel vm1, v39, v3;
	vm12 =	vgt.f32 v43, v7  }
0x2fb: {  	v31 =	vimm.s32 $0x0;
	vm10 =	vgt.f32 v43, v3;
	v7 =	vsel vm12, v43, v7  }
0x2fc: {  	v35 =	vor.u32 $0x32, v2;
	v39 =	vor.u32 $0x33, v2;
	v7 =	vsel vm10, v3, v7  }
0x2fd: {  	v63 =	vld [tilespmem:$0x1FA00];
	v3 =	vsel vm10, v43, v3;
	v43 =	vor.u32 $0x34, v2;
	vm11 =	vgt.f32 v47, v7  }
0x2fe: {  	[tilespmem:$0x1FA80] =	vst v5;
	v5 =	vsel vm11, $0xFFFFFFFF, v52;
	v7 =	vsel vm11, v47, v7;
	vm11 =	vgt.f32 v47, v3  }
0x2ff: {  	v52 =	vimm.s32 $0x0;
	v10 =	vsel vm11, $0xFFFFFFFF, v55;
	v7 =	vsel vm11, v3, v7  }
0x300: {  	v3 =	vsel vm11, v47, v3;
	v47 =	vimm.s32 $0x0;
	vm13 =	vgt.f32 v50, v7  }
0x301: {  	[tilespmem:$0x1FA90] =	vst v6;
	vm11 =	vgt.f32 v50, v3;
	v6 =	vsel vm13, $0xFFFFFFFF, v58;
	v7 =	vsel vm13, v50, v7  }
0x302: {  	v19 =	vld [tilespmem:$0x1FA10];
	v11 =	vsel vm11, $0xFFFFFFFF, v61;
	vm13 =	vnez.u8 v63;
	v58 =	vor.u32 $0x37, v2  }
0x303: {  	v61 =	vor.u32 $0x38, v2;
	v7 =	vsel vm11, v3, v7;
	v4 =	vsel vm13, $0x1D, v4  }
0x304: {  	v23 =	vld [tilespmem:$0x1FA20];
	[tilespmem:$0x1FAC0] =	vst v6;
	v3 =	vsel vm11, v50, v3;
	v6 =	vsel vm15, $0x1C, v59;
	v59 =	vimm.s32 $0x0  }
0x305: {  	v60 =	vld.idx.msk [tilespmem:v51+s2+$0x0], $0xffff;
	vm13 =	vgt.f32 v54, v7;
	vm14 =	vgt.f32 v54, v3;
	v4 =	vsel vm2, v6, v4  }
0x306: {  	[tilespmem:$0x1FA70] =	vst v9;
	v6 =	vsel vm2, $0x1D, v6;
	v9 =	vsel vm13, $0xFFFFFFFF, v15;
	v7 =	vsel vm13, v54, v7  }
0x307: {  	vm2 =	vmmov vm14;
	vm13 =	vnez.u8 v19;
	v15 =	vimm.s32 $0x0  }
0x308: {  	v19 =	vor.u32 $0x3A, v2;
	v7 =	vsel vm14, v3, v7;
	v3 =	vsel vm14, v54, v3  }
0x309: {  	v16 =	vld.idx.msk [tilespmem:v56+s2+$0x0], $0xffff;
	v4 =	vsel vm13, $0x1E, v4;
	vm13 =	vnez.u8 v23;
	v54 =	vimm.s32 $0x0  }
0x30a: {  	v23 =	vor.u32 $0x3B, v2;
	vm11 =	vgt.f32 v60, v7;
	vm15 =	vgt.f32 v60, v3  }
0x30b: {  	v27 =	vld [tilespmem:$0x1FA30];
	[tilespmem:$0x1FAA0] =	vst v5;
	v4 =	vsel vm3, v6, v4;
	v6 =	vsel vm3, $0x1E, v6;
	v5 =	vsel vm11, $0xFFFFFFFF, v18  }
0x30c: {  	v7 =	vsel vm11, v60, v7;
	vm3 =	vmmov vm15;
	v4 =	vsel vm13, $0x1F, v4  }
0x30d: {  	v32 =	vld [tilespmem:$0x1FA40];
	v7 =	vsel vm15, v3, v7;
	v3 =	vsel vm15, v60, v3;
	v4 =	vsel vm4, v6, v4  }
0x30e: {  	v6 =	vsel vm4, $0x1F, v6;
	vm11 =	vgt.f32 v16, v7;
	vm13 =	vgt.f32 v16, v3  }
0x30f: {  	v37 =	vld [tilespmem:$0x1FA50];
	v8 =	vsel vm11, $0xFFFFFFFF, v22;
	v7 =	vsel vm11, v16, v7;
	vm4 =	vmmov vm13  }
0x310: {  	v7 =	vsel vm13, v3, v7;
	v3 =	vsel vm13, v16, v3;
	vm13 =	vnez.u8 v27  }
0x311: {  	v24 =	vld.idx.msk [tilespmem:v17+s2+$0x0], $0xffff;
	v27 =	vor.u32 $0x3C, v2;
	vm11 =	vgt.f32 v20, v7;
	v4 =	vsel vm13, $0x20, v4  }
0x312: {  	[tilespmem:$0x1FAD0] =	vst v11;
	vm14 =	vgt.f32 v20, v3;
	vm13 =	vnez.u8 v32;
	v32 =	vimm.s32 $0x0  }
0x313: {  	v63 =	vld [tilespmem:$0x1FAA0];
	[tilespmem:$0x1FAE0] =	vst v9;
	v9 =	vsel vm11, $0xFFFFFFFF, v26;
	v7 =	vsel vm11, v20, v7;
	v11 =	vsel vm14, $0xFFFFFFFF, v29  }
0x314: {  	v4 =	vsel vm5, v6, v4;
	v6 =	vsel vm5, $0x20, v6;
	vm11 =	vnez.u8 v37  }
0x315: {  	v28 =	vld.idx.msk [tilespmem:v21+s2+$0x0], $0xffff;
	[tilespmem:$0x1FAB0] =	vst v10;
	v37 =	vimm.s32 $0x0;
	v7 =	vsel vm14, v3, v7;
	v3 =	vsel vm14, v20, v3  }
0x316: {  	v13 =	vld [tilespmem:$0x1FAB0];
	v4 =	vsel vm13, $0x21, v4;
	v20 =	vimm.s32 $0x0;
	vm15 =	vgt.f32 v24, v7  }
0x317: {  	vm14 =	vgt.f32 v24, v3;
	v4 =	vsel vm6, v6, v4;
	v6 =	vsel vm6, $0x21, v6  }
0x318: {  	v41 =	vld [tilespmem:$0x1FA60];
	[tilespmem:$0x1FAF0] =	vst v5;
	vm6 =	vnez.u8 v63;
	v5 =	vsel vm15, $0xFFFFFFFF, v31;
	v7 =	vsel vm15, v24, v7  }
0x319: {  	v10 =	vsel vm14, $0xFFFFFFFF, v34;
	v4 =	vsel vm11, $0x22, v4;
	v31 =	vor.u32 $0x3D, v2  }
0x31a: {  	v33 =	vld.idx.msk [tilespmem:v25+s2+$0x0], $0xffff;
	v7 =	vsel vm14, v3, v7;
	v3 =	vsel vm14, v24, v3;
	v4 =	vsel vm7, v6, v4  }
0x31b: {  	v6 =	vsel vm7, $0x22, v6;
	vm7 =	vnez.u8 v13;
	vm15 =	vgt.f32 v28, v7  }
0x31c: {  	v45 =	vld [tilespmem:$0x1FA70];
	[tilespmem:$0x1FB00] =	vst v8;
	v24 =	vimm.s32 $0x0;
	vm14 =	vgt.f32 v28, v3;
	v8 =	vsel vm15, $0xFFFFFFFF, v36  }
0x31d: {  	v7 =	vsel vm15, v28, v7;
	vm15 =	vnez.u8 v41;
	v36 =	vor.u32 $0x3E, v2  }
0x31e: {  	v38 =	vld.idx.msk [tilespmem:v30+s2+$0x0], $0xffff;
	v2 =	vor.u32 $0x3F, v2;
	v7 =	vsel vm14, v3, v7;
	v3 =	vsel vm14, v28, v3  }
0x31f: {  	v4 =	vsel vm15, $0x23, v4;
	v28 =	vimm.s32 $0x0;
	vm13 =	vgt.f32 v33, v7  }
0x320: {  	v50 =	vld [tilespmem:$0x1FA80];
	vm15 =	vgt.f32 v33, v3;
	v4 =	vsel vm8, v6, v4;
	v6 =	vsel vm8, $0x23, v6  }
0x321: {  	v42 =	vld.idx.msk [tilespmem:v35+s2+$0x0], $0xffff;
	[tilespmem:$0x1FB10] =	vst v9;
	v9 =	vsel vm13, $0xFFFFFFFF, v40;
	v7 =	vsel vm13, v33, v7;
	vm13 =	vnez.u8 v45  }
0x322: {  	v7 =	vsel vm15, v3, v7;
	v3 =	vsel vm15, v33, v3;
	v4 =	vsel vm13, $0x24, v4  }
0x323: {  	v46 =	vld.idx.msk [tilespmem:v39+s2+$0x0], $0xffff;
	vm11 =	vgt.f32 v38, v7;
	vm8 =	vgt.f32 v38, v3;
	v4 =	vsel vm9, v6, v4  }
0x324: {  	v55 =	vld [tilespmem:$0x1FA90];
	[tilespmem:$0x1FB30] =	vst v5;
	v6 =	vsel vm9, $0x24, v6;
	v5 =	vsel vm11, $0xFFFFFFFF, v44;
	v7 =	vsel vm11, v38, v7  }
0x325: {  	v16 =	vld [tilespmem:$0x1FAC0];
	[tilespmem:$0x1FB20] =	vst v11;
	v11 =	vsel vm8, $0xFFFFFFFF, v47;
	vm11 =	vnez.u8 v50;
	v7 =	vsel vm8, v3, v7  }
0x326: {  	v3 =	vsel vm8, v38, v3;
	v4 =	vsel vm11, $0x25, v4;
	vm9 =	vgt.f32 v42, v7  }
0x327: {  	[tilespmem:$0x1FB40] =	vst v10;
	vm13 =	vgt.f32 v42, v3;
	v4 =	vsel vm0, v6, v4;
	v6 =	vsel vm0, $0x25, v6  }
0x328: {  	v51 =	vld.idx.msk [tilespmem:v43+s2+$0x0], $0xffff;
	[tilespmem:$0x1FB50] =	vst v8;
	v8 =	vsel vm9, $0xFFFFFFFF, v49;
	v7 =	vsel vm9, v42, v7;
	v10 =	vsel vm13, $0xFFFFFFFF, v52  }
0x329: {  	v18 =	vld [tilespmem:$0x1FAD0];
	vm9 =	vnez.u8 v55;
	v7 =	vsel vm13, v3, v7;
	v3 =	vsel vm13, v42, v3  }
0x32a: {  	v21 =	vld [tilespmem:$0x1FAE0];
	v4 =	vsel vm9, $0x26, v4;
	vm9 =	vnez.u8 v16;
	vm8 =	vgt.f32 v46, v7  }
0x32b: {  	[tilespmem:$0x1FB60] =	vst v9;
	vm11 =	vgt.f32 v46, v3;
	v4 =	vsel vm1, v6, v4;
	v6 =	vsel vm1, $0x26, v6  }
0x32c: {  	[tilespmem:$0x1FB80] =	vst v11;
	v9 =	vsel vm8, $0xFFFFFFFF, v54;
	v7 =	vsel vm8, v46, v7;
	v11 =	vsel vm11, $0xFFFFFFFF, v57  }
0x32d: {  	v56 =	vld.idx.msk [tilespmem:v48+s2+$0x0], $0xffff;
	v4 =	vsel vm12, $0x27, v4;
	v7 =	vsel vm11, v3, v7;
	v3 =	vsel vm11, v46, v3  }
0x32e: {  	v4 =	vsel vm10, v6, v4;
	v6 =	vsel vm10, $0x27, v6;
	vm10 =	vnez.u8 v18  }
0x32f: {  	vm13 =	vgt.f32 v51, v7;
	v4 =	vsel vm6, $0x28, v4;
	vm6 =	vnez.u8 v21  }
0x330: {  	[tilespmem:$0x1FB70] =	vst v5;
	v5 =	vsel vm13, $0xFFFFFFFF, v59;
	v7 =	vsel vm13, v51, v7;
	vm13 =	vgt.f32 v51, v3  }
0x331: {  	v60 =	vld.idx.msk [tilespmem:v53+s2+$0x0], $0xffff;
	v4 =	vsel vm7, v6, v4;
	v6 =	vsel vm7, $0x28, v6;
	v7 =	vsel vm13, v3, v7  }
0x332: {  	v25 =	vld [tilespmem:$0x1FAF0];
	v3 =	vsel vm13, v51, v3;
	v4 =	vsel vm9, $0x29, v4;
	vm5 =	vgt.f32 v56, v7  }
0x333: {  	vm12 =	vgt.f32 v56, v3;
	v4 =	vsel vm10, v6, v4;
	v6 =	vsel vm10, $0x29, v6  }
0x334: {  	v12 =	vld.idx.msk [tilespmem:v58+s2+$0x0], $0xffff;
	[tilespmem:$0x1FB90] =	vst v8;
	v8 =	vsel vm5, $0xFFFFFFFF, v62;
	v7 =	vsel vm5, v56, v7;
	v4 =	vsel vm6, $0x2A, v4  }
0x335: {  	v7 =	vsel vm12, v3, v7;
	v3 =	vsel vm12, v56, v3;
	v4 =	vsel vm2, v6, v4  }
0x336: {  	v29 =	vld [tilespmem:$0x1FB00];
	v6 =	vsel vm2, $0x2A, v6;
	vm8 =	vgt.f32 v60, v7;
	vm11 =	vgt.f32 v60, v3  }
0x337: {  	v17 =	vld.idx.msk [tilespmem:v61+s2+$0x0], $0xffff;
	[tilespmem:$0x1FBB0] =	vst v9;
	v9 =	vsel vm8, $0xFFFFFFFF, v15;
	v7 =	vsel vm8, v60, v7;
	vm8 =	vnez.u8 v25  }
0x338: {  	v7 =	vsel vm11, v3, v7;
	v3 =	vsel vm11, v60, v3;
	v4 =	vsel vm8, $0x2B, v4  }
0x339: {  	v35 =	vld [tilespmem:$0x1FB20];
	vm5 =	vgt.f32 v12, v7;
	vm9 =	vgt.f32 v12, v3;
	v4 =	vsel vm3, v6, v4  }
0x33a: {  	v22 =	vld.idx.msk [tilespmem:v14+s2+$0x0], $0xffff;
	[tilespmem:$0x1FBD0] =	vst v5;
	v6 =	vsel vm3, $0x2B, v6;
	v5 =	vsel vm5, $0xFFFFFFFF, v20;
	v7 =	vsel vm5, v12, v7  }
0x33b: {  	v33 =	vld [tilespmem:$0x1FB10];
	vm5 =	vnez.u8 v29;
	v7 =	vsel vm9, v3, v7;
	v3 =	vsel vm9, v12, v3  }
0x33c: {  	v26 =	vld.idx.msk [tilespmem:v19+s2+$0x0], $0xffff;
	v4 =	vsel vm5, $0x2C, v4;
	vm7 =	vgt.f32 v17, v7;
	vm8 =	vgt.f32 v17, v3  }
0x33d: {  	v38 =	vld [tilespmem:$0x1FB30];
	v4 =	vsel vm4, v6, v4;
	v6 =	vsel vm4, $0x2C, v6;
	v7 =	vsel vm7, v17, v7  }
0x33e: {  	v40 =	vld [tilespmem:$0x1FB40];
	vm4 =	vnez.u8 v35;
	v7 =	vsel vm8, v3, v7;
	v3 =	vsel vm8, v17, v3  }
0x33f: {  	[tilespmem:$0x1FBE0] =	vst v8;
	v8 =	vsel vm7, $0xFFFFFFFF, v24;
	vm10 =	vgt.f32 v22, v7;
	vm7 =	vgt.f32 v22, v3  }
0x340: {  	v30 =	vld.idx.msk [tilespmem:v23+s2+$0x0], $0xffff;
	[tilespmem:$0x1FBF0] =	vst v9;
	v9 =	vsel vm10, $0xFFFFFFFF, v28;
	v7 =	vsel vm10, v22, v7;
	vm10 =	vnez.u8 v33  }
0x341: {  	v42 =	vld [tilespmem:$0x1FB50];
	v7 =	vsel vm7, v3, v7;
	v3 =	vsel vm7, v22, v3;
	v4 =	vsel vm10, $0x2D, v4  }
0x342: {  	vm10 =	vnez.u8 v38;
	vm6 =	vgt.f32 v26, v7;
	v4 =	vsel vm4, v6, v4  }
0x343: {  	[tilespmem:$0x1FC00] =	vst v5;
	v6 =	vsel vm4, $0x2D, v6;
	vm4 =	vnez.u8 v40;
	v5 =	vsel vm6, $0xFFFFFFFF, v32  }
0x344: {  	v34 =	vld.idx.msk [tilespmem:v27+s2+$0x0], $0xffff;
	v7 =	vsel vm6, v26, v7;
	vm6 =	vgt.f32 v26, v3;
	v4 =	vsel vm10, $0x2E, v4  }
0x345: {  	v7 =	vsel vm6, v3, v7;
	v3 =	vsel vm6, v26, v3;
	v4 =	vsel vm4, v6, v4  }
0x346: {  	v44 =	vld [tilespmem:$0x1FB60];
	v6 =	vsel vm4, $0x2E, v6;
	vm4 =	vnez.u8 v42;
	vm5 =	vgt.f32 v30, v7  }
0x347: {  	v39 =	vld.idx.msk [tilespmem:v31+s2+$0x0], $0xffff;
	[tilespmem:$0x1FC10] =	vst v8;
	v8 =	vsel vm5, $0xFFFFFFFF, v37;
	v7 =	vsel vm5, v30, v7;
	vm5 =	vgt.f32 v30, v3  }
0x348: {  	v41 =	vimm.s32 $0x0;
	v46 =	vld [tilespmem:$0x1FB70];
	v4 =	vsel vm4, $0x2F, v4;
	v7 =	vsel vm5, v3, v7  }
0x349: {  	v4 =	vsel vm14, v6, v4;
	v3 =	vsel vm5, v30, v3;
	vm10 =	vgt.f32 v34, v7  }
0x34a: {  	v43 =	vld.idx.msk [tilespmem:v36+s2+$0x0], $0xffff;
	v6 =	vsel vm14, $0x2F, v6;
	vm4 =	vgt.f32 v34, v3;
	v7 =	vsel vm10, v34, v7  }
0x34b: {  	v47 =	vld [tilespmem:$0x1FB80];
	[tilespmem:$0x1FC20] =	vst v9;
	v9 =	vsel vm10, $0xFFFFFFFF, v41;
	vm10 =	vnez.u8 v44;
	v7 =	vsel vm4, v3, v7  }
0x34c: {  	v3 =	vsel vm4, v34, v3;
	v4 =	vsel vm10, $0x30, v4;
	vm14 =	vgt.f32 v39, v7  }
0x34d: {  	v2 =	vld.idx.msk [tilespmem:v2+s2+$0x0], $0xffff;
	vm10 =	vnez.u8 v46;
	vm3 =	vgt.f32 v39, v3;
	v45 =	vsel vm14, v39, v7  }
0x34e: {  	[tilespmem:$0x1FC30] =	vst v5;
	v4 =	vsel vm15, v6, v4;
	v6 =	vsel vm15, $0x30, v6;
	v5 =	vsel vm3, v3, v45  }
0x34f: {  	v4 =	vsel vm10, $0x31, v4;
	v3 =	vsel vm3, v39, v3;
	vm15 =	vgt.f32 v43, v5  }
0x350: {  	vm10 =	vnez.u8 v47;
	vm2 =	vgt.f32 v43, v3;
	v5 =	vsel vm15, v43, v5  }
0x351: {  	v4 =	vsel vm10, v6, v4;
	v5 =	vsel vm2, v3, v5  }
0x352: {  	v6 =	vsel vm10, $0x31, v6;
	v3 =	vsel vm2, v43, v3;
	vm10 =	vgt.f32 v2, v5  }
0x353: {  	[tilespmem:$0x1FBA0] =	vst v10;
	v48 =	vld [tilespmem:$0x1FB90];
	vm1 =	vgt.f32 v2, v3;
	v5 =	vsel vm10, v2, v5  }
0x354: {  	v2 =	vsel vm1, v2, v3;
	v5 =	vsel vm1, v3, v5;
	v3 =	vld [tilespmem:$0x1FBA0]  }
0x355: {  	[tilespmem:$0x1FBC0] =	vst v11;
	v50 =	vld [tilespmem:$0x1FBB0]  }
0x356: {  	v51 =	vld [tilespmem:$0x1FBC0]  }
0x357: {  	v52 =	vld [tilespmem:$0x1FBD0]  }
0x358: {  	vm0 =	vnez.u8 v48  }
0x359: {  	v53 =	vld [tilespmem:$0x1FBE0];
	v4 =	vsel vm0, $0x32, v4;
	vm0 =	vnez.u8 v3  }
0x35a: {  	v3 =	vsel vm0, v6, v4;
	v49 =	vsel vm0, $0x32, v6;
	vm0 =	vnez.u8 v50  }
0x35b: {  	v54 =	vld [tilespmem:$0x1FBF0];
	v2 =	vsub.f32 v5, v2;
	v3 =	vsel vm0, $0x33, v3;
	vm0 =	vnez.u8 v51  }
0x35c: {  	v3 =	vsel vm0, v49, v3;
	v4 =	vsel vm0, $0x33, v49;
	vm0 =	vnez.u8 v52  }
0x35d: {  	v55 =	vld [tilespmem:$0x1FC00];
	v2 =	vmul.f32 $1.442695020e+00, v2;
	v3 =	vsel vm0, $0x34, v3  }
0x35e: {  	v3 =	vsel vm13, v4, v3;
	v4 =	vsel vm13, $0x34, v4;
	vm13 =	vnez.u8 v53  }
0x35f: {  	v56 =	vld [tilespmem:$0x1FC10];
	v3 =	vsel vm13, $0x35, v3  }
0x360: {  	(erf) = vpow2.f32 v2;
	vm13 =	vnez.u8 v54;
	v2 =	vsel vm12, v4, v3  }
0x361: {  	v57 =	vld [tilespmem:$0x1FC20];
	v3 =	vsel vm12, $0x35, v4;
	v2 =	vsel vm13, $0x36, v2  }
0x362: {  	vm12 =	vnez.u8 v55;
	v2 =	vsel vm11, v3, v2  }
0x363: {  	v59 =	vld [tilespmem:$0x1FC30];
	v3 =	vsel vm11, $0x36, v3;
	v2 =	vsel vm12, $0x37, v2  }
0x364: {  	[tilespmem:$0x1FC40] =	vst v8;
	vm13 =	vnez.u8 v56;
	v2 =	vsel vm9, v3, v2  }
0x365: {  	v61 =	vld [tilespmem:$0x1FC40];
	v3 =	vsel vm9, $0x37, v3;
	v2 =	vsel vm13, $0x38, v2  }
0x366: {  	[tilespmem:$0x1FC50] =	vst v9;
	vm9 =	vnez.u8 v57;
	v2 =	vsel vm8, v3, v2  }
0x367: {  	v62 =	vld [tilespmem:$0x1FC50];
	v3 =	vsel vm8, $0x38, v3;
	v2 =	vsel vm9, $0x39, v2  }
0x368: {  	vm11 =	vnez.u8 v59;
	v2 =	vsel vm7, v3, v2  }
0x369: {  	v58 =	vpop (erf);
	v3 =	vsel vm7, $0x39, v3;
	v2 =	vsel vm11, $0x3A, v2  }
0x36a: {  	v60 =	vadd.f32 $1.000000000e+00, v58;
	vm12 =	vnez.u8 v61;
	v2 =	vsel vm6, v3, v2  }
0x36b: {  	v3 =	vsel vm6, $0x3A, v3;
	v2 =	vsel vm12, $0x3B, v2  }
0x36c: {  	(erf) = vrcp.f32 v60;
	vm13 =	vnez.u8 v62;
	v2 =	vsel vm5, v3, v2  }
0x36d: {  	v3 =	vsel vm5, $0x3B, v3;
	v2 =	vsel vm13, $0x3C, v2  }
0x36e: {  	v2 =	vsel vm4, v3, v2  }
0x36f: {  	v3 =	vsel vm4, $0x3C, v3;
	v2 =	vsel vm14, $0x3D, v2  }
0x370: {  	v2 =	vsel vm3, v3, v2  }
0x371: {  	v3 =	vsel vm3, $0x3D, v3;
	v2 =	vsel vm15, $0x3E, v2  }
0x372: {  	v2 =	vsel vm2, v3, v2;
	v3 =	vsel vm2, $0x3E, v3;
	_ =	sdelay $0x1  }
0x373: {  	s18 =	sadd.s32 $0x10, s18;
	v63 =	vsel vm1, $0x3F, v3;
	v2 =	vsel vm10, $0x3F, v2  }
0x374: {  	s17 =	sadd.s32 $0x10, s17;
	[tilespmem:s18+$0x0] =	vst v63;
	v2 =	vsel vm1, v3, v2;
	v3 =	vpop (erf)  }
0x375: {  	[tilespmem:s17+$0x0] =	vst v2;
	v2 =	vmul.f32 v3, v58  }
0x376: {  	[tilespmem:s16+$0x0] =	vst v3  }
0x377: {  	[tilespmem:s15+$0x0] =	vst v2  }
0x378: {  	[hbm4b:s4+s2] =	stream.linear.scatter [tilespmem:s10], [sflag:$0x1], $0x200, $0x38;
	[tilespmem:$0x8800] =	vst v63  }
0x379: {  	_ =	swait.ge [sflag:s9], $0x200  }
0x37a: {  	[sflag:s9] =	ssyncset.done $0x0  }
0x37b: {  	[sflag:s9] =	ssyncadd.s32 $0xFFFFFE00  }
0x37c: {  	[hbm4b:s5+s2] =	stream.linear.scatter [tilespmem:s11], [sflag:$0x1], $0x200, $0x38;
	[tilespmem:$0x8800] =	vst v63  }
0x37d: {  	_ =	swait.ge [sflag:s9], $0x200  }
0x37e: {  	[sflag:s9] =	ssyncset.done $0x0  }
0x37f: {  	[sflag:s9] =	ssyncadd.s32 $0xFFFFFE00  }
0x380: {  	[hbm4b:s6+s2] =	stream.linear.scatter [tilespmem:s12], [sflag:$0x1], $0x200, $0x38;
	[tilespmem:$0x8800] =	vst v63  }
0x381: {  	s14 =	sadd.s32 $0x1, s14;
	_ =	swait.ge [sflag:s9], $0x200  }
0x382: {  	p0 =	sne.s32 s14, s8;
	[sflag:s9] =	ssyncset.done $0x0  }
.Ltmp1:
0x383: {  	[sflag:s9] =	ssyncadd.s32 $0xFFFFFE00;
	(pc) =	sbr.rel @p0 .LBB2_1-.Ltmp1, $4  }
0x384: {  	[hbm4b:s7+s2] =	stream.linear.scatter [tilespmem:s13], [sflag:$0x1], $0x200, $0x38;
	[tilespmem:$0x8800] =	vst v63  }
0x385: {  	_ =	swait.ge [sflag:s9], $0x200  }
0x386: {  	[sflag:s9] =	ssyncset.done $0x0  }
0x387: {  	[sflag:s9] =	ssyncadd.s32 $0xFFFFFE00  }
0x388: {  	_ =	sfence.sel $0x180000  }
0x389: {  	[bflag:$0x0] =	sbarrier.arrive $0xFFFF  }
0x38a: {  	p0 =	sne.s32 s1, $0x0;
	_ =	strace $0x9000004A  }
0x38b: {  	s0 =	sadd.s32 @!p0 $0x100000, s0;
	[bflag:$0x2] =	sbarrier.arrive $0xFFFF  }
0x38c: {  	[sflag:s0] =	ssyncadd.tile.s32 @!p0 $0x1;
	_ =	shalt  }
.Lfunc_end2:
_tile_overlayer_lowered:
.L_overlay_start_2:
0x38d: {  	(tag) =	ssettag $0x2  }
0x38e: {  	s0 =	rddreg [dreg:$0x0];
	s2 =	stileid.u32  }
0x38f: {  	s1 =	rddreg [dreg:$0x1];
	p0 =	sne.s32 s2, $0x0  }
0x390: {  	s3 =	rddreg [dreg:$0x2];
	[bflag:$0x3] =	sbarrier.arrive $0xFFFF;
	s2 =	simm.s32 @!p0 $0x1C01  }
0x391: {  	[timem:s3], [sflag:s2] =	dma.local @!p0 [hbm:s0], s1  }
0x392: {  	s0 =	simm.s32 @!p0 $0x1  }
0x393: {  	_ =	swait.ge @!p0 [sflag:s0], s1  }
0x394: {  	s1 =	ssub.s32 @!p0 $0x0, s1;
	[sflag:s0] =	ssyncset.done @!p0 $0x0  }
0x395: {  	[sflag:s0] =	ssyncadd.s32 @!p0 s1  }
0x396: {  	[bflag:$0x3] =	sbarrier.arrive $0xFFFF  }
0x397: {  	_ =	shalt  }

// kernel: kernel.9.cloned.1.call-start
scs
__scs_entry_jumppad:
0x0: {  	(pc) =	sbr.rel $0x88, $3  }
0x1: {  	(tag) =	ssettag $0x0;
	lr =	simm.s32 $0x1  }
0x2: {  	[smem:$0x3F9C] =	sst lr;
	_ =	strace $0xD0000000  }
0x3: {  	_ = 	snop  }
0x4: {  	_ = 	snop  }
0x5: {  	_ = 	snop  }
0x6: {  	_ = 	snop  }
0x7: {  	_ = 	snop  }
__scs_overlays_trampoline_lowered:
0x8: {  	[smem:$0x3FAB] =	sst s0  }
0x9: {  	[smem:$0x3FAC] =	sst s1  }
0xa: {  	[smem:$0x3FAD] =	sst s2  }
0xb: {  	[smem:$0x3FAE] =	sst s3  }
0xc: {  	[smem:$0x3FAF] =	sst s4  }
0xd: {  	[smem:$0x3FB0] =	sst s5  }
0xe: {  	[smem:$0x3FB1] =	sst s6  }
0xf: {  	[smem:$0x3FB2] =	sst s7  }
0x10: {  	[smem:$0x3FB3] =	sst s8  }
0x11: {  	[smem:$0x3FB4] =	sst s9;
	s0 =	simm.s32 @!p0 $0x0  }
0x12: {  	s1 =	sld [smem:$0x3F9A];
	s0 =	simm.s32 @p0 $0x1  }
0x13: {  	[smem:$0x3FB5] =	sst s0;
	s0 =	simm.s32 @!p1 $0x0  }
0x14: {  	s2 =	sld [smem:$0x3F99];
	s0 =	simm.s32 @p1 $0x1  }
0x15: {  	[smem:$0x3FB6] =	sst s0;
	s0 =	simm.s32 @!p2 $0x0  }
0x16: {  	s3 =	sld [smem:$0x3FDB];
	s0 =	simm.s32 @p2 $0x1  }
0x17: {  	s4 =	simm.s32 $0x1BF5;
	[smem:$0x3FB8] =	sst s0  }
0x18: {  	s0 =	sld [smem:$0x3F9B];
	_ =	swait.ge [sflag:s4], $0x0  }
0x19: {  	s7 =	sld [smem:$0x3F9C]  }
0x1a: {  	s8 =	sadd.s32 $0xFFFFE003, lr  }
0x1b: {  	s9 =	sadd.s32 $0xFFFFFEF7, lr;
	s5 =	simm.s32 $0xFFFFFFFF;
	p2 =	slt.u32 s8, $0xFFFFF086  }
0x1c: {  	p1 =	slt.u32 s9, $0xF7A;
	s5 =	simm.s32 @!p2 $0x0  }
0x1d: {  	s5 =	simm.s32 @p1 $0x1;
	p0 =	seq.s32 s7, s2  }
0x1e: {  	s7 =	smul.u32 @!p0 $0xF7A, s2;
	p2 =	seq.s32 @!p0 s5, $0x0  }
0x1f: {  	s9 =	smul.u32 $0xF7A, s1;
	s8 =	simm.s32 @!p0 $0x1BF5;
	p2 =	por !p2, p0  }
0x20: {  	[sflag:s8] =	ssyncset.s32 @!p0 $0xFFFFF086;
	s6 =	sadd.s32 @!p0 s3, s7;
	s7 =	simm.s32 @!p0 $0x108  }
0x21: {  	s3 =	sadd.s32 s3, s9;
	s6 =	sadd.s32 @!p0 $0x88, s6;
	s7 =	simm.s32 @p2 $0x1082  }
0x22: {  	[simem:s7], [sflag:s8] =	dma.local @!p0 [hbm:s6], $0xF7A  }
0x23: {  	s9 =	sor.u32 $0xD0000000, s2;
	s6 =	simm.s32 $0x108;
	_ =	swait.ge @!p0 [sflag:s8], $0x0  }
0x24: {  	s3 =	sadd.s32 $0x88, s3;
	s6 =	simm.s32 @!p1 $0x1082;
	[sflag:s4] =	ssyncset.s32 $0xFFFFF086  }
0x25: {  	[simem:s6], [sflag:s4] =	dma.local [hbm:s3], $0xF7A  }
0x26: {  	[smem:$0x3F9C] =	sst s1;
	(tag) =	ssettag s2;
	_ =	strace s9  }
0x27: {  	s1 =	sld [smem:$0x3FAC]  }
0x28: {  	s2 =	sld [smem:$0x3FAD]  }
0x29: {  	s4 =	sld [smem:$0x3FAF]  }
0x2a: {  	p0 =	seq.s32 s5, $0x0;
	s5 =	sld [smem:$0x3FB0]  }
0x2b: {  	s6 =	sld [smem:$0x3FB1]  }
0x2c: {  	s7 =	sld [smem:$0x3FB2]  }
0x2d: {  	s3 =	simm.s32 $0x108;
	s8 =	sld [smem:$0x3FB3]  }
0x2e: {  	s3 =	simm.s32 @!p0 $0x1082;
	s9 =	sld [smem:$0x3FB4]  }
0x2f: {  	lr =	sadd.s32 s0, s3;
	s0 =	sld [smem:$0x3FAB]  }
0x30: {  	s3 =	sld [smem:$0x3FAE]  }
0x31: {  	[smem:$0x3FB7] =	sst s10  }
0x32: {  	s10 =	sld [smem:$0x3FB5];
	_ =	sdelay $0x3  }
0x33: {  	p0 =	seq.s32 s10, $0x1;
	s10 =	sld [smem:$0x3FB7];
	_ =	sdelay $0x3  }
0x34: {  	[smem:$0x3FB7] =	sst s10  }
0x35: {  	s10 =	sld [smem:$0x3FB6];
	_ =	sdelay $0x3  }
0x36: {  	p1 =	seq.s32 s10, $0x1;
	s10 =	sld [smem:$0x3FB7];
	_ =	sdelay $0x3  }
0x37: {  	[smem:$0x3FB7] =	sst s10  }
0x38: {  	s10 =	sld [smem:$0x3FB8]  }
0x39: {  	_ = 	snop;
	(pc) =	sbr.ind lr, $3  }
0x3a: {  	_ = 	snop  }
0x3b: {  	_ = 	snop  }
0x3c: {  	p2 =	seq.s32 s10, $0x1;
	s10 =	sld [smem:$0x3FB7]  }
0x3d: {  	_ =	shalt  }
0x3e: {  	_ =	shalt  }
0x3f: {  	_ =	shalt  }
0x40: {  	_ =	shalt  }
0x41: {  	_ =	shalt  }
0x42: {  	_ =	shalt  }
0x43: {  	_ =	shalt  }
0x44: {  	_ =	shalt  }
0x45: {  	_ =	shalt  }
0x46: {  	_ =	shalt  }
0x47: {  	_ =	shalt  }
0x48: {  	_ =	shalt  }
0x49: {  	_ =	shalt  }
0x4a: {  	_ =	shalt  }
0x4b: {  	_ =	shalt  }
0x4c: {  	_ =	shalt  }
0x4d: {  	_ =	shalt  }
0x4e: {  	_ =	shalt  }
0x4f: {  	_ =	shalt  }
0x50: {  	_ =	shalt  }
0x51: {  	_ =	shalt  }
0x52: {  	_ =	shalt  }
0x53: {  	_ =	shalt  }
0x54: {  	_ =	shalt  }
0x55: {  	_ =	shalt  }
0x56: {  	_ =	shalt  }
0x57: {  	_ =	shalt  }
0x58: {  	_ =	shalt  }
0x59: {  	_ =	shalt  }
0x5a: {  	_ =	shalt  }
0x5b: {  	_ =	shalt  }
0x5c: {  	_ =	shalt  }
0x5d: {  	_ =	shalt  }
0x5e: {  	_ =	shalt  }
0x5f: {  	_ =	shalt  }
0x60: {  	_ =	shalt  }
0x61: {  	_ =	shalt  }
0x62: {  	_ =	shalt  }
0x63: {  	_ =	shalt  }
0x64: {  	_ =	shalt  }
0x65: {  	_ =	shalt  }
0x66: {  	_ =	shalt  }
0x67: {  	_ =	shalt  }
0x68: {  	_ =	shalt  }
0x69: {  	_ =	shalt  }
0x6a: {  	_ =	shalt  }
0x6b: {  	_ =	shalt  }
0x6c: {  	_ =	shalt  }
0x6d: {  	_ =	shalt  }
0x6e: {  	_ =	shalt  }
0x6f: {  	_ =	shalt  }
0x70: {  	_ =	shalt  }
0x71: {  	_ =	shalt  }
0x72: {  	_ =	shalt  }
0x73: {  	_ =	shalt  }
0x74: {  	_ =	shalt  }
0x75: {  	_ =	shalt  }
0x76: {  	_ =	shalt  }
0x77: {  	_ =	shalt  }
0x78: {  	_ =	shalt  }
0x79: {  	_ =	shalt  }
0x7a: {  	_ =	shalt  }
0x7b: {  	_ =	shalt  }
0x7c: {  	_ =	shalt  }
0x7d: {  	_ =	shalt  }
0x7e: {  	_ =	shalt  }
0x7f: {  	_ =	shalt  }
0x80: {  	_ =	shalt  }
0x81: {  	_ =	shalt  }
0x82: {  	_ =	shalt  }
0x83: {  	_ =	shalt  }
0x84: {  	_ =	shalt  }
0x85: {  	_ =	shalt  }
0x86: {  	_ =	shalt  }
0x87: {  	_ =	shalt  }
.Lfunc_end0:
.L_simem_size_0:
called_computation.1_lowered:
.L_overlay_start_0:
0x88: {  	s2 =	sld [smem:$0x3FD9]  }
0x89: {  	s3 =	sld [smem:$0x3FFE];
	_ =	sdelay $0x1  }
0x8a: {  	s1 =	srdreg.scid  }
0x8b: {  	s0 =	sand.u32 $0x1, s1  }
0x8c: {  	s16 =	sshll.u32 s0, $0xA;
	s2 =	sadd.s32 s3, s2  }
0x8d: {  	s2 =	sadd.s32 s2, s16  }
0x8e: {  	[smem:$0x3FC3] =	sst s2  }
0x8f: {  	_ = 	snop  }
0x90: {  	(tm) =	ssettm $0x1  }
0x91: {  	s17 =	sld [smem:$0x3FFB];
	_ =	sdelay $0x3  }
0x92: {  	_ =	strace s17  }
0x93: {  	s2 =	sld [smem:$0x3FFC];
	_ =	sdelay $0x3  }
0x94: {  	_ =	strace s2  }
0x95: {  	s2 =	sld [smem:$0x3FFD];
	_ =	sdelay $0x3  }
0x96: {  	_ =	strace s2  }
0x97: {  	_ =	strace $0x8FFFFFFF  }
0x98: {  	s18 =	sld [smem:$0x3FDB];
	_ =	sdelay $0x1  }
0x99: {  	s19 =	simm.s32 $_scs_section_size  }
0x9a: {  	s4 =	simm.s32 $_size__tile_overlayer_lowered;
	s5 =	simm.s32 $_tile_overlayer_lowered  }
0x9b: {  	s22 =	simm.s32 $0x1BFF;
	s21 =	sshll.u32 s5, $0x1;
	s2 =	sadd.s32 s19, s18  }
0x9c: {  	s6 =	simm.s32 $0x0;
	s20 =	sshll.u32 s4, $0x1;
	s4 =	sadd.s32 s21, s2  }
0x9d: {  	[timem:s6], [sflag:s22] =	dma.local [hbm:s4], s20  }
0x9e: {  	_ =	swait.ge [sflag:s22], s20  }
0x9f: {  	s3 =	ssub.s32 $0x0, s20;
	[sflag:s22] =	ssyncset.done $0x0  }
0xa0: {  	[sflag:s22] =	ssyncadd.s32 s3;
	_ =	sdelay $0x1  }
0xa1: {  	s23 =	simm.s32 $0x1B8B  }
0xa2: {  	_ =	swait.ge [sflag:s23], $0x1  }
0xa3: {  	[sflag:s23] =	ssyncset.done $0x0  }
0xa4: {  	s25 =	simm.s32 $0x1B8E;
	s24 =	sld [smem:$0x3FFE];
	[sflag:s23] =	ssyncadd.s32 $0xFFFFFFFF  }
0xa5: {  	s26 =	simm.s32 $execute0_lowered;
	[smem:$0x3FD2] =	sst s25  }
0xa6: {  	s4 =	sshll.u32 s26, $0x1;
	_ =	strace $0x80000046;
	[dreg:$0x1] =	wrdreg $0xFFFFFFFF  }
0xa7: {  	s28 =	simm.s32 $_size_execute0_lowered;
	s2 =	sadd.s32 s2, s4;
	[dreg:$0x0] =	wrdreg $0x0  }
0xa8: {  	s4 =	sshll.u32 s28, $0x1;
	[dreg:$0x2] =	wrdreg s2  }
0xa9: {  	[dreg:$0x3] =	wrdreg s4  }
0xaa: {  	[dreg:$0x4] =	wrdreg $0xC0  }
0xab: {  	_ =	task [dreg:s6], $0x5FFFF  }
0xac: {  	[dreg:$0x1] =	wrdreg $0xFFFFFFFF  }
0xad: {  	[dreg:$0x0] =	wrdreg $0x60  }
0xae: {  	[dreg:$0x2] =	wrdreg s24  }
0xaf: {  	[dreg:$0x3] =	wrdreg $0xA  }
0xb0: {  	_ =	task.clear_ibuf [dreg:s6], $0x4FFFF;
	_ =	strace $0x90000046  }
0xb1: {  	s29 =	simm.s32 $0xA;
	_ =	strace $0x80000048  }
0xb2: {  	_ =	swait.ge [sflag:s29], $0x1  }
0xb3: {  	[sflag:s29] =	ssyncadd.s32 $0xFFFFFFFF  }
0xb4: {  	_ =	strace $0x90000048  }
0xb5: {  	_ =	sfence  }
0xb6: {  	s30 =	sld [smem:$0x0];
	_ =	sdelay $0x2  }
0xb7: {  	s31 =	sshll.u32 s1, $0xD;
	s1 =	sshrl.u32 s1, $0x2  }
0xb8: {  	s3 =	sand.u32 $0x4000, s31;
	s1 =	sadd.s32 s1, s30  }
0xb9: {  	s0 =	sor.u32 s3, s0;
	s1 =	sshll.u32 s1, $0x11  }
0xba: {  	s0 =	sor.u32 s1, s0  }
0xbb: {  	s0 =	sadd.s32 $0x8F2B, s0  }
0xbc: {  	[sflag:s0] =	ssyncadd.remote.s32 $0x1  }
0xbd: {  	_ =	sfence.sel $0xFFFF  }
0xbe: {  	[dreg:$0x0] =	wrdreg $0xFFFFFFFF;
	(pc) =	sbr.abs _section_cstart, $3  }
0xbf: {  	[dreg:$0x1] =	wrdreg $0xFFFFFFFF  }
0xc0: {  	_ =	task.clear_ibuf [dreg:s6], $0x2FFFF;
	_ =	strace $0x9FFFFFFF  }
0xc1: {  	(tm) =	ssettm $0x7FFFFFFF  }
tec
execute0_lowered:
.L_overlay_start_1:
0x0: {  	(tag) =	ssettag $0x1  }
0x1: {  	s3 =	rddreg [dreg:$0x0]  }
0x2: {  	s0 =	rddreg [dreg:$0x1]  }
0x3: {  	s2 =	simm.s32 $0x0;
	s4 =	srdreg.scid;
	s1 =	stileid.u32  }
0x4: {  	s10 =	simm.s32 $0x8000;
	s11 =	simm.s32 $0x8200;
	s12 =	simm.s32 $0x8400  }
0x5: {  	s13 =	simm.s32 $0x8600;
	s4 =	sand.u32 $0x1, s4;
	s5 =	sshll.u32 s1, $0x1  }
0x6: {  	s14 =	simm.s32 $0x0;
	[smem:$0x7FF] =	sst s2;
	s5 =	sor.u32 s4, s5  }
0x7: {  	_ =	strace $0x80000047;
	s4 =	ssub.s32 $0x2, s4;
	s6 =	sshll.u32 s5, $0xC  }
0x8: {  	s5 =	sshll.u32 s5, $0x6;
	s7 =	sshrl.u32 s4, $0x1;
	s6 =	sadd.s32 s6, s3  }
0x9: {  	s8 =	sadd.s32 s5, s3;
	s9 =	ssub.s32 s4, s7;
	s3 =	sadd.s32 $0x1A00, s6  }
0xa: {  	v0 =	vlaneseq.u32;
	s4 =	sadd.s32 $0x21A00, s8;
	s5 =	sadd.s32 $0x22200, s8;
	s6 =	sadd.s32 $0x22A00, s8  }
0xb: {  	v1 =	vimm.s32 $0x0;
	v0 =	vmul.u32 $0x40, v0;
	s7 =	sadd.s32 $0x23200, s8;
	s8 =	smax.u32 s9, $0x1;
	s9 =	simm.s32 $0x1  }
.LBB2_1:
0xc: {  	v2 =	vmov s2  }
0xd: {  	v2 =	vshll.u32 v2, $0x6  }
0xe: {  	v2 =	vor.u32 v0, v2  }
0xf: {  	[tilespmem:s2], [sflag:$0x1] =	stream.linear.gather [hbm4b:s3+s2], $0x8000, $0x38;
	v3 =	vor.u32 $0x1, v2;
	[tilespmem:$0x8800] =	vst v63  }
0x10: {  	_ =	swait.ge [sflag:s9], $0x8000  }
0x11: {  	[sflag:s9] =	ssyncset.done $0x0  }
0x12: {  	[sflag:s9] =	ssyncadd.s32 $0xFFFF8000  }
0x13: {  	v4 =	vor.u32 $0x2, v2;
	v5 =	vld.idx.msk [tilespmem:v2+s2+$0x0], $0xffff  }
0x14: {  	v3 =	vld.idx.msk [tilespmem:v3+s2+$0x0], $0xffff;
	_ =	sdelay $0x1  }
0x15: {  	v6 =	vor.u32 $0x3, v2;
	_ =	sdelay $0x1  }
0x16: {  	v8 =	vimm.s32 $0x0;
	v7 =	vor.u32 $0x4, v2;
	v4 =	vld.idx.msk [tilespmem:v4+s2+$0x0], $0xffff  }
0x17: {  	vm0 =	vlt.f32 v3, $-Inf;
	vm1 =	vgt.f32 v3, $-Inf;
	vm2 =	vgt.f32 v3, v5  }
0x18: {  	v8 =	vsel vm2, $0xFFFFFFFF, v8;
	vm13 =	vmor vm1, vm0  }
0x19: {  	v6 =	vld.idx.msk [tilespmem:v6+s2+$0x0], $0xffff;
	vm1 =	vmneg vm2;
	[tilespmem:$0x1FC60] =	vst v8;
	v8 =	vnsel vm13, $0xFF800000, v3  }
0x1a: {  	v9 =	vor.u32 $0x5, v2;
	v8 =	vsel vm1, v8, v5  }
0x1b: {  	v3 =	vsel vm1, v5, v3;
	vm14 =	vgt.f32 v4, v8  }
0x1c: {  	v5 =	vld.idx.msk [tilespmem:v7+s2+$0x0], $0xffff;
	vm2 =	vgt.f32 v4, v3;
	v7 =	vsel vm14, v4, v8  }
0x1d: {  	v7 =	vsel vm2, v3, v7  }
0x1e: {  	v8 =	vor.u32 $0x6, v2;
	v3 =	vsel vm2, v4, v3;
	vm15 =	vgt.f32 v6, v7  }
0x1f: {  	v4 =	vld.idx.msk [tilespmem:v9+s2+$0x0], $0xffff;
	vm3 =	vgt.f32 v6, v3;
	v7 =	vsel vm15, v6, v7  }
0x20: {  	v9 =	vor.u32 $0x7, v2;
	v7 =	vsel vm3, v3, v7  }
0x21: {  	v3 =	vsel vm3, v6, v3;
	v6 =	vimm.s32 $0x0;
	vm9 =	vgt.f32 v5, v7  }
0x22: {  	vm4 =	vgt.f32 v5, v3;
	v6 =	vsel vm9, $0xFFFFFFFF, v6;
	v7 =	vsel vm9, v5, v7  }
0x23: {  	[tilespmem:$0x1FC70] =	vst v6;
	v6 =	vld.idx.msk [tilespmem:v8+s2+$0x0], $0xffff;
	v7 =	vsel vm4, v3, v7  }
0x24: {  	v3 =	vsel vm4, v5, v3;
	v5 =	vimm.s32 $0x0;
	vm10 =	vgt.f32 v4, v7  }
0x25: {  	v8 =	vor.u32 $0x8, v2;
	v5 =	vsel vm10, $0xFFFFFFFF, v5  }
0x26: {  	vm5 =	vgt.f32 v4, v3;
	v7 =	vsel vm10, v4, v7;
	[tilespmem:$0x1FC80] =	vst v5;
	v5 =	vld.idx.msk [tilespmem:v9+s2+$0x0], $0xffff  }
0x27: {  	v9 =	vor.u32 $0x9, v2;
	v7 =	vsel vm5, v3, v7  }
0x28: {  	v3 =	vsel vm5, v4, v3;
	v4 =	vimm.s32 $0x0;
	vm11 =	vgt.f32 v6, v7  }
0x29: {  	vm6 =	vgt.f32 v6, v3;
	v4 =	vsel vm11, $0xFFFFFFFF, v4;
	v7 =	vsel vm11, v6, v7  }
0x2a: {  	[tilespmem:$0x1FC90] =	vst v4;
	v4 =	vld.idx.msk [tilespmem:v8+s2+$0x0], $0xffff;
	v7 =	vsel vm6, v3, v7  }
0x2b: {  	v3 =	vsel vm6, v6, v3;
	v6 =	vimm.s32 $0x0;
	vm12 =	vgt.f32 v5, v7  }
0x2c: {  	v8 =	vor.u32 $0xA, v2;
	v6 =	vsel vm12, $0xFFFFFFFF, v6  }
0x2d: {  	vm7 =	vgt.f32 v5, v3;
	v7 =	vsel vm12, v5, v7;
	[tilespmem:$0x1FCA0] =	vst v6;
	v6 =	vld.idx.msk [tilespmem:v9+s2+$0x0], $0xffff  }
0x2e: {  	v9 =	vor.u32 $0xB, v2;
	v7 =	vsel vm7, v3, v7  }
0x2f: {  	v3 =	vsel vm7, v5, v3;
	v5 =	vimm.s32 $0x0;
	vm8 =	vgt.f32 v4, v7  }
0x30: {  	v5 =	vsel vm8, $0xFFFFFFFF, v5;
	v7 =	vsel vm8, v4, v7;
	vm8 =	vgt.f32 v4, v3  }
0x31: {  	[tilespmem:$0x1FCB0] =	vst v5;
	v5 =	vld.idx.msk [tilespmem:v8+s2+$0x0], $0xffff;
	v7 =	vsel vm8, v3, v7  }
0x32: {  	v3 =	vsel vm8, v4, v3;
	v4 =	vimm.s32 $0x0;
	vm9 =	vgt.f32 v6, v7  }
0x33: {  	v8 =	vor.u32 $0xC, v2;
	v4 =	vsel vm9, $0xFFFFFFFF, v4  }
0x34: {  	v7 =	vsel vm9, v6, v7;
	vm9 =	vgt.f32 v6, v3;
	[tilespmem:$0x1FCC0] =	vst v4;
	v4 =	vld.idx.msk [tilespmem:v9+s2+$0x0], $0xffff  }
0x35: {  	v9 =	vor.u32 $0xD, v2;
	v7 =	vsel vm9, v3, v7  }
0x36: {  	v3 =	vsel vm9, v6, v3;
	v6 =	vimm.s32 $0x0;
	vm10 =	vgt.f32 v5, v7  }
0x37: {  	v6 =	vsel vm10, $0xFFFFFFFF, v6;
	v7 =	vsel vm10, v5, v7;
	vm10 =	vgt.f32 v5, v3  }
0x38: {  	[tilespmem:$0x1FCD0] =	vst v6;
	v6 =	vld.idx.msk [tilespmem:v8+s2+$0x0], $0xffff;
	v7 =	vsel vm10, v3, v7  }
0x39: {  	v3 =	vsel vm10, v5, v3;
	v5 =	vimm.s32 $0x0;
	vm11 =	vgt.f32 v4, v7  }
0x3a: {  	v8 =	vor.u32 $0xE, v2;
	v5 =	vsel vm11, $0xFFFFFFFF, v5  }
0x3b: {  	v7 =	vsel vm11, v4, v7;
	vm11 =	vgt.f32 v4, v3;
	[tilespmem:$0x1FCE0] =	vst v5;
	v5 =	vld.idx.msk [tilespmem:v9+s2+$0x0], $0xffff  }
0x3c: {  	v9 =	vor.u32 $0xF, v2;
	v7 =	vsel vm11, v3, v7  }
0x3d: {  	v11 =	vld [tilespmem:$0x1FC60];
	v3 =	vsel vm11, v4, v3;
	v4 =	vimm.s32 $0x0;
	vm12 =	vgt.f32 v6, v7  }
0x3e: {  	v4 =	vsel vm12, $0xFFFFFFFF, v4;
	v7 =	vsel vm12, v6, v7;
	vm12 =	vgt.f32 v6, v3  }
0x3f: {  	v10 =	vor.u32 $0x11, v2;
	[tilespmem:$0x1FCF0] =	vst v4;
	v4 =	vld.idx.msk [tilespmem:v8+s2+$0x0], $0xffff;
	v7 =	vsel vm12, v3, v7  }
0x40: {  	v3 =	vsel vm12, v6, v3;
	v6 =	vimm.s32 $0x0;
	vm0 =	vgt.f32 v5, v7  }
0x41: {  	vm1 =	vmand vm1, vm13;
	v8 =	vor.u32 $0x10, v2;
	v6 =	vsel vm0, $0xFFFFFFFF, v6  }
0x42: {  	vm13 =	vgt.f32 v5, v3;
	v7 =	vsel vm0, v5, v7;
	vm0 =	vnez.u8 v11;
	[tilespmem:$0x1FD00] =	vst v6;
	v6 =	vld.idx.msk [tilespmem:v9+s2+$0x0], $0xffff  }
0x43: {  	v9 =	vsel vm1, $0x1, v1;
	v7 =	vsel vm13, v3, v7;
	v11 =	vsel vm0, $0x1, v1  }
0x44: {  	v3 =	vsel vm13, v5, v3;
	v5 =	vimm.s32 $0x0;
	vm0 =	vgt.f32 v4, v7  }
0x45: {  	vm1 =	vgt.f32 v4, v3;
	v5 =	vsel vm0, $0xFFFFFFFF, v5;
	v7 =	vsel vm0, v4, v7  }
0x46: {  	[tilespmem:$0x1FD10] =	vst v5;
	v5 =	vsel vm14, $0x2, v9;
	v7 =	vsel vm1, v3, v7  }
0x47: {  	v8 =	vld.idx.msk [tilespmem:v8+s2+$0x0], $0xffff;
	v3 =	vsel vm1, v4, v3;
	v5 =	vsel vm2, v11, v5;
	vm14 =	vgt.f32 v6, v7  }
0x48: {  	v11 =	vsel vm2, $0x2, v11;
	vm2 =	vgt.f32 v6, v3;
	v7 =	vsel vm14, v6, v7  }
0x49: {  	v7 =	vsel vm2, v3, v7;
	v3 =	vsel vm2, v6, v3;
	v6 =	vld [tilespmem:$0x1FC70]  }
0x4a: {  	v4 =	vsel vm15, $0x3, v5;
	v5 =	vld.idx.msk [tilespmem:v10+s2+$0x0], $0xffff;
	_ =	sdelay $0x1  }
0x4b: {  	v9 =	vor.u32 $0x12, v2;
	v4 =	vsel vm3, v11, v4;
	vm15 =	vgt.f32 v8, v7  }
0x4c: {  	v11 =	vsel vm3, $0x3, v11;
	vm3 =	vgt.f32 v8, v3;
	v7 =	vsel vm15, v8, v7  }
0x4d: {  	v7 =	vsel vm3, v3, v7;
	v3 =	vsel vm3, v8, v3;
	vm0 =	vnez.u8 v6  }
0x4e: {  	v8 =	vimm.s32 $0x0;
	v4 =	vsel vm0, $0x4, v4;
	vm0 =	vgt.f32 v5, v7  }
0x4f: {  	v8 =	vsel vm0, $0xFFFFFFFF, v8  }
0x50: {  	[tilespmem:$0x1FD20] =	vst v8;
	v8 =	vld [tilespmem:$0x1FC80];
	_ =	sdelay $0x2  }
0x51: {  	v6 =	vld.idx.msk [tilespmem:v9+s2+$0x0], $0xffff;
	_ =	sdelay $0x1  }
0x52: {  	v4 =	vsel vm4, v11, v4;
	v11 =	vsel vm4, $0x4, v11;
	vm4 =	vnez.u8 v8  }
0x53: {  	v7 =	vsel vm0, v5, v7;
	v4 =	vsel vm4, $0x5, v4;
	vm4 =	vgt.f32 v5, v3  }
0x54: {  	v10 =	vor.u32 $0x13, v2;
	v7 =	vsel vm4, v3, v7  }
0x55: {  	v3 =	vsel vm4, v5, v3;
	v5 =	vimm.s32 $0x0;
	vm0 =	vgt.f32 v6, v7  }
0x56: {  	v5 =	vsel vm0, $0xFFFFFFFF, v5  }
0x57: {  	[tilespmem:$0x1FD30] =	vst v5;
	v5 =	vld [tilespmem:$0x1FC90];
	_ =	sdelay $0x2  }
0x58: {  	v8 =	vld.idx.msk [tilespmem:v10+s2+$0x0], $0xffff;
	_ =	sdelay $0x1  }
0x59: {  	v4 =	vsel vm5, v11, v4;
	v11 =	vsel vm5, $0x5, v11;
	vm5 =	vnez.u8 v5  }
0x5a: {  	v7 =	vsel vm0, v6, v7;
	v4 =	vsel vm5, $0x6, v4;
	vm5 =	vgt.f32 v6, v3  }
0x5b: {  	v9 =	vor.u32 $0x14, v2;
	v7 =	vsel vm5, v3, v7  }
0x5c: {  	v3 =	vsel vm5, v6, v3;
	v6 =	vimm.s32 $0x0;
	vm0 =	vgt.f32 v8, v7  }
0x5d: {  	v6 =	vsel vm0, $0xFFFFFFFF, v6  }
0x5e: {  	[tilespmem:$0x1FD40] =	vst v6;
	v6 =	vld [tilespmem:$0x1FCA0]  }
0x5f: {  	v12 =	vld [tilespmem:$0x1FCB0]  }
0x60: {  	v10 =	vor.u32 $0x15, v2  }
0x61: {  	v5 =	vld.idx.msk [tilespmem:v9+s2+$0x0], $0xffff  }
0x62: {  	v4 =	vsel vm6, v11, v4  }
0x63: {  	v11 =	vsel vm6, $0x6, v11;
	v7 =	vsel vm0, v8, v7;
	vm6 =	vnez.u8 v6  }
0x64: {  	vm0 =	vnez.u8 v12;
	v4 =	vsel vm6, $0x7, v4;
	vm6 =	vgt.f32 v8, v3  }
0x65: {  	v6 =	vld.idx.msk [tilespmem:v10+s2+$0x0], $0xffff;
	v4 =	vsel vm7, v11, v4;
	v7 =	vsel vm6, v3, v7;
	v3 =	vsel vm6, v8, v3  }
0x66: {  	v8 =	vimm.s32 $0x0;
	v4 =	vsel vm0, $0x8, v4;
	vm0 =	vgt.f32 v5, v7  }
0x67: {  	v8 =	vsel vm0, $0xFFFFFFFF, v8  }
0x68: {  	v7 =	vsel vm0, v5, v7;
	[tilespmem:$0x1FD50] =	vst v8;
	v8 =	vsel vm7, $0x7, v11;
	vm7 =	vgt.f32 v5, v3  }
0x69: {  	v9 =	vor.u32 $0x16, v2;
	v7 =	vsel vm7, v3, v7  }
0x6a: {  	v3 =	vsel vm7, v5, v3;
	v5 =	vimm.s32 $0x0;
	vm0 =	vgt.f32 v6, v7  }
0x6b: {  	v5 =	vsel vm0, $0xFFFFFFFF, v5  }
0x6c: {  	[tilespmem:$0x1FD60] =	vst v5;
	v5 =	vld [tilespmem:$0x1FCC0];
	_ =	sdelay $0x2  }
0x6d: {  	v9 =	vld.idx.msk [tilespmem:v9+s2+$0x0], $0xffff;
	_ =	sdelay $0x1  }
0x6e: {  	v4 =	vsel vm8, v8, v4;
	v8 =	vsel vm8, $0x8, v8;
	vm8 =	vnez.u8 v5  }
0x6f: {  	v7 =	vsel vm0, v6, v7;
	v4 =	vsel vm8, $0x9, v4;
	vm8 =	vgt.f32 v6, v3  }
0x70: {  	v10 =	vor.u32 $0x17, v2;
	v7 =	vsel vm8, v3, v7  }
0x71: {  	v3 =	vsel vm8, v6, v3;
	v6 =	vimm.s32 $0x0;
	vm0 =	vgt.f32 v9, v7  }
0x72: {  	v6 =	vsel vm0, $0xFFFFFFFF, v6  }
0x73: {  	[tilespmem:$0x1FD70] =	vst v6;
	v6 =	vld [tilespmem:$0x1FCD0];
	_ =	sdelay $0x2  }
0x74: {  	v5 =	vld.idx.msk [tilespmem:v10+s2+$0x0], $0xffff;
	_ =	sdelay $0x1  }
0x75: {  	v4 =	vsel vm9, v8, v4;
	v8 =	vsel vm9, $0x9, v8;
	vm9 =	vnez.u8 v6  }
0x76: {  	v7 =	vsel vm0, v9, v7;
	v4 =	vsel vm9, $0xA, v4;
	vm9 =	vgt.f32 v9, v3  }
0x77: {  	v11 =	vor.u32 $0x18, v2;
	v7 =	vsel vm9, v3, v7  }
0x78: {  	v3 =	vsel vm9, v9, v3;
	v9 =	vimm.s32 $0x0;
	vm0 =	vgt.f32 v5, v7  }
0x79: {  	v9 =	vsel vm0, $0xFFFFFFFF, v9  }
0x7a: {  	[tilespmem:$0x1FD80] =	vst v9;
	v9 =	vld [tilespmem:$0x1FCE0];
	_ =	sdelay $0x2  }
0x7b: {  	v6 =	vld.idx.msk [tilespmem:v11+s2+$0x0], $0xffff;
	_ =	sdelay $0x1  }
0x7c: {  	v4 =	vsel vm10, v8, v4;
	v8 =	vsel vm10, $0xA, v8;
	vm10 =	vnez.u8 v9  }
0x7d: {  	v7 =	vsel vm0, v5, v7;
	v4 =	vsel vm10, $0xB, v4;
	vm10 =	vgt.f32 v5, v3  }
0x7e: {  	v10 =	vor.u32 $0x19, v2;
	v7 =	vsel vm10, v3, v7  }
0x7f: {  	v3 =	vsel vm10, v5, v3;
	v5 =	vimm.s32 $0x0;
	vm0 =	vgt.f32 v6, v7  }
0x80: {  	v5 =	vsel vm0, $0xFFFFFFFF, v5  }
0x81: {  	[tilespmem:$0x1FD90] =	vst v5;
	v5 =	vld [tilespmem:$0x1FCF0];
	_ =	sdelay $0x2  }
0x82: {  	v9 =	vld.idx.msk [tilespmem:v10+s2+$0x0], $0xffff  }
0x83: {  	v11 =	vor.u32 $0x1A, v2  }
0x84: {  	v4 =	vsel vm11, v8, v4;
	v8 =	vsel vm11, $0xB, v8;
	vm11 =	vnez.u8 v5  }
0x85: {  	v7 =	vsel vm0, v6, v7;
	v4 =	vsel vm11, $0xC, v4;
	vm11 =	vgt.f32 v6, v3  }
0x86: {  	v4 =	vsel vm12, v8, v4;
	v7 =	vsel vm11, v3, v7;
	v8 =	vsel vm12, $0xC, v8  }
0x87: {  	v3 =	vsel vm11, v6, v3;
	v6 =	vimm.s32 $0x0;
	vm12 =	vgt.f32 v9, v7  }
0x88: {  	v6 =	vsel vm12, $0xFFFFFFFF, v6  }
0x89: {  	[tilespmem:$0x1FDA0] =	vst v6;
	v6 =	vld [tilespmem:$0x1FD00];
	_ =	sdelay $0x1  }
0x8a: {  	v5 =	vld.idx.msk [tilespmem:v11+s2+$0x0], $0xffff;
	_ =	sdelay $0x1  }
0x8b: {  	v7 =	vsel vm12, v9, v7;
	vm12 =	vgt.f32 v9, v3  }
0x8c: {  	v10 =	vor.u32 $0x1B, v2;
	v7 =	vsel vm12, v3, v7;
	vm0 =	vnez.u8 v6  }
0x8d: {  	v3 =	vsel vm12, v9, v3;
	v9 =	vimm.s32 $0x0;
	v4 =	vsel vm0, $0xD, v4  }
0x8e: {  	v4 =	vsel vm13, v8, v4;
	v8 =	vsel vm13, $0xD, v8;
	vm13 =	vgt.f32 v5, v7  }
0x8f: {  	v9 =	vsel vm13, $0xFFFFFFFF, v9  }
0x90: {  	v11 =	vor.u32 $0x1C, v2;
	[tilespmem:$0x1FDB0] =	vst v9;
	v9 =	vld [tilespmem:$0x1FD10];
	_ =	sdelay $0x1  }
0x91: {  	v6 =	vld.idx.msk [tilespmem:v10+s2+$0x0], $0xffff  }
0x92: {  	v10 =	vor.u32 $0x1D, v2  }
0x93: {  	v7 =	vsel vm13, v5, v7;
	vm13 =	vgt.f32 v5, v3  }
0x94: {  	v7 =	vsel vm13, v3, v7;
	vm0 =	vnez.u8 v9;
	v9 =	vld.idx.msk [tilespmem:v11+s2+$0x0], $0xffff  }
0x95: {  	v3 =	vsel vm13, v5, v3;
	v11 =	vor.u32 $0x1E, v2;
	v4 =	vsel vm0, $0xE, v4  }
0x96: {  	v4 =	vsel vm1, v8, v4;
	v8 =	vsel vm1, $0xE, v8;
	vm1 =	vgt.f32 v6, v7  }
0x97: {  	v5 =	vld.idx.msk [tilespmem:v10+s2+$0x0], $0xffff;
	v4 =	vsel vm14, $0xF, v4;
	v7 =	vsel vm1, v6, v7;
	vm14 =	vgt.f32 v6, v3  }
0x98: {  	v4 =	vsel vm2, v8, v4;
	v7 =	vsel vm14, v3, v7;
	v3 =	vsel vm14, v6, v3  }
0x99: {  	v6 =	vimm.s32 $0x0;
	vm0 =	vgt.f32 v9, v7;
	v4 =	vsel vm15, $0x10, v4  }
0x9a: {  	vm15 =	vgt.f32 v9, v3;
	v6 =	vsel vm0, $0xFFFFFFFF, v6;
	v7 =	vsel vm0, v9, v7  }
0x9b: {  	v8 =	vsel vm2, $0xF, v8;
	[tilespmem:$0x1FDC0] =	vst v6;
	v6 =	vld.idx.msk [tilespmem:v11+s2+$0x0], $0xffff;
	v7 =	vsel vm15, v3, v7  }
0x9c: {  	v3 =	vsel vm15, v9, v3;
	v9 =	vimm.s32 $0x0;
	vm2 =	vgt.f32 v5, v7  }
0x9d: {  	v9 =	vsel vm2, $0xFFFFFFFF, v9  }
0x9e: {  	v10 =	vor.u32 $0x1F, v2;
	v7 =	vsel vm2, v5, v7;
	vm2 =	vgt.f32 v5, v3;
	[tilespmem:$0x1FDD0] =	vst v9;
	v9 =	vld [tilespmem:$0x1FD20]  }
0x9f: {  	v4 =	vsel vm3, v8, v4;
	v8 =	vsel vm3, $0x10, v8;
	v7 =	vsel vm2, v3, v7  }
0xa0: {  	v3 =	vsel vm2, v5, v3;
	v5 =	vimm.s32 $0x0;
	vm3 =	vgt.f32 v6, v7  }
0xa1: {  	v5 =	vsel vm3, $0xFFFFFFFF, v5  }
0xa2: {  	[tilespmem:$0x1FDE0] =	vst v5;
	v5 =	vld [tilespmem:$0x1FD30]  }
0xa3: {  	vm0 =	vnez.u8 v9;
	v9 =	vld.idx.msk [tilespmem:v10+s2+$0x0], $0xffff;
	_ =	sdelay $0x1  }
0xa4: {  	v11 =	vor.u32 $0x20, v2;
	v7 =	vsel vm3, v6, v7;
	vm3 =	vgt.f32 v6, v3  }
0xa5: {  	v7 =	vsel vm3, v3, v7;
	v3 =	vsel vm3, v6, v3;
	v4 =	vsel vm0, $0x11, v4  }
0xa6: {  	v4 =	vsel vm4, v8, v4;
	v8 =	vsel vm4, $0x11, v8;
	vm4 =	vnez.u8 v5  }
0xa7: {  	v6 =	vimm.s32 $0x0;
	v4 =	vsel vm4, $0x12, v4;
	vm4 =	vgt.f32 v9, v7  }
0xa8: {  	v6 =	vsel vm4, $0xFFFFFFFF, v6  }
0xa9: {  	v10 =	vor.u32 $0x21, v2;
	[tilespmem:$0x1FDF0] =	vst v6;
	v6 =	vld [tilespmem:$0x1FD40];
	_ =	sdelay $0x1  }
0xaa: {  	v5 =	vld.idx.msk [tilespmem:v11+s2+$0x0], $0xffff;
	_ =	sdelay $0x1  }
0xab: {  	v4 =	vsel vm5, v8, v4;
	v8 =	vsel vm5, $0x12, v8  }
0xac: {  	v7 =	vsel vm4, v9, v7;
	vm4 =	vgt.f32 v9, v3;
	vm5 =	vnez.u8 v6;
	v6 =	vld.idx.msk [tilespmem:v10+s2+$0x0], $0xffff  }
0xad: {  	v7 =	vsel vm4, v3, v7;
	v3 =	vsel vm4, v9, v3  }
0xae: {  	v9 =	vimm.s32 $0x0;
	v4 =	vsel vm5, $0x13, v4;
	vm5 =	vgt.f32 v5, v7  }
0xaf: {  	v9 =	vsel vm5, $0xFFFFFFFF, v9;
	v7 =	vsel vm5, v5, v7;
	vm5 =	vgt.f32 v5, v3  }
0xb0: {  	v11 =	vor.u32 $0x22, v2;
	v7 =	vsel vm5, v3, v7  }
0xb1: {  	[tilespmem:$0x1FE00] =	vst v9;
	v9 =	vld [tilespmem:$0x1FD50];
	v3 =	vsel vm5, v5, v3;
	v5 =	vimm.s32 $0x0;
	vm0 =	vgt.f32 v6, v7  }
0xb2: {  	v5 =	vsel vm0, $0xFFFFFFFF, v5  }
0xb3: {  	[tilespmem:$0x1FE10] =	vst v5;
	v5 =	vld [tilespmem:$0x1FD60];
	_ =	sdelay $0x2  }
0xb4: {  	v4 =	vsel vm6, v8, v4;
	v8 =	vsel vm6, $0x13, v8;
	vm6 =	vnez.u8 v9;
	v9 =	vld.idx.msk [tilespmem:v11+s2+$0x0], $0xffff  }
0xb5: {  	v4 =	vsel vm6, $0x14, v4  }
0xb6: {  	v4 =	vsel vm7, v8, v4;
	vm6 =	vnez.u8 v5  }
0xb7: {  	v7 =	vsel vm0, v6, v7;
	v4 =	vsel vm6, $0x15, v4;
	vm6 =	vgt.f32 v6, v3  }
0xb8: {  	v10 =	vor.u32 $0x23, v2;
	v7 =	vsel vm6, v3, v7  }
0xb9: {  	v3 =	vsel vm6, v6, v3;
	v6 =	vimm.s32 $0x0;
	vm0 =	vgt.f32 v9, v7  }
0xba: {  	v6 =	vsel vm0, $0xFFFFFFFF, v6  }
0xbb: {  	[tilespmem:$0x1FE20] =	vst v6;
	v6 =	vld [tilespmem:$0x1FD70];
	_ =	sdelay $0x2  }
0xbc: {  	v5 =	vld.idx.msk [tilespmem:v10+s2+$0x0], $0xffff  }
0xbd: {  	v8 =	vsel vm7, $0x14, v8  }
0xbe: {  	v4 =	vsel vm8, v8, v4;
	vm7 =	vnez.u8 v6  }
0xbf: {  	v7 =	vsel vm0, v9, v7;
	v4 =	vsel vm7, $0x16, v4;
	vm7 =	vgt.f32 v9, v3  }
0xc0: {  	v11 =	vor.u32 $0x24, v2;
	v7 =	vsel vm7, v3, v7  }
0xc1: {  	v3 =	vsel vm7, v9, v3;
	v9 =	vimm.s32 $0x0;
	vm0 =	vgt.f32 v5, v7  }
0xc2: {  	v9 =	vsel vm0, $0xFFFFFFFF, v9  }
0xc3: {  	[tilespmem:$0x1FE30] =	vst v9;
	v9 =	vld [tilespmem:$0x1FD80];
	_ =	sdelay $0x2  }
0xc4: {  	v6 =	vld.idx.msk [tilespmem:v11+s2+$0x0], $0xffff  }
0xc5: {  	v8 =	vsel vm8, $0x15, v8  }
0xc6: {  	v4 =	vsel vm9, v8, v4;
	vm8 =	vnez.u8 v9  }
0xc7: {  	v7 =	vsel vm0, v5, v7;
	v4 =	vsel vm8, $0x17, v4;
	vm8 =	vgt.f32 v5, v3  }
0xc8: {  	v10 =	vor.u32 $0x25, v2;
	v7 =	vsel vm8, v3, v7  }
0xc9: {  	v3 =	vsel vm8, v5, v3;
	v5 =	vimm.s32 $0x0;
	vm0 =	vgt.f32 v6, v7  }
0xca: {  	v5 =	vsel vm0, $0xFFFFFFFF, v5  }
0xcb: {  	[tilespmem:$0x1FE40] =	vst v5;
	v5 =	vld [tilespmem:$0x1FD90];
	_ =	sdelay $0x2  }
0xcc: {  	v9 =	vld.idx.msk [tilespmem:v10+s2+$0x0], $0xffff  }
0xcd: {  	v8 =	vsel vm9, $0x16, v8  }
0xce: {  	v4 =	vsel vm10, v8, v4;
	vm9 =	vnez.u8 v5  }
0xcf: {  	v7 =	vsel vm0, v6, v7;
	v4 =	vsel vm9, $0x18, v4;
	vm9 =	vgt.f32 v6, v3  }
0xd0: {  	v11 =	vor.u32 $0x26, v2;
	v7 =	vsel vm9, v3, v7  }
0xd1: {  	v3 =	vsel vm9, v6, v3;
	v6 =	vimm.s32 $0x0;
	vm0 =	vgt.f32 v9, v7  }
0xd2: {  	v6 =	vsel vm0, $0xFFFFFFFF, v6  }
0xd3: {  	[tilespmem:$0x1FE50] =	vst v6;
	v6 =	vld [tilespmem:$0x1FDA0];
	_ =	sdelay $0x2  }
0xd4: {  	v5 =	vld.idx.msk [tilespmem:v11+s2+$0x0], $0xffff  }
0xd5: {  	v8 =	vsel vm10, $0x17, v8  }
0xd6: {  	v10 =	vor.u32 $0x27, v2;
	v4 =	vsel vm11, v8, v4;
	vm10 =	vnez.u8 v6  }
0xd7: {  	v7 =	vsel vm0, v9, v7;
	v4 =	vsel vm10, $0x19, v4;
	vm10 =	vgt.f32 v9, v3  }
0xd8: {  	v7 =	vsel vm10, v3, v7  }
0xd9: {  	v3 =	vsel vm10, v9, v3;
	v9 =	vimm.s32 $0x0;
	vm0 =	vgt.f32 v5, v7  }
0xda: {  	v9 =	vsel vm0, $0xFFFFFFFF, v9  }
0xdb: {  	[tilespmem:$0x1FE60] =	vst v9;
	v9 =	vld [tilespmem:$0x1FDB0]  }
0xdc: {  	v11 =	vor.u32 $0x28, v2;
	v6 =	vld.idx.msk [tilespmem:v10+s2+$0x0], $0xffff  }
0xdd: {  	v12 =	vld [tilespmem:$0x1FDC0];
	v8 =	vsel vm11, $0x18, v8  }
0xde: {  	v10 =	vor.u32 $0x29, v2;
	v4 =	vsel vm12, v8, v4  }
0xdf: {  	v8 =	vsel vm12, $0x19, v8;
	vm11 =	vgt.f32 v5, v3;
	v7 =	vsel vm0, v5, v7  }
0xe0: {  	v7 =	vsel vm11, v3, v7;
	v3 =	vsel vm11, v5, v3;
	vm12 =	vnez.u8 v9  }
0xe1: {  	v5 =	vimm.s32 $0x0;
	vm0 =	vgt.f32 v6, v3;
	v9 =	vld.idx.msk [tilespmem:v11+s2+$0x0], $0xffff;
	v4 =	vsel vm12, $0x1A, v4  }
0xe2: {  	v11 =	vor.u32 $0x2A, v2;
	vm12 =	vnez.u8 v12;
	v4 =	vsel vm13, v8, v4  }
0xe3: {  	v12 =	vld [tilespmem:$0x1FDD0];
	v8 =	vsel vm13, $0x1A, v8;
	vm13 =	vgt.f32 v6, v7;
	v4 =	vsel vm1, $0x1B, v4  }
0xe4: {  	v5 =	vsel vm13, $0xFFFFFFFF, v5;
	v7 =	vsel vm13, v6, v7;
	v4 =	vsel vm14, v8, v4  }
0xe5: {  	[tilespmem:$0x1FE70] =	vst v5;
	v5 =	vld.idx.msk [tilespmem:v10+s2+$0x0], $0xffff;
	v10 =	vor.u32 $0x2B, v2;
	v7 =	vsel vm0, v3, v7;
	v3 =	vsel vm0, v6, v3  }
0xe6: {  	v6 =	vimm.s32 $0x0;
	v4 =	vsel vm12, $0x1C, v4;
	vm13 =	vgt.f32 v9, v7  }
0xe7: {  	vm1 =	vgt.f32 v9, v3;
	v6 =	vsel vm13, $0xFFFFFFFF, v6;
	v7 =	vsel vm13, v9, v7  }
0xe8: {  	vm12 =	vnez.u8 v12;
	[tilespmem:$0x1FE80] =	vst v6;
	v6 =	vsel vm14, $0x1B, v8;
	v8 =	vld.idx.msk [tilespmem:v11+s2+$0x0], $0xffff;
	v7 =	vsel vm1, v3, v7  }
0xe9: {  	v3 =	vsel vm1, v9, v3;
	v9 =	vimm.s32 $0x0;
	v4 =	vsel vm15, v6, v4  }
0xea: {  	v6 =	vsel vm15, $0x1C, v6;
	v4 =	vsel vm12, $0x1D, v4;
	vm12 =	vgt.f32 v5, v7  }
0xeb: {  	v9 =	vsel vm12, $0xFFFFFFFF, v9;
	v7 =	vsel vm12, v5, v7;
	vm12 =	vgt.f32 v5, v3  }
0xec: {  	v4 =	vsel vm2, v6, v4;
	v6 =	vsel vm2, $0x1D, v6;
	v7 =	vsel vm12, v3, v7  }
0xed: {  	v3 =	vsel vm12, v5, v3;
	v5 =	vimm.s32 $0x0;
	vm2 =	vgt.f32 v8, v7  }
0xee: {  	v5 =	vsel vm2, $0xFFFFFFFF, v5  }
0xef: {  	[tilespmem:$0x1FEB0] =	vst v5;
	v5 =	vld [tilespmem:$0x1FDE0];
	_ =	sdelay $0x1  }
0xf0: {  	[tilespmem:$0x1FE90] =	vst v9;
	v9 =	vld.idx.msk [tilespmem:v10+s2+$0x0], $0xffff  }
0xf1: {  	v11 =	vor.u32 $0x2C, v2  }
0xf2: {  	v10 =	vimm.s32 $0x0;
	v7 =	vsel vm2, v8, v7;
	vm2 =	vgt.f32 v8, v3  }
0xf3: {  	v10 =	vsel vm12, $0xFFFFFFFF, v10;
	v7 =	vsel vm2, v3, v7;
	vm12 =	vnez.u8 v5  }
0xf4: {  	v3 =	vsel vm2, v8, v3;
	v8 =	vimm.s32 $0x0;
	v4 =	vsel vm12, $0x1E, v4  }
0xf5: {  	v4 =	vsel vm3, v6, v4;
	v6 =	vsel vm3, $0x1E, v6;
	vm3 =	vgt.f32 v9, v7  }
0xf6: {  	v8 =	vsel vm3, $0xFFFFFFFF, v8  }
0xf7: {  	[tilespmem:$0x1FEC0] =	vst v8;
	v8 =	vld [tilespmem:$0x1FDF0];
	_ =	sdelay $0x1  }
0xf8: {  	v5 =	vld.idx.msk [tilespmem:v11+s2+$0x0], $0xffff;
	_ =	sdelay $0x1  }
0xf9: {  	v7 =	vsel vm3, v9, v7;
	vm3 =	vgt.f32 v9, v3  }
0xfa: {  	[tilespmem:$0x1FEA0] =	vst v10;
	v10 =	vor.u32 $0x2D, v2;
	v7 =	vsel vm3, v3, v7;
	vm12 =	vnez.u8 v8  }
0xfb: {  	v3 =	vsel vm3, v9, v3;
	v9 =	vimm.s32 $0x0;
	v4 =	vsel vm12, $0x1F, v4  }
0xfc: {  	v4 =	vsel vm4, v6, v4;
	v6 =	vsel vm4, $0x1F, v6;
	vm4 =	vgt.f32 v5, v7  }
0xfd: {  	v9 =	vsel vm4, $0xFFFFFFFF, v9  }
0xfe: {  	v11 =	vor.u32 $0x2E, v2;
	[tilespmem:$0x1FED0] =	vst v9;
	v9 =	vld [tilespmem:$0x1FE00];
	_ =	sdelay $0x1  }
0xff: {  	v8 =	vld.idx.msk [tilespmem:v10+s2+$0x0], $0xffff;
	_ =	sdelay $0x1  }
0x100: {  	v7 =	vsel vm4, v5, v7;
	vm4 =	vgt.f32 v5, v3  }
0x101: {  	v7 =	vsel vm4, v3, v7;
	vm12 =	vnez.u8 v9;
	v9 =	vld.idx.msk [tilespmem:v11+s2+$0x0], $0xffff  }
0x102: {  	v3 =	vsel vm4, v5, v3;
	v5 =	vimm.s32 $0x0;
	v4 =	vsel vm12, $0x20, v4  }
0x103: {  	v4 =	vsel vm5, v6, v4;
	v6 =	vsel vm5, $0x20, v6;
	vm5 =	vgt.f32 v8, v7  }
0x104: {  	vm14 =	vgt.f32 v8, v3;
	v5 =	vsel vm5, $0xFFFFFFFF, v5;
	v7 =	vsel vm5, v8, v7  }
0x105: {  	v10 =	vor.u32 $0x2F, v2;
	[tilespmem:$0x1FEE0] =	vst v5;
	v5 =	vld [tilespmem:$0x1FE10];
	v7 =	vsel vm14, v3, v7  }
0x106: {  	v3 =	vsel vm14, v8, v3;
	v8 =	vimm.s32 $0x0;
	vm15 =	vgt.f32 v9, v7  }
0x107: {  	v8 =	vsel vm15, $0xFFFFFFFF, v8  }
0x108: {  	v11 =	vor.u32 $0x30, v2;
	[tilespmem:$0x1FF00] =	vst v8;
	v8 =	vld [tilespmem:$0x1FE20];
	_ =	sdelay $0x1  }
0x109: {  	vm12 =	vnez.u8 v5;
	v5 =	vld.idx.msk [tilespmem:v10+s2+$0x0], $0xffff  }
0x10a: {  	vm13 =	vgt.f32 v9, v3;
	v7 =	vsel vm15, v9, v7  }
0x10b: {  	v7 =	vsel vm13, v3, v7;
	v3 =	vsel vm13, v9, v3  }
0x10c: {  	v10 =	vimm.s32 $0x0;
	v4 =	vsel vm12, $0x21, v4;
	vm12 =	vnez.u8 v8;
	v8 =	vld.idx.msk [tilespmem:v11+s2+$0x0], $0xffff  }
0x10d: {  	v9 =	vimm.s32 $0x0;
	v10 =	vsel vm14, $0xFFFFFFFF, v10;
	v4 =	vsel vm6, v6, v4  }
0x10e: {  	v11 =	vimm.s32 $0x0;
	v4 =	vsel vm12, $0x22, v4;
	vm14 =	vgt.f32 v5, v7  }
0x10f: {  	[tilespmem:$0x1FEF0] =	vst v10;
	vm12 =	vgt.f32 v5, v3;
	v9 =	vsel vm14, $0xFFFFFFFF, v9;
	v7 =	vsel vm14, v5, v7  }
0x110: {  	v10 =	vor.u32 $0x31, v2;
	v11 =	vsel vm13, $0xFFFFFFFF, v11;
	[tilespmem:$0x1FF20] =	vst v9;
	v9 =	vld [tilespmem:$0x1FE30];
	v7 =	vsel vm12, v3, v7  }
0x111: {  	v3 =	vsel vm12, v5, v3;
	v5 =	vimm.s32 $0x0;
	vm13 =	vgt.f32 v8, v7  }
0x112: {  	[tilespmem:$0x1FF10] =	vst v11;
	v5 =	vsel vm13, $0xFFFFFFFF, v5  }
0x113: {  	v11 =	vor.u32 $0x32, v2;
	[tilespmem:$0x1FF30] =	vst v5;
	v5 =	vld [tilespmem:$0x1FE40];
	_ =	sdelay $0x1  }
0x114: {  	v6 =	vsel vm6, $0x21, v6;
	vm15 =	vnez.u8 v9;
	v9 =	vld.idx.msk [tilespmem:v10+s2+$0x0], $0xffff  }
0x115: {  	v4 =	vsel vm7, v6, v4  }
0x116: {  	v6 =	vsel vm7, $0x22, v6;
	v7 =	vsel vm13, v8, v7;
	vm13 =	vgt.f32 v8, v3  }
0x117: {  	v7 =	vsel vm13, v3, v7;
	v3 =	vsel vm13, v8, v3;
	vm14 =	vnez.u8 v5;
	v5 =	vld.idx.msk [tilespmem:v11+s2+$0x0], $0xffff  }
0x118: {  	v8 =	vimm.s32 $0x0;
	v10 =	vor.u32 $0x33, v2;
	v4 =	vsel vm15, $0x23, v4  }
0x119: {  	v4 =	vsel vm8, v6, v4;
	v6 =	vsel vm8, $0x23, v6;
	vm15 =	vgt.f32 v9, v7  }
0x11a: {  	v4 =	vsel vm14, $0x24, v4;
	vm14 =	vgt.f32 v9, v3;
	v7 =	vsel vm15, v9, v7  }
0x11b: {  	vm8 =	vmmov vm12;
	v8 =	vsel vm15, $0xFFFFFFFF, v8;
	v7 =	vsel vm14, v3, v7  }
0x11c: {  	[tilespmem:$0x1FF40] =	vst v8;
	v8 =	vld [tilespmem:$0x1FE50];
	v3 =	vsel vm14, v9, v3;
	v9 =	vimm.s32 $0x0;
	vm12 =	vgt.f32 v5, v7  }
0x11d: {  	v9 =	vsel vm12, $0xFFFFFFFF, v9  }
0x11e: {  	[tilespmem:$0x1FF50] =	vst v9;
	v9 =	vld [tilespmem:$0x1FE60];
	_ =	sdelay $0x2  }
0x11f: {  	v4 =	vsel vm9, v6, v4;
	v6 =	vsel vm9, $0x24, v6;
	vm9 =	vnez.u8 v8;
	v8 =	vld.idx.msk [tilespmem:v10+s2+$0x0], $0xffff  }
0x120: {  	v4 =	vsel vm9, $0x25, v4  }
0x121: {  	v4 =	vsel vm10, v6, v4;
	vm15 =	vnez.u8 v9  }
0x122: {  	v7 =	vsel vm12, v5, v7;
	v4 =	vsel vm15, $0x26, v4;
	vm15 =	vgt.f32 v5, v3  }
0x123: {  	v11 =	vor.u32 $0x34, v2;
	v7 =	vsel vm15, v3, v7  }
0x124: {  	v3 =	vsel vm15, v5, v3;
	v5 =	vimm.s32 $0x0;
	vm9 =	vgt.f32 v8, v7  }
0x125: {  	v5 =	vsel vm9, $0xFFFFFFFF, v5  }
0x126: {  	v10 =	vor.u32 $0x35, v2;
	[tilespmem:$0x1FF60] =	vst v5;
	v5 =	vld [tilespmem:$0x1FE70];
	_ =	sdelay $0x1  }
0x127: {  	v9 =	vld.idx.msk [tilespmem:v11+s2+$0x0], $0xffff;
	_ =	sdelay $0x1  }
0x128: {  	v6 =	vsel vm10, $0x25, v6  }
0x129: {  	vm12 =	vgt.f32 v8, v3;
	v7 =	vsel vm9, v8, v7;
	vm10 =	vnez.u8 v5;
	v5 =	vld.idx.msk [tilespmem:v10+s2+$0x0], $0xffff  }
0x12a: {  	v4 =	vsel vm11, v6, v4;
	v6 =	vsel vm11, $0x26, v6;
	v7 =	vsel vm12, v3, v7  }
0x12b: {  	v3 =	vsel vm12, v8, v3;
	v8 =	vimm.s32 $0x0;
	vm11 =	vgt.f32 v9, v7  }
0x12c: {  	v8 =	vsel vm11, $0xFFFFFFFF, v8;
	v7 =	vsel vm11, v9, v7;
	vm11 =	vgt.f32 v9, v3  }
0x12d: {  	v11 =	vor.u32 $0x36, v2;
	[tilespmem:$0x1FF70] =	vst v8;
	v8 =	vld [tilespmem:$0x1FE80];
	v7 =	vsel vm11, v3, v7;
	v3 =	vsel vm11, v9, v3  }
0x12e: {  	v9 =	vimm.s32 $0x0;
	v4 =	vsel vm10, $0x27, v4;
	vm10 =	vgt.f32 v5, v7  }
0x12f: {  	v9 =	vsel vm10, $0xFFFFFFFF, v9  }
0x130: {  	v10 =	vor.u32 $0x37, v2;
	[tilespmem:$0x1FF80] =	vst v9;
	v9 =	vld [tilespmem:$0x1FE90];
	_ =	sdelay $0x1  }
0x131: {  	vm9 =	vnez.u8 v8;
	v8 =	vld.idx.msk [tilespmem:v11+s2+$0x0], $0xffff  }
0x132: {  	v4 =	vsel vm0, v6, v4  }
0x133: {  	v4 =	vsel vm9, $0x28, v4  }
0x134: {  	vm9 =	vgt.f32 v5, v3;
	v7 =	vsel vm10, v5, v7;
	vm5 =	vnez.u8 v9;
	v9 =	vld.idx.msk [tilespmem:v10+s2+$0x0], $0xffff  }
0x135: {  	v6 =	vsel vm0, $0x27, v6;
	v11 =	vor.u32 $0x38, v2;
	v7 =	vsel vm9, v3, v7  }
0x136: {  	v3 =	vsel vm9, v5, v3;
	v5 =	vimm.s32 $0x0;
	vm7 =	vgt.f32 v8, v7  }
0x137: {  	v5 =	vsel vm7, $0xFFFFFFFF, v5;
	v7 =	vsel vm7, v8, v7;
	vm7 =	vgt.f32 v8, v3  }
0x138: {  	v4 =	vsel vm1, v6, v4;
	v7 =	vsel vm7, v3, v7;
	v3 =	vsel vm7, v8, v3;
	v10 =	vld [tilespmem:$0x1FEA0]  }
0x139: {  	[tilespmem:$0x1FF90] =	vst v5;
	v5 =	vld [tilespmem:$0x1FEB0];
	v8 =	vimm.s32 $0x0;
	v4 =	vsel vm5, $0x29, v4;
	vm5 =	vgt.f32 v9, v7  }
0x13a: {  	v8 =	vsel vm5, $0xFFFFFFFF, v8  }
0x13b: {  	[tilespmem:$0x1FFA0] =	vst v8;
	v8 =	vld [tilespmem:$0x1FEC0];
	_ =	sdelay $0x1  }
0x13c: {  	v6 =	vsel vm1, $0x28, v6;
	vm6 =	vnez.u8 v10  }
0x13d: {  	vm10 =	vnez.u8 v5;
	v5 =	vld.idx.msk [tilespmem:v11+s2+$0x0], $0xffff;
	v4 =	vsel vm6, v6, v4  }
0x13e: {  	v6 =	vsel vm6, $0x29, v6;
	v4 =	vsel vm10, $0x2A, v4  }
0x13f: {  	v4 =	vsel vm2, v6, v4;
	vm6 =	vnez.u8 v8  }
0x140: {  	v7 =	vsel vm5, v9, v7;
	v4 =	vsel vm6, $0x2B, v4;
	vm6 =	vgt.f32 v9, v3  }
0x141: {  	v10 =	vor.u32 $0x39, v2;
	v7 =	vsel vm6, v3, v7  }
0x142: {  	v3 =	vsel vm6, v9, v3;
	v9 =	vimm.s32 $0x0;
	vm10 =	vgt.f32 v5, v7  }
0x143: {  	v9 =	vsel vm10, $0xFFFFFFFF, v9  }
0x144: {  	[tilespmem:$0x1FFB0] =	vst v9;
	v9 =	vld [tilespmem:$0x1FED0];
	_ =	sdelay $0x2  }
0x145: {  	v8 =	vld.idx.msk [tilespmem:v10+s2+$0x0], $0xffff  }
0x146: {  	v6 =	vsel vm2, $0x2A, v6  }
0x147: {  	v4 =	vsel vm3, v6, v4;
	vm5 =	vnez.u8 v9  }
0x148: {  	v7 =	vsel vm10, v5, v7;
	v4 =	vsel vm5, $0x2C, v4;
	vm5 =	vgt.f32 v5, v3  }
0x149: {  	v11 =	vor.u32 $0x3A, v2;
	v7 =	vsel vm5, v3, v7  }
0x14a: {  	v3 =	vsel vm5, v5, v3;
	v5 =	vimm.s32 $0x0;
	vm10 =	vgt.f32 v8, v7  }
0x14b: {  	v5 =	vsel vm10, $0xFFFFFFFF, v5  }
0x14c: {  	[tilespmem:$0x1FFC0] =	vst v5;
	v5 =	vld [tilespmem:$0x1FEE0];
	_ =	sdelay $0x1  }
0x14d: {  	v10 =	vor.u32 $0x3B, v2  }
0x14e: {  	v9 =	vld.idx.msk [tilespmem:v11+s2+$0x0], $0xffff  }
0x14f: {  	v6 =	vsel vm3, $0x2B, v6  }
0x150: {  	v4 =	vsel vm4, v6, v4;
	v6 =	vsel vm4, $0x2C, v6;
	vm4 =	vnez.u8 v5  }
0x151: {  	v7 =	vsel vm10, v8, v7;
	v4 =	vsel vm4, $0x2D, v4;
	vm4 =	vgt.f32 v8, v3  }
0x152: {  	v5 =	vld.idx.msk [tilespmem:v10+s2+$0x0], $0xffff;
	v7 =	vsel vm4, v3, v7  }
0x153: {  	v10 =	vld [tilespmem:$0x1FEF0];
	v3 =	vsel vm4, v8, v3;
	v8 =	vimm.s32 $0x0;
	vm1 =	vgt.f32 v9, v7  }
0x154: {  	v8 =	vsel vm1, $0xFFFFFFFF, v8  }
0x155: {  	v11 =	vor.u32 $0x3C, v2;
	[tilespmem:$0x1FFD0] =	vst v8;
	v8 =	vld [tilespmem:$0x1FF00];
	_ =	sdelay $0x1  }
0x156: {  	vm3 =	vgt.f32 v9, v3;
	v7 =	vsel vm1, v9, v7  }
0x157: {  	vm10 =	vnez.u8 v10;
	v7 =	vsel vm3, v3, v7  }
0x158: {  	v3 =	vsel vm3, v9, v3;
	v9 =	vimm.s32 $0x0;
	v4 =	vsel vm10, v6, v4  }
0x159: {  	v6 =	vsel vm10, $0x2D, v6;
	vm1 =	vgt.f32 v5, v7;
	vm10 =	vnez.u8 v8;
	v8 =	vld.idx.msk [tilespmem:v11+s2+$0x0], $0xffff  }
0x15a: {  	v9 =	vsel vm1, $0xFFFFFFFF, v9;
	v11 =	vld [tilespmem:$0x1FF10]  }
0x15b: {  	[tilespmem:$0x1FFE0] =	vst v9;
	v9 =	vld [tilespmem:$0x1FF20];
	_ =	sdelay $0x2  }
0x15c: {  	vm2 =	vgt.f32 v5, v3;
	v7 =	vsel vm1, v5, v7  }
0x15d: {  	v7 =	vsel vm2, v3, v7;
	v4 =	vsel vm10, $0x2E, v4;
	vm10 =	vnez.u8 v11  }
0x15e: {  	v4 =	vsel vm10, v6, v4;
	v6 =	vsel vm10, $0x2E, v6;
	vm10 =	vnez.u8 v9  }
0x15f: {  	v3 =	vsel vm2, v5, v3;
	v5 =	vimm.s32 $0x0;
	v4 =	vsel vm10, $0x2F, v4  }
0x160: {  	v4 =	vsel vm8, v6, v4;
	v6 =	vsel vm8, $0x2F, v6;
	vm8 =	vgt.f32 v8, v7  }
0x161: {  	v10 =	vor.u32 $0x3D, v2;
	v5 =	vsel vm8, $0xFFFFFFFF, v5  }
0x162: {  	[tilespmem:$0x1FFF0] =	vst v5;
	v5 =	vld [tilespmem:$0x1FF30]  }
0x163: {  	v11 =	vor.u32 $0x3E, v2;
	vm1 =	vgt.f32 v8, v3;
	v7 =	vsel vm8, v8, v7  }
0x164: {  	v7 =	vsel vm1, v3, v7;
	v3 =	vsel vm1, v8, v3;
	v8 =	vld [tilespmem:$0x1FF40];
	_ =	sdelay $0x1  }
0x165: {  	v9 =	vld.idx.msk [tilespmem:v10+s2+$0x0], $0xffff  }
0x166: {  	vm10 =	vnez.u8 v5  }
0x167: {  	v5 =	vld.idx.msk [tilespmem:v11+s2+$0x0], $0xffff;
	v4 =	vsel vm10, $0x30, v4  }
0x168: {  	v4 =	vsel vm13, v6, v4;
	v6 =	vsel vm13, $0x30, v6;
	vm13 =	vnez.u8 v8;
	v8 =	vld [tilespmem:$0x1FF50]  }
0x169: {  	v2 =	vor.u32 $0x3F, v2  }
0x16a: {  	vm10 =	vgt.f32 v9, v7  }
0x16b: {  	v7 =	vsel vm10, v9, v7;
	v4 =	vsel vm13, $0x31, v4;
	vm13 =	vgt.f32 v9, v3  }
0x16c: {  	v4 =	vsel vm14, v6, v4;
	v7 =	vsel vm13, v3, v7;
	v6 =	vsel vm14, $0x31, v6  }
0x16d: {  	v3 =	vsel vm13, v9, v3;
	vm8 =	vgt.f32 v5, v7;
	vm14 =	vnez.u8 v8  }
0x16e: {  	v2 =	vld.idx.msk [tilespmem:v2+s2+$0x0], $0xffff;
	v7 =	vsel vm8, v5, v7;
	v4 =	vsel vm14, $0x32, v4;
	vm14 =	vgt.f32 v5, v3  }
0x16f: {  	v7 =	vsel vm14, v3, v7;
	v3 =	vsel vm14, v5, v3;
	v5 =	vld [tilespmem:$0x1FF60];
	_ =	sdelay $0x3  }
0x170: {  	v4 =	vsel vm15, v6, v4  }
0x171: {  	v6 =	vsel vm15, $0x32, v6;
	vm15 =	vgt.f32 v2, v7;
	vm0 =	vnez.u8 v5  }
0x172: {  	v5 =	vsel vm15, v2, v7;
	v4 =	vsel vm0, $0x33, v4;
	vm0 =	vgt.f32 v2, v3  }
0x173: {  	v5 =	vsel vm0, v3, v5  }
0x174: {  	v2 =	vsel vm0, v2, v3;
	v3 =	vsel vm12, v6, v4;
	v4 =	vsel vm12, $0x33, v6;
	v6 =	vld [tilespmem:$0x1FF70]  }
0x175: {  	v2 =	vsub.f32 v5, v2;
	v5 =	vld [tilespmem:$0x1FF80];
	_ =	sdelay $0x3  }
0x176: {  	vm12 =	vnez.u8 v6  }
0x177: {  	v3 =	vsel vm12, $0x34, v3;
	vm12 =	vnez.u8 v5;
	v5 =	vld [tilespmem:$0x1FF90];
	_ =	sdelay $0x2  }
0x178: {  	v3 =	vsel vm11, v4, v3  }
0x179: {  	v4 =	vsel vm11, $0x34, v4;
	v3 =	vsel vm12, $0x35, v3  }
0x17a: {  	v2 =	vmul.f32 $1.442695020e+00, v2;
	v3 =	vsel vm9, v4, v3;
	vm12 =	vnez.u8 v5  }
0x17b: {  	v4 =	vsel vm9, $0x35, v4;
	v3 =	vsel vm12, $0x36, v3  }
0x17c: {  	(erf) = vpow2.f32 v2;
	v2 =	vsel vm7, v4, v3;
	v3 =	vsel vm7, $0x36, v4;
	v4 =	vld [tilespmem:$0x1FFA0];
	_ =	sdelay $0x4  }
0x17d: {  	vm9 =	vnez.u8 v4;
	v4 =	vld [tilespmem:$0x1FFB0];
	_ =	sdelay $0x4  }
0x17e: {  	vm11 =	vnez.u8 v4;
	v4 =	vld [tilespmem:$0x1FFC0];
	_ =	sdelay $0x4  }
0x17f: {  	vm12 =	vnez.u8 v4;
	v4 =	vld [tilespmem:$0x1FFD0];
	_ =	sdelay $0x2  }
0x180: {  	v2 =	vsel vm9, $0x37, v2  }
0x181: {  	v2 =	vsel vm6, v3, v2  }
0x182: {  	v3 =	vsel vm6, $0x37, v3;
	v2 =	vsel vm11, $0x38, v2;
	vm9 =	vnez.u8 v4;
	v4 =	vld [tilespmem:$0x1FFE0]  }
0x183: {  	v2 =	vsel vm5, v3, v2  }
0x184: {  	v5 =	vld [tilespmem:$0x1FFF0];
	v3 =	vsel vm5, $0x38, v3;
	v2 =	vsel vm12, $0x39, v2  }
0x185: {  	v2 =	vsel vm4, v3, v2  }
0x186: {  	v3 =	vsel vm4, $0x39, v3;
	v2 =	vsel vm9, $0x3A, v2  }
0x187: {  	v12 =	vpop (erf);
	v2 =	vsel vm3, v3, v2;
	vm11 =	vnez.u8 v4  }
0x188: {  	v3 =	vsel vm3, $0x3A, v3;
	v4 =	vadd.f32 $1.000000000e+00, v12;
	v2 =	vsel vm11, $0x3B, v2  }
0x189: {  	vm12 =	vnez.u8 v5;
	v2 =	vsel vm2, v3, v2  }
0x18a: {  	v3 =	vsel vm2, $0x3B, v3;
	(erf) = vrcp.f32 v4;
	v2 =	vsel vm12, $0x3C, v2  }
0x18b: {  	v2 =	vsel vm1, v3, v2  }
0x18c: {  	v3 =	vsel vm1, $0x3C, v3;
	v2 =	vsel vm10, $0x3D, v2  }
0x18d: {  	s15 =	simm.s32 $0x10;
	v2 =	vsel vm13, v3, v2  }
0x18e: {  	v4 =	vmov s15;
	v3 =	vsel vm13, $0x3D, v3;
	v2 =	vsel vm8, $0x3E, v2  }
0x18f: {  	v4 =	vshll.u32 v4, $0x6;
	v2 =	vsel vm14, v3, v2  }
0x190: {  	v3 =	vsel vm14, $0x3E, v3;
	v5 =	vsel vm15, $0x3F, v2;
	v2 =	vor.u32 v0, v4  }
0x191: {  	v4 =	vsel vm0, $0x3F, v3;
	v3 =	vsel vm0, v3, v5;
	v11 =	vor.u32 $0x1, v2  }
0x192: {  	[tilespmem:s10+$0x0] =	vst v4;
	v10 =	vor.u32 $0x2, v2;
	v9 =	vor.u32 $0x3, v2;
	v8 =	vor.u32 $0x4, v2  }
0x193: {  	s22 =	simm.s32 $0x20;
	s16 =	simm.s32 $0x8410;
	s18 =	simm.s32 $0x8000;
	v7 =	vor.u32 $0x5, v2;
	v6 =	vor.u32 $0x6, v2;
	v5 =	vor.u32 $0x7, v2;
	[tilespmem:s11+$0x0] =	vst v3;
	v13 =	vpop (erf)  }
0x194: {  	s17 =	simm.s32 $0x8200;
	s19 =	simm.s32 $0x8600;
	s15 =	simm.s32 $0x8610;
	v4 =	vor.u32 $0x8, v2;
	v3 =	vor.u32 $0x9, v2;
	[tilespmem:s12+$0x0] =	vst v13;
	v12 =	vmul.f32 v13, v12  }
.LBB2_2:
0x195: {  	s18 =	sadd.s32 $0x10, s18  }
0x196: {  	s17 =	sadd.s32 $0x10, s17;
	s21 =	smov.u32 s22;
	s20 =	sadd.s32 $0x10, s22  }
0x197: {  	p0 =	sne.s32 s22, $0x1F0;
	[tilespmem:s19+$0x0] =	vst v12;
	s19 =	smov.u32 s15  }
0x198: {  	v11 =	vld.idx.msk [tilespmem:v11+s2+$0x0], $0xffff  }
0x199: {  	v12 =	vld.idx.msk [tilespmem:v2+s2+$0x0], $0xffff;
	_ =	sdelay $0x2  }
0x19a: {  	v10 =	vld.idx.msk [tilespmem:v10+s2+$0x0], $0xffff;
	_ =	sdelay $0x1  }
0x19b: {  	vm0 =	vlt.f32 v11, $-Inf;
	vm1 =	vgt.f32 v11, $-Inf  }
0x19c: {  	vm2 =	vgt.f32 v11, v12;
	vm0 =	vmor vm1, vm0;
	v9 =	vld.idx.msk [tilespmem:v9+s2+$0x0], $0xffff  }
0x19d: {  	vm1 =	vmneg vm2;
	v13 =	vnsel vm0, $0xFF800000, v11  }
0x19e: {  	v13 =	vsel vm1, v13, v12;
	vm0 =	vmand vm1, vm0;
	v11 =	vsel vm1, v12, v11  }
0x19f: {  	v14 =	vsel vm2, $0x1, v1;
	v12 =	vsel vm0, $0x1, v1;
	vm0 =	vgt.f32 v10, v13;
	v8 =	vld.idx.msk [tilespmem:v8+s2+$0x0], $0xffff  }
0x1a0: {  	vm1 =	vgt.f32 v10, v11;
	v13 =	vsel vm0, v10, v13;
	v12 =	vsel vm0, $0x2, v12  }
0x1a1: {  	v10 =	vsel vm1, v10, v11;
	v13 =	vsel vm1, v11, v13;
	v11 =	vsel vm1, $0x2, v14  }
0x1a2: {  	v12 =	vsel vm1, v14, v12;
	vm0 =	vgt.f32 v9, v13;
	v7 =	vld.idx.msk [tilespmem:v7+s2+$0x0], $0xffff  }
0x1a3: {  	vm1 =	vgt.f32 v9, v10;
	v13 =	vsel vm0, v9, v13;
	v12 =	vsel vm0, $0x3, v12  }
0x1a4: {  	v9 =	vsel vm1, v9, v10;
	v13 =	vsel vm1, v10, v13;
	v12 =	vsel vm1, v11, v12  }
0x1a5: {  	v10 =	vsel vm1, $0x3, v11;
	vm0 =	vgt.f32 v8, v13;
	v6 =	vld.idx.msk [tilespmem:v6+s2+$0x0], $0xffff  }
0x1a6: {  	vm1 =	vgt.f32 v8, v9;
	v11 =	vsel vm0, v8, v13;
	v12 =	vsel vm0, $0x4, v12  }
0x1a7: {  	v8 =	vsel vm1, v8, v9;
	v11 =	vsel vm1, v9, v11;
	v12 =	vsel vm1, v10, v12  }
0x1a8: {  	v9 =	vsel vm1, $0x4, v10;
	vm0 =	vgt.f32 v7, v11;
	v5 =	vld.idx.msk [tilespmem:v5+s2+$0x0], $0xffff  }
0x1a9: {  	vm1 =	vgt.f32 v7, v8;
	v10 =	vsel vm0, v7, v11;
	v11 =	vsel vm0, $0x5, v12  }
0x1aa: {  	v7 =	vsel vm1, v7, v8;
	v10 =	vsel vm1, v8, v10;
	v11 =	vsel vm1, v9, v11  }
0x1ab: {  	v8 =	vsel vm1, $0x5, v9;
	v9 =	vor.u32 $0xA, v2;
	vm0 =	vgt.f32 v6, v10;
	v4 =	vld.idx.msk [tilespmem:v4+s2+$0x0], $0xffff  }
0x1ac: {  	vm1 =	vgt.f32 v6, v7;
	v10 =	vsel vm0, v6, v10;
	v11 =	vsel vm0, $0x6, v11  }
0x1ad: {  	v6 =	vsel vm1, v6, v7;
	v10 =	vsel vm1, v7, v10;
	v11 =	vsel vm1, v8, v11  }
0x1ae: {  	v7 =	vsel vm1, $0x6, v8;
	v8 =	vor.u32 $0xB, v2;
	vm0 =	vgt.f32 v5, v10;
	v3 =	vld.idx.msk [tilespmem:v3+s2+$0x0], $0xffff  }
0x1af: {  	vm1 =	vgt.f32 v5, v6;
	v10 =	vsel vm0, v5, v10;
	v11 =	vsel vm0, $0x7, v11  }
0x1b0: {  	v5 =	vsel vm1, v5, v6;
	v10 =	vsel vm1, v6, v10;
	v11 =	vsel vm1, v7, v11  }
0x1b1: {  	v12 =	vor.u32 $0xD, v2;
	vm0 =	vgt.f32 v4, v10;
	v6 =	vld.idx.msk [tilespmem:v9+s2+$0x0], $0xffff;
	v9 =	vor.u32 $0xC, v2  }
0x1b2: {  	vm2 =	vgt.f32 v4, v5;
	v10 =	vsel vm0, v4, v10;
	v11 =	vsel vm0, $0x8, v11  }
0x1b3: {  	v7 =	vsel vm1, $0x7, v7;
	v4 =	vsel vm2, v4, v5;
	v10 =	vsel vm2, v5, v10  }
0x1b4: {  	v5 =	vsel vm2, v7, v11;
	v7 =	vsel vm2, $0x8, v7;
	vm0 =	vgt.f32 v3, v10;
	v8 =	vld.idx.msk [tilespmem:v8+s2+$0x0], $0xffff  }
0x1b5: {  	vm1 =	vgt.f32 v3, v4;
	v10 =	vsel vm0, v3, v10;
	v5 =	vsel vm0, $0x9, v5  }
0x1b6: {  	v3 =	vsel vm1, v3, v4;
	v10 =	vsel vm1, v4, v10;
	v5 =	vsel vm1, v7, v5  }
0x1b7: {  	v4 =	vsel vm1, $0x9, v7;
	vm0 =	vgt.f32 v6, v10;
	v7 =	vld.idx.msk [tilespmem:v9+s2+$0x0], $0xffff;
	v9 =	vor.u32 $0xE, v2  }
0x1b8: {  	vm1 =	vgt.f32 v6, v3;
	v10 =	vsel vm0, v6, v10;
	v5 =	vsel vm0, $0xA, v5  }
0x1b9: {  	v10 =	vsel vm1, v3, v10;
	v5 =	vsel vm1, v4, v5;
	v4 =	vsel vm1, $0xA, v4  }
0x1ba: {  	v11 =	vor.u32 $0xF, v2;
	v3 =	vsel vm1, v6, v3;
	vm0 =	vgt.f32 v8, v10;
	v6 =	vld.idx.msk [tilespmem:v12+s2+$0x0], $0xffff  }
0x1bb: {  	vm1 =	vgt.f32 v8, v3;
	v10 =	vsel vm0, v8, v10;
	v5 =	vsel vm0, $0xB, v5  }
0x1bc: {  	v12 =	vor.u32 $0x10, v2;
	v10 =	vsel vm1, v3, v10;
	v5 =	vsel vm1, v4, v5  }
0x1bd: {  	v3 =	vsel vm1, v8, v3;
	v4 =	vsel vm1, $0xB, v4;
	vm0 =	vgt.f32 v7, v10;
	v8 =	vld.idx.msk [tilespmem:v9+s2+$0x0], $0xffff  }
0x1be: {  	vm1 =	vgt.f32 v7, v3;
	v9 =	vsel vm0, v7, v10;
	v5 =	vsel vm0, $0xC, v5  }
0x1bf: {  	v9 =	vsel vm1, v3, v9;
	v5 =	vsel vm1, v4, v5;
	v3 =	vsel vm1, v7, v3  }
0x1c0: {  	v10 =	vor.u32 $0x11, v2;
	v4 =	vsel vm1, $0xC, v4;
	vm0 =	vgt.f32 v6, v9;
	v7 =	vld.idx.msk [tilespmem:v11+s2+$0x0], $0xffff  }
0x1c1: {  	vm1 =	vgt.f32 v6, v3;
	v9 =	vsel vm0, v6, v9;
	v5 =	vsel vm0, $0xD, v5  }
0x1c2: {  	v11 =	vor.u32 $0x12, v2;
	v9 =	vsel vm1, v3, v9;
	v5 =	vsel vm1, v4, v5  }
0x1c3: {  	v3 =	vsel vm1, v6, v3;
	v4 =	vsel vm1, $0xD, v4;
	vm0 =	vgt.f32 v8, v9;
	v6 =	vld.idx.msk [tilespmem:v12+s2+$0x0], $0xffff  }
0x1c4: {  	vm1 =	vgt.f32 v8, v3;
	v9 =	vsel vm0, v8, v9;
	v5 =	vsel vm0, $0xE, v5  }
0x1c5: {  	v12 =	vor.u32 $0x13, v2;
	v9 =	vsel vm1, v3, v9;
	v5 =	vsel vm1, v4, v5  }
0x1c6: {  	v3 =	vsel vm1, v8, v3;
	v4 =	vsel vm1, $0xE, v4;
	vm0 =	vgt.f32 v7, v9;
	v8 =	vld.idx.msk [tilespmem:v10+s2+$0x0], $0xffff  }
0x1c7: {  	vm1 =	vgt.f32 v7, v3;
	v9 =	vsel vm0, v7, v9;
	v5 =	vsel vm0, $0xF, v5  }
0x1c8: {  	v9 =	vsel vm1, v3, v9;
	v5 =	vsel vm1, v4, v5;
	v3 =	vsel vm1, v7, v3  }
0x1c9: {  	v10 =	vor.u32 $0x14, v2;
	vm0 =	vgt.f32 v6, v9;
	v7 =	vld.idx.msk [tilespmem:v11+s2+$0x0], $0xffff;
	v11 =	vor.u32 $0x15, v2  }
0x1ca: {  	v4 =	vsel vm1, $0xF, v4;
	vm1 =	vgt.f32 v6, v3;
	v9 =	vsel vm0, v6, v9  }
0x1cb: {  	v5 =	vsel vm0, $0x10, v5;
	v13 =	vsel vm1, $0x10, v4;
	v9 =	vsel vm1, v3, v9  }
0x1cc: {  	v4 =	vsel vm1, v4, v5;
	v3 =	vsel vm1, v6, v3;
	vm0 =	vgt.f32 v8, v9;
	v5 =	vld.idx.msk [tilespmem:v12+s2+$0x0], $0xffff  }
0x1cd: {  	vm1 =	vgt.f32 v8, v3;
	v6 =	vsel vm0, v8, v9;
	v4 =	vsel vm0, $0x11, v4  }
0x1ce: {  	v9 =	vor.u32 $0x16, v2;
	v6 =	vsel vm1, v3, v6;
	v4 =	vsel vm1, v13, v4  }
0x1cf: {  	v3 =	vsel vm1, v8, v3;
	v8 =	vsel vm1, $0x11, v13;
	vm0 =	vgt.f32 v7, v6;
	v10 =	vld.idx.msk [tilespmem:v10+s2+$0x0], $0xffff  }
0x1d0: {  	vm1 =	vgt.f32 v7, v3;
	v6 =	vsel vm0, v7, v6;
	v4 =	vsel vm0, $0x12, v4  }
0x1d1: {  	v12 =	vor.u32 $0x18, v2;
	v6 =	vsel vm1, v3, v6;
	v4 =	vsel vm1, v8, v4  }
0x1d2: {  	v3 =	vsel vm1, v7, v3;
	vm0 =	vgt.f32 v5, v6;
	v7 =	vld.idx.msk [tilespmem:v11+s2+$0x0], $0xffff;
	v11 =	vor.u32 $0x17, v2  }
0x1d3: {  	v8 =	vsel vm1, $0x12, v8;
	vm1 =	vgt.f32 v5, v3;
	v6 =	vsel vm0, v5, v6  }
0x1d4: {  	v4 =	vsel vm0, $0x13, v4;
	v13 =	vsel vm1, $0x13, v8;
	v6 =	vsel vm1, v3, v6  }
0x1d5: {  	v4 =	vsel vm1, v8, v4;
	v3 =	vsel vm1, v5, v3;
	vm0 =	vgt.f32 v10, v6;
	v5 =	vld.idx.msk [tilespmem:v9+s2+$0x0], $0xffff  }
0x1d6: {  	vm1 =	vgt.f32 v10, v3;
	v6 =	vsel vm0, v10, v6;
	v4 =	vsel vm0, $0x14, v4  }
0x1d7: {  	v8 =	vor.u32 $0x19, v2;
	v6 =	vsel vm1, v3, v6;
	v4 =	vsel vm1, v13, v4  }
0x1d8: {  	v9 =	vsel vm1, $0x14, v13;
	v3 =	vsel vm1, v10, v3;
	vm0 =	vgt.f32 v7, v6;
	v10 =	vld.idx.msk [tilespmem:v11+s2+$0x0], $0xffff  }
0x1d9: {  	vm1 =	vgt.f32 v7, v3;
	v6 =	vsel vm0, v7, v6;
	v4 =	vsel vm0, $0x15, v4  }
0x1da: {  	v11 =	vor.u32 $0x1A, v2;
	v6 =	vsel vm1, v3, v6;
	v4 =	vsel vm1, v9, v4  }
0x1db: {  	v3 =	vsel vm1, v7, v3;
	v7 =	vsel vm1, $0x15, v9;
	vm0 =	vgt.f32 v5, v6;
	v9 =	vld.idx.msk [tilespmem:v12+s2+$0x0], $0xffff  }
0x1dc: {  	vm1 =	vgt.f32 v5, v3;
	v6 =	vsel vm0, v5, v6;
	v4 =	vsel vm0, $0x16, v4  }
0x1dd: {  	v6 =	vsel vm1, v3, v6;
	v4 =	vsel vm1, v7, v4;
	v3 =	vsel vm1, v5, v3  }
0x1de: {  	v5 =	vsel vm1, $0x16, v7;
	vm0 =	vgt.f32 v10, v6;
	v7 =	vld.idx.msk [tilespmem:v8+s2+$0x0], $0xffff;
	v8 =	vor.u32 $0x1B, v2  }
0x1df: {  	vm1 =	vgt.f32 v10, v3;
	v6 =	vsel vm0, v10, v6;
	v4 =	vsel vm0, $0x17, v4  }
0x1e0: {  	v6 =	vsel vm1, v3, v6;
	v4 =	vsel vm1, v5, v4;
	v3 =	vsel vm1, v10, v3  }
0x1e1: {  	v5 =	vsel vm1, $0x17, v5;
	vm0 =	vgt.f32 v9, v6;
	v10 =	vld.idx.msk [tilespmem:v11+s2+$0x0], $0xffff;
	v11 =	vor.u32 $0x1C, v2  }
0x1e2: {  	vm1 =	vgt.f32 v9, v3;
	v6 =	vsel vm0, v9, v6;
	v4 =	vsel vm0, $0x18, v4  }
0x1e3: {  	v6 =	vsel vm1, v3, v6;
	v4 =	vsel vm1, v5, v4;
	v3 =	vsel vm1, v9, v3  }
0x1e4: {  	v5 =	vsel vm1, $0x18, v5;
	v9 =	vor.u32 $0x1D, v2;
	vm0 =	vgt.f32 v7, v6;
	v8 =	vld.idx.msk [tilespmem:v8+s2+$0x0], $0xffff  }
0x1e5: {  	vm1 =	vgt.f32 v7, v3;
	v6 =	vsel vm0, v7, v6;
	v4 =	vsel vm0, $0x19, v4  }
0x1e6: {  	v6 =	vsel vm1, v3, v6;
	v4 =	vsel vm1, v5, v4;
	v3 =	vsel vm1, v7, v3  }
0x1e7: {  	v5 =	vsel vm1, $0x19, v5;
	vm0 =	vgt.f32 v10, v6;
	v7 =	vld.idx.msk [tilespmem:v11+s2+$0x0], $0xffff;
	v11 =	vor.u32 $0x1E, v2  }
0x1e8: {  	vm1 =	vgt.f32 v10, v3;
	v6 =	vsel vm0, v10, v6;
	v4 =	vsel vm0, $0x1A, v4  }
0x1e9: {  	v6 =	vsel vm1, v3, v6;
	v4 =	vsel vm1, v5, v4;
	v3 =	vsel vm1, v10, v3  }
0x1ea: {  	v5 =	vsel vm1, $0x1A, v5;
	v10 =	vor.u32 $0x1F, v2;
	vm0 =	vgt.f32 v8, v6;
	v9 =	vld.idx.msk [tilespmem:v9+s2+$0x0], $0xffff  }
0x1eb: {  	vm1 =	vgt.f32 v8, v3;
	v6 =	vsel vm0, v8, v6;
	v4 =	vsel vm0, $0x1B, v4  }
0x1ec: {  	v6 =	vsel vm1, v3, v6;
	v4 =	vsel vm1, v5, v4;
	v3 =	vsel vm1, v8, v3  }
0x1ed: {  	v12 =	vor.u32 $0x23, v2;
	vm0 =	vgt.f32 v7, v6;
	v8 =	vld.idx.msk [tilespmem:v11+s2+$0x0], $0xffff;
	v11 =	vor.u32 $0x20, v2  }
0x1ee: {  	vm2 =	vgt.f32 v7, v3;
	v6 =	vsel vm0, v7, v6;
	v4 =	vsel vm0, $0x1C, v4  }
0x1ef: {  	v13 =	vor.u32 $0x21, v2;
	v5 =	vsel vm1, $0x1B, v5;
	v6 =	vsel vm2, v3, v6  }
0x1f0: {  	v4 =	vsel vm2, v5, v4;
	v3 =	vsel vm2, v7, v3;
	vm0 =	vgt.f32 v9, v6;
	v7 =	vld.idx.msk [tilespmem:v10+s2+$0x0], $0xffff  }
0x1f1: {  	vm1 =	vgt.f32 v9, v3;
	v6 =	vsel vm0, v9, v6;
	v4 =	vsel vm0, $0x1D, v4  }
0x1f2: {  	v5 =	vsel vm2, $0x1C, v5;
	v10 =	vor.u32 $0x22, v2;
	v6 =	vsel vm1, v3, v6  }
0x1f3: {  	v3 =	vsel vm1, v9, v3;
	v9 =	vsel vm1, $0x1D, v5;
	vm0 =	vgt.f32 v8, v6;
	v11 =	vld.idx.msk [tilespmem:v11+s2+$0x0], $0xffff  }
0x1f4: {  	v4 =	vsel vm1, v5, v4;
	vm1 =	vgt.f32 v8, v3;
	v5 =	vsel vm0, v8, v6  }
0x1f5: {  	v4 =	vsel vm0, $0x1E, v4;
	v5 =	vsel vm1, v3, v5;
	v3 =	vsel vm1, v8, v3  }
0x1f6: {  	v6 =	vsel vm1, $0x1E, v9;
	v4 =	vsel vm1, v9, v4;
	vm0 =	vgt.f32 v7, v5;
	v8 =	vld.idx.msk [tilespmem:v13+s2+$0x0], $0xffff  }
0x1f7: {  	vm1 =	vgt.f32 v7, v3;
	v5 =	vsel vm0, v7, v5;
	v4 =	vsel vm0, $0x1F, v4  }
0x1f8: {  	v5 =	vsel vm1, v3, v5;
	v4 =	vsel vm1, v6, v4;
	v6 =	vsel vm1, $0x1F, v6  }
0x1f9: {  	v9 =	vor.u32 $0x24, v2;
	v3 =	vsel vm1, v7, v3;
	vm0 =	vgt.f32 v11, v5;
	v7 =	vld.idx.msk [tilespmem:v10+s2+$0x0], $0xffff  }
0x1fa: {  	vm1 =	vgt.f32 v11, v3;
	v5 =	vsel vm0, v11, v5;
	v4 =	vsel vm0, $0x20, v4  }
0x1fb: {  	v10 =	vor.u32 $0x25, v2;
	v5 =	vsel vm1, v3, v5;
	v4 =	vsel vm1, v6, v4  }
0x1fc: {  	v3 =	vsel vm1, v11, v3;
	v6 =	vsel vm1, $0x20, v6;
	vm0 =	vgt.f32 v8, v5;
	v11 =	vld.idx.msk [tilespmem:v12+s2+$0x0], $0xffff  }
0x1fd: {  	vm1 =	vgt.f32 v8, v3;
	v5 =	vsel vm0, v8, v5;
	v4 =	vsel vm0, $0x21, v4  }
0x1fe: {  	v5 =	vsel vm1, v3, v5;
	v4 =	vsel vm1, v6, v4;
	v6 =	vsel vm1, $0x21, v6  }
0x1ff: {  	v3 =	vsel vm1, v8, v3;
	vm0 =	vgt.f32 v7, v5;
	v8 =	vld.idx.msk [tilespmem:v9+s2+$0x0], $0xffff;
	v9 =	vor.u32 $0x26, v2  }
0x200: {  	vm1 =	vgt.f32 v7, v3;
	v5 =	vsel vm0, v7, v5;
	v4 =	vsel vm0, $0x22, v4  }
0x201: {  	v5 =	vsel vm1, v3, v5;
	v4 =	vsel vm1, v6, v4;
	v3 =	vsel vm1, v7, v3  }
0x202: {  	v6 =	vsel vm1, $0x22, v6;
	vm0 =	vgt.f32 v11, v5;
	v7 =	vld.idx.msk [tilespmem:v10+s2+$0x0], $0xffff;
	v10 =	vor.u32 $0x27, v2  }
0x203: {  	vm1 =	vgt.f32 v11, v3;
	v5 =	vsel vm0, v11, v5;
	v4 =	vsel vm0, $0x23, v4  }
0x204: {  	v12 =	vor.u32 $0x28, v2;
	v5 =	vsel vm1, v3, v5;
	v4 =	vsel vm1, v6, v4  }
0x205: {  	v3 =	vsel vm1, v11, v3;
	v6 =	vsel vm1, $0x23, v6;
	vm0 =	vgt.f32 v8, v5;
	v9 =	vld.idx.msk [tilespmem:v9+s2+$0x0], $0xffff  }
0x206: {  	vm1 =	vgt.f32 v8, v3;
	v5 =	vsel vm0, v8, v5;
	v4 =	vsel vm0, $0x24, v4  }
0x207: {  	v11 =	vor.u32 $0x29, v2;
	v5 =	vsel vm1, v3, v5;
	v4 =	vsel vm1, v6, v4  }
0x208: {  	v3 =	vsel vm1, v8, v3;
	v6 =	vsel vm1, $0x24, v6;
	vm0 =	vgt.f32 v7, v5;
	v8 =	vld.idx.msk [tilespmem:v10+s2+$0x0], $0xffff  }
0x209: {  	vm1 =	vgt.f32 v7, v3;
	v5 =	vsel vm0, v7, v5;
	v4 =	vsel vm0, $0x25, v4  }
0x20a: {  	v5 =	vsel vm1, v3, v5;
	v4 =	vsel vm1, v6, v4;
	v3 =	vsel vm1, v7, v3  }
0x20b: {  	v10 =	vor.u32 $0x2A, v2;
	v6 =	vsel vm1, $0x25, v6;
	vm0 =	vgt.f32 v9, v5;
	v7 =	vld.idx.msk [tilespmem:v12+s2+$0x0], $0xffff  }
0x20c: {  	vm1 =	vgt.f32 v9, v3;
	v5 =	vsel vm0, v9, v5;
	v4 =	vsel vm0, $0x26, v4  }
0x20d: {  	v5 =	vsel vm1, v3, v5;
	v4 =	vsel vm1, v6, v4;
	v3 =	vsel vm1, v9, v3  }
0x20e: {  	v6 =	vsel vm1, $0x26, v6;
	vm0 =	vgt.f32 v8, v5;
	v9 =	vld.idx.msk [tilespmem:v11+s2+$0x0], $0xffff;
	v11 =	vor.u32 $0x2B, v2  }
0x20f: {  	vm1 =	vgt.f32 v8, v3;
	v5 =	vsel vm0, v8, v5;
	v4 =	vsel vm0, $0x27, v4  }
0x210: {  	v12 =	vor.u32 $0x2C, v2;
	v5 =	vsel vm1, v3, v5;
	v4 =	vsel vm1, v6, v4  }
0x211: {  	v3 =	vsel vm1, v8, v3;
	v6 =	vsel vm1, $0x27, v6;
	vm0 =	vgt.f32 v7, v5;
	v8 =	vld.idx.msk [tilespmem:v10+s2+$0x0], $0xffff  }
0x212: {  	vm1 =	vgt.f32 v7, v3;
	v5 =	vsel vm0, v7, v5;
	v4 =	vsel vm0, $0x28, v4  }
0x213: {  	v10 =	vor.u32 $0x2D, v2;
	v5 =	vsel vm1, v3, v5;
	v4 =	vsel vm1, v6, v4  }
0x214: {  	v3 =	vsel vm1, v7, v3;
	v6 =	vsel vm1, $0x28, v6;
	vm0 =	vgt.f32 v9, v5;
	v7 =	vld.idx.msk [tilespmem:v11+s2+$0x0], $0xffff  }
0x215: {  	vm1 =	vgt.f32 v9, v3;
	v5 =	vsel vm0, v9, v5;
	v4 =	vsel vm0, $0x29, v4  }
0x216: {  	v5 =	vsel vm1, v3, v5;
	v4 =	vsel vm1, v6, v4;
	v6 =	vsel vm1, $0x29, v6  }
0x217: {  	v11 =	vor.u32 $0x2E, v2;
	v3 =	vsel vm1, v9, v3;
	vm0 =	vgt.f32 v8, v5;
	v9 =	vld.idx.msk [tilespmem:v12+s2+$0x0], $0xffff  }
0x218: {  	vm1 =	vgt.f32 v8, v3;
	v5 =	vsel vm0, v8, v5;
	v4 =	vsel vm0, $0x2A, v4  }
0x219: {  	v8 =	vsel vm1, v8, v3;
	v5 =	vsel vm1, v3, v5;
	v12 =	vsel vm1, v6, v4  }
0x21a: {  	v4 =	vor.u32 $0x39, v2;
	v3 =	vor.u32 $0x3A, v2;
	vm6 =	vgt.f32 v7, v5;
	v10 =	vld.idx.msk [tilespmem:v10+s2+$0x0], $0xffff  }
0x21b: {  	v13 =	vor.u32 $0x2F, v2;
	vm0 =	vgt.f32 v7, v8;
	v5 =	vsel vm6, v7, v5  }
0x21c: {  	v15 =	vor.u32 $0x37, v2;
	v14 =	vor.u32 $0x36, v2;
	v5 =	vsel vm0, v8, v5  }
0x21d: {  	v7 =	vsel vm0, v7, v8;
	vm3 =	vgt.f32 v9, v5;
	v8 =	vld.idx.msk [tilespmem:v11+s2+$0x0], $0xffff;
	v11 =	vor.u32 $0x35, v2  }
0x21e: {  	v16 =	vor.u32 $0x30, v2;
	vm2 =	vgt.f32 v9, v7;
	v5 =	vsel vm3, v9, v5  }
0x21f: {  	v17 =	vor.u32 $0x33, v2;
	v18 =	vor.u32 $0x34, v2;
	v5 =	vsel vm2, v7, v5  }
0x220: {  	v7 =	vsel vm2, v9, v7;
	vm5 =	vgt.f32 v10, v5;
	v9 =	vld.idx.msk [tilespmem:v13+s2+$0x0], $0xffff;
	v13 =	vor.u32 $0x32, v2  }
0x221: {  	v19 =	vor.u32 $0x31, v2;
	vm4 =	vgt.f32 v10, v7;
	v5 =	vsel vm5, v10, v5  }
0x222: {  	v6 =	vsel vm1, $0x2A, v6;
	v12 =	vsel vm6, $0x2B, v12;
	v5 =	vsel vm4, v7, v5  }
0x223: {  	v20 =	vsel vm0, $0x2B, v6;
	v7 =	vsel vm4, v10, v7;
	vm6 =	vgt.f32 v8, v5;
	v10 =	vld.idx.msk [tilespmem:v16+s2+$0x0], $0xffff  }
0x224: {  	vm1 =	vgt.f32 v8, v7;
	v16 =	vsel vm2, $0x2C, v20;
	v5 =	vsel vm6, v8, v5  }
0x225: {  	v21 =	vsel vm4, $0x2D, v16;
	v5 =	vsel vm1, v7, v5;
	v7 =	vsel vm1, v8, v7  }
0x226: {  	v6 =	vsel vm0, v6, v12;
	v8 =	vsel vm1, $0x2E, v21;
	vm0 =	vgt.f32 v9, v5;
	v12 =	vld.idx.msk [tilespmem:v19+s2+$0x0], $0xffff  }
0x227: {  	v6 =	vsel vm3, $0x2C, v6;
	vm3 =	vgt.f32 v9, v7;
	v5 =	vsel vm0, v9, v5  }
0x228: {  	v6 =	vsel vm2, v20, v6;
	v19 =	vsel vm3, $0x2F, v8;
	v5 =	vsel vm3, v7, v5  }
0x229: {  	v6 =	vsel vm5, $0x2D, v6;
	v7 =	vsel vm3, v9, v7;
	vm2 =	vgt.f32 v10, v5;
	v9 =	vld.idx.msk [tilespmem:v13+s2+$0x0], $0xffff  }
0x22a: {  	v6 =	vsel vm4, v16, v6;
	vm4 =	vgt.f32 v10, v7;
	v5 =	vsel vm2, v10, v5  }
0x22b: {  	v6 =	vsel vm6, $0x2E, v6;
	v13 =	vsel vm4, $0x30, v19;
	v5 =	vsel vm4, v7, v5  }
0x22c: {  	v6 =	vsel vm1, v21, v6;
	v7 =	vsel vm4, v10, v7;
	vm1 =	vgt.f32 v12, v5;
	v10 =	vld.idx.msk [tilespmem:v17+s2+$0x0], $0xffff  }
0x22d: {  	v6 =	vsel vm0, $0x2F, v6;
	vm0 =	vgt.f32 v12, v7;
	v5 =	vsel vm1, v12, v5  }
0x22e: {  	v6 =	vsel vm3, v8, v6;
	v8 =	vsel vm0, $0x31, v13;
	v5 =	vsel vm0, v7, v5  }
0x22f: {  	v6 =	vsel vm2, $0x30, v6;
	v7 =	vsel vm0, v12, v7;
	vm2 =	vgt.f32 v9, v5;
	v12 =	vld.idx.msk [tilespmem:v18+s2+$0x0], $0xffff  }
0x230: {  	v6 =	vsel vm4, v19, v6;
	vm3 =	vgt.f32 v9, v7;
	v5 =	vsel vm2, v9, v5  }
0x231: {  	v6 =	vsel vm1, $0x31, v6;
	v5 =	vsel vm3, v7, v5;
	v7 =	vsel vm3, v9, v7  }
0x232: {  	v6 =	vsel vm0, v13, v6;
	v9 =	vsel vm3, $0x32, v8;
	vm0 =	vgt.f32 v10, v5;
	v11 =	vld.idx.msk [tilespmem:v11+s2+$0x0], $0xffff  }
0x233: {  	v6 =	vsel vm2, $0x32, v6;
	vm1 =	vgt.f32 v10, v7;
	v5 =	vsel vm0, v10, v5  }
0x234: {  	v6 =	vsel vm3, v8, v6;
	v8 =	vor.u32 $0x38, v2;
	v5 =	vsel vm1, v7, v5  }
0x235: {  	v6 =	vsel vm0, $0x33, v6;
	v7 =	vsel vm1, v10, v7;
	vm0 =	vgt.f32 v12, v5;
	v10 =	vld.idx.msk [tilespmem:v14+s2+$0x0], $0xffff  }
0x236: {  	v13 =	vsel vm1, $0x33, v9;
	vm2 =	vgt.f32 v12, v7;
	v5 =	vsel vm0, v12, v5  }
0x237: {  	v6 =	vsel vm1, v9, v6;
	v9 =	vsel vm2, $0x34, v13;
	v5 =	vsel vm2, v7, v5  }
0x238: {  	v6 =	vsel vm0, $0x34, v6;
	v7 =	vsel vm2, v12, v7;
	vm0 =	vgt.f32 v11, v5;
	v12 =	vld.idx.msk [tilespmem:v15+s2+$0x0], $0xffff  }
0x239: {  	v6 =	vsel vm2, v13, v6;
	vm1 =	vgt.f32 v11, v7;
	v5 =	vsel vm0, v11, v5  }
0x23a: {  	v6 =	vsel vm0, $0x35, v6;
	v13 =	vsel vm1, $0x35, v9;
	v5 =	vsel vm1, v7, v5  }
0x23b: {  	v6 =	vsel vm1, v9, v6;
	v7 =	vsel vm1, v11, v7;
	vm0 =	vgt.f32 v10, v5;
	v8 =	vld.idx.msk [tilespmem:v8+s2+$0x0], $0xffff  }
0x23c: {  	vm1 =	vgt.f32 v10, v7;
	v5 =	vsel vm0, v10, v5;
	v6 =	vsel vm0, $0x36, v6  }
0x23d: {  	v9 =	vsel vm1, $0x36, v13;
	v5 =	vsel vm1, v7, v5;
	v6 =	vsel vm1, v13, v6  }
0x23e: {  	v7 =	vsel vm1, v10, v7;
	v10 =	vor.u32 $0x3B, v2;
	vm0 =	vgt.f32 v12, v5;
	v4 =	vld.idx.msk [tilespmem:v4+s2+$0x0], $0xffff  }
0x23f: {  	vm1 =	vgt.f32 v12, v7;
	v5 =	vsel vm0, v12, v5;
	v6 =	vsel vm0, $0x37, v6  }
0x240: {  	v11 =	vor.u32 $0x3C, v2;
	v5 =	vsel vm1, v7, v5;
	v6 =	vsel vm1, v9, v6  }
0x241: {  	v7 =	vsel vm1, v12, v7;
	v9 =	vsel vm1, $0x37, v9;
	vm0 =	vgt.f32 v8, v5;
	v3 =	vld.idx.msk [tilespmem:v3+s2+$0x0], $0xffff  }
0x242: {  	vm1 =	vgt.f32 v8, v7;
	v5 =	vsel vm0, v8, v5;
	v6 =	vsel vm0, $0x38, v6  }
0x243: {  	v5 =	vsel vm1, v7, v5;
	v6 =	vsel vm1, v9, v6  }
0x244: {  	v7 =	vsel vm1, v8, v7;
	vm0 =	vgt.f32 v4, v5;
	v8 =	vld.idx.msk [tilespmem:v10+s2+$0x0], $0xffff;
	v10 =	vor.u32 $0x3F, v2  }
0x245: {  	v12 =	vor.u32 $0x3D, v2;
	vm2 =	vgt.f32 v4, v7;
	v5 =	vsel vm0, v4, v5  }
0x246: {  	v9 =	vsel vm1, $0x38, v9;
	v6 =	vsel vm0, $0x39, v6;
	v5 =	vsel vm2, v7, v5  }
0x247: {  	v4 =	vsel vm2, v4, v7;
	v6 =	vsel vm2, v9, v6;
	vm0 =	vgt.f32 v3, v5;
	v7 =	vld.idx.msk [tilespmem:v11+s2+$0x0], $0xffff  }
0x248: {  	v2 =	vor.u32 $0x3E, v2;
	vm1 =	vgt.f32 v3, v4;
	v5 =	vsel vm0, v3, v5  }
0x249: {  	v9 =	vsel vm2, $0x39, v9;
	v6 =	vsel vm0, $0x3A, v6;
	v5 =	vsel vm1, v4, v5  }
0x24a: {  	v3 =	vsel vm1, v3, v4;
	v6 =	vsel vm1, v9, v6;
	vm0 =	vgt.f32 v8, v5;
	v4 =	vld.idx.msk [tilespmem:v12+s2+$0x0], $0xffff  }
0x24b: {  	vm2 =	vgt.f32 v8, v3;
	v5 =	vsel vm0, v8, v5;
	v6 =	vsel vm0, $0x3B, v6  }
0x24c: {  	v9 =	vsel vm1, $0x3A, v9;
	v5 =	vsel vm2, v3, v5  }
0x24d: {  	v6 =	vsel vm2, v9, v6;
	v3 =	vsel vm2, v8, v3;
	vm0 =	vgt.f32 v7, v5;
	v2 =	vld.idx.msk [tilespmem:v2+s2+$0x0], $0xffff  }
0x24e: {  	vm1 =	vgt.f32 v7, v3;
	v5 =	vsel vm0, v7, v5;
	v6 =	vsel vm0, $0x3C, v6  }
0x24f: {  	v8 =	vsel vm2, $0x3B, v9;
	v5 =	vsel vm1, v3, v5  }
0x250: {  	v6 =	vsel vm1, v8, v6;
	v3 =	vsel vm1, v7, v3;
	vm0 =	vgt.f32 v4, v5;
	v7 =	vld.idx.msk [tilespmem:v10+s2+$0x0], $0xffff  }
0x251: {  	vm2 =	vgt.f32 v4, v3;
	v5 =	vsel vm0, v4, v5;
	v6 =	vsel vm0, $0x3D, v6  }
0x252: {  	v8 =	vsel vm1, $0x3C, v8;
	v5 =	vsel vm2, v3, v5  }
0x253: {  	v6 =	vsel vm2, v8, v6;
	v3 =	vsel vm2, v4, v3;
	vm0 =	vgt.f32 v2, v5  }
0x254: {  	vm1 =	vgt.f32 v2, v3;
	v4 =	vsel vm0, v2, v5;
	v5 =	vsel vm0, $0x3E, v6  }
0x255: {  	v6 =	vsel vm2, $0x3D, v8;
	v4 =	vsel vm1, v3, v4  }
0x256: {  	v2 =	vsel vm1, v2, v3;
	v5 =	vsel vm1, v6, v5;
	vm0 =	vgt.f32 v7, v4  }
0x257: {  	v3 =	vsel vm1, $0x3E, v6;
	vm1 =	vgt.f32 v7, v2;
	v4 =	vsel vm0, v7, v4  }
0x258: {  	v6 =	vsel vm1, $0x3F, v3;
	v4 =	vsel vm1, v2, v4;
	v2 =	vsel vm1, v7, v2  }
0x259: {  	v5 =	vsel vm0, $0x3F, v5;
	v2 =	vsub.f32 v4, v2;
	[tilespmem:s18+$0x0] =	vst v6  }
0x25a: {  	v3 =	vsel vm1, v3, v5  }
0x25b: {  	v2 =	vmul.f32 $1.442695020e+00, v2;
	[tilespmem:s17+$0x0] =	vst v3;
	_ =	sdelay $0x1  }
0x25c: {  	(erf) = vpow2.f32 v2;
	_ =	sdelay $0x8  }
0x25d: {  	v12 =	vpop (erf)  }
0x25e: {  	v2 =	vadd.f32 $1.000000000e+00, v12;
	_ =	sdelay $0x1  }
0x25f: {  	(erf) = vrcp.f32 v2;
	_ =	sdelay $0x3  }
0x260: {  	v2 =	vmov s21  }
0x261: {  	v2 =	vshll.u32 v2, $0x6  }
.Ltmp0:
0x262: {  	v2 =	vor.u32 v0, v2;
	(pc) =	sbr.rel @p0 .LBB2_2-.Ltmp0, $4  }
0x263: {  	v11 =	vor.u32 $0x1, v2;
	v10 =	vor.u32 $0x2, v2;
	v9 =	vor.u32 $0x3, v2  }
0x264: {  	v8 =	vor.u32 $0x4, v2;
	v7 =	vor.u32 $0x5, v2;
	v6 =	vor.u32 $0x6, v2  }
0x265: {  	v5 =	vor.u32 $0x7, v2;
	v4 =	vor.u32 $0x8, v2;
	v13 =	vpop (erf)  }
0x266: {  	s15 =	sadd.s32 $0x10, s15;
	s22 =	smov.u32 s20;
	v3 =	vor.u32 $0x9, v2;
	[tilespmem:s16+$0x0] =	vst v13;
	v12 =	vmul.f32 v13, v12;
	s16 =	sadd.s32 $0x10, s16  }
0x267: {  	_ =	sdelay $0x2  }
0x268: {  	v13 =	vimm.s32 $0x0;
	v25 =	vimm.s32 $0x0;
	[tilespmem:s19+$0x0] =	vst v12  }
0x269: {  	v27 =	vimm.s32 $0x0;
	v29 =	vimm.s32 $0x0;
	v31 =	vimm.s32 $0x0;
	v11 =	vld.idx.msk [tilespmem:v11+s2+$0x0], $0xffff  }
0x26a: {  	v33 =	vor.u32 $0xA, v2;
	v34 =	vimm.s32 $0x0;
	v36 =	vor.u32 $0xB, v2;
	v12 =	vld.idx.msk [tilespmem:v2+s2+$0x0], $0xffff  }
0x26b: {  	v37 =	vimm.s32 $0x0;
	v39 =	vor.u32 $0xC, v2;
	v40 =	vimm.s32 $0x0  }
0x26c: {  	v42 =	vor.u32 $0xD, v2;
	v43 =	vimm.s32 $0x0;
	v45 =	vor.u32 $0xE, v2  }
0x26d: {  	v46 =	vimm.s32 $0x0;
	v48 =	vor.u32 $0xF, v2;
	v49 =	vimm.s32 $0x0;
	v10 =	vld.idx.msk [tilespmem:v10+s2+$0x0], $0xffff  }
0x26e: {  	v51 =	vor.u32 $0x10, v2;
	vm0 =	vlt.f32 v11, $-Inf;
	vm1 =	vgt.f32 v11, $-Inf  }
0x26f: {  	v52 =	vimm.s32 $0x0;
	vm3 =	vgt.f32 v11, v12;
	vm2 =	vmor vm1, vm0  }
0x270: {  	v9 =	vld.idx.msk [tilespmem:v9+s2+$0x0], $0xffff;
	v13 =	vsel vm3, $0xFFFFFFFF, v13;
	vm1 =	vmneg vm3;
	v23 =	vnsel vm2, $0xFF800000, v11  }
0x271: {  	v54 =	vor.u32 $0x11, v2;
	v55 =	vimm.s32 $0x0;
	[tilespmem:$0x1F860] =	vst v13;
	v13 =	vsel vm1, v23, v12  }
0x272: {  	v58 =	vor.u32 $0x12, v2;
	v11 =	vsel vm1, v12, v11;
	vm15 =	vgt.f32 v10, v13  }
0x273: {  	v61 =	vor.u32 $0x13, v2;
	v8 =	vld.idx.msk [tilespmem:v8+s2+$0x0], $0xffff;
	vm3 =	vgt.f32 v10, v11;
	v24 =	vsel vm15, v10, v13  }
0x274: {  	v62 =	vimm.s32 $0x0;
	v14 =	vimm.s32 $0x0;
	v12 =	vsel vm3, v11, v24  }
0x275: {  	v17 =	vor.u32 $0x15, v2;
	v10 =	vsel vm3, v10, v11;
	vm10 =	vgt.f32 v9, v12  }
0x276: {  	v7 =	vld.idx.msk [tilespmem:v7+s2+$0x0], $0xffff;
	vm4 =	vgt.f32 v9, v10;
	v11 =	vsel vm10, $0xFFFFFFFF, v25;
	v26 =	vsel vm10, v9, v12  }
0x277: {  	v18 =	vimm.s32 $0x0;
	v21 =	vor.u32 $0x16, v2;
	[tilespmem:$0x1F870] =	vst v11;
	v11 =	vsel vm4, v10, v26  }
0x278: {  	v22 =	vimm.s32 $0x0;
	v6 =	vld.idx.msk [tilespmem:v6+s2+$0x0], $0xffff;
	v9 =	vsel vm4, v9, v10;
	vm11 =	vgt.f32 v8, v11  }
0x279: {  	v38 =	vld.idx.msk [tilespmem:v33+s2+$0x0], $0xffff;
	vm5 =	vgt.f32 v8, v9;
	v10 =	vsel vm11, $0xFFFFFFFF, v27;
	v28 =	vsel vm11, v8, v11  }
0x27a: {  	v47 =	vld.idx.msk [tilespmem:v42+s2+$0x0], $0xffff;
	v33 =	vor.u32 $0x19, v2;
	v42 =	vimm.s32 $0x0;
	[tilespmem:$0x1F880] =	vst v10;
	v10 =	vsel vm5, v9, v28  }
0x27b: {  	v50 =	vld.idx.msk [tilespmem:v45+s2+$0x0], $0xffff;
	v45 =	vor.u32 $0x1C, v2;
	v8 =	vsel vm5, v8, v9;
	vm12 =	vgt.f32 v7, v10  }
0x27c: {  	v5 =	vld.idx.msk [tilespmem:v5+s2+$0x0], $0xffff;
	vm6 =	vgt.f32 v7, v8;
	v9 =	vsel vm12, $0xFFFFFFFF, v29;
	v30 =	vsel vm12, v7, v10  }
0x27d: {  	v16 =	vld.idx.msk [tilespmem:v61+s2+$0x0], $0xffff;
	v61 =	vimm.s32 $0x0;
	vm2 =	vmand vm1, vm2;
	[tilespmem:$0x1F890] =	vst v9;
	v9 =	vsel vm6, v8, v30  }
0x27e: {  	v57 =	vsel vm2, $0x1, v1;
	v59 =	vld [tilespmem:$0x1F860];
	v7 =	vsel vm6, v7, v8;
	vm13 =	vgt.f32 v6, v9  }
0x27f: {  	v4 =	vld.idx.msk [tilespmem:v4+s2+$0x0], $0xffff;
	vm7 =	vgt.f32 v6, v7;
	v8 =	vsel vm13, $0xFFFFFFFF, v31;
	v32 =	vsel vm13, v6, v9  }
0x280: {  	v60 =	vsel vm15, $0x2, v57;
	v13 =	vor.u32 $0x14, v2;
	[tilespmem:$0x1F8A0] =	vst v8;
	v8 =	vsel vm7, v7, v32  }
0x281: {  	v57 =	vor.u32 $0x1F, v2;
	v6 =	vsel vm7, v6, v7;
	vm14 =	vgt.f32 v5, v8  }
0x282: {  	v3 =	vld.idx.msk [tilespmem:v3+s2+$0x0], $0xffff;
	vm8 =	vgt.f32 v5, v6;
	v7 =	vsel vm14, $0xFFFFFFFF, v34;
	v35 =	vsel vm14, v5, v8  }
0x283: {  	v24 =	vld.idx.msk [tilespmem:v17+s2+$0x0], $0xffff;
	v17 =	vimm.s32 $0x0;
	vm1 =	vnez.u8 v59;
	[tilespmem:$0x1F8B0] =	vst v7;
	v7 =	vsel vm8, v6, v35  }
0x284: {  	v25 =	vor.u32 $0x17, v2;
	v5 =	vsel vm8, v5, v6;
	vm9 =	vgt.f32 v4, v7  }
0x285: {  	v12 =	vld.idx.msk [tilespmem:v58+s2+$0x0], $0xffff;
	v6 =	vsel vm9, $0xFFFFFFFF, v37;
	v7 =	vsel vm9, v4, v7;
	vm9 =	vgt.f32 v4, v5  }
0x286: {  	v58 =	vimm.s32 $0x0;
	v26 =	vimm.s32 $0x0;
	v63 =	vld [tilespmem:$0x1F870];
	v7 =	vsel vm9, v5, v7  }
0x287: {  	v20 =	vld.idx.msk [tilespmem:v13+s2+$0x0], $0xffff;
	v13 =	vimm.s32 $0x0;
	v4 =	vsel vm9, v4, v5;
	vm10 =	vgt.f32 v3, v7  }
0x288: {  	v41 =	vld.idx.msk [tilespmem:v36+s2+$0x0], $0xffff;
	v5 =	vsel vm10, $0xFFFFFFFF, v40;
	v7 =	vsel vm10, v3, v7;
	vm10 =	vgt.f32 v3, v4  }
0x289: {  	v11 =	vsel vm1, $0x1, v1;
	v28 =	vld.idx.msk [tilespmem:v21+s2+$0x0], $0xffff;
	v21 =	vimm.s32 $0x0;
	v7 =	vsel vm10, v4, v7  }
0x28a: {  	v29 =	vor.u32 $0x18, v2;
	v3 =	vsel vm10, v3, v4;
	vm11 =	vgt.f32 v38, v7  }
0x28b: {  	v44 =	vld.idx.msk [tilespmem:v39+s2+$0x0], $0xffff;
	v4 =	vsel vm11, $0xFFFFFFFF, v43;
	v7 =	vsel vm11, v38, v7;
	vm11 =	vgt.f32 v38, v3  }
0x28c: {  	vm15 =	vnez.u8 v63;
	v31 =	vimm.s32 $0x0;
	v7 =	vsel vm11, v3, v7  }
0x28d: {  	v9 =	vld.idx.msk [tilespmem:v25+s2+$0x0], $0xffff;
	v25 =	vimm.s32 $0x0;
	v3 =	vsel vm11, v38, v3;
	vm12 =	vgt.f32 v41, v7  }
0x28e: {  	[tilespmem:$0x1F8C0] =	vst v6;
	v6 =	vsel vm12, $0xFFFFFFFF, v46;
	v7 =	vsel vm12, v41, v7;
	vm12 =	vgt.f32 v41, v3  }
0x28f: {  	v36 =	vld.idx.msk [tilespmem:v29+s2+$0x0], $0xffff;
	v29 =	vimm.s32 $0x0;
	v34 =	vimm.s32 $0x0;
	v7 =	vsel vm12, v3, v7  }
0x290: {  	v8 =	vld.idx.msk [tilespmem:v54+s2+$0x0], $0xffff;
	v54 =	vimm.s32 $0x0;
	v3 =	vsel vm12, v41, v3;
	vm13 =	vgt.f32 v44, v7  }
0x291: {  	[tilespmem:$0x1F8D0] =	vst v5;
	v5 =	vsel vm13, $0xFFFFFFFF, v49;
	v7 =	vsel vm13, v44, v7;
	vm13 =	vgt.f32 v44, v3  }
0x292: {  	v37 =	vor.u32 $0x1A, v2;
	v40 =	vld.idx.msk [tilespmem:v33+s2+$0x0], $0xffff;
	v33 =	vimm.s32 $0x0;
	v7 =	vsel vm13, v3, v7  }
0x293: {  	v38 =	vimm.s32 $0x0;
	v3 =	vsel vm13, v44, v3;
	vm14 =	vgt.f32 v47, v7  }
0x294: {  	v53 =	vld.idx.msk [tilespmem:v48+s2+$0x0], $0xffff;
	[tilespmem:$0x1F8E0] =	vst v4;
	v4 =	vsel vm14, $0xFFFFFFFF, v52;
	v7 =	vsel vm14, v47, v7;
	vm14 =	vgt.f32 v47, v3  }
0x295: {  	v46 =	vimm.s32 $0x0;
	v41 =	vor.u32 $0x1B, v2;
	v7 =	vsel vm14, v3, v7  }
0x296: {  	v49 =	vor.u32 $0x1D, v2;
	v3 =	vsel vm14, v47, v3;
	vm0 =	vgt.f32 v50, v7  }
0x297: {  	v56 =	vld.idx.msk [tilespmem:v51+s2+$0x0], $0xffff;
	[tilespmem:$0x1F8F0] =	vst v6;
	v6 =	vsel vm0, $0xFFFFFFFF, v55;
	v7 =	vsel vm0, v50, v7;
	vm0 =	vgt.f32 v50, v3  }
0x298: {  	v15 =	vld [tilespmem:$0x1F880];
	[tilespmem:$0x1F900] =	vst v5;
	v5 =	vsel vm3, v11, v60;
	v11 =	vsel vm3, $0x2, v11;
	v7 =	vsel vm0, v3, v7  }
0x299: {  	v44 =	vld.idx.msk [tilespmem:v37+s2+$0x0], $0xffff;
	v60 =	vor.u32 $0x20, v2;
	v3 =	vsel vm0, v50, v3;
	vm1 =	vgt.f32 v53, v7  }
0x29a: {  	v37 =	vimm.s32 $0x0;
	v48 =	vld.idx.msk [tilespmem:v41+s2+$0x0], $0xffff;
	vm2 =	vgt.f32 v53, v3;
	v7 =	vsel vm1, v53, v7  }
0x29b: {  	v52 =	vld.idx.msk [tilespmem:v45+s2+$0x0], $0xffff;
	v41 =	vimm.s32 $0x0;
	v45 =	vimm.s32 $0x0;
	v7 =	vsel vm2, v3, v7  }
0x29c: {  	v50 =	vimm.s32 $0x0;
	v3 =	vsel vm2, v53, v3;
	vm3 =	vgt.f32 v56, v7  }
0x29d: {  	v19 =	vld [tilespmem:$0x1F890];
	[tilespmem:$0x1F910] =	vst v4;
	v4 =	vsel vm3, $0xFFFFFFFF, v62;
	v7 =	vsel vm3, v56, v7;
	vm3 =	vgt.f32 v56, v3  }
0x29e: {  	v53 =	vor.u32 $0x1E, v2;
	[tilespmem:$0x1F930] =	vst v4;
	v4 =	vsel vm15, $0x3, v5;
	v7 =	vsel vm3, v3, v7  }
0x29f: {  	v23 =	vld [tilespmem:$0x1F8A0];
	v4 =	vsel vm4, v11, v4;
	v11 =	vsel vm4, $0x3, v11;
	vm4 =	vgt.f32 v8, v7  }
0x2a0: {  	[tilespmem:$0x1F920] =	vst v6;
	v3 =	vsel vm3, v56, v3;
	vm15 =	vnez.u8 v15;
	v6 =	vsel vm4, $0xFFFFFFFF, v14  }
0x2a1: {  	v4 =	vsel vm15, $0x4, v4;
	v7 =	vsel vm4, v8, v7;
	vm4 =	vgt.f32 v8, v3  }
0x2a2: {  	v27 =	vld [tilespmem:$0x1F8B0];
	vm15 =	vnez.u8 v19;
	v4 =	vsel vm5, v11, v4;
	v7 =	vsel vm4, v3, v7  }
0x2a3: {  	v11 =	vsel vm5, $0x4, v11;
	v3 =	vsel vm4, v8, v3;
	vm5 =	vgt.f32 v12, v7  }
0x2a4: {  	v4 =	vsel vm15, $0x5, v4;
	vm15 =	vnez.u8 v23;
	v8 =	vsel vm5, $0xFFFFFFFF, v18  }
0x2a5: {  	v30 =	vld [tilespmem:$0x1F8C0];
	v7 =	vsel vm5, v12, v7;
	vm5 =	vgt.f32 v12, v3;
	v4 =	vsel vm6, v11, v4  }
0x2a6: {  	v11 =	vsel vm6, $0x5, v11;
	v7 =	vsel vm5, v3, v7;
	v3 =	vsel vm5, v12, v3  }
0x2a7: {  	v4 =	vsel vm15, $0x6, v4;
	vm15 =	vnez.u8 v27;
	v12 =	vor.u32 $0x21, v2  }
0x2a8: {  	vm6 =	vgt.f32 v16, v7;
	v4 =	vsel vm7, v11, v4;
	v11 =	vsel vm7, $0x6, v11  }
0x2a9: {  	v5 =	vsel vm6, $0xFFFFFFFF, v22;
	v7 =	vsel vm6, v16, v7;
	vm6 =	vgt.f32 v16, v3  }
0x2aa: {  	v4 =	vsel vm15, $0x7, v4;
	vm15 =	vnez.u8 v30;
	v32 =	vsel vm8, $0x7, v11  }
0x2ab: {  	v35 =	vld [tilespmem:$0x1F8D0];
	v7 =	vsel vm6, v3, v7;
	v3 =	vsel vm6, v16, v3;
	v4 =	vsel vm8, v11, v4  }
0x2ac: {  	v16 =	vor.u32 $0x22, v2;
	vm7 =	vgt.f32 v20, v7;
	v4 =	vsel vm15, $0x8, v4  }
0x2ad: {  	v39 =	vld [tilespmem:$0x1F8E0];
	[tilespmem:$0x1F940] =	vst v6;
	v6 =	vsel vm7, $0xFFFFFFFF, v26;
	v7 =	vsel vm7, v20, v7;
	vm7 =	vgt.f32 v20, v3  }
0x2ae: {  	v4 =	vsel vm9, v32, v4;
	v7 =	vsel vm7, v3, v7;
	v3 =	vsel vm7, v20, v3  }
0x2af: {  	v20 =	vor.u32 $0x23, v2;
	vm15 =	vgt.f32 v24, v7;
	vm8 =	vgt.f32 v24, v3  }
0x2b0: {  	v43 =	vld [tilespmem:$0x1F8F0];
	[tilespmem:$0x1F950] =	vst v8;
	v8 =	vsel vm15, $0xFFFFFFFF, v31;
	v7 =	vsel vm15, v24, v7;
	vm15 =	vnez.u8 v35  }
0x2b1: {  	[tilespmem:$0x1F980] =	vst v8;
	v7 =	vsel vm8, v3, v7;
	v8 =	vsel vm9, $0x8, v32;
	v3 =	vsel vm8, v24, v3  }
0x2b2: {  	v4 =	vsel vm15, $0x9, v4;
	vm15 =	vnez.u8 v39;
	v24 =	vor.u32 $0x24, v2  }
0x2b3: {  	v47 =	vld [tilespmem:$0x1F900];
	v32 =	vor.u32 $0x26, v2;
	vm9 =	vgt.f32 v28, v7;
	v4 =	vsel vm10, v8, v4  }
0x2b4: {  	[tilespmem:$0x1F960] =	vst v5;
	v8 =	vsel vm10, $0x9, v8;
	v5 =	vsel vm9, $0xFFFFFFFF, v34;
	v7 =	vsel vm9, v28, v7  }
0x2b5: {  	vm9 =	vgt.f32 v28, v3;
	v4 =	vsel vm15, $0xA, v4;
	vm15 =	vnez.u8 v43  }
0x2b6: {  	v51 =	vld [tilespmem:$0x1F910];
	v7 =	vsel vm9, v3, v7;
	v3 =	vsel vm9, v28, v3;
	v4 =	vsel vm11, v8, v4  }
0x2b7: {  	v8 =	vsel vm11, $0xA, v8;
	v28 =	vor.u32 $0x25, v2;
	vm10 =	vgt.f32 v9, v7  }
0x2b8: {  	[tilespmem:$0x1F970] =	vst v6;
	v4 =	vsel vm15, $0xB, v4;
	vm15 =	vnez.u8 v47;
	v6 =	vsel vm10, $0xFFFFFFFF, v38  }
0x2b9: {  	v55 =	vld [tilespmem:$0x1F920];
	v7 =	vsel vm10, v9, v7;
	vm10 =	vgt.f32 v9, v3;
	v4 =	vsel vm12, v8, v4  }
0x2ba: {  	v8 =	vsel vm12, $0xB, v8;
	v7 =	vsel vm10, v3, v7;
	v3 =	vsel vm10, v9, v3  }
0x2bb: {  	v4 =	vsel vm15, $0xC, v4;
	vm15 =	vnez.u8 v51;
	v51 =	vor.u32 $0x2B, v2  }
0x2bc: {  	vm11 =	vgt.f32 v36, v7;
	v4 =	vsel vm13, v8, v4;
	v8 =	vsel vm13, $0xC, v8  }
0x2bd: {  	v9 =	vsel vm11, $0xFFFFFFFF, v42;
	v7 =	vsel vm11, v36, v7;
	vm11 =	vgt.f32 v36, v3  }
0x2be: {  	v4 =	vsel vm15, $0xD, v4;
	vm15 =	vnez.u8 v55;
	v55 =	vimm.s32 $0x0  }
0x2bf: {  	v62 =	vld [tilespmem:$0x1F930];
	v7 =	vsel vm11, v3, v7;
	v3 =	vsel vm11, v36, v3;
	v4 =	vsel vm14, v8, v4  }
0x2c0: {  	v8 =	vsel vm14, $0xD, v8;
	v36 =	vor.u32 $0x27, v2;
	vm12 =	vgt.f32 v40, v7  }
0x2c1: {  	[tilespmem:$0x1F990] =	vst v5;
	v4 =	vsel vm15, $0xE, v4;
	v5 =	vsel vm12, $0xFFFFFFFF, v46;
	v7 =	vsel vm12, v40, v7  }
0x2c2: {  	v14 =	vld [tilespmem:$0x1F940];
	vm12 =	vgt.f32 v40, v3;
	v4 =	vsel vm0, v8, v4;
	v8 =	vsel vm0, $0xE, v8  }
0x2c3: {  	v7 =	vsel vm12, v3, v7;
	v3 =	vsel vm12, v40, v3;
	v4 =	vsel vm1, $0xF, v4  }
0x2c4: {  	vm1 =	vnez.u8 v62;
	v40 =	vor.u32 $0x28, v2;
	v62 =	vor.u32 $0x2D, v2  }
0x2c5: {  	vm13 =	vgt.f32 v44, v7;
	v4 =	vsel vm2, v8, v4;
	v8 =	vsel vm2, $0xF, v8  }
0x2c6: {  	v18 =	vld [tilespmem:$0x1F950];
	[tilespmem:$0x1F9A0] =	vst v6;
	v6 =	vsel vm13, $0xFFFFFFFF, v50;
	v7 =	vsel vm13, v44, v7;
	vm13 =	vgt.f32 v44, v3  }
0x2c7: {  	v4 =	vsel vm1, $0x10, v4;
	vm1 =	vnez.u8 v14;
	v43 =	vld.idx.msk [tilespmem:v36+s2+$0x0], $0xffff;
	v36 =	vimm.s32 $0x0  }
0x2c8: {  	v14 =	vor.u32 $0x39, v2;
	v7 =	vsel vm13, v3, v7;
	v3 =	vsel vm13, v44, v3  }
0x2c9: {  	v4 =	vsel vm3, v8, v4;
	v8 =	vsel vm3, $0x10, v8;
	vm14 =	vgt.f32 v48, v7  }
0x2ca: {  	v22 =	vld [tilespmem:$0x1F960];
	[tilespmem:$0x1F9B0] =	vst v9;
	v44 =	vor.u32 $0x29, v2;
	v4 =	vsel vm1, $0x11, v4;
	v9 =	vsel vm14, $0xFFFFFFFF, v54  }
0x2cb: {  	v27 =	vld.idx.msk [tilespmem:v20+s2+$0x0], $0xffff;
	v7 =	vsel vm14, v48, v7;
	vm14 =	vgt.f32 v48, v3;
	v4 =	vsel vm4, v8, v4  }
0x2cc: {  	v8 =	vsel vm4, $0x11, v8;
	vm4 =	vnez.u8 v18;
	v47 =	vld.idx.msk [tilespmem:v40+s2+$0x0], $0xffff;
	v18 =	vimm.s32 $0x0  }
0x2cd: {  	v20 =	vld.idx.msk [tilespmem:v62+s2+$0x0], $0xffff;
	v40 =	vimm.s32 $0x0;
	v62 =	vimm.s32 $0x0;
	v7 =	vsel vm14, v3, v7  }
0x2ce: {  	v3 =	vsel vm14, v48, v3;
	v4 =	vsel vm4, $0x12, v4;
	v48 =	vor.u32 $0x2A, v2  }
0x2cf: {  	v26 =	vld [tilespmem:$0x1F970];
	vm15 =	vgt.f32 v52, v7;
	v4 =	vsel vm5, v8, v4;
	v8 =	vsel vm5, $0x12, v8  }
0x2d0: {  	v56 =	vld.idx.msk [tilespmem:v49+s2+$0x0], $0xffff;
	[tilespmem:$0x1F9C0] =	vst v5;
	vm5 =	vnez.u8 v22;
	v22 =	vimm.s32 $0x0;
	v5 =	vsel vm15, $0xFFFFFFFF, v58  }
0x2d1: {  	v30 =	vld [tilespmem:$0x1F980];
	v7 =	vsel vm15, v52, v7;
	vm15 =	vgt.f32 v52, v3;
	v4 =	vsel vm5, $0x13, v4  }
0x2d2: {  	v50 =	vld.idx.msk [tilespmem:v44+s2+$0x0], $0xffff;
	v58 =	vimm.s32 $0x0;
	v44 =	vimm.s32 $0x0;
	v7 =	vsel vm15, v3, v7  }
0x2d3: {  	v3 =	vsel vm15, v52, v3;
	v4 =	vsel vm6, v8, v4;
	v8 =	vsel vm6, $0x13, v8  }
0x2d4: {  	vm6 =	vnez.u8 v26;
	v52 =	vimm.s32 $0x0;
	v26 =	vimm.s32 $0x0  }
0x2d5: {  	v59 =	vld.idx.msk [tilespmem:v53+s2+$0x0], $0xffff;
	vm0 =	vgt.f32 v56, v7;
	vm2 =	vgt.f32 v56, v3;
	v4 =	vsel vm6, $0x14, v4  }
0x2d6: {  	v34 =	vld [tilespmem:$0x1F990];
	[tilespmem:$0x1F9D0] =	vst v6;
	v6 =	vsel vm0, $0xFFFFFFFF, v61;
	v7 =	vsel vm0, v56, v7;
	v4 =	vsel vm7, v8, v4  }
0x2d7: {  	v63 =	vld.idx.msk [tilespmem:v57+s2+$0x0], $0xffff;
	v8 =	vsel vm7, $0x14, v8;
	vm7 =	vnez.u8 v30;
	v61 =	vimm.s32 $0x0  }
0x2d8: {  	v54 =	vld.idx.msk [tilespmem:v48+s2+$0x0], $0xffff;
	v30 =	vor.u32 $0x31, v2;
	v48 =	vor.u32 $0x35, v2;
	v7 =	vsel vm2, v3, v7  }
0x2d9: {  	v38 =	vld [tilespmem:$0x1F9A0];
	v3 =	vsel vm2, v56, v3;
	v4 =	vsel vm7, $0x15, v4;
	v56 =	vor.u32 $0x2C, v2  }
0x2da: {  	vm0 =	vgt.f32 v59, v7;
	vm3 =	vgt.f32 v59, v3;
	v4 =	vsel vm8, v8, v4  }
0x2db: {  	v8 =	vsel vm8, $0x15, v8;
	vm8 =	vnez.u8 v34;
	v34 =	vimm.s32 $0x0  }
0x2dc: {  	v42 =	vld [tilespmem:$0x1F9B0];
	[tilespmem:$0x1F9E0] =	vst v9;
	v9 =	vsel vm0, $0xFFFFFFFF, v13;
	v7 =	vsel vm0, v59, v7;
	v4 =	vsel vm8, $0x16, v4  }
0x2dd: {  	v46 =	vld [tilespmem:$0x1F9C0];
	v7 =	vsel vm3, v3, v7;
	v3 =	vsel vm3, v59, v3;
	v4 =	vsel vm9, v8, v4  }
0x2de: {  	v15 =	vld.idx.msk [tilespmem:v60+s2+$0x0], $0xffff;
	v8 =	vsel vm9, $0x16, v8;
	vm9 =	vnez.u8 v38;
	vm0 =	vgt.f32 v63, v7  }
0x2df: {  	[tilespmem:$0x1F9F0] =	vst v5;
	vm4 =	vgt.f32 v63, v3;
	v4 =	vsel vm9, $0x17, v4;
	v5 =	vsel vm0, $0xFFFFFFFF, v17  }
0x2e0: {  	v49 =	vld [tilespmem:$0x1F9D0];
	v7 =	vsel vm0, v63, v7;
	v4 =	vsel vm10, v8, v4;
	v8 =	vsel vm10, $0x17, v8  }
0x2e1: {  	v19 =	vld.idx.msk [tilespmem:v12+s2+$0x0], $0xffff;
	vm10 =	vnez.u8 v42;
	v17 =	vor.u32 $0x2E, v2;
	v7 =	vsel vm4, v3, v7  }
0x2e2: {  	v3 =	vsel vm4, v63, v3;
	v4 =	vsel vm10, $0x18, v4;
	vm10 =	vnez.u8 v46  }
0x2e3: {  	vm0 =	vgt.f32 v15, v7;
	vm5 =	vgt.f32 v15, v3;
	v4 =	vsel vm11, v8, v4  }
0x2e4: {  	v23 =	vld.idx.msk [tilespmem:v16+s2+$0x0], $0xffff;
	[tilespmem:$0x1FA00] =	vst v6;
	v8 =	vsel vm11, $0x18, v8;
	v6 =	vsel vm0, $0xFFFFFFFF, v21;
	v7 =	vsel vm0, v15, v7  }
0x2e5: {  	v4 =	vsel vm10, $0x19, v4;
	vm10 =	vnez.u8 v49;
	v7 =	vsel vm5, v3, v7  }
0x2e6: {  	v21 =	vor.u32 $0x2F, v2;
	v3 =	vsel vm5, v15, v3;
	vm0 =	vgt.f32 v19, v7  }
0x2e7: {  	v49 =	vimm.s32 $0x0;
	vm6 =	vgt.f32 v19, v3;
	v7 =	vsel vm0, v19, v7  }
0x2e8: {  	v4 =	vsel vm12, v8, v4;
	v8 =	vsel vm12, $0x19, v8;
	v7 =	vsel vm6, v3, v7  }
0x2e9: {  	v53 =	vld [tilespmem:$0x1F9E0];
	[tilespmem:$0x1FA10] =	vst v9;
	v9 =	vsel vm0, $0xFFFFFFFF, v25;
	v3 =	vsel vm6, v19, v3;
	vm0 =	vgt.f32 v23, v7  }
0x2ea: {  	v31 =	vld.idx.msk [tilespmem:v24+s2+$0x0], $0xffff;
	v4 =	vsel vm10, $0x1A, v4;
	vm7 =	vgt.f32 v23, v3;
	v7 =	vsel vm0, v23, v7  }
0x2eb: {  	v15 =	vimm.s32 $0x0;
	v4 =	vsel vm13, v8, v4;
	v7 =	vsel vm7, v3, v7  }
0x2ec: {  	v57 =	vld [tilespmem:$0x1F9F0];
	[tilespmem:$0x1FA20] =	vst v5;
	v5 =	vsel vm0, $0xFFFFFFFF, v29;
	v3 =	vsel vm7, v23, v3;
	vm0 =	vgt.f32 v27, v7  }
0x2ed: {  	v35 =	vld.idx.msk [tilespmem:v28+s2+$0x0], $0xffff;
	v8 =	vsel vm13, $0x1A, v8;
	vm8 =	vgt.f32 v27, v3;
	v7 =	vsel vm0, v27, v7  }
0x2ee: {  	vm13 =	vnez.u8 v53;
	v25 =	vor.u32 $0x30, v2;
	v7 =	vsel vm8, v3, v7  }
0x2ef: {  	[tilespmem:$0x1FA30] =	vst v6;
	v6 =	vsel vm0, $0xFFFFFFFF, v33;
	v3 =	vsel vm8, v27, v3;
	vm0 =	vgt.f32 v31, v7  }
0x2f0: {  	v39 =	vld.idx.msk [tilespmem:v32+s2+$0x0], $0xffff;
	v53 =	vor.u32 $0x36, v2;
	vm9 =	vgt.f32 v31, v3;
	v7 =	vsel vm0, v31, v7  }
0x2f1: {  	v4 =	vsel vm13, $0x1B, v4;
	vm13 =	vnez.u8 v57;
	v7 =	vsel vm9, v3, v7  }
0x2f2: {  	[tilespmem:$0x1FA40] =	vst v9;
	v9 =	vsel vm0, $0xFFFFFFFF, v37;
	v3 =	vsel vm9, v31, v3;
	vm0 =	vgt.f32 v35, v7  }
0x2f3: {  	[tilespmem:$0x1FA50] =	vst v5;
	v5 =	vsel vm0, $0xFFFFFFFF, v41;
	v7 =	vsel vm0, v35, v7;
	vm0 =	vgt.f32 v35, v3  }
0x2f4: {  	v59 =	vsel vm14, $0x1B, v8;
	v57 =	vimm.s32 $0x0;
	v7 =	vsel vm0, v3, v7  }
0x2f5: {  	v4 =	vsel vm14, v8, v4;
	v3 =	vsel vm0, v35, v3;
	vm1 =	vgt.f32 v39, v7  }
0x2f6: {  	[tilespmem:$0x1FA60] =	vst v6;
	v6 =	vsel vm1, $0xFFFFFFFF, v45;
	v7 =	vsel vm1, v39, v7;
	vm1 =	vgt.f32 v39, v3  }
0x2f7: {  	v4 =	vsel vm13, $0x1C, v4;
	v29 =	vimm.s32 $0x0;
	v7 =	vsel vm1, v3, v7  }
0x2f8: {  	v4 =	vsel vm15, v59, v4;
	v3 =	vsel vm1, v39, v3;
	vm12 =	vgt.f32 v43, v7  }
0x2f9: {  	v31 =	vimm.s32 $0x0;
	vm10 =	vgt.f32 v43, v3;
	v7 =	vsel vm12, v43, v7  }
0x2fa: {  	v35 =	vor.u32 $0x32, v2;
	v39 =	vor.u32 $0x33, v2;
	v7 =	vsel vm10, v3, v7  }
0x2fb: {  	v63 =	vld [tilespmem:$0x1FA00];
	v3 =	vsel vm10, v43, v3;
	v43 =	vor.u32 $0x34, v2;
	vm11 =	vgt.f32 v47, v7  }
0x2fc: {  	[tilespmem:$0x1FA80] =	vst v5;
	v5 =	vsel vm11, $0xFFFFFFFF, v52;
	v7 =	vsel vm11, v47, v7;
	vm11 =	vgt.f32 v47, v3  }
0x2fd: {  	v52 =	vimm.s32 $0x0;
	v10 =	vsel vm11, $0xFFFFFFFF, v55;
	v7 =	vsel vm11, v3, v7  }
0x2fe: {  	v3 =	vsel vm11, v47, v3;
	v47 =	vimm.s32 $0x0;
	vm13 =	vgt.f32 v50, v7  }
0x2ff: {  	[tilespmem:$0x1FA90] =	vst v6;
	vm11 =	vgt.f32 v50, v3;
	v6 =	vsel vm13, $0xFFFFFFFF, v58;
	v7 =	vsel vm13, v50, v7  }
0x300: {  	v19 =	vld [tilespmem:$0x1FA10];
	v11 =	vsel vm11, $0xFFFFFFFF, v61;
	vm13 =	vnez.u8 v63;
	v58 =	vor.u32 $0x37, v2  }
0x301: {  	v61 =	vor.u32 $0x38, v2;
	v7 =	vsel vm11, v3, v7;
	v4 =	vsel vm13, $0x1D, v4  }
0x302: {  	v23 =	vld [tilespmem:$0x1FA20];
	[tilespmem:$0x1FAC0] =	vst v6;
	v3 =	vsel vm11, v50, v3;
	v6 =	vsel vm15, $0x1C, v59;
	v59 =	vimm.s32 $0x0  }
0x303: {  	v60 =	vld.idx.msk [tilespmem:v51+s2+$0x0], $0xffff;
	vm13 =	vgt.f32 v54, v7;
	vm14 =	vgt.f32 v54, v3;
	v4 =	vsel vm2, v6, v4  }
0x304: {  	[tilespmem:$0x1FA70] =	vst v9;
	v6 =	vsel vm2, $0x1D, v6;
	v9 =	vsel vm13, $0xFFFFFFFF, v15;
	v7 =	vsel vm13, v54, v7  }
0x305: {  	vm2 =	vmmov vm14;
	vm13 =	vnez.u8 v19;
	v15 =	vimm.s32 $0x0  }
0x306: {  	v19 =	vor.u32 $0x3A, v2;
	v7 =	vsel vm14, v3, v7;
	v3 =	vsel vm14, v54, v3  }
0x307: {  	v16 =	vld.idx.msk [tilespmem:v56+s2+$0x0], $0xffff;
	v4 =	vsel vm13, $0x1E, v4;
	vm13 =	vnez.u8 v23;
	v54 =	vimm.s32 $0x0  }
0x308: {  	v23 =	vor.u32 $0x3B, v2;
	vm11 =	vgt.f32 v60, v7;
	vm15 =	vgt.f32 v60, v3  }
0x309: {  	v27 =	vld [tilespmem:$0x1FA30];
	[tilespmem:$0x1FAA0] =	vst v5;
	v4 =	vsel vm3, v6, v4;
	v6 =	vsel vm3, $0x1E, v6;
	v5 =	vsel vm11, $0xFFFFFFFF, v18  }
0x30a: {  	v7 =	vsel vm11, v60, v7;
	vm3 =	vmmov vm15;
	v4 =	vsel vm13, $0x1F, v4  }
0x30b: {  	v32 =	vld [tilespmem:$0x1FA40];
	v7 =	vsel vm15, v3, v7;
	v3 =	vsel vm15, v60, v3;
	v4 =	vsel vm4, v6, v4  }
0x30c: {  	v6 =	vsel vm4, $0x1F, v6;
	vm11 =	vgt.f32 v16, v7;
	vm13 =	vgt.f32 v16, v3  }
0x30d: {  	v37 =	vld [tilespmem:$0x1FA50];
	v8 =	vsel vm11, $0xFFFFFFFF, v22;
	v7 =	vsel vm11, v16, v7;
	vm4 =	vmmov vm13  }
0x30e: {  	v7 =	vsel vm13, v3, v7;
	v3 =	vsel vm13, v16, v3;
	vm13 =	vnez.u8 v27  }
0x30f: {  	v24 =	vld.idx.msk [tilespmem:v17+s2+$0x0], $0xffff;
	v27 =	vor.u32 $0x3C, v2;
	vm11 =	vgt.f32 v20, v7;
	v4 =	vsel vm13, $0x20, v4  }
0x310: {  	[tilespmem:$0x1FAD0] =	vst v11;
	vm14 =	vgt.f32 v20, v3;
	vm13 =	vnez.u8 v32;
	v32 =	vimm.s32 $0x0  }
0x311: {  	v63 =	vld [tilespmem:$0x1FAA0];
	[tilespmem:$0x1FAE0] =	vst v9;
	v9 =	vsel vm11, $0xFFFFFFFF, v26;
	v7 =	vsel vm11, v20, v7;
	v11 =	vsel vm14, $0xFFFFFFFF, v29  }
0x312: {  	v4 =	vsel vm5, v6, v4;
	v6 =	vsel vm5, $0x20, v6;
	vm11 =	vnez.u8 v37  }
0x313: {  	v28 =	vld.idx.msk [tilespmem:v21+s2+$0x0], $0xffff;
	[tilespmem:$0x1FAB0] =	vst v10;
	v37 =	vimm.s32 $0x0;
	v7 =	vsel vm14, v3, v7;
	v3 =	vsel vm14, v20, v3  }
0x314: {  	v13 =	vld [tilespmem:$0x1FAB0];
	v4 =	vsel vm13, $0x21, v4;
	v20 =	vimm.s32 $0x0;
	vm15 =	vgt.f32 v24, v7  }
0x315: {  	vm14 =	vgt.f32 v24, v3;
	v4 =	vsel vm6, v6, v4;
	v6 =	vsel vm6, $0x21, v6  }
0x316: {  	v41 =	vld [tilespmem:$0x1FA60];
	[tilespmem:$0x1FAF0] =	vst v5;
	vm6 =	vnez.u8 v63;
	v5 =	vsel vm15, $0xFFFFFFFF, v31;
	v7 =	vsel vm15, v24, v7  }
0x317: {  	v10 =	vsel vm14, $0xFFFFFFFF, v34;
	v4 =	vsel vm11, $0x22, v4;
	v31 =	vor.u32 $0x3D, v2  }
0x318: {  	v33 =	vld.idx.msk [tilespmem:v25+s2+$0x0], $0xffff;
	v7 =	vsel vm14, v3, v7;
	v3 =	vsel vm14, v24, v3;
	v4 =	vsel vm7, v6, v4  }
0x319: {  	v6 =	vsel vm7, $0x22, v6;
	vm7 =	vnez.u8 v13;
	vm15 =	vgt.f32 v28, v7  }
0x31a: {  	v45 =	vld [tilespmem:$0x1FA70];
	[tilespmem:$0x1FB00] =	vst v8;
	v24 =	vimm.s32 $0x0;
	vm14 =	vgt.f32 v28, v3;
	v8 =	vsel vm15, $0xFFFFFFFF, v36  }
0x31b: {  	v7 =	vsel vm15, v28, v7;
	vm15 =	vnez.u8 v41;
	v36 =	vor.u32 $0x3E, v2  }
0x31c: {  	v38 =	vld.idx.msk [tilespmem:v30+s2+$0x0], $0xffff;
	v2 =	vor.u32 $0x3F, v2;
	v7 =	vsel vm14, v3, v7;
	v3 =	vsel vm14, v28, v3  }
0x31d: {  	v4 =	vsel vm15, $0x23, v4;
	v28 =	vimm.s32 $0x0;
	vm13 =	vgt.f32 v33, v7  }
0x31e: {  	v50 =	vld [tilespmem:$0x1FA80];
	vm15 =	vgt.f32 v33, v3;
	v4 =	vsel vm8, v6, v4;
	v6 =	vsel vm8, $0x23, v6  }
0x31f: {  	v42 =	vld.idx.msk [tilespmem:v35+s2+$0x0], $0xffff;
	[tilespmem:$0x1FB10] =	vst v9;
	v9 =	vsel vm13, $0xFFFFFFFF, v40;
	v7 =	vsel vm13, v33, v7;
	vm13 =	vnez.u8 v45  }
0x320: {  	v7 =	vsel vm15, v3, v7;
	v3 =	vsel vm15, v33, v3;
	v4 =	vsel vm13, $0x24, v4  }
0x321: {  	v46 =	vld.idx.msk [tilespmem:v39+s2+$0x0], $0xffff;
	vm11 =	vgt.f32 v38, v7;
	vm8 =	vgt.f32 v38, v3;
	v4 =	vsel vm9, v6, v4  }
0x322: {  	v55 =	vld [tilespmem:$0x1FA90];
	[tilespmem:$0x1FB30] =	vst v5;
	v6 =	vsel vm9, $0x24, v6;
	v5 =	vsel vm11, $0xFFFFFFFF, v44;
	v7 =	vsel vm11, v38, v7  }
0x323: {  	v16 =	vld [tilespmem:$0x1FAC0];
	[tilespmem:$0x1FB20] =	vst v11;
	v11 =	vsel vm8, $0xFFFFFFFF, v47;
	vm11 =	vnez.u8 v50;
	v7 =	vsel vm8, v3, v7  }
0x324: {  	v3 =	vsel vm8, v38, v3;
	v4 =	vsel vm11, $0x25, v4;
	vm9 =	vgt.f32 v42, v7  }
0x325: {  	[tilespmem:$0x1FB40] =	vst v10;
	vm13 =	vgt.f32 v42, v3;
	v4 =	vsel vm0, v6, v4;
	v6 =	vsel vm0, $0x25, v6  }
0x326: {  	v51 =	vld.idx.msk [tilespmem:v43+s2+$0x0], $0xffff;
	[tilespmem:$0x1FB50] =	vst v8;
	v8 =	vsel vm9, $0xFFFFFFFF, v49;
	v7 =	vsel vm9, v42, v7;
	v10 =	vsel vm13, $0xFFFFFFFF, v52  }
0x327: {  	v18 =	vld [tilespmem:$0x1FAD0];
	vm9 =	vnez.u8 v55;
	v7 =	vsel vm13, v3, v7;
	v3 =	vsel vm13, v42, v3  }
0x328: {  	v21 =	vld [tilespmem:$0x1FAE0];
	v4 =	vsel vm9, $0x26, v4;
	vm9 =	vnez.u8 v16;
	vm8 =	vgt.f32 v46, v7  }
0x329: {  	[tilespmem:$0x1FB60] =	vst v9;
	vm11 =	vgt.f32 v46, v3;
	v4 =	vsel vm1, v6, v4;
	v6 =	vsel vm1, $0x26, v6  }
0x32a: {  	[tilespmem:$0x1FB80] =	vst v11;
	v9 =	vsel vm8, $0xFFFFFFFF, v54;
	v7 =	vsel vm8, v46, v7;
	v11 =	vsel vm11, $0xFFFFFFFF, v57  }
0x32b: {  	v56 =	vld.idx.msk [tilespmem:v48+s2+$0x0], $0xffff;
	v4 =	vsel vm12, $0x27, v4;
	v7 =	vsel vm11, v3, v7;
	v3 =	vsel vm11, v46, v3  }
0x32c: {  	v4 =	vsel vm10, v6, v4;
	v6 =	vsel vm10, $0x27, v6;
	vm10 =	vnez.u8 v18  }
0x32d: {  	vm13 =	vgt.f32 v51, v7;
	v4 =	vsel vm6, $0x28, v4;
	vm6 =	vnez.u8 v21  }
0x32e: {  	[tilespmem:$0x1FB70] =	vst v5;
	v5 =	vsel vm13, $0xFFFFFFFF, v59;
	v7 =	vsel vm13, v51, v7;
	vm13 =	vgt.f32 v51, v3  }
0x32f: {  	v60 =	vld.idx.msk [tilespmem:v53+s2+$0x0], $0xffff;
	v4 =	vsel vm7, v6, v4;
	v6 =	vsel vm7, $0x28, v6;
	v7 =	vsel vm13, v3, v7  }
0x330: {  	v25 =	vld [tilespmem:$0x1FAF0];
	v3 =	vsel vm13, v51, v3;
	v4 =	vsel vm9, $0x29, v4;
	vm5 =	vgt.f32 v56, v7  }
0x331: {  	vm12 =	vgt.f32 v56, v3;
	v4 =	vsel vm10, v6, v4;
	v6 =	vsel vm10, $0x29, v6  }
0x332: {  	v12 =	vld.idx.msk [tilespmem:v58+s2+$0x0], $0xffff;
	[tilespmem:$0x1FB90] =	vst v8;
	v8 =	vsel vm5, $0xFFFFFFFF, v62;
	v7 =	vsel vm5, v56, v7;
	v4 =	vsel vm6, $0x2A, v4  }
0x333: {  	v7 =	vsel vm12, v3, v7;
	v3 =	vsel vm12, v56, v3;
	v4 =	vsel vm2, v6, v4  }
0x334: {  	v29 =	vld [tilespmem:$0x1FB00];
	v6 =	vsel vm2, $0x2A, v6;
	vm8 =	vgt.f32 v60, v7;
	vm11 =	vgt.f32 v60, v3  }
0x335: {  	v17 =	vld.idx.msk [tilespmem:v61+s2+$0x0], $0xffff;
	[tilespmem:$0x1FBB0] =	vst v9;
	v9 =	vsel vm8, $0xFFFFFFFF, v15;
	v7 =	vsel vm8, v60, v7;
	vm8 =	vnez.u8 v25  }
0x336: {  	v7 =	vsel vm11, v3, v7;
	v3 =	vsel vm11, v60, v3;
	v4 =	vsel vm8, $0x2B, v4  }
0x337: {  	v35 =	vld [tilespmem:$0x1FB20];
	vm5 =	vgt.f32 v12, v7;
	vm9 =	vgt.f32 v12, v3;
	v4 =	vsel vm3, v6, v4  }
0x338: {  	v22 =	vld.idx.msk [tilespmem:v14+s2+$0x0], $0xffff;
	[tilespmem:$0x1FBD0] =	vst v5;
	v6 =	vsel vm3, $0x2B, v6;
	v5 =	vsel vm5, $0xFFFFFFFF, v20;
	v7 =	vsel vm5, v12, v7  }
0x339: {  	v33 =	vld [tilespmem:$0x1FB10];
	vm5 =	vnez.u8 v29;
	v7 =	vsel vm9, v3, v7;
	v3 =	vsel vm9, v12, v3  }
0x33a: {  	v26 =	vld.idx.msk [tilespmem:v19+s2+$0x0], $0xffff;
	v4 =	vsel vm5, $0x2C, v4;
	vm7 =	vgt.f32 v17, v7;
	vm8 =	vgt.f32 v17, v3  }
0x33b: {  	v38 =	vld [tilespmem:$0x1FB30];
	v4 =	vsel vm4, v6, v4;
	v6 =	vsel vm4, $0x2C, v6;
	v7 =	vsel vm7, v17, v7  }
0x33c: {  	v40 =	vld [tilespmem:$0x1FB40];
	vm4 =	vnez.u8 v35;
	v7 =	vsel vm8, v3, v7;
	v3 =	vsel vm8, v17, v3  }
0x33d: {  	[tilespmem:$0x1FBE0] =	vst v8;
	v8 =	vsel vm7, $0xFFFFFFFF, v24;
	vm10 =	vgt.f32 v22, v7;
	vm7 =	vgt.f32 v22, v3  }
0x33e: {  	v30 =	vld.idx.msk [tilespmem:v23+s2+$0x0], $0xffff;
	[tilespmem:$0x1FBF0] =	vst v9;
	v9 =	vsel vm10, $0xFFFFFFFF, v28;
	v7 =	vsel vm10, v22, v7;
	vm10 =	vnez.u8 v33  }
0x33f: {  	v42 =	vld [tilespmem:$0x1FB50];
	v7 =	vsel vm7, v3, v7;
	v3 =	vsel vm7, v22, v3;
	v4 =	vsel vm10, $0x2D, v4  }
0x340: {  	vm10 =	vnez.u8 v38;
	vm6 =	vgt.f32 v26, v7;
	v4 =	vsel vm4, v6, v4  }
0x341: {  	[tilespmem:$0x1FC00] =	vst v5;
	v6 =	vsel vm4, $0x2D, v6;
	vm4 =	vnez.u8 v40;
	v5 =	vsel vm6, $0xFFFFFFFF, v32  }
0x342: {  	v34 =	vld.idx.msk [tilespmem:v27+s2+$0x0], $0xffff;
	v7 =	vsel vm6, v26, v7;
	vm6 =	vgt.f32 v26, v3;
	v4 =	vsel vm10, $0x2E, v4  }
0x343: {  	v7 =	vsel vm6, v3, v7;
	v3 =	vsel vm6, v26, v3;
	v4 =	vsel vm4, v6, v4  }
0x344: {  	v44 =	vld [tilespmem:$0x1FB60];
	v6 =	vsel vm4, $0x2E, v6;
	vm4 =	vnez.u8 v42;
	vm5 =	vgt.f32 v30, v7  }
0x345: {  	v39 =	vld.idx.msk [tilespmem:v31+s2+$0x0], $0xffff;
	[tilespmem:$0x1FC10] =	vst v8;
	v8 =	vsel vm5, $0xFFFFFFFF, v37;
	v7 =	vsel vm5, v30, v7;
	vm5 =	vgt.f32 v30, v3  }
0x346: {  	v41 =	vimm.s32 $0x0;
	v46 =	vld [tilespmem:$0x1FB70];
	v4 =	vsel vm4, $0x2F, v4;
	v7 =	vsel vm5, v3, v7  }
0x347: {  	v4 =	vsel vm14, v6, v4;
	v3 =	vsel vm5, v30, v3;
	vm10 =	vgt.f32 v34, v7  }
0x348: {  	v43 =	vld.idx.msk [tilespmem:v36+s2+$0x0], $0xffff;
	v6 =	vsel vm14, $0x2F, v6;
	vm4 =	vgt.f32 v34, v3;
	v7 =	vsel vm10, v34, v7  }
0x349: {  	v47 =	vld [tilespmem:$0x1FB80];
	[tilespmem:$0x1FC20] =	vst v9;
	v9 =	vsel vm10, $0xFFFFFFFF, v41;
	vm10 =	vnez.u8 v44;
	v7 =	vsel vm4, v3, v7  }
0x34a: {  	v3 =	vsel vm4, v34, v3;
	v4 =	vsel vm10, $0x30, v4;
	vm14 =	vgt.f32 v39, v7  }
0x34b: {  	v2 =	vld.idx.msk [tilespmem:v2+s2+$0x0], $0xffff;
	vm10 =	vnez.u8 v46;
	vm3 =	vgt.f32 v39, v3;
	v45 =	vsel vm14, v39, v7  }
0x34c: {  	[tilespmem:$0x1FC30] =	vst v5;
	v4 =	vsel vm15, v6, v4;
	v6 =	vsel vm15, $0x30, v6;
	v5 =	vsel vm3, v3, v45  }
0x34d: {  	v4 =	vsel vm10, $0x31, v4;
	v3 =	vsel vm3, v39, v3;
	vm15 =	vgt.f32 v43, v5  }
0x34e: {  	vm10 =	vnez.u8 v47;
	vm2 =	vgt.f32 v43, v3;
	v5 =	vsel vm15, v43, v5  }
0x34f: {  	v4 =	vsel vm10, v6, v4;
	v5 =	vsel vm2, v3, v5  }
0x350: {  	v6 =	vsel vm10, $0x31, v6;
	v3 =	vsel vm2, v43, v3;
	vm10 =	vgt.f32 v2, v5  }
0x351: {  	[tilespmem:$0x1FBA0] =	vst v10;
	v48 =	vld [tilespmem:$0x1FB90];
	vm1 =	vgt.f32 v2, v3;
	v5 =	vsel vm10, v2, v5  }
0x352: {  	v2 =	vsel vm1, v2, v3;
	v5 =	vsel vm1, v3, v5;
	v3 =	vld [tilespmem:$0x1FBA0]  }
0x353: {  	[tilespmem:$0x1FBC0] =	vst v11;
	v50 =	vld [tilespmem:$0x1FBB0]  }
0x354: {  	v51 =	vld [tilespmem:$0x1FBC0]  }
0x355: {  	v52 =	vld [tilespmem:$0x1FBD0]  }
0x356: {  	vm0 =	vnez.u8 v48  }
0x357: {  	v53 =	vld [tilespmem:$0x1FBE0];
	v4 =	vsel vm0, $0x32, v4;
	vm0 =	vnez.u8 v3  }
0x358: {  	v3 =	vsel vm0, v6, v4;
	v49 =	vsel vm0, $0x32, v6;
	vm0 =	vnez.u8 v50  }
0x359: {  	v54 =	vld [tilespmem:$0x1FBF0];
	v2 =	vsub.f32 v5, v2;
	v3 =	vsel vm0, $0x33, v3;
	vm0 =	vnez.u8 v51  }
0x35a: {  	v3 =	vsel vm0, v49, v3;
	v4 =	vsel vm0, $0x33, v49;
	vm0 =	vnez.u8 v52  }
0x35b: {  	v55 =	vld [tilespmem:$0x1FC00];
	v2 =	vmul.f32 $1.442695020e+00, v2;
	v3 =	vsel vm0, $0x34, v3  }
0x35c: {  	v3 =	vsel vm13, v4, v3;
	v4 =	vsel vm13, $0x34, v4;
	vm13 =	vnez.u8 v53  }
0x35d: {  	v56 =	vld [tilespmem:$0x1FC10];
	v3 =	vsel vm13, $0x35, v3  }
0x35e: {  	(erf) = vpow2.f32 v2;
	vm13 =	vnez.u8 v54;
	v2 =	vsel vm12, v4, v3  }
0x35f: {  	v57 =	vld [tilespmem:$0x1FC20];
	v3 =	vsel vm12, $0x35, v4;
	v2 =	vsel vm13, $0x36, v2  }
0x360: {  	vm12 =	vnez.u8 v55;
	v2 =	vsel vm11, v3, v2  }
0x361: {  	v59 =	vld [tilespmem:$0x1FC30];
	v3 =	vsel vm11, $0x36, v3;
	v2 =	vsel vm12, $0x37, v2  }
0x362: {  	[tilespmem:$0x1FC40] =	vst v8;
	vm13 =	vnez.u8 v56;
	v2 =	vsel vm9, v3, v2  }
0x363: {  	v61 =	vld [tilespmem:$0x1FC40];
	v3 =	vsel vm9, $0x37, v3;
	v2 =	vsel vm13, $0x38, v2  }
0x364: {  	[tilespmem:$0x1FC50] =	vst v9;
	vm9 =	vnez.u8 v57;
	v2 =	vsel vm8, v3, v2  }
0x365: {  	v62 =	vld [tilespmem:$0x1FC50];
	v3 =	vsel vm8, $0x38, v3;
	v2 =	vsel vm9, $0x39, v2  }
0x366: {  	vm11 =	vnez.u8 v59;
	v2 =	vsel vm7, v3, v2  }
0x367: {  	v58 =	vpop (erf);
	v3 =	vsel vm7, $0x39, v3;
	v2 =	vsel vm11, $0x3A, v2  }
0x368: {  	v60 =	vadd.f32 $1.000000000e+00, v58;
	vm12 =	vnez.u8 v61;
	v2 =	vsel vm6, v3, v2  }
0x369: {  	v3 =	vsel vm6, $0x3A, v3;
	v2 =	vsel vm12, $0x3B, v2  }
0x36a: {  	(erf) = vrcp.f32 v60;
	vm13 =	vnez.u8 v62;
	v2 =	vsel vm5, v3, v2  }
0x36b: {  	v3 =	vsel vm5, $0x3B, v3;
	v2 =	vsel vm13, $0x3C, v2  }
0x36c: {  	v2 =	vsel vm4, v3, v2  }
0x36d: {  	v3 =	vsel vm4, $0x3C, v3;
	v2 =	vsel vm14, $0x3D, v2  }
0x36e: {  	v2 =	vsel vm3, v3, v2  }
0x36f: {  	v3 =	vsel vm3, $0x3D, v3;
	v2 =	vsel vm15, $0x3E, v2  }
0x370: {  	v2 =	vsel vm2, v3, v2;
	v3 =	vsel vm2, $0x3E, v3;
	_ =	sdelay $0x1  }
0x371: {  	s18 =	sadd.s32 $0x10, s18;
	v63 =	vsel vm1, $0x3F, v3;
	v2 =	vsel vm10, $0x3F, v2  }
0x372: {  	s17 =	sadd.s32 $0x10, s17;
	[tilespmem:s18+$0x0] =	vst v63;
	v2 =	vsel vm1, v3, v2;
	v3 =	vpop (erf)  }
0x373: {  	[tilespmem:s17+$0x0] =	vst v2;
	v2 =	vmul.f32 v3, v58  }
0x374: {  	[tilespmem:s16+$0x0] =	vst v3  }
0x375: {  	[tilespmem:s15+$0x0] =	vst v2  }
0x376: {  	[hbm4b:s4+s2] =	stream.linear.scatter [tilespmem:s10], [sflag:$0x1], $0x200, $0x38;
	[tilespmem:$0x8800] =	vst v63  }
0x377: {  	_ =	swait.ge [sflag:s9], $0x200  }
0x378: {  	[sflag:s9] =	ssyncset.done $0x0  }
0x379: {  	[sflag:s9] =	ssyncadd.s32 $0xFFFFFE00  }
0x37a: {  	[hbm4b:s5+s2] =	stream.linear.scatter [tilespmem:s11], [sflag:$0x1], $0x200, $0x38;
	[tilespmem:$0x8800] =	vst v63  }
0x37b: {  	_ =	swait.ge [sflag:s9], $0x200  }
0x37c: {  	[sflag:s9] =	ssyncset.done $0x0  }
0x37d: {  	[sflag:s9] =	ssyncadd.s32 $0xFFFFFE00  }
0x37e: {  	[hbm4b:s6+s2] =	stream.linear.scatter [tilespmem:s12], [sflag:$0x1], $0x200, $0x38;
	[tilespmem:$0x8800] =	vst v63  }
0x37f: {  	s14 =	sadd.s32 $0x1, s14;
	_ =	swait.ge [sflag:s9], $0x200  }
0x380: {  	p0 =	sne.s32 s14, s8;
	[sflag:s9] =	ssyncset.done $0x0  }
.Ltmp1:
0x381: {  	[sflag:s9] =	ssyncadd.s32 $0xFFFFFE00;
	(pc) =	sbr.rel @p0 .LBB2_1-.Ltmp1, $4  }
0x382: {  	[hbm4b:s7+s2] =	stream.linear.scatter [tilespmem:s13], [sflag:$0x1], $0x200, $0x38;
	[tilespmem:$0x8800] =	vst v63  }
0x383: {  	_ =	swait.ge [sflag:s9], $0x200  }
0x384: {  	[sflag:s9] =	ssyncset.done $0x0  }
0x385: {  	[sflag:s9] =	ssyncadd.s32 $0xFFFFFE00  }
0x386: {  	_ =	sfence.sel $0x180000  }
0x387: {  	[bflag:$0x0] =	sbarrier.arrive $0xFFFF  }
0x388: {  	p0 =	sne.s32 s1, $0x0;
	_ =	strace $0x90000047  }
0x389: {  	s0 =	sadd.s32 @!p0 $0x100000, s0;
	[bflag:$0x2] =	sbarrier.arrive $0xFFFF  }
0x38a: {  	[sflag:s0] =	ssyncadd.tile.s32 @!p0 $0x1;
	_ =	shalt  }
.Lfunc_end2:
_tile_overlayer_lowered:
.L_overlay_start_2:
0x38b: {  	(tag) =	ssettag $0x2  }
0x38c: {  	s0 =	rddreg [dreg:$0x0];
	s2 =	stileid.u32  }
0x38d: {  	s1 =	rddreg [dreg:$0x1];
	p0 =	sne.s32 s2, $0x0  }
0x38e: {  	s3 =	rddreg [dreg:$0x2];
	[bflag:$0x3] =	sbarrier.arrive $0xFFFF;
	s2 =	simm.s32 @!p0 $0x1C01  }
0x38f: {  	[timem:s3], [sflag:s2] =	dma.local @!p0 [hbm:s0], s1  }
0x390: {  	s0 =	simm.s32 @!p0 $0x1  }
0x391: {  	_ =	swait.ge @!p0 [sflag:s0], s1  }
0x392: {  	s1 =	ssub.s32 @!p0 $0x0, s1;
	[sflag:s0] =	ssyncset.done @!p0 $0x0  }
0x393: {  	[sflag:s0] =	ssyncadd.s32 @!p0 s1  }
0x394: {  	[bflag:$0x3] =	sbarrier.arrive $0xFFFF  }
0x395: {  	_ =	shalt  }

</sc_bundles>
